<compile_context>
chip_gen: v7x
topology: tpu7x:2x2x1
jax: 0.10.2.dev20260603
libtpu: 0.0.44.dev20260713+nightly
codegen_flags: <defaults>
</compile_context>

<pallas_src>
import functools

import jax
import jax.numpy as jnp
from jax import lax
from jax.experimental import pallas as pl
from jax.experimental.pallas import tpu as pltpu
from jax.experimental.pallas import tpu_sc as plsc

N = 10000
NC, NS = 2, 16
NW = NC * NS
CHUNK = 128
RPT = 632
N_ACC = NS * RPT
DEG_ROWS = 640
DEG_RPT = DEG_ROWS // NS
DEG_CH = DEG_ROWS // CHUNK

RB = 1024
GRID = -(-N // RB)


def _sc_mesh():
    return plsc.VectorSubcoreMesh(core_axis_name="c", subcore_axis_name="s")



DEGW = DEG_ROWS * 16


def _make_deg(ept, base):
    steps = ept // 16

    @functools.partial(
        pl.kernel,
        out_type=jax.ShapeDtypeStruct((NW, DEGW), jnp.float32),
        mesh=_sc_mesh(),
        compiler_params=pltpu.CompilerParams(needs_layout_passes=False),
        scratch_types=[
            pltpu.VMEM((ept,), jnp.int32),
            pltpu.VMEM((DEGW,), jnp.float32),
        ],
    )
    def deg_kernel(dst1_hbm, zeros_hbm, out_hbm, idxv, degv):
        c = lax.axis_index("c")
        s = lax.axis_index("s")
        wid = c * NS + s
        pltpu.sync_copy(zeros_hbm, degv)
        pltpu.sync_copy(dst1_hbm.at[pl.ds(base + wid * ept, ept)], idxv)
        ones = jnp.full((16,), 1.0, jnp.float32)

        def step(i, carry):
            idx = idxv[pl.ds(i * 16, 16)]
            plsc.addupdate_scatter(degv, [idx], ones)
            return carry

        lax.fori_loop(0, steps, step, 0)
        pltpu.sync_copy(degv, out_hbm.at[wid])

    return deg_kernel


G = 8
WIDE = G * CHUNK


def _make_scatter(f, nch):
    ngrp = nch // (2 * G)

    @functools.partial(
        pl.kernel,
        out_type=[jax.ShapeDtypeStruct((N_ACC, f), jnp.float32),
                  jax.ShapeDtypeStruct((N_ACC, f), jnp.float32)],
        mesh=_sc_mesh(),
        compiler_params=pltpu.CompilerParams(use_tc_tiling_on_sc=False),
        scratch_types=[
            pltpu.VMEM((nch // G, WIDE), jnp.int32),
            pltpu.VMEM((nch, CHUNK), jnp.int32),
            pltpu.VMEM((WIDE, f), jnp.float32),
            pltpu.VMEM((WIDE, f), jnp.float32),
            pltpu.VMEM_SHARED((N_ACC, f), jnp.float32),
            pltpu.VMEM_SHARED((N_ACC, f), jnp.float32),
            pltpu.SemaphoreType.DMA,
            pltpu.SemaphoreType.DMA,
            pltpu.SemaphoreType.DMA,
            pltpu.SemaphoreType.DMA,
        ],
    )
    def scatter_kernel(z_hbm, src_hbm, dst_hbm, zeros_hbm, out0_hbm, out1_hbm,
                       idxs, idxd, rows_a, rows_b, acc, zs,
                       sem_ga, sem_gb, sem_sa, sem_sb):
        c = lax.axis_index("c")
        s = lax.axis_index("s")
        wid = c * NS + s
        pltpu.sync_copy(zeros_hbm.at[pl.ds(s * RPT, RPT)],
                        acc.at[pl.ds(s * RPT, RPT)])
        pltpu.sync_copy(z_hbm.at[pl.ds(s * RPT, RPT)],
                        zs.at[pl.ds(s * RPT, RPT)])
        pltpu.sync_copy(src_hbm.at[wid], idxs)
        pltpu.sync_copy(dst_hbm.at[wid], idxd)
        plsc.subcore_barrier()

        def gath_start(j, buf, sem):
            pltpu.async_copy(zs.at[idxs.at[j // G]], buf, sem)

        def gath_wait(j, buf, sem):
            pltpu.make_async_copy(zs.at[idxs.at[j // G]], buf, sem).wait()

        def scat_start(j, t, buf, sem):
            pltpu.async_copy(buf.at[pl.ds(t * CHUNK, CHUNK)],
                             acc.at[idxd.at[j + t]], sem, add=True)

        def scat_wait(j, t, buf, sem):
            pltpu.make_async_copy(buf.at[pl.ds(t * CHUNK, CHUNK)],
                                  acc.at[idxd.at[j + t]], sem).wait()

        gath_start(0, rows_a, sem_ga)

        def grp(k, carry):
            ja = k * 2 * G
            jb = ja + G
            gath_wait(ja, rows_a, sem_ga)
            gath_start(jb, rows_b, sem_gb)
            for t in range(G):
                scat_start(ja, t, rows_a, sem_sa)
            for t in range(G):
                scat_wait(ja, t, rows_a, sem_sa)
            gath_wait(jb, rows_b, sem_gb)

            @pl.when(k + 1 < ngrp)
            def _():
                gath_start(ja + 2 * G, rows_a, sem_ga)

            for t in range(G):
                scat_start(jb, t, rows_b, sem_sb)
            for t in range(G):
                scat_wait(jb, t, rows_b, sem_sb)
            return carry

        lax.fori_loop(0, ngrp, grp, 0)
        plsc.subcore_barrier()

        @pl.when(c == 0)
        def _():
            pltpu.sync_copy(acc.at[pl.ds(s * RPT, RPT)],
                            out0_hbm.at[pl.ds(s * RPT, RPT)])

        @pl.when(c == 1)
        def _():
            pltpu.sync_copy(acc.at[pl.ds(s * RPT, RPT)],
                            out1_hbm.at[pl.ds(s * RPT, RPT)])

    return scatter_kernel



def _row(f):
    return pl.BlockSpec((RB, f), lambda i: (i, 0))


def _full(r, c):
    return pl.BlockSpec((r, c), lambda i: (0, 0))


def _prep_body(dp, x, w1, dinv_o, z1_o):
    ones32 = jnp.full((NW, 1), 1.0, jnp.float32)
    deg = lax.dot_general(dp[...], ones32, (((0,), (0,)), ((), ())),
                          preferred_element_type=jnp.float32)
    dinv = lax.rsqrt(deg + 1.0)
    dinv_o[...] = dinv
    z1_o[...] = dinv * jnp.dot(x[...], w1[...],
                               preferred_element_type=jnp.float32)


_prep = pl.pallas_call(
    _prep_body,
    grid=(GRID,),
    in_specs=[pl.BlockSpec((NW, RB), lambda i: (0, i)), _row(200), _full(200, 32)],
    out_specs=[_row(1), _row(32)],
    out_shape=[jax.ShapeDtypeStruct((N, 1), jnp.float32),
               jax.ShapeDtypeStruct((N_ACC, 32), jnp.float32)],
)


def _mid1_body(a0, a1, z1, dinv, b1, w2, z2_o):
    h = jnp.maximum(dinv[...] * (a0[...] + a1[...] + z1[...]) + b1[...], 0.0)
    z2_o[...] = dinv[...] * jnp.dot(h, w2[...],
                                    preferred_element_type=jnp.float32)


_mid1 = pl.pallas_call(
    _mid1_body,
    grid=(GRID,),
    in_specs=[_row(32), _row(32), _row(32), _row(1), _full(1, 32), _full(32, 16)],
    out_specs=_row(16),
    out_shape=jax.ShapeDtypeStruct((N_ACC, 16), jnp.float32),
)


def _mid2_body(a0, a1, z2, dinv, b2, z3_o):
    h = jnp.maximum(dinv[...] * (a0[...] + a1[...] + z2[...]) + b2[...], 0.0)
    z3_o[...] = dinv[...] * h


_mid2 = pl.pallas_call(
    _mid2_body,
    grid=(GRID,),
    in_specs=[_row(16), _row(16), _row(16), _row(1), _full(1, 16)],
    out_specs=_row(16),
    out_shape=jax.ShapeDtypeStruct((N_ACC, 16), jnp.float32),
)


def _final_body(a0, a1, z3, dinv, w3, b3, out_o):
    p = dinv[...] * (a0[...] + a1[...] + z3[...])
    h = jnp.dot(p, w3[...], preferred_element_type=jnp.float32) + b3[...]
    m = jnp.max(h, axis=1, keepdims=True)
    e = h - m
    out_o[...] = e - jnp.log(jnp.sum(jnp.exp(e), axis=1, keepdims=True))


_final = pl.pallas_call(
    _final_body,
    grid=(GRID,),
    in_specs=[_row(16), _row(16), _row(16), _row(1), _full(16, 200), _full(1, 200)],
    out_specs=_row(200),
    out_shape=jax.ShapeDtypeStruct((N, 200), jnp.float32),
)



def kernel(x, edge_index, W1, b1, W2, b2, W3, b3):
    e = edge_index.shape[1]
    nch = -(-(-(-e // (NW * CHUNK))) // (2 * G)) * (2 * G)
    ept = nch * CHUNK
    e_pad = ept * NW

    ei = edge_index.astype(jnp.int32)
    src = jnp.concatenate([ei[0], jnp.zeros((e_pad - e,), jnp.int32)])
    dst = jnp.concatenate([ei[1], jnp.full((e_pad - e,), N, jnp.int32)])
    src_r = src.reshape(NW, nch // G, WIDE)
    dst_r = dst.reshape(NW, nch, CHUNK)
    zdeg = jnp.zeros((DEGW,), jnp.float32)
    z16 = jnp.zeros((N_ACC, 16), jnp.float32)
    z32 = jnp.zeros((N_ACC, 32), jnp.float32)

    if e % (NW * 16) == 0:
        degp = _make_deg(e // NW, e)(ei.reshape(-1), zdeg)
    else:
        degp = _make_deg(ept, 0)(dst, zdeg)

    dinv, zr1 = _prep(degp, x, W1)

    a0, a1 = _make_scatter(32, nch)(zr1, src_r, dst_r, z32)
    zr2 = _mid1(a0, a1, zr1, dinv, b1.reshape(1, 32), W2)

    a0, a1 = _make_scatter(16, nch)(zr2, src_r, dst_r, z16)
    zr3 = _mid2(a0, a1, zr2, dinv, b2.reshape(1, 16))

    a0, a1 = _make_scatter(16, nch)(zr3, src_r, dst_r, z16)
    return _final(a0, a1, zr3, dinv, W3, b3.reshape(1, 200))

# --- scband reference (transcript-rebuilt; emitter-appended) ---
"""Pipeline reference for scband-net-171798692308 (READ-ONLY COPY).

The authoritative reference and input builder live on the scoring server;
editing this copy changes nothing except your own understanding.
"""

import jax, jax.numpy as jnp
import numpy as np

N_NODES = 10000

def gcn_conv(x, edge_index, W, b, num_nodes):
    # PyG GCNConv: x' = D^{-1/2} (A + I) D^{-1/2} (X W) + b
    src = edge_index[0]
    dst = edge_index[1]
    loop = jnp.arange(num_nodes, dtype=edge_index.dtype)
    src = jnp.concatenate([src, loop])
    dst = jnp.concatenate([dst, loop])
    edge_weight = jnp.ones(src.shape[0], dtype=x.dtype)
    deg = jnp.zeros((num_nodes,), dtype=x.dtype).at[dst].add(edge_weight)
    deg_inv_sqrt = jnp.where(deg > 0, deg ** -0.5, 0.0)
    norm = deg_inv_sqrt[src] * deg_inv_sqrt[dst]
    xw = x @ W
    msg = xw[src] * norm[:, None]
    out = jnp.zeros((num_nodes, xw.shape[1]), dtype=x.dtype).at[dst].add(msg)
    return out + b

def setup_inputs(seed: int = 0) -> dict:
    key = jax.random.key(seed)
    k = jax.random.split(key, 8)
    x = jax.random.normal(k[0], (N_NODES, 200), dtype=jnp.float32)
    edge_index = jax.random.randint(k[1], (2, 320000), 0, N_NODES, dtype=jnp.int64)
    # Glorot-style init for GCN weights
    W1 = jax.random.normal(k[2], (200, 32), dtype=jnp.float32) * (2.0 / (200 + 32)) ** 0.5
    b1 = jnp.zeros((32,), dtype=jnp.float32)
    W2 = jax.random.normal(k[3], (32, 16), dtype=jnp.float32) * (2.0 / (32 + 16)) ** 0.5
    b2 = jnp.zeros((16,), dtype=jnp.float32)
    W3 = jax.random.normal(k[4], (16, 200), dtype=jnp.float32) * (2.0 / (16 + 200)) ** 0.5
    b3 = jnp.zeros((200,), dtype=jnp.float32)
    return {"x": x, "edge_index": edge_index, "W1": W1, "b1": b1, "W2": W2, "b2": b2, "W3": W3, "b3": b3}

def reference(x, edge_index, W1, b1, W2, b2, W3, b3):
    num_nodes = x.shape[0]
    h = gcn_conv(x, edge_index, W1, b1, num_nodes)
    h = jax.nn.relu(h)
    h = gcn_conv(h, edge_index, W2, b2, num_nodes)
    h = jax.nn.relu(h)
    h = gcn_conv(h, edge_index, W3, b3, num_nodes)
    return jax.nn.log_softmax(h, axis=1)

if __name__ == "__main__":
    import jax
    _d = setup_inputs()
    print(jax.jit(kernel)(*tuple(_d.values())))

</pallas_src>

<mosaic_0001>
#map = affine_map<(d0, d1) -> (0, 0)>
#map1 = affine_map<(d0, d1) -> (0, 0, 0)>
module attributes {stable_mosaic.version = 14 : i64} {
  func.func @scatter_kernel(%arg0: i32, %arg1: i32, %arg2: memref<10112x32xf32, #tpu.memory_space<hbm>>, %arg3: memref<32x10x1024xi32, #tpu.memory_space<hbm>>, %arg4: memref<32x80x128xi32, #tpu.memory_space<hbm>>, %arg5: memref<10112x32xf32, #tpu.memory_space<hbm>>, %arg6: memref<10112x32xf32, #tpu.memory_space<hbm>>, %arg7: memref<10112x32xf32, #tpu.memory_space<hbm>>, %arg8: memref<10x1024xi32, #tpu.memory_space<vmem>>, %arg9: memref<80x128xi32, #tpu.memory_space<vmem>>, %arg10: memref<1024x32xf32, #tpu.memory_space<vmem>>, %arg11: memref<1024x32xf32, #tpu.memory_space<vmem>>, %arg12: memref<10112x32xf32, #tpu.memory_space<vmem_shared>>, %arg13: memref<10112x32xf32, #tpu.memory_space<vmem_shared>>, %arg14: memref<!tpu.dma_semaphore, #tpu.memory_space<semaphore_mem>>, %arg15: memref<!tpu.dma_semaphore, #tpu.memory_space<semaphore_mem>>, %arg16: memref<!tpu.dma_semaphore, #tpu.memory_space<semaphore_mem>>, %arg17: memref<!tpu.dma_semaphore, #tpu.memory_space<semaphore_mem>>) attributes {dimension_semantics = [#tpu.dimension_semantics<core_parallel>, #tpu.dimension_semantics<subcore_parallel>], iteration_bounds = array<i64: 2, 16>, scalar_prefetch = 0 : i64, scratch_operands = 10 : i64, tpu.core_type = #tpu.core_type<sc_vector_subcore>, window_params = [{transform_indices = #map}, {transform_indices = #map1}, {transform_indices = #map1}, {transform_indices = #map}, {transform_indices = #map}, {transform_indices = #map}]} {
    %mul3A = arith.constant 16 : i32
    %mul3A_0 = arith.muli %arg0, %mul3A : i32
    %add3A = arith.addi %mul3A_0, %arg1 : i32
    %mul3A_1 = arith.constant 632 : i32
    %mul3A_2 = arith.muli %arg1, %mul3A_1 : i32
    %mul3A_3 = arith.constant 632 : i32
    %mul3A_4 = arith.muli %arg1, %mul3A_3 : i32
    "tpu.region"() ({
      %run_scoped3A = tpu.sem_alloc : memref<!tpu.dma_semaphore, #tpu.memory_space<semaphore_mem>>
      %dma_start3A_28 = arith.constant 0 : i32
      %dma_start3A_29 = tpu.memref_slice %arg12[%mul3A_4, %dma_start3A_28] : memref<10112x32xf32, #tpu.memory_space<vmem_shared>> -> memref<632x32xf32, #tpu.memory_space<vmem_shared>>
      %dma_start3A_30 = arith.constant 0 : i32
      %dma_start3A_31 = tpu.memref_slice %arg5[%mul3A_2, %dma_start3A_30] : memref<10112x32xf32, #tpu.memory_space<hbm>> -> memref<632x32xf32, #tpu.memory_space<hbm>>
      tpu.enqueue_dma source(%dma_start3A_31 : memref<632x32xf32, #tpu.memory_space<hbm>>) target(%dma_start3A_29 : memref<632x32xf32, #tpu.memory_space<vmem_shared>>) target_semaphore(%run_scoped3A : memref<!tpu.dma_semaphore, #tpu.memory_space<semaphore_mem>>)
      %dma_wait3A = arith.constant 0 : i32
      %dma_wait3A_32 = tpu.memref_slice %arg12[%mul3A_4, %dma_wait3A] : memref<10112x32xf32, #tpu.memory_space<vmem_shared>> -> memref<632x32xf32, #tpu.memory_space<vmem_shared>>
      %dma_wait3A_33 = arith.constant 0 : i32
      %dma_wait3A_34 = tpu.memref_slice %arg5[%mul3A_2, %dma_wait3A_33] : memref<10112x32xf32, #tpu.memory_space<hbm>> -> memref<632x32xf32, #tpu.memory_space<hbm>>
      tpu.wait_dma2 semaphore(%run_scoped3A : memref<!tpu.dma_semaphore, #tpu.memory_space<semaphore_mem>>) src(%dma_wait3A_34 : memref<632x32xf32, #tpu.memory_space<hbm>>) dst(%dma_wait3A_32 : memref<632x32xf32, #tpu.memory_space<vmem_shared>>)
      tpu.yield
    }) : () -> ()
    %mul3A_5 = arith.constant 632 : i32
    %mul3A_6 = arith.muli %arg1, %mul3A_5 : i32
    %mul3A_7 = arith.constant 632 : i32
    %mul3A_8 = arith.muli %arg1, %mul3A_7 : i32
    "tpu.region"() ({
      %run_scoped3A = tpu.sem_alloc : memref<!tpu.dma_semaphore, #tpu.memory_space<semaphore_mem>>
      %dma_start3A_28 = arith.constant 0 : i32
      %dma_start3A_29 = tpu.memref_slice %arg13[%mul3A_8, %dma_start3A_28] : memref<10112x32xf32, #tpu.memory_space<vmem_shared>> -> memref<632x32xf32, #tpu.memory_space<vmem_shared>>
      %dma_start3A_30 = arith.constant 0 : i32
      %dma_start3A_31 = tpu.memref_slice %arg2[%mul3A_6, %dma_start3A_30] : memref<10112x32xf32, #tpu.memory_space<hbm>> -> memref<632x32xf32, #tpu.memory_space<hbm>>
      tpu.enqueue_dma source(%dma_start3A_31 : memref<632x32xf32, #tpu.memory_space<hbm>>) target(%dma_start3A_29 : memref<632x32xf32, #tpu.memory_space<vmem_shared>>) target_semaphore(%run_scoped3A : memref<!tpu.dma_semaphore, #tpu.memory_space<semaphore_mem>>)
      %dma_wait3A = arith.constant 0 : i32
      %dma_wait3A_32 = tpu.memref_slice %arg13[%mul3A_8, %dma_wait3A] : memref<10112x32xf32, #tpu.memory_space<vmem_shared>> -> memref<632x32xf32, #tpu.memory_space<vmem_shared>>
      %dma_wait3A_33 = arith.constant 0 : i32
      %dma_wait3A_34 = tpu.memref_slice %arg2[%mul3A_6, %dma_wait3A_33] : memref<10112x32xf32, #tpu.memory_space<hbm>> -> memref<632x32xf32, #tpu.memory_space<hbm>>
      tpu.wait_dma2 semaphore(%run_scoped3A : memref<!tpu.dma_semaphore, #tpu.memory_space<semaphore_mem>>) src(%dma_wait3A_34 : memref<632x32xf32, #tpu.memory_space<hbm>>) dst(%dma_wait3A_32 : memref<632x32xf32, #tpu.memory_space<vmem_shared>>)
      tpu.yield
    }) : () -> ()
    "tpu.region"() ({
      %run_scoped3A = tpu.sem_alloc : memref<!tpu.dma_semaphore, #tpu.memory_space<semaphore_mem>>
      %dma_start3A_28 = arith.constant 0 : i32
      %dma_start3A_29 = arith.constant 0 : i32
      %dma_start3A_30 = tpu.memref_slice %arg3[%add3A, %dma_start3A_28, %dma_start3A_29] : memref<32x10x1024xi32, #tpu.memory_space<hbm>> -> memref<1x10x1024xi32, #tpu.memory_space<hbm>>
      %dma_start3A_31 = tpu.memref_squeeze %dma_start3A_30 : memref<1x10x1024xi32, #tpu.memory_space<hbm>> -> memref<10x1024xi32, #tpu.memory_space<hbm>>
      %dma_start3A_32 = arith.constant 0 : i32
      %dma_start3A_33 = arith.constant 0 : i32
      %dma_start3A_34 = tpu.memref_slice %arg3[%add3A, %dma_start3A_32, %dma_start3A_33] : memref<32x10x1024xi32, #tpu.memory_space<hbm>> -> memref<1x10x1024xi32, #tpu.memory_space<hbm>>
      %dma_start3A_35 = tpu.memref_squeeze %dma_start3A_34 : memref<1x10x1024xi32, #tpu.memory_space<hbm>> -> memref<10x1024xi32, #tpu.memory_space<hbm>>
      tpu.enqueue_dma source(%dma_start3A_35 : memref<10x1024xi32, #tpu.memory_space<hbm>>) target(%arg8 : memref<10x1024xi32, #tpu.memory_space<vmem>>) target_semaphore(%run_scoped3A : memref<!tpu.dma_semaphore, #tpu.memory_space<semaphore_mem>>)
      %dma_wait3A = arith.constant 0 : i32
      %dma_wait3A_36 = arith.constant 0 : i32
      %dma_wait3A_37 = tpu.memref_slice %arg3[%add3A, %dma_wait3A, %dma_wait3A_36] : memref<32x10x1024xi32, #tpu.memory_space<hbm>> -> memref<1x10x1024xi32, #tpu.memory_space<hbm>>
      %dma_wait3A_38 = tpu.memref_squeeze %dma_wait3A_37 : memref<1x10x1024xi32, #tpu.memory_space<hbm>> -> memref<10x1024xi32, #tpu.memory_space<hbm>>
      %dma_wait3A_39 = arith.constant 0 : i32
      %dma_wait3A_40 = arith.constant 0 : i32
      %dma_wait3A_41 = tpu.memref_slice %arg3[%add3A, %dma_wait3A_39, %dma_wait3A_40] : memref<32x10x1024xi32, #tpu.memory_space<hbm>> -> memref<1x10x1024xi32, #tpu.memory_space<hbm>>
      %dma_wait3A_42 = tpu.memref_squeeze %dma_wait3A_41 : memref<1x10x1024xi32, #tpu.memory_space<hbm>> -> memref<10x1024xi32, #tpu.memory_space<hbm>>
      tpu.wait_dma2 semaphore(%run_scoped3A : memref<!tpu.dma_semaphore, #tpu.memory_space<semaphore_mem>>) src(%dma_wait3A_42 : memref<10x1024xi32, #tpu.memory_space<hbm>>) dst(%arg8 : memref<10x1024xi32, #tpu.memory_space<vmem>>)
      tpu.yield
    }) : () -> ()
    "tpu.region"() ({
      %run_scoped3A = tpu.sem_alloc : memref<!tpu.dma_semaphore, #tpu.memory_space<semaphore_mem>>
      %dma_start3A_28 = arith.constant 0 : i32
      %dma_start3A_29 = arith.constant 0 : i32
      %dma_start3A_30 = tpu.memref_slice %arg4[%add3A, %dma_start3A_28, %dma_start3A_29] : memref<32x80x128xi32, #tpu.memory_space<hbm>> -> memref<1x80x128xi32, #tpu.memory_space<hbm>>
      %dma_start3A_31 = tpu.memref_squeeze %dma_start3A_30 : memref<1x80x128xi32, #tpu.memory_space<hbm>> -> memref<80x128xi32, #tpu.memory_space<hbm>>
      %dma_start3A_32 = arith.constant 0 : i32
      %dma_start3A_33 = arith.constant 0 : i32
      %dma_start3A_34 = tpu.memref_slice %arg4[%add3A, %dma_start3A_32, %dma_start3A_33] : memref<32x80x128xi32, #tpu.memory_space<hbm>> -> memref<1x80x128xi32, #tpu.memory_space<hbm>>
      %dma_start3A_35 = tpu.memref_squeeze %dma_start3A_34 : memref<1x80x128xi32, #tpu.memory_space<hbm>> -> memref<80x128xi32, #tpu.memory_space<hbm>>
      tpu.enqueue_dma source(%dma_start3A_35 : memref<80x128xi32, #tpu.memory_space<hbm>>) target(%arg9 : memref<80x128xi32, #tpu.memory_space<vmem>>) target_semaphore(%run_scoped3A : memref<!tpu.dma_semaphore, #tpu.memory_space<semaphore_mem>>)
      %dma_wait3A = arith.constant 0 : i32
      %dma_wait3A_36 = arith.constant 0 : i32
      %dma_wait3A_37 = tpu.memref_slice %arg4[%add3A, %dma_wait3A, %dma_wait3A_36] : memref<32x80x128xi32, #tpu.memory_space<hbm>> -> memref<1x80x128xi32, #tpu.memory_space<hbm>>
      %dma_wait3A_38 = tpu.memref_squeeze %dma_wait3A_37 : memref<1x80x128xi32, #tpu.memory_space<hbm>> -> memref<80x128xi32, #tpu.memory_space<hbm>>
      %dma_wait3A_39 = arith.constant 0 : i32
      %dma_wait3A_40 = arith.constant 0 : i32
      %dma_wait3A_41 = tpu.memref_slice %arg4[%add3A, %dma_wait3A_39, %dma_wait3A_40] : memref<32x80x128xi32, #tpu.memory_space<hbm>> -> memref<1x80x128xi32, #tpu.memory_space<hbm>>
      %dma_wait3A_42 = tpu.memref_squeeze %dma_wait3A_41 : memref<1x80x128xi32, #tpu.memory_space<hbm>> -> memref<80x128xi32, #tpu.memory_space<hbm>>
      tpu.wait_dma2 semaphore(%run_scoped3A : memref<!tpu.dma_semaphore, #tpu.memory_space<semaphore_mem>>) src(%dma_wait3A_42 : memref<80x128xi32, #tpu.memory_space<hbm>>) dst(%arg9 : memref<80x128xi32, #tpu.memory_space<vmem>>)
      tpu.yield
    }) : () -> ()
    %barrier3A = arith.constant 0 : index
    tpu.barrier barrier_id(%barrier3A)
    %dma_start3A = arith.constant 0 : i32
    %dma_start3A_9 = arith.constant 0 : i32
    %dma_start3A_10 = tpu.memref_slice %arg8[%dma_start3A, %dma_start3A_9] : memref<10x1024xi32, #tpu.memory_space<vmem>> -> memref<1x1024xi32, #tpu.memory_space<vmem>>
    %dma_start3A_11 = tpu.memref_squeeze %dma_start3A_10 : memref<1x1024xi32, #tpu.memory_space<vmem>> -> memref<1024xi32, #tpu.memory_space<vmem>>
    %dma_start3A_12 = arith.constant 0 : i32
    %dma_start3A_13 = arith.constant 0 : i32
    %dma_start3A_14 = tpu.memref_slice %arg13[%dma_start3A_12, %dma_start3A_13] : memref<10112x32xf32, #tpu.memory_space<vmem_shared>> -> memref<10112x32xf32, #tpu.memory_space<vmem_shared>>
    tpu.enqueue_indirect_dma source(%dma_start3A_14 : memref<10112x32xf32, #tpu.memory_space<vmem_shared>>) target(%arg10 : memref<1024x32xf32, #tpu.memory_space<vmem>>) offsets(%dma_start3A_11 : memref<1024xi32, #tpu.memory_space<vmem>>) semaphore(%arg14 : memref<!tpu.dma_semaphore, #tpu.memory_space<semaphore_mem>>)
    %scan3A = arith.constant 0 : i32
    %scan3A_15 = arith.constant 0 : i32
    %scan3A_16 = arith.constant 5 : i32
    %scan3A_17 = arith.addi %scan3A_15, %scan3A_16 : i32
    %scan3A_18 = arith.constant 1 : i32
    scf.for %scan3A_28 = %scan3A_15 to %scan3A_17 step %scan3A_18  : i32 {
      %mul3A_29 = arith.constant 2 : i32
      %mul3A_30 = arith.muli %scan3A_28, %mul3A_29 : i32
      %mul3A_31 = arith.constant 8 : i32
      %mul3A_32 = arith.muli %mul3A_30, %mul3A_31 : i32
      %add3A_33 = arith.constant 8 : i32
      %add3A_34 = arith.addi %mul3A_32, %add3A_33 : i32
      %jit3A = arith.constant 8 : i32
      %div3A = arith.divsi %mul3A_32, %jit3A : i32
      %sign3A = arith.constant 0 : i32
      %sign3A_35 = arith.cmpi sgt, %mul3A_32, %sign3A : i32
      %sign3A_36 = arith.extui %sign3A_35 : i1 to i32
      %sign3A_37 = arith.constant 0 : i32
      %sign3A_38 = arith.cmpi slt, %mul3A_32, %sign3A_37 : i32
      %sign3A_39 = arith.extui %sign3A_38 : i1 to i32
      %sign3A_40 = arith.subi %sign3A_36, %sign3A_39 : i32
      %sign3A_41 = arith.constant 0 : i32
      %sign3A_42 = arith.cmpi sgt, %jit3A, %sign3A_41 : i32
      %sign3A_43 = arith.extui %sign3A_42 : i1 to i32
      %sign3A_44 = arith.constant 0 : i32
      %sign3A_45 = arith.cmpi slt, %jit3A, %sign3A_44 : i32
      %sign3A_46 = arith.extui %sign3A_45 : i1 to i32
      %sign3A_47 = arith.subi %sign3A_43, %sign3A_46 : i32
      %ne3A = arith.cmpi ne, %sign3A_40, %sign3A_47 : i32
      %rem3A = arith.remsi %mul3A_32, %jit3A : i32
      %ne3A_48 = arith.constant 0 : i32
      %ne3A_49 = arith.cmpi ne, %rem3A, %ne3A_48 : i32
      %and3A = arith.andi %ne3A, %ne3A_49 : i1
      %sub3A = arith.constant 1 : i32
      %sub3A_50 = arith.subi %div3A, %sub3A : i32
      %select_n3A = arith.select %and3A, %sub3A_50, %div3A : i32
      %dma_wait3A = arith.constant 0 : i32
      %dma_wait3A_51 = tpu.memref_slice %arg8[%select_n3A, %dma_wait3A] : memref<10x1024xi32, #tpu.memory_space<vmem>> -> memref<1x1024xi32, #tpu.memory_space<vmem>>
      %dma_wait3A_52 = tpu.memref_squeeze %dma_wait3A_51 : memref<1x1024xi32, #tpu.memory_space<vmem>> -> memref<1024xi32, #tpu.memory_space<vmem>>
      %dma_wait3A_53 = arith.constant 0 : i32
      %dma_wait3A_54 = arith.constant 0 : i32
      %dma_wait3A_55 = tpu.memref_slice %arg13[%dma_wait3A_53, %dma_wait3A_54] : memref<10112x32xf32, #tpu.memory_space<vmem_shared>> -> memref<10112x32xf32, #tpu.memory_space<vmem_shared>>
      tpu.wait_indirect_dma semaphore(%arg14 : memref<!tpu.dma_semaphore, #tpu.memory_space<semaphore_mem>>) src(%dma_wait3A_55 : memref<10112x32xf32, #tpu.memory_space<vmem_shared>>) dst(%arg10 : memref<1024x32xf32, #tpu.memory_space<vmem>>)
      %jit3A_56 = arith.constant 8 : i32
      %div3A_57 = arith.divsi %add3A_34, %jit3A_56 : i32
      %sign3A_58 = arith.constant 0 : i32
      %sign3A_59 = arith.cmpi sgt, %add3A_34, %sign3A_58 : i32
      %sign3A_60 = arith.extui %sign3A_59 : i1 to i32
      %sign3A_61 = arith.constant 0 : i32
      %sign3A_62 = arith.cmpi slt, %add3A_34, %sign3A_61 : i32
      %sign3A_63 = arith.extui %sign3A_62 : i1 to i32
      %sign3A_64 = arith.subi %sign3A_60, %sign3A_63 : i32
      %sign3A_65 = arith.constant 0 : i32
      %sign3A_66 = arith.cmpi sgt, %jit3A_56, %sign3A_65 : i32
      %sign3A_67 = arith.extui %sign3A_66 : i1 to i32
      %sign3A_68 = arith.constant 0 : i32
      %sign3A_69 = arith.cmpi slt, %jit3A_56, %sign3A_68 : i32
      %sign3A_70 = arith.extui %sign3A_69 : i1 to i32
      %sign3A_71 = arith.subi %sign3A_67, %sign3A_70 : i32
      %ne3A_72 = arith.cmpi ne, %sign3A_64, %sign3A_71 : i32
      %rem3A_73 = arith.remsi %add3A_34, %jit3A_56 : i32
      %ne3A_74 = arith.constant 0 : i32
      %ne3A_75 = arith.cmpi ne, %rem3A_73, %ne3A_74 : i32
      %and3A_76 = arith.andi %ne3A_72, %ne3A_75 : i1
      %sub3A_77 = arith.constant 1 : i32
      %sub3A_78 = arith.subi %div3A_57, %sub3A_77 : i32
      %select_n3A_79 = arith.select %and3A_76, %sub3A_78, %div3A_57 : i32
      %dma_start3A_80 = arith.constant 0 : i32
      %dma_start3A_81 = tpu.memref_slice %arg8[%select_n3A_79, %dma_start3A_80] : memref<10x1024xi32, #tpu.memory_space<vmem>> -> memref<1x1024xi32, #tpu.memory_space<vmem>>
      %dma_start3A_82 = tpu.memref_squeeze %dma_start3A_81 : memref<1x1024xi32, #tpu.memory_space<vmem>> -> memref<1024xi32, #tpu.memory_space<vmem>>
      %dma_start3A_83 = arith.constant 0 : i32
      %dma_start3A_84 = arith.constant 0 : i32
      %dma_start3A_85 = tpu.memref_slice %arg13[%dma_start3A_83, %dma_start3A_84] : memref<10112x32xf32, #tpu.memory_space<vmem_shared>> -> memref<10112x32xf32, #tpu.memory_space<vmem_shared>>
      tpu.enqueue_indirect_dma source(%dma_start3A_85 : memref<10112x32xf32, #tpu.memory_space<vmem_shared>>) target(%arg11 : memref<1024x32xf32, #tpu.memory_space<vmem>>) offsets(%dma_start3A_82 : memref<1024xi32, #tpu.memory_space<vmem>>) semaphore(%arg15 : memref<!tpu.dma_semaphore, #tpu.memory_space<semaphore_mem>>)
      %add3A_86 = arith.constant 0 : i32
      %add3A_87 = arith.addi %mul3A_32, %add3A_86 : i32
      %dma_start3A_88 = arith.constant 0 : i32
      %dma_start3A_89 = arith.constant 0 : i32
      %dma_start3A_90 = tpu.memref_slice %arg10[%dma_start3A_88, %dma_start3A_89] : memref<1024x32xf32, #tpu.memory_space<vmem>> -> memref<128x32xf32, #tpu.memory_space<vmem>>
      %dma_start3A_91 = arith.constant 0 : i32
      %dma_start3A_92 = tpu.memref_slice %arg9[%add3A_87, %dma_start3A_91] : memref<80x128xi32, #tpu.memory_space<vmem>> -> memref<1x128xi32, #tpu.memory_space<vmem>>
      %dma_start3A_93 = tpu.memref_squeeze %dma_start3A_92 : memref<1x128xi32, #tpu.memory_space<vmem>> -> memref<128xi32, #tpu.memory_space<vmem>>
      %dma_start3A_94 = arith.constant 0 : i32
      %dma_start3A_95 = arith.constant 0 : i32
      %dma_start3A_96 = tpu.memref_slice %arg12[%dma_start3A_94, %dma_start3A_95] : memref<10112x32xf32, #tpu.memory_space<vmem_shared>> -> memref<10112x32xf32, #tpu.memory_space<vmem_shared>>
      tpu.enqueue_indirect_dma source(%dma_start3A_90 : memref<128x32xf32, #tpu.memory_space<vmem>>) target(%dma_start3A_96 : memref<10112x32xf32, #tpu.memory_space<vmem_shared>>) offsets(%dma_start3A_93 : memref<128xi32, #tpu.memory_space<vmem>>) semaphore(%arg16 : memref<!tpu.dma_semaphore, #tpu.memory_space<semaphore_mem>>) {add = true}
      %add3A_97 = arith.constant 1 : i32
      %add3A_98 = arith.addi %mul3A_32, %add3A_97 : i32
      %dma_start3A_99 = arith.constant 128 : i32
      %dma_start3A_100 = arith.constant 0 : i32
      %dma_start3A_101 = tpu.memref_slice %arg10[%dma_start3A_99, %dma_start3A_100] : memref<1024x32xf32, #tpu.memory_space<vmem>> -> memref<128x32xf32, #tpu.memory_space<vmem>>
      %dma_start3A_102 = arith.constant 0 : i32
      %dma_start3A_103 = tpu.memref_slice %arg9[%add3A_98, %dma_start3A_102] : memref<80x128xi32, #tpu.memory_space<vmem>> -> memref<1x128xi32, #tpu.memory_space<vmem>>
      %dma_start3A_104 = tpu.memref_squeeze %dma_start3A_103 : memref<1x128xi32, #tpu.memory_space<vmem>> -> memref<128xi32, #tpu.memory_space<vmem>>
      %dma_start3A_105 = arith.constant 0 : i32
      %dma_start3A_106 = arith.constant 0 : i32
      %dma_start3A_107 = tpu.memref_slice %arg12[%dma_start3A_105, %dma_start3A_106] : memref<10112x32xf32, #tpu.memory_space<vmem_shared>> -> memref<10112x32xf32, #tpu.memory_space<vmem_shared>>
      tpu.enqueue_indirect_dma source(%dma_start3A_101 : memref<128x32xf32, #tpu.memory_space<vmem>>) target(%dma_start3A_107 : memref<10112x32xf32, #tpu.memory_space<vmem_shared>>) offsets(%dma_start3A_104 : memref<128xi32, #tpu.memory_space<vmem>>) semaphore(%arg16 : memref<!tpu.dma_semaphore, #tpu.memory_space<semaphore_mem>>) {add = true}
      %add3A_108 = arith.constant 2 : i32
      %add3A_109 = arith.addi %mul3A_32, %add3A_108 : i32
      %dma_start3A_110 = arith.constant 256 : i32
      %dma_start3A_111 = arith.constant 0 : i32
      %dma_start3A_112 = tpu.memref_slice %arg10[%dma_start3A_110, %dma_start3A_111] : memref<1024x32xf32, #tpu.memory_space<vmem>> -> memref<128x32xf32, #tpu.memory_space<vmem>>
      %dma_start3A_113 = arith.constant 0 : i32
      %dma_start3A_114 = tpu.memref_slice %arg9[%add3A_109, %dma_start3A_113] : memref<80x128xi32, #tpu.memory_space<vmem>> -> memref<1x128xi32, #tpu.memory_space<vmem>>
      %dma_start3A_115 = tpu.memref_squeeze %dma_start3A_114 : memref<1x128xi32, #tpu.memory_space<vmem>> -> memref<128xi32, #tpu.memory_space<vmem>>
      %dma_start3A_116 = arith.constant 0 : i32
      %dma_start3A_117 = arith.constant 0 : i32
      %dma_start3A_118 = tpu.memref_slice %arg12[%dma_start3A_116, %dma_start3A_117] : memref<10112x32xf32, #tpu.memory_space<vmem_shared>> -> memref<10112x32xf32, #tpu.memory_space<vmem_shared>>
      tpu.enqueue_indirect_dma source(%dma_start3A_112 : memref<128x32xf32, #tpu.memory_space<vmem>>) target(%dma_start3A_118 : memref<10112x32xf32, #tpu.memory_space<vmem_shared>>) offsets(%dma_start3A_115 : memref<128xi32, #tpu.memory_space<vmem>>) semaphore(%arg16 : memref<!tpu.dma_semaphore, #tpu.memory_space<semaphore_mem>>) {add = true}
      %add3A_119 = arith.constant 3 : i32
      %add3A_120 = arith.addi %mul3A_32, %add3A_119 : i32
      %dma_start3A_121 = arith.constant 384 : i32
      %dma_start3A_122 = arith.constant 0 : i32
      %dma_start3A_123 = tpu.memref_slice %arg10[%dma_start3A_121, %dma_start3A_122] : memref<1024x32xf32, #tpu.memory_space<vmem>> -> memref<128x32xf32, #tpu.memory_space<vmem>>
      %dma_start3A_124 = arith.constant 0 : i32
      %dma_start3A_125 = tpu.memref_slice %arg9[%add3A_120, %dma_start3A_124] : memref<80x128xi32, #tpu.memory_space<vmem>> -> memref<1x128xi32, #tpu.memory_space<vmem>>
      %dma_start3A_126 = tpu.memref_squeeze %dma_start3A_125 : memref<1x128xi32, #tpu.memory_space<vmem>> -> memref<128xi32, #tpu.memory_space<vmem>>
      %dma_start3A_127 = arith.constant 0 : i32
      %dma_start3A_128 = arith.constant 0 : i32
      %dma_start3A_129 = tpu.memref_slice %arg12[%dma_start3A_127, %dma_start3A_128] : memref<10112x32xf32, #tpu.memory_space<vmem_shared>> -> memref<10112x32xf32, #tpu.memory_space<vmem_shared>>
      tpu.enqueue_indirect_dma source(%dma_start3A_123 : memref<128x32xf32, #tpu.memory_space<vmem>>) target(%dma_start3A_129 : memref<10112x32xf32, #tpu.memory_space<vmem_shared>>) offsets(%dma_start3A_126 : memref<128xi32, #tpu.memory_space<vmem>>) semaphore(%arg16 : memref<!tpu.dma_semaphore, #tpu.memory_space<semaphore_mem>>) {add = true}
      %add3A_130 = arith.constant 4 : i32
      %add3A_131 = arith.addi %mul3A_32, %add3A_130 : i32
      %dma_start3A_132 = arith.constant 512 : i32
      %dma_start3A_133 = arith.constant 0 : i32
      %dma_start3A_134 = tpu.memref_slice %arg10[%dma_start3A_132, %dma_start3A_133] : memref<1024x32xf32, #tpu.memory_space<vmem>> -> memref<128x32xf32, #tpu.memory_space<vmem>>
      %dma_start3A_135 = arith.constant 0 : i32
      %dma_start3A_136 = tpu.memref_slice %arg9[%add3A_131, %dma_start3A_135] : memref<80x128xi32, #tpu.memory_space<vmem>> -> memref<1x128xi32, #tpu.memory_space<vmem>>
      %dma_start3A_137 = tpu.memref_squeeze %dma_start3A_136 : memref<1x128xi32, #tpu.memory_space<vmem>> -> memref<128xi32, #tpu.memory_space<vmem>>
      %dma_start3A_138 = arith.constant 0 : i32
      %dma_start3A_139 = arith.constant 0 : i32
      %dma_start3A_140 = tpu.memref_slice %arg12[%dma_start3A_138, %dma_start3A_139] : memref<10112x32xf32, #tpu.memory_space<vmem_shared>> -> memref<10112x32xf32, #tpu.memory_space<vmem_shared>>
      tpu.enqueue_indirect_dma source(%dma_start3A_134 : memref<128x32xf32, #tpu.memory_space<vmem>>) target(%dma_start3A_140 : memref<10112x32xf32, #tpu.memory_space<vmem_shared>>) offsets(%dma_start3A_137 : memref<128xi32, #tpu.memory_space<vmem>>) semaphore(%arg16 : memref<!tpu.dma_semaphore, #tpu.memory_space<semaphore_mem>>) {add = true}
      %add3A_141 = arith.constant 5 : i32
      %add3A_142 = arith.addi %mul3A_32, %add3A_141 : i32
      %dma_start3A_143 = arith.constant 640 : i32
      %dma_start3A_144 = arith.constant 0 : i32
      %dma_start3A_145 = tpu.memref_slice %arg10[%dma_start3A_143, %dma_start3A_144] : memref<1024x32xf32, #tpu.memory_space<vmem>> -> memref<128x32xf32, #tpu.memory_space<vmem>>
      %dma_start3A_146 = arith.constant 0 : i32
      %dma_start3A_147 = tpu.memref_slice %arg9[%add3A_142, %dma_start3A_146] : memref<80x128xi32, #tpu.memory_space<vmem>> -> memref<1x128xi32, #tpu.memory_space<vmem>>
      %dma_start3A_148 = tpu.memref_squeeze %dma_start3A_147 : memref<1x128xi32, #tpu.memory_space<vmem>> -> memref<128xi32, #tpu.memory_space<vmem>>
      %dma_start3A_149 = arith.constant 0 : i32
      %dma_start3A_150 = arith.constant 0 : i32
      %dma_start3A_151 = tpu.memref_slice %arg12[%dma_start3A_149, %dma_start3A_150] : memref<10112x32xf32, #tpu.memory_space<vmem_shared>> -> memref<10112x32xf32, #tpu.memory_space<vmem_shared>>
      tpu.enqueue_indirect_dma source(%dma_start3A_145 : memref<128x32xf32, #tpu.memory_space<vmem>>) target(%dma_start3A_151 : memref<10112x32xf32, #tpu.memory_space<vmem_shared>>) offsets(%dma_start3A_148 : memref<128xi32, #tpu.memory_space<vmem>>) semaphore(%arg16 : memref<!tpu.dma_semaphore, #tpu.memory_space<semaphore_mem>>) {add = true}
      %add3A_152 = arith.constant 6 : i32
      %add3A_153 = arith.addi %mul3A_32, %add3A_152 : i32
      %dma_start3A_154 = arith.constant 768 : i32
      %dma_start3A_155 = arith.constant 0 : i32
      %dma_start3A_156 = tpu.memref_slice %arg10[%dma_start3A_154, %dma_start3A_155] : memref<1024x32xf32, #tpu.memory_space<vmem>> -> memref<128x32xf32, #tpu.memory_space<vmem>>
      %dma_start3A_157 = arith.constant 0 : i32
      %dma_start3A_158 = tpu.memref_slice %arg9[%add3A_153, %dma_start3A_157] : memref<80x128xi32, #tpu.memory_space<vmem>> -> memref<1x128xi32, #tpu.memory_space<vmem>>
      %dma_start3A_159 = tpu.memref_squeeze %dma_start3A_158 : memref<1x128xi32, #tpu.memory_space<vmem>> -> memref<128xi32, #tpu.memory_space<vmem>>
      %dma_start3A_160 = arith.constant 0 : i32
      %dma_start3A_161 = arith.constant 0 : i32
      %dma_start3A_162 = tpu.memref_slice %arg12[%dma_start3A_160, %dma_start3A_161] : memref<10112x32xf32, #tpu.memory_space<vmem_shared>> -> memref<10112x32xf32, #tpu.memory_space<vmem_shared>>
      tpu.enqueue_indirect_dma source(%dma_start3A_156 : memref<128x32xf32, #tpu.memory_space<vmem>>) target(%dma_start3A_162 : memref<10112x32xf32, #tpu.memory_space<vmem_shared>>) offsets(%dma_start3A_159 : memref<128xi32, #tpu.memory_space<vmem>>) semaphore(%arg16 : memref<!tpu.dma_semaphore, #tpu.memory_space<semaphore_mem>>) {add = true}
      %add3A_163 = arith.constant 7 : i32
      %add3A_164 = arith.addi %mul3A_32, %add3A_163 : i32
      %dma_start3A_165 = arith.constant 896 : i32
      %dma_start3A_166 = arith.constant 0 : i32
      %dma_start3A_167 = tpu.memref_slice %arg10[%dma_start3A_165, %dma_start3A_166] : memref<1024x32xf32, #tpu.memory_space<vmem>> -> memref<128x32xf32, #tpu.memory_space<vmem>>
      %dma_start3A_168 = arith.constant 0 : i32
      %dma_start3A_169 = tpu.memref_slice %arg9[%add3A_164, %dma_start3A_168] : memref<80x128xi32, #tpu.memory_space<vmem>> -> memref<1x128xi32, #tpu.memory_space<vmem>>
      %dma_start3A_170 = tpu.memref_squeeze %dma_start3A_169 : memref<1x128xi32, #tpu.memory_space<vmem>> -> memref<128xi32, #tpu.memory_space<vmem>>
      %dma_start3A_171 = arith.constant 0 : i32
      %dma_start3A_172 = arith.constant 0 : i32
      %dma_start3A_173 = tpu.memref_slice %arg12[%dma_start3A_171, %dma_start3A_172] : memref<10112x32xf32, #tpu.memory_space<vmem_shared>> -> memref<10112x32xf32, #tpu.memory_space<vmem_shared>>
      tpu.enqueue_indirect_dma source(%dma_start3A_167 : memref<128x32xf32, #tpu.memory_space<vmem>>) target(%dma_start3A_173 : memref<10112x32xf32, #tpu.memory_space<vmem_shared>>) offsets(%dma_start3A_170 : memref<128xi32, #tpu.memory_space<vmem>>) semaphore(%arg16 : memref<!tpu.dma_semaphore, #tpu.memory_space<semaphore_mem>>) {add = true}
      %add3A_174 = arith.constant 0 : i32
      %add3A_175 = arith.addi %mul3A_32, %add3A_174 : i32
      %dma_wait3A_176 = arith.constant 0 : i32
      %dma_wait3A_177 = arith.constant 0 : i32
      %dma_wait3A_178 = tpu.memref_slice %arg10[%dma_wait3A_176, %dma_wait3A_177] : memref<1024x32xf32, #tpu.memory_space<vmem>> -> memref<128x32xf32, #tpu.memory_space<vmem>>
      %dma_wait3A_179 = arith.constant 0 : i32
      %dma_wait3A_180 = tpu.memref_slice %arg9[%add3A_175, %dma_wait3A_179] : memref<80x128xi32, #tpu.memory_space<vmem>> -> memref<1x128xi32, #tpu.memory_space<vmem>>
      %dma_wait3A_181 = tpu.memref_squeeze %dma_wait3A_180 : memref<1x128xi32, #tpu.memory_space<vmem>> -> memref<128xi32, #tpu.memory_space<vmem>>
      %dma_wait3A_182 = arith.constant 0 : i32
      %dma_wait3A_183 = arith.constant 0 : i32
      %dma_wait3A_184 = tpu.memref_slice %arg12[%dma_wait3A_182, %dma_wait3A_183] : memref<10112x32xf32, #tpu.memory_space<vmem_shared>> -> memref<10112x32xf32, #tpu.memory_space<vmem_shared>>
      tpu.wait_indirect_dma semaphore(%arg16 : memref<!tpu.dma_semaphore, #tpu.memory_space<semaphore_mem>>) src(%dma_wait3A_178 : memref<128x32xf32, #tpu.memory_space<vmem>>) dst(%dma_wait3A_184 : memref<10112x32xf32, #tpu.memory_space<vmem_shared>>)
      %add3A_185 = arith.constant 1 : i32
      %add3A_186 = arith.addi %mul3A_32, %add3A_185 : i32
      %dma_wait3A_187 = arith.constant 128 : i32
      %dma_wait3A_188 = arith.constant 0 : i32
      %dma_wait3A_189 = tpu.memref_slice %arg10[%dma_wait3A_187, %dma_wait3A_188] : memref<1024x32xf32, #tpu.memory_space<vmem>> -> memref<128x32xf32, #tpu.memory_space<vmem>>
      %dma_wait3A_190 = arith.constant 0 : i32
      %dma_wait3A_191 = tpu.memref_slice %arg9[%add3A_186, %dma_wait3A_190] : memref<80x128xi32, #tpu.memory_space<vmem>> -> memref<1x128xi32, #tpu.memory_space<vmem>>
      %dma_wait3A_192 = tpu.memref_squeeze %dma_wait3A_191 : memref<1x128xi32, #tpu.memory_space<vmem>> -> memref<128xi32, #tpu.memory_space<vmem>>
      %dma_wait3A_193 = arith.constant 0 : i32
      %dma_wait3A_194 = arith.constant 0 : i32
      %dma_wait3A_195 = tpu.memref_slice %arg12[%dma_wait3A_193, %dma_wait3A_194] : memref<10112x32xf32, #tpu.memory_space<vmem_shared>> -> memref<10112x32xf32, #tpu.memory_space<vmem_shared>>
      tpu.wait_indirect_dma semaphore(%arg16 : memref<!tpu.dma_semaphore, #tpu.memory_space<semaphore_mem>>) src(%dma_wait3A_189 : memref<128x32xf32, #tpu.memory_space<vmem>>) dst(%dma_wait3A_195 : memref<10112x32xf32, #tpu.memory_space<vmem_shared>>)
      %add3A_196 = arith.constant 2 : i32
      %add3A_197 = arith.addi %mul3A_32, %add3A_196 : i32
      %dma_wait3A_198 = arith.constant 256 : i32
      %dma_wait3A_199 = arith.constant 0 : i32
      %dma_wait3A_200 = tpu.memref_slice %arg10[%dma_wait3A_198, %dma_wait3A_199] : memref<1024x32xf32, #tpu.memory_space<vmem>> -> memref<128x32xf32, #tpu.memory_space<vmem>>
      %dma_wait3A_201 = arith.constant 0 : i32
      %dma_wait3A_202 = tpu.memref_slice %arg9[%add3A_197, %dma_wait3A_201] : memref<80x128xi32, #tpu.memory_space<vmem>> -> memref<1x128xi32, #tpu.memory_space<vmem>>
      %dma_wait3A_203 = tpu.memref_squeeze %dma_wait3A_202 : memref<1x128xi32, #tpu.memory_space<vmem>> -> memref<128xi32, #tpu.memory_space<vmem>>
      %dma_wait3A_204 = arith.constant 0 : i32
      %dma_wait3A_205 = arith.constant 0 : i32
      %dma_wait3A_206 = tpu.memref_slice %arg12[%dma_wait3A_204, %dma_wait3A_205] : memref<10112x32xf32, #tpu.memory_space<vmem_shared>> -> memref<10112x32xf32, #tpu.memory_space<vmem_shared>>
      tpu.wait_indirect_dma semaphore(%arg16 : memref<!tpu.dma_semaphore, #tpu.memory_space<semaphore_mem>>) src(%dma_wait3A_200 : memref<128x32xf32, #tpu.memory_space<vmem>>) dst(%dma_wait3A_206 : memref<10112x32xf32, #tpu.memory_space<vmem_shared>>)
      %add3A_207 = arith.constant 3 : i32
      %add3A_208 = arith.addi %mul3A_32, %add3A_207 : i32
      %dma_wait3A_209 = arith.constant 384 : i32
      %dma_wait3A_210 = arith.constant 0 : i32
      %dma_wait3A_211 = tpu.memref_slice %arg10[%dma_wait3A_209, %dma_wait3A_210] : memref<1024x32xf32, #tpu.memory_space<vmem>> -> memref<128x32xf32, #tpu.memory_space<vmem>>
      %dma_wait3A_212 = arith.constant 0 : i32
      %dma_wait3A_213 = tpu.memref_slice %arg9[%add3A_208, %dma_wait3A_212] : memref<80x128xi32, #tpu.memory_space<vmem>> -> memref<1x128xi32, #tpu.memory_space<vmem>>
      %dma_wait3A_214 = tpu.memref_squeeze %dma_wait3A_213 : memref<1x128xi32, #tpu.memory_space<vmem>> -> memref<128xi32, #tpu.memory_space<vmem>>
      %dma_wait3A_215 = arith.constant 0 : i32
      %dma_wait3A_216 = arith.constant 0 : i32
      %dma_wait3A_217 = tpu.memref_slice %arg12[%dma_wait3A_215, %dma_wait3A_216] : memref<10112x32xf32, #tpu.memory_space<vmem_shared>> -> memref<10112x32xf32, #tpu.memory_space<vmem_shared>>
      tpu.wait_indirect_dma semaphore(%arg16 : memref<!tpu.dma_semaphore, #tpu.memory_space<semaphore_mem>>) src(%dma_wait3A_211 : memref<128x32xf32, #tpu.memory_space<vmem>>) dst(%dma_wait3A_217 : memref<10112x32xf32, #tpu.memory_space<vmem_shared>>)
      %add3A_218 = arith.constant 4 : i32
      %add3A_219 = arith.addi %mul3A_32, %add3A_218 : i32
      %dma_wait3A_220 = arith.constant 512 : i32
      %dma_wait3A_221 = arith.constant 0 : i32
      %dma_wait3A_222 = tpu.memref_slice %arg10[%dma_wait3A_220, %dma_wait3A_221] : memref<1024x32xf32, #tpu.memory_space<vmem>> -> memref<128x32xf32, #tpu.memory_space<vmem>>
      %dma_wait3A_223 = arith.constant 0 : i32
      %dma_wait3A_224 = tpu.memref_slice %arg9[%add3A_219, %dma_wait3A_223] : memref<80x128xi32, #tpu.memory_space<vmem>> -> memref<1x128xi32, #tpu.memory_space<vmem>>
      %dma_wait3A_225 = tpu.memref_squeeze %dma_wait3A_224 : memref<1x128xi32, #tpu.memory_space<vmem>> -> memref<128xi32, #tpu.memory_space<vmem>>
      %dma_wait3A_226 = arith.constant 0 : i32
      %dma_wait3A_227 = arith.constant 0 : i32
      %dma_wait3A_228 = tpu.memref_slice %arg12[%dma_wait3A_226, %dma_wait3A_227] : memref<10112x32xf32, #tpu.memory_space<vmem_shared>> -> memref<10112x32xf32, #tpu.memory_space<vmem_shared>>
      tpu.wait_indirect_dma semaphore(%arg16 : memref<!tpu.dma_semaphore, #tpu.memory_space<semaphore_mem>>) src(%dma_wait3A_222 : memref<128x32xf32, #tpu.memory_space<vmem>>) dst(%dma_wait3A_228 : memref<10112x32xf32, #tpu.memory_space<vmem_shared>>)
      %add3A_229 = arith.constant 5 : i32
      %add3A_230 = arith.addi %mul3A_32, %add3A_229 : i32
      %dma_wait3A_231 = arith.constant 640 : i32
      %dma_wait3A_232 = arith.constant 0 : i32
      %dma_wait3A_233 = tpu.memref_slice %arg10[%dma_wait3A_231, %dma_wait3A_232] : memref<1024x32xf32, #tpu.memory_space<vmem>> -> memref<128x32xf32, #tpu.memory_space<vmem>>
      %dma_wait3A_234 = arith.constant 0 : i32
      %dma_wait3A_235 = tpu.memref_slice %arg9[%add3A_230, %dma_wait3A_234] : memref<80x128xi32, #tpu.memory_space<vmem>> -> memref<1x128xi32, #tpu.memory_space<vmem>>
      %dma_wait3A_236 = tpu.memref_squeeze %dma_wait3A_235 : memref<1x128xi32, #tpu.memory_space<vmem>> -> memref<128xi32, #tpu.memory_space<vmem>>
      %dma_wait3A_237 = arith.constant 0 : i32
      %dma_wait3A_238 = arith.constant 0 : i32
      %dma_wait3A_239 = tpu.memref_slice %arg12[%dma_wait3A_237, %dma_wait3A_238] : memref<10112x32xf32, #tpu.memory_space<vmem_shared>> -> memref<10112x32xf32, #tpu.memory_space<vmem_shared>>
      tpu.wait_indirect_dma semaphore(%arg16 : memref<!tpu.dma_semaphore, #tpu.memory_space<semaphore_mem>>) src(%dma_wait3A_233 : memref<128x32xf32, #tpu.memory_space<vmem>>) dst(%dma_wait3A_239 : memref<10112x32xf32, #tpu.memory_space<vmem_shared>>)
      %add3A_240 = arith.constant 6 : i32
      %add3A_241 = arith.addi %mul3A_32, %add3A_240 : i32
      %dma_wait3A_242 = arith.constant 768 : i32
      %dma_wait3A_243 = arith.constant 0 : i32
      %dma_wait3A_244 = tpu.memref_slice %arg10[%dma_wait3A_242, %dma_wait3A_243] : memref<1024x32xf32, #tpu.memory_space<vmem>> -> memref<128x32xf32, #tpu.memory_space<vmem>>
      %dma_wait3A_245 = arith.constant 0 : i32
      %dma_wait3A_246 = tpu.memref_slice %arg9[%add3A_241, %dma_wait3A_245] : memref<80x128xi32, #tpu.memory_space<vmem>> -> memref<1x128xi32, #tpu.memory_space<vmem>>
      %dma_wait3A_247 = tpu.memref_squeeze %dma_wait3A_246 : memref<1x128xi32, #tpu.memory_space<vmem>> -> memref<128xi32, #tpu.memory_space<vmem>>
      %dma_wait3A_248 = arith.constant 0 : i32
      %dma_wait3A_249 = arith.constant 0 : i32
      %dma_wait3A_250 = tpu.memref_slice %arg12[%dma_wait3A_248, %dma_wait3A_249] : memref<10112x32xf32, #tpu.memory_space<vmem_shared>> -> memref<10112x32xf32, #tpu.memory_space<vmem_shared>>
      tpu.wait_indirect_dma semaphore(%arg16 : memref<!tpu.dma_semaphore, #tpu.memory_space<semaphore_mem>>) src(%dma_wait3A_244 : memref<128x32xf32, #tpu.memory_space<vmem>>) dst(%dma_wait3A_250 : memref<10112x32xf32, #tpu.memory_space<vmem_shared>>)
      %add3A_251 = arith.constant 7 : i32
      %add3A_252 = arith.addi %mul3A_32, %add3A_251 : i32
      %dma_wait3A_253 = arith.constant 896 : i32
      %dma_wait3A_254 = arith.constant 0 : i32
      %dma_wait3A_255 = tpu.memref_slice %arg10[%dma_wait3A_253, %dma_wait3A_254] : memref<1024x32xf32, #tpu.memory_space<vmem>> -> memref<128x32xf32, #tpu.memory_space<vmem>>
      %dma_wait3A_256 = arith.constant 0 : i32
      %dma_wait3A_257 = tpu.memref_slice %arg9[%add3A_252, %dma_wait3A_256] : memref<80x128xi32, #tpu.memory_space<vmem>> -> memref<1x128xi32, #tpu.memory_space<vmem>>
      %dma_wait3A_258 = tpu.memref_squeeze %dma_wait3A_257 : memref<1x128xi32, #tpu.memory_space<vmem>> -> memref<128xi32, #tpu.memory_space<vmem>>
      %dma_wait3A_259 = arith.constant 0 : i32
      %dma_wait3A_260 = arith.constant 0 : i32
      %dma_wait3A_261 = tpu.memref_slice %arg12[%dma_wait3A_259, %dma_wait3A_260] : memref<10112x32xf32, #tpu.memory_space<vmem_shared>> -> memref<10112x32xf32, #tpu.memory_space<vmem_shared>>
      tpu.wait_indirect_dma semaphore(%arg16 : memref<!tpu.dma_semaphore, #tpu.memory_space<semaphore_mem>>) src(%dma_wait3A_255 : memref<128x32xf32, #tpu.memory_space<vmem>>) dst(%dma_wait3A_261 : memref<10112x32xf32, #tpu.memory_space<vmem_shared>>)
      %jit3A_262 = arith.constant 8 : i32
      %div3A_263 = arith.divsi %add3A_34, %jit3A_262 : i32
      %sign3A_264 = arith.constant 0 : i32
      %sign3A_265 = arith.cmpi sgt, %add3A_34, %sign3A_264 : i32
      %sign3A_266 = arith.extui %sign3A_265 : i1 to i32
      %sign3A_267 = arith.constant 0 : i32
      %sign3A_268 = arith.cmpi slt, %add3A_34, %sign3A_267 : i32
      %sign3A_269 = arith.extui %sign3A_268 : i1 to i32
      %sign3A_270 = arith.subi %sign3A_266, %sign3A_269 : i32
      %sign3A_271 = arith.constant 0 : i32
      %sign3A_272 = arith.cmpi sgt, %jit3A_262, %sign3A_271 : i32
      %sign3A_273 = arith.extui %sign3A_272 : i1 to i32
      %sign3A_274 = arith.constant 0 : i32
      %sign3A_275 = arith.cmpi slt, %jit3A_262, %sign3A_274 : i32
      %sign3A_276 = arith.extui %sign3A_275 : i1 to i32
      %sign3A_277 = arith.subi %sign3A_273, %sign3A_276 : i32
      %ne3A_278 = arith.cmpi ne, %sign3A_270, %sign3A_277 : i32
      %rem3A_279 = arith.remsi %add3A_34, %jit3A_262 : i32
      %ne3A_280 = arith.constant 0 : i32
      %ne3A_281 = arith.cmpi ne, %rem3A_279, %ne3A_280 : i32
      %and3A_282 = arith.andi %ne3A_278, %ne3A_281 : i1
      %sub3A_283 = arith.constant 1 : i32
      %sub3A_284 = arith.subi %div3A_263, %sub3A_283 : i32
      %select_n3A_285 = arith.select %and3A_282, %sub3A_284, %div3A_263 : i32
      %dma_wait3A_286 = arith.constant 0 : i32
      %dma_wait3A_287 = tpu.memref_slice %arg8[%select_n3A_285, %dma_wait3A_286] : memref<10x1024xi32, #tpu.memory_space<vmem>> -> memref<1x1024xi32, #tpu.memory_space<vmem>>
      %dma_wait3A_288 = tpu.memref_squeeze %dma_wait3A_287 : memref<1x1024xi32, #tpu.memory_space<vmem>> -> memref<1024xi32, #tpu.memory_space<vmem>>
      %dma_wait3A_289 = arith.constant 0 : i32
      %dma_wait3A_290 = arith.constant 0 : i32
      %dma_wait3A_291 = tpu.memref_slice %arg13[%dma_wait3A_289, %dma_wait3A_290] : memref<10112x32xf32, #tpu.memory_space<vmem_shared>> -> memref<10112x32xf32, #tpu.memory_space<vmem_shared>>
      tpu.wait_indirect_dma semaphore(%arg15 : memref<!tpu.dma_semaphore, #tpu.memory_space<semaphore_mem>>) src(%dma_wait3A_291 : memref<10112x32xf32, #tpu.memory_space<vmem_shared>>) dst(%arg11 : memref<1024x32xf32, #tpu.memory_space<vmem>>)
      %add3A_292 = arith.constant 1 : i32
      %add3A_293 = arith.addi %scan3A_28, %add3A_292 : i32
      %lt3A = arith.constant 5 : i32
      %lt3A_294 = arith.cmpi slt, %add3A_293, %lt3A : i32
      %convert_element_type3A_295 = arith.extui %lt3A_294 : i1 to i32
      %cond3A_296 = arith.constant 0 : i32
      %cond3A_297 = arith.cmpi ne, %convert_element_type3A_295, %cond3A_296 : i32
      scf.if %cond3A_297 {
        %add3A_474 = arith.constant 16 : i32
        %add3A_475 = arith.addi %mul3A_32, %add3A_474 : i32
        %jit3A_476 = arith.constant 8 : i32
        %div3A_477 = arith.divsi %add3A_475, %jit3A_476 : i32
        %sign3A_478 = arith.constant 0 : i32
        %sign3A_479 = arith.cmpi sgt, %add3A_475, %sign3A_478 : i32
        %sign3A_480 = arith.extui %sign3A_479 : i1 to i32
        %sign3A_481 = arith.constant 0 : i32
        %sign3A_482 = arith.cmpi slt, %add3A_475, %sign3A_481 : i32
        %sign3A_483 = arith.extui %sign3A_482 : i1 to i32
        %sign3A_484 = arith.subi %sign3A_480, %sign3A_483 : i32
        %sign3A_485 = arith.constant 0 : i32
        %sign3A_486 = arith.cmpi sgt, %jit3A_476, %sign3A_485 : i32
        %sign3A_487 = arith.extui %sign3A_486 : i1 to i32
        %sign3A_488 = arith.constant 0 : i32
        %sign3A_489 = arith.cmpi slt, %jit3A_476, %sign3A_488 : i32
        %sign3A_490 = arith.extui %sign3A_489 : i1 to i32
        %sign3A_491 = arith.subi %sign3A_487, %sign3A_490 : i32
        %ne3A_492 = arith.cmpi ne, %sign3A_484, %sign3A_491 : i32
        %rem3A_493 = arith.remsi %add3A_475, %jit3A_476 : i32
        %ne3A_494 = arith.constant 0 : i32
        %ne3A_495 = arith.cmpi ne, %rem3A_493, %ne3A_494 : i32
        %and3A_496 = arith.andi %ne3A_492, %ne3A_495 : i1
        %sub3A_497 = arith.constant 1 : i32
        %sub3A_498 = arith.subi %div3A_477, %sub3A_497 : i32
        %select_n3A_499 = arith.select %and3A_496, %sub3A_498, %div3A_477 : i32
        %dma_start3A_500 = arith.constant 0 : i32
        %dma_start3A_501 = tpu.memref_slice %arg8[%select_n3A_499, %dma_start3A_500] : memref<10x1024xi32, #tpu.memory_space<vmem>> -> memref<1x1024xi32, #tpu.memory_space<vmem>>
        %dma_start3A_502 = tpu.memref_squeeze %dma_start3A_501 : memref<1x1024xi32, #tpu.memory_space<vmem>> -> memref<1024xi32, #tpu.memory_space<vmem>>
        %dma_start3A_503 = arith.constant 0 : i32
        %dma_start3A_504 = arith.constant 0 : i32
        %dma_start3A_505 = tpu.memref_slice %arg13[%dma_start3A_503, %dma_start3A_504] : memref<10112x32xf32, #tpu.memory_space<vmem_shared>> -> memref<10112x32xf32, #tpu.memory_space<vmem_shared>>
        tpu.enqueue_indirect_dma source(%dma_start3A_505 : memref<10112x32xf32, #tpu.memory_space<vmem_shared>>) target(%arg10 : memref<1024x32xf32, #tpu.memory_space<vmem>>) offsets(%dma_start3A_502 : memref<1024xi32, #tpu.memory_space<vmem>>) semaphore(%arg14 : memref<!tpu.dma_semaphore, #tpu.memory_space<semaphore_mem>>)
      } else {
      }
      %add3A_298 = arith.constant 0 : i32
      %add3A_299 = arith.addi %add3A_34, %add3A_298 : i32
      %dma_start3A_300 = arith.constant 0 : i32
      %dma_start3A_301 = arith.constant 0 : i32
      %dma_start3A_302 = tpu.memref_slice %arg11[%dma_start3A_300, %dma_start3A_301] : memref<1024x32xf32, #tpu.memory_space<vmem>> -> memref<128x32xf32, #tpu.memory_space<vmem>>
      %dma_start3A_303 = arith.constant 0 : i32
      %dma_start3A_304 = tpu.memref_slice %arg9[%add3A_299, %dma_start3A_303] : memref<80x128xi32, #tpu.memory_space<vmem>> -> memref<1x128xi32, #tpu.memory_space<vmem>>
      %dma_start3A_305 = tpu.memref_squeeze %dma_start3A_304 : memref<1x128xi32, #tpu.memory_space<vmem>> -> memref<128xi32, #tpu.memory_space<vmem>>
      %dma_start3A_306 = arith.constant 0 : i32
      %dma_start3A_307 = arith.constant 0 : i32
      %dma_start3A_308 = tpu.memref_slice %arg12[%dma_start3A_306, %dma_start3A_307] : memref<10112x32xf32, #tpu.memory_space<vmem_shared>> -> memref<10112x32xf32, #tpu.memory_space<vmem_shared>>
      tpu.enqueue_indirect_dma source(%dma_start3A_302 : memref<128x32xf32, #tpu.memory_space<vmem>>) target(%dma_start3A_308 : memref<10112x32xf32, #tpu.memory_space<vmem_shared>>) offsets(%dma_start3A_305 : memref<128xi32, #tpu.memory_space<vmem>>) semaphore(%arg17 : memref<!tpu.dma_semaphore, #tpu.memory_space<semaphore_mem>>) {add = true}
      %add3A_309 = arith.constant 1 : i32
      %add3A_310 = arith.addi %add3A_34, %add3A_309 : i32
      %dma_start3A_311 = arith.constant 128 : i32
      %dma_start3A_312 = arith.constant 0 : i32
      %dma_start3A_313 = tpu.memref_slice %arg11[%dma_start3A_311, %dma_start3A_312] : memref<1024x32xf32, #tpu.memory_space<vmem>> -> memref<128x32xf32, #tpu.memory_space<vmem>>
      %dma_start3A_314 = arith.constant 0 : i32
      %dma_start3A_315 = tpu.memref_slice %arg9[%add3A_310, %dma_start3A_314] : memref<80x128xi32, #tpu.memory_space<vmem>> -> memref<1x128xi32, #tpu.memory_space<vmem>>
      %dma_start3A_316 = tpu.memref_squeeze %dma_start3A_315 : memref<1x128xi32, #tpu.memory_space<vmem>> -> memref<128xi32, #tpu.memory_space<vmem>>
      %dma_start3A_317 = arith.constant 0 : i32
      %dma_start3A_318 = arith.constant 0 : i32
      %dma_start3A_319 = tpu.memref_slice %arg12[%dma_start3A_317, %dma_start3A_318] : memref<10112x32xf32, #tpu.memory_space<vmem_shared>> -> memref<10112x32xf32, #tpu.memory_space<vmem_shared>>
      tpu.enqueue_indirect_dma source(%dma_start3A_313 : memref<128x32xf32, #tpu.memory_space<vmem>>) target(%dma_start3A_319 : memref<10112x32xf32, #tpu.memory_space<vmem_shared>>) offsets(%dma_start3A_316 : memref<128xi32, #tpu.memory_space<vmem>>) semaphore(%arg17 : memref<!tpu.dma_semaphore, #tpu.memory_space<semaphore_mem>>) {add = true}
      %add3A_320 = arith.constant 2 : i32
      %add3A_321 = arith.addi %add3A_34, %add3A_320 : i32
      %dma_start3A_322 = arith.constant 256 : i32
      %dma_start3A_323 = arith.constant 0 : i32
      %dma_start3A_324 = tpu.memref_slice %arg11[%dma_start3A_322, %dma_start3A_323] : memref<1024x32xf32, #tpu.memory_space<vmem>> -> memref<128x32xf32, #tpu.memory_space<vmem>>
      %dma_start3A_325 = arith.constant 0 : i32
      %dma_start3A_326 = tpu.memref_slice %arg9[%add3A_321, %dma_start3A_325] : memref<80x128xi32, #tpu.memory_space<vmem>> -> memref<1x128xi32, #tpu.memory_space<vmem>>
      %dma_start3A_327 = tpu.memref_squeeze %dma_start3A_326 : memref<1x128xi32, #tpu.memory_space<vmem>> -> memref<128xi32, #tpu.memory_space<vmem>>
      %dma_start3A_328 = arith.constant 0 : i32
      %dma_start3A_329 = arith.constant 0 : i32
      %dma_start3A_330 = tpu.memref_slice %arg12[%dma_start3A_328, %dma_start3A_329] : memref<10112x32xf32, #tpu.memory_space<vmem_shared>> -> memref<10112x32xf32, #tpu.memory_space<vmem_shared>>
      tpu.enqueue_indirect_dma source(%dma_start3A_324 : memref<128x32xf32, #tpu.memory_space<vmem>>) target(%dma_start3A_330 : memref<10112x32xf32, #tpu.memory_space<vmem_shared>>) offsets(%dma_start3A_327 : memref<128xi32, #tpu.memory_space<vmem>>) semaphore(%arg17 : memref<!tpu.dma_semaphore, #tpu.memory_space<semaphore_mem>>) {add = true}
      %add3A_331 = arith.constant 3 : i32
      %add3A_332 = arith.addi %add3A_34, %add3A_331 : i32
      %dma_start3A_333 = arith.constant 384 : i32
      %dma_start3A_334 = arith.constant 0 : i32
      %dma_start3A_335 = tpu.memref_slice %arg11[%dma_start3A_333, %dma_start3A_334] : memref<1024x32xf32, #tpu.memory_space<vmem>> -> memref<128x32xf32, #tpu.memory_space<vmem>>
      %dma_start3A_336 = arith.constant 0 : i32
      %dma_start3A_337 = tpu.memref_slice %arg9[%add3A_332, %dma_start3A_336] : memref<80x128xi32, #tpu.memory_space<vmem>> -> memref<1x128xi32, #tpu.memory_space<vmem>>
      %dma_start3A_338 = tpu.memref_squeeze %dma_start3A_337 : memref<1x128xi32, #tpu.memory_space<vmem>> -> memref<128xi32, #tpu.memory_space<vmem>>
      %dma_start3A_339 = arith.constant 0 : i32
      %dma_start3A_340 = arith.constant 0 : i32
      %dma_start3A_341 = tpu.memref_slice %arg12[%dma_start3A_339, %dma_start3A_340] : memref<10112x32xf32, #tpu.memory_space<vmem_shared>> -> memref<10112x32xf32, #tpu.memory_space<vmem_shared>>
      tpu.enqueue_indirect_dma source(%dma_start3A_335 : memref<128x32xf32, #tpu.memory_space<vmem>>) target(%dma_start3A_341 : memref<10112x32xf32, #tpu.memory_space<vmem_shared>>) offsets(%dma_start3A_338 : memref<128xi32, #tpu.memory_space<vmem>>) semaphore(%arg17 : memref<!tpu.dma_semaphore, #tpu.memory_space<semaphore_mem>>) {add = true}
      %add3A_342 = arith.constant 4 : i32
      %add3A_343 = arith.addi %add3A_34, %add3A_342 : i32
      %dma_start3A_344 = arith.constant 512 : i32
      %dma_start3A_345 = arith.constant 0 : i32
      %dma_start3A_346 = tpu.memref_slice %arg11[%dma_start3A_344, %dma_start3A_345] : memref<1024x32xf32, #tpu.memory_space<vmem>> -> memref<128x32xf32, #tpu.memory_space<vmem>>
      %dma_start3A_347 = arith.constant 0 : i32
      %dma_start3A_348 = tpu.memref_slice %arg9[%add3A_343, %dma_start3A_347] : memref<80x128xi32, #tpu.memory_space<vmem>> -> memref<1x128xi32, #tpu.memory_space<vmem>>
      %dma_start3A_349 = tpu.memref_squeeze %dma_start3A_348 : memref<1x128xi32, #tpu.memory_space<vmem>> -> memref<128xi32, #tpu.memory_space<vmem>>
      %dma_start3A_350 = arith.constant 0 : i32
      %dma_start3A_351 = arith.constant 0 : i32
      %dma_start3A_352 = tpu.memref_slice %arg12[%dma_start3A_350, %dma_start3A_351] : memref<10112x32xf32, #tpu.memory_space<vmem_shared>> -> memref<10112x32xf32, #tpu.memory_space<vmem_shared>>
      tpu.enqueue_indirect_dma source(%dma_start3A_346 : memref<128x32xf32, #tpu.memory_space<vmem>>) target(%dma_start3A_352 : memref<10112x32xf32, #tpu.memory_space<vmem_shared>>) offsets(%dma_start3A_349 : memref<128xi32, #tpu.memory_space<vmem>>) semaphore(%arg17 : memref<!tpu.dma_semaphore, #tpu.memory_space<semaphore_mem>>) {add = true}
      %add3A_353 = arith.constant 5 : i32
      %add3A_354 = arith.addi %add3A_34, %add3A_353 : i32
      %dma_start3A_355 = arith.constant 640 : i32
      %dma_start3A_356 = arith.constant 0 : i32
      %dma_start3A_357 = tpu.memref_slice %arg11[%dma_start3A_355, %dma_start3A_356] : memref<1024x32xf32, #tpu.memory_space<vmem>> -> memref<128x32xf32, #tpu.memory_space<vmem>>
      %dma_start3A_358 = arith.constant 0 : i32
      %dma_start3A_359 = tpu.memref_slice %arg9[%add3A_354, %dma_start3A_358] : memref<80x128xi32, #tpu.memory_space<vmem>> -> memref<1x128xi32, #tpu.memory_space<vmem>>
      %dma_start3A_360 = tpu.memref_squeeze %dma_start3A_359 : memref<1x128xi32, #tpu.memory_space<vmem>> -> memref<128xi32, #tpu.memory_space<vmem>>
      %dma_start3A_361 = arith.constant 0 : i32
      %dma_start3A_362 = arith.constant 0 : i32
      %dma_start3A_363 = tpu.memref_slice %arg12[%dma_start3A_361, %dma_start3A_362] : memref<10112x32xf32, #tpu.memory_space<vmem_shared>> -> memref<10112x32xf32, #tpu.memory_space<vmem_shared>>
      tpu.enqueue_indirect_dma source(%dma_start3A_357 : memref<128x32xf32, #tpu.memory_space<vmem>>) target(%dma_start3A_363 : memref<10112x32xf32, #tpu.memory_space<vmem_shared>>) offsets(%dma_start3A_360 : memref<128xi32, #tpu.memory_space<vmem>>) semaphore(%arg17 : memref<!tpu.dma_semaphore, #tpu.memory_space<semaphore_mem>>) {add = true}
      %add3A_364 = arith.constant 6 : i32
      %add3A_365 = arith.addi %add3A_34, %add3A_364 : i32
      %dma_start3A_366 = arith.constant 768 : i32
      %dma_start3A_367 = arith.constant 0 : i32
      %dma_start3A_368 = tpu.memref_slice %arg11[%dma_start3A_366, %dma_start3A_367] : memref<1024x32xf32, #tpu.memory_space<vmem>> -> memref<128x32xf32, #tpu.memory_space<vmem>>
      %dma_start3A_369 = arith.constant 0 : i32
      %dma_start3A_370 = tpu.memref_slice %arg9[%add3A_365, %dma_start3A_369] : memref<80x128xi32, #tpu.memory_space<vmem>> -> memref<1x128xi32, #tpu.memory_space<vmem>>
      %dma_start3A_371 = tpu.memref_squeeze %dma_start3A_370 : memref<1x128xi32, #tpu.memory_space<vmem>> -> memref<128xi32, #tpu.memory_space<vmem>>
      %dma_start3A_372 = arith.constant 0 : i32
      %dma_start3A_373 = arith.constant 0 : i32
      %dma_start3A_374 = tpu.memref_slice %arg12[%dma_start3A_372, %dma_start3A_373] : memref<10112x32xf32, #tpu.memory_space<vmem_shared>> -> memref<10112x32xf32, #tpu.memory_space<vmem_shared>>
      tpu.enqueue_indirect_dma source(%dma_start3A_368 : memref<128x32xf32, #tpu.memory_space<vmem>>) target(%dma_start3A_374 : memref<10112x32xf32, #tpu.memory_space<vmem_shared>>) offsets(%dma_start3A_371 : memref<128xi32, #tpu.memory_space<vmem>>) semaphore(%arg17 : memref<!tpu.dma_semaphore, #tpu.memory_space<semaphore_mem>>) {add = true}
      %add3A_375 = arith.constant 7 : i32
      %add3A_376 = arith.addi %add3A_34, %add3A_375 : i32
      %dma_start3A_377 = arith.constant 896 : i32
      %dma_start3A_378 = arith.constant 0 : i32
      %dma_start3A_379 = tpu.memref_slice %arg11[%dma_start3A_377, %dma_start3A_378] : memref<1024x32xf32, #tpu.memory_space<vmem>> -> memref<128x32xf32, #tpu.memory_space<vmem>>
      %dma_start3A_380 = arith.constant 0 : i32
      %dma_start3A_381 = tpu.memref_slice %arg9[%add3A_376, %dma_start3A_380] : memref<80x128xi32, #tpu.memory_space<vmem>> -> memref<1x128xi32, #tpu.memory_space<vmem>>
      %dma_start3A_382 = tpu.memref_squeeze %dma_start3A_381 : memref<1x128xi32, #tpu.memory_space<vmem>> -> memref<128xi32, #tpu.memory_space<vmem>>
      %dma_start3A_383 = arith.constant 0 : i32
      %dma_start3A_384 = arith.constant 0 : i32
      %dma_start3A_385 = tpu.memref_slice %arg12[%dma_start3A_383, %dma_start3A_384] : memref<10112x32xf32, #tpu.memory_space<vmem_shared>> -> memref<10112x32xf32, #tpu.memory_space<vmem_shared>>
      tpu.enqueue_indirect_dma source(%dma_start3A_379 : memref<128x32xf32, #tpu.memory_space<vmem>>) target(%dma_start3A_385 : memref<10112x32xf32, #tpu.memory_space<vmem_shared>>) offsets(%dma_start3A_382 : memref<128xi32, #tpu.memory_space<vmem>>) semaphore(%arg17 : memref<!tpu.dma_semaphore, #tpu.memory_space<semaphore_mem>>) {add = true}
      %add3A_386 = arith.constant 0 : i32
      %add3A_387 = arith.addi %add3A_34, %add3A_386 : i32
      %dma_wait3A_388 = arith.constant 0 : i32
      %dma_wait3A_389 = arith.constant 0 : i32
      %dma_wait3A_390 = tpu.memref_slice %arg11[%dma_wait3A_388, %dma_wait3A_389] : memref<1024x32xf32, #tpu.memory_space<vmem>> -> memref<128x32xf32, #tpu.memory_space<vmem>>
      %dma_wait3A_391 = arith.constant 0 : i32
      %dma_wait3A_392 = tpu.memref_slice %arg9[%add3A_387, %dma_wait3A_391] : memref<80x128xi32, #tpu.memory_space<vmem>> -> memref<1x128xi32, #tpu.memory_space<vmem>>
      %dma_wait3A_393 = tpu.memref_squeeze %dma_wait3A_392 : memref<1x128xi32, #tpu.memory_space<vmem>> -> memref<128xi32, #tpu.memory_space<vmem>>
      %dma_wait3A_394 = arith.constant 0 : i32
      %dma_wait3A_395 = arith.constant 0 : i32
      %dma_wait3A_396 = tpu.memref_slice %arg12[%dma_wait3A_394, %dma_wait3A_395] : memref<10112x32xf32, #tpu.memory_space<vmem_shared>> -> memref<10112x32xf32, #tpu.memory_space<vmem_shared>>
      tpu.wait_indirect_dma semaphore(%arg17 : memref<!tpu.dma_semaphore, #tpu.memory_space<semaphore_mem>>) src(%dma_wait3A_390 : memref<128x32xf32, #tpu.memory_space<vmem>>) dst(%dma_wait3A_396 : memref<10112x32xf32, #tpu.memory_space<vmem_shared>>)
      %add3A_397 = arith.constant 1 : i32
      %add3A_398 = arith.addi %add3A_34, %add3A_397 : i32
      %dma_wait3A_399 = arith.constant 128 : i32
      %dma_wait3A_400 = arith.constant 0 : i32
      %dma_wait3A_401 = tpu.memref_slice %arg11[%dma_wait3A_399, %dma_wait3A_400] : memref<1024x32xf32, #tpu.memory_space<vmem>> -> memref<128x32xf32, #tpu.memory_space<vmem>>
      %dma_wait3A_402 = arith.constant 0 : i32
      %dma_wait3A_403 = tpu.memref_slice %arg9[%add3A_398, %dma_wait3A_402] : memref<80x128xi32, #tpu.memory_space<vmem>> -> memref<1x128xi32, #tpu.memory_space<vmem>>
      %dma_wait3A_404 = tpu.memref_squeeze %dma_wait3A_403 : memref<1x128xi32, #tpu.memory_space<vmem>> -> memref<128xi32, #tpu.memory_space<vmem>>
      %dma_wait3A_405 = arith.constant 0 : i32
      %dma_wait3A_406 = arith.constant 0 : i32
      %dma_wait3A_407 = tpu.memref_slice %arg12[%dma_wait3A_405, %dma_wait3A_406] : memref<10112x32xf32, #tpu.memory_space<vmem_shared>> -> memref<10112x32xf32, #tpu.memory_space<vmem_shared>>
      tpu.wait_indirect_dma semaphore(%arg17 : memref<!tpu.dma_semaphore, #tpu.memory_space<semaphore_mem>>) src(%dma_wait3A_401 : memref<128x32xf32, #tpu.memory_space<vmem>>) dst(%dma_wait3A_407 : memref<10112x32xf32, #tpu.memory_space<vmem_shared>>)
      %add3A_408 = arith.constant 2 : i32
      %add3A_409 = arith.addi %add3A_34, %add3A_408 : i32
      %dma_wait3A_410 = arith.constant 256 : i32
      %dma_wait3A_411 = arith.constant 0 : i32
      %dma_wait3A_412 = tpu.memref_slice %arg11[%dma_wait3A_410, %dma_wait3A_411] : memref<1024x32xf32, #tpu.memory_space<vmem>> -> memref<128x32xf32, #tpu.memory_space<vmem>>
      %dma_wait3A_413 = arith.constant 0 : i32
      %dma_wait3A_414 = tpu.memref_slice %arg9[%add3A_409, %dma_wait3A_413] : memref<80x128xi32, #tpu.memory_space<vmem>> -> memref<1x128xi32, #tpu.memory_space<vmem>>
      %dma_wait3A_415 = tpu.memref_squeeze %dma_wait3A_414 : memref<1x128xi32, #tpu.memory_space<vmem>> -> memref<128xi32, #tpu.memory_space<vmem>>
      %dma_wait3A_416 = arith.constant 0 : i32
      %dma_wait3A_417 = arith.constant 0 : i32
      %dma_wait3A_418 = tpu.memref_slice %arg12[%dma_wait3A_416, %dma_wait3A_417] : memref<10112x32xf32, #tpu.memory_space<vmem_shared>> -> memref<10112x32xf32, #tpu.memory_space<vmem_shared>>
      tpu.wait_indirect_dma semaphore(%arg17 : memref<!tpu.dma_semaphore, #tpu.memory_space<semaphore_mem>>) src(%dma_wait3A_412 : memref<128x32xf32, #tpu.memory_space<vmem>>) dst(%dma_wait3A_418 : memref<10112x32xf32, #tpu.memory_space<vmem_shared>>)
      %add3A_419 = arith.constant 3 : i32
      %add3A_420 = arith.addi %add3A_34, %add3A_419 : i32
      %dma_wait3A_421 = arith.constant 384 : i32
      %dma_wait3A_422 = arith.constant 0 : i32
      %dma_wait3A_423 = tpu.memref_slice %arg11[%dma_wait3A_421, %dma_wait3A_422] : memref<1024x32xf32, #tpu.memory_space<vmem>> -> memref<128x32xf32, #tpu.memory_space<vmem>>
      %dma_wait3A_424 = arith.constant 0 : i32
      %dma_wait3A_425 = tpu.memref_slice %arg9[%add3A_420, %dma_wait3A_424] : memref<80x128xi32, #tpu.memory_space<vmem>> -> memref<1x128xi32, #tpu.memory_space<vmem>>
      %dma_wait3A_426 = tpu.memref_squeeze %dma_wait3A_425 : memref<1x128xi32, #tpu.memory_space<vmem>> -> memref<128xi32, #tpu.memory_space<vmem>>
      %dma_wait3A_427 = arith.constant 0 : i32
      %dma_wait3A_428 = arith.constant 0 : i32
      %dma_wait3A_429 = tpu.memref_slice %arg12[%dma_wait3A_427, %dma_wait3A_428] : memref<10112x32xf32, #tpu.memory_space<vmem_shared>> -> memref<10112x32xf32, #tpu.memory_space<vmem_shared>>
      tpu.wait_indirect_dma semaphore(%arg17 : memref<!tpu.dma_semaphore, #tpu.memory_space<semaphore_mem>>) src(%dma_wait3A_423 : memref<128x32xf32, #tpu.memory_space<vmem>>) dst(%dma_wait3A_429 : memref<10112x32xf32, #tpu.memory_space<vmem_shared>>)
      %add3A_430 = arith.constant 4 : i32
      %add3A_431 = arith.addi %add3A_34, %add3A_430 : i32
      %dma_wait3A_432 = arith.constant 512 : i32
      %dma_wait3A_433 = arith.constant 0 : i32
      %dma_wait3A_434 = tpu.memref_slice %arg11[%dma_wait3A_432, %dma_wait3A_433] : memref<1024x32xf32, #tpu.memory_space<vmem>> -> memref<128x32xf32, #tpu.memory_space<vmem>>
      %dma_wait3A_435 = arith.constant 0 : i32
      %dma_wait3A_436 = tpu.memref_slice %arg9[%add3A_431, %dma_wait3A_435] : memref<80x128xi32, #tpu.memory_space<vmem>> -> memref<1x128xi32, #tpu.memory_space<vmem>>
      %dma_wait3A_437 = tpu.memref_squeeze %dma_wait3A_436 : memref<1x128xi32, #tpu.memory_space<vmem>> -> memref<128xi32, #tpu.memory_space<vmem>>
      %dma_wait3A_438 = arith.constant 0 : i32
      %dma_wait3A_439 = arith.constant 0 : i32
      %dma_wait3A_440 = tpu.memref_slice %arg12[%dma_wait3A_438, %dma_wait3A_439] : memref<10112x32xf32, #tpu.memory_space<vmem_shared>> -> memref<10112x32xf32, #tpu.memory_space<vmem_shared>>
      tpu.wait_indirect_dma semaphore(%arg17 : memref<!tpu.dma_semaphore, #tpu.memory_space<semaphore_mem>>) src(%dma_wait3A_434 : memref<128x32xf32, #tpu.memory_space<vmem>>) dst(%dma_wait3A_440 : memref<10112x32xf32, #tpu.memory_space<vmem_shared>>)
      %add3A_441 = arith.constant 5 : i32
      %add3A_442 = arith.addi %add3A_34, %add3A_441 : i32
      %dma_wait3A_443 = arith.constant 640 : i32
      %dma_wait3A_444 = arith.constant 0 : i32
      %dma_wait3A_445 = tpu.memref_slice %arg11[%dma_wait3A_443, %dma_wait3A_444] : memref<1024x32xf32, #tpu.memory_space<vmem>> -> memref<128x32xf32, #tpu.memory_space<vmem>>
      %dma_wait3A_446 = arith.constant 0 : i32
      %dma_wait3A_447 = tpu.memref_slice %arg9[%add3A_442, %dma_wait3A_446] : memref<80x128xi32, #tpu.memory_space<vmem>> -> memref<1x128xi32, #tpu.memory_space<vmem>>
      %dma_wait3A_448 = tpu.memref_squeeze %dma_wait3A_447 : memref<1x128xi32, #tpu.memory_space<vmem>> -> memref<128xi32, #tpu.memory_space<vmem>>
      %dma_wait3A_449 = arith.constant 0 : i32
      %dma_wait3A_450 = arith.constant 0 : i32
      %dma_wait3A_451 = tpu.memref_slice %arg12[%dma_wait3A_449, %dma_wait3A_450] : memref<10112x32xf32, #tpu.memory_space<vmem_shared>> -> memref<10112x32xf32, #tpu.memory_space<vmem_shared>>
      tpu.wait_indirect_dma semaphore(%arg17 : memref<!tpu.dma_semaphore, #tpu.memory_space<semaphore_mem>>) src(%dma_wait3A_445 : memref<128x32xf32, #tpu.memory_space<vmem>>) dst(%dma_wait3A_451 : memref<10112x32xf32, #tpu.memory_space<vmem_shared>>)
      %add3A_452 = arith.constant 6 : i32
      %add3A_453 = arith.addi %add3A_34, %add3A_452 : i32
      %dma_wait3A_454 = arith.constant 768 : i32
      %dma_wait3A_455 = arith.constant 0 : i32
      %dma_wait3A_456 = tpu.memref_slice %arg11[%dma_wait3A_454, %dma_wait3A_455] : memref<1024x32xf32, #tpu.memory_space<vmem>> -> memref<128x32xf32, #tpu.memory_space<vmem>>
      %dma_wait3A_457 = arith.constant 0 : i32
      %dma_wait3A_458 = tpu.memref_slice %arg9[%add3A_453, %dma_wait3A_457] : memref<80x128xi32, #tpu.memory_space<vmem>> -> memref<1x128xi32, #tpu.memory_space<vmem>>
      %dma_wait3A_459 = tpu.memref_squeeze %dma_wait3A_458 : memref<1x128xi32, #tpu.memory_space<vmem>> -> memref<128xi32, #tpu.memory_space<vmem>>
      %dma_wait3A_460 = arith.constant 0 : i32
      %dma_wait3A_461 = arith.constant 0 : i32
      %dma_wait3A_462 = tpu.memref_slice %arg12[%dma_wait3A_460, %dma_wait3A_461] : memref<10112x32xf32, #tpu.memory_space<vmem_shared>> -> memref<10112x32xf32, #tpu.memory_space<vmem_shared>>
      tpu.wait_indirect_dma semaphore(%arg17 : memref<!tpu.dma_semaphore, #tpu.memory_space<semaphore_mem>>) src(%dma_wait3A_456 : memref<128x32xf32, #tpu.memory_space<vmem>>) dst(%dma_wait3A_462 : memref<10112x32xf32, #tpu.memory_space<vmem_shared>>)
      %add3A_463 = arith.constant 7 : i32
      %add3A_464 = arith.addi %add3A_34, %add3A_463 : i32
      %dma_wait3A_465 = arith.constant 896 : i32
      %dma_wait3A_466 = arith.constant 0 : i32
      %dma_wait3A_467 = tpu.memref_slice %arg11[%dma_wait3A_465, %dma_wait3A_466] : memref<1024x32xf32, #tpu.memory_space<vmem>> -> memref<128x32xf32, #tpu.memory_space<vmem>>
      %dma_wait3A_468 = arith.constant 0 : i32
      %dma_wait3A_469 = tpu.memref_slice %arg9[%add3A_464, %dma_wait3A_468] : memref<80x128xi32, #tpu.memory_space<vmem>> -> memref<1x128xi32, #tpu.memory_space<vmem>>
      %dma_wait3A_470 = tpu.memref_squeeze %dma_wait3A_469 : memref<1x128xi32, #tpu.memory_space<vmem>> -> memref<128xi32, #tpu.memory_space<vmem>>
      %dma_wait3A_471 = arith.constant 0 : i32
      %dma_wait3A_472 = arith.constant 0 : i32
      %dma_wait3A_473 = tpu.memref_slice %arg12[%dma_wait3A_471, %dma_wait3A_472] : memref<10112x32xf32, #tpu.memory_space<vmem_shared>> -> memref<10112x32xf32, #tpu.memory_space<vmem_shared>>
      tpu.wait_indirect_dma semaphore(%arg17 : memref<!tpu.dma_semaphore, #tpu.memory_space<semaphore_mem>>) src(%dma_wait3A_467 : memref<128x32xf32, #tpu.memory_space<vmem>>) dst(%dma_wait3A_473 : memref<10112x32xf32, #tpu.memory_space<vmem_shared>>)
    }
    %scan3A_19 = arith.constant 5 : i32
    %barrier3A_20 = arith.constant 0 : index
    tpu.barrier barrier_id(%barrier3A_20)
    %eq3A = arith.constant 0 : i32
    %eq3A_21 = arith.cmpi eq, %arg0, %eq3A : i32
    %convert_element_type3A = arith.extui %eq3A_21 : i1 to i32
    %cond3A = arith.constant 0 : i32
    %cond3A_22 = arith.cmpi ne, %convert_element_type3A, %cond3A : i32
    scf.if %cond3A_22 {
      %mul3A_28 = arith.constant 632 : i32
      %mul3A_29 = arith.muli %arg1, %mul3A_28 : i32
      %mul3A_30 = arith.constant 632 : i32
      %mul3A_31 = arith.muli %arg1, %mul3A_30 : i32
      "tpu.region"() ({
        %run_scoped3A = tpu.sem_alloc : memref<!tpu.dma_semaphore, #tpu.memory_space<semaphore_mem>>
        %dma_start3A_32 = arith.constant 0 : i32
        %dma_start3A_33 = tpu.memref_slice %arg6[%mul3A_31, %dma_start3A_32] : memref<10112x32xf32, #tpu.memory_space<hbm>> -> memref<632x32xf32, #tpu.memory_space<hbm>>
        %dma_start3A_34 = arith.constant 0 : i32
        %dma_start3A_35 = tpu.memref_slice %arg12[%mul3A_29, %dma_start3A_34] : memref<10112x32xf32, #tpu.memory_space<vmem_shared>> -> memref<632x32xf32, #tpu.memory_space<vmem_shared>>
        tpu.enqueue_dma source(%dma_start3A_35 : memref<632x32xf32, #tpu.memory_space<vmem_shared>>) target(%dma_start3A_33 : memref<632x32xf32, #tpu.memory_space<hbm>>) target_semaphore(%run_scoped3A : memref<!tpu.dma_semaphore, #tpu.memory_space<semaphore_mem>>)
        %dma_wait3A = arith.constant 0 : i32
        %dma_wait3A_36 = tpu.memref_slice %arg6[%mul3A_31, %dma_wait3A] : memref<10112x32xf32, #tpu.memory_space<hbm>> -> memref<632x32xf32, #tpu.memory_space<hbm>>
        %dma_wait3A_37 = arith.constant 0 : i32
        %dma_wait3A_38 = tpu.memref_slice %arg12[%mul3A_29, %dma_wait3A_37] : memref<10112x32xf32, #tpu.memory_space<vmem_shared>> -> memref<632x32xf32, #tpu.memory_space<vmem_shared>>
        tpu.wait_dma2 semaphore(%run_scoped3A : memref<!tpu.dma_semaphore, #tpu.memory_space<semaphore_mem>>) src(%dma_wait3A_38 : memref<632x32xf32, #tpu.memory_space<vmem_shared>>) dst(%dma_wait3A_36 : memref<632x32xf32, #tpu.memory_space<hbm>>)
        tpu.yield
      }) : () -> ()
    } else {
    }
    %eq3A_23 = arith.constant 1 : i32
    %eq3A_24 = arith.cmpi eq, %arg0, %eq3A_23 : i32
    %convert_element_type3A_25 = arith.extui %eq3A_24 : i1 to i32
    %cond3A_26 = arith.constant 0 : i32
    %cond3A_27 = arith.cmpi ne, %convert_element_type3A_25, %cond3A_26 : i32
    scf.if %cond3A_27 {
      %mul3A_28 = arith.constant 632 : i32
      %mul3A_29 = arith.muli %arg1, %mul3A_28 : i32
      %mul3A_30 = arith.constant 632 : i32
      %mul3A_31 = arith.muli %arg1, %mul3A_30 : i32
      "tpu.region"() ({
        %run_scoped3A = tpu.sem_alloc : memref<!tpu.dma_semaphore, #tpu.memory_space<semaphore_mem>>
        %dma_start3A_32 = arith.constant 0 : i32
        %dma_start3A_33 = tpu.memref_slice %arg7[%mul3A_31, %dma_start3A_32] : memref<10112x32xf32, #tpu.memory_space<hbm>> -> memref<632x32xf32, #tpu.memory_space<hbm>>
        %dma_start3A_34 = arith.constant 0 : i32
        %dma_start3A_35 = tpu.memref_slice %arg12[%mul3A_29, %dma_start3A_34] : memref<10112x32xf32, #tpu.memory_space<vmem_shared>> -> memref<632x32xf32, #tpu.memory_space<vmem_shared>>
        tpu.enqueue_dma source(%dma_start3A_35 : memref<632x32xf32, #tpu.memory_space<vmem_shared>>) target(%dma_start3A_33 : memref<632x32xf32, #tpu.memory_space<hbm>>) target_semaphore(%run_scoped3A : memref<!tpu.dma_semaphore, #tpu.memory_space<semaphore_mem>>)
        %dma_wait3A = arith.constant 0 : i32
        %dma_wait3A_36 = tpu.memref_slice %arg7[%mul3A_31, %dma_wait3A] : memref<10112x32xf32, #tpu.memory_space<hbm>> -> memref<632x32xf32, #tpu.memory_space<hbm>>
        %dma_wait3A_37 = arith.constant 0 : i32
        %dma_wait3A_38 = tpu.memref_slice %arg12[%mul3A_29, %dma_wait3A_37] : memref<10112x32xf32, #tpu.memory_space<vmem_shared>> -> memref<632x32xf32, #tpu.memory_space<vmem_shared>>
        tpu.wait_dma2 semaphore(%run_scoped3A : memref<!tpu.dma_semaphore, #tpu.memory_space<semaphore_mem>>) src(%dma_wait3A_38 : memref<632x32xf32, #tpu.memory_space<vmem_shared>>) dst(%dma_wait3A_36 : memref<632x32xf32, #tpu.memory_space<hbm>>)
        tpu.yield
      }) : () -> ()
    } else {
    }
    return
  }
}

#map = affine_map<(d0, d1) -> (0)>
#map1 = affine_map<(d0, d1) -> (0, 0)>
module attributes {stable_mosaic.version = 14 : i64} {
  func.func @deg_kernel(%arg0: i32, %arg1: i32, %arg2: memref<640000xi32, #tpu.memory_space<hbm>>, %arg3: memref<10240xf32, #tpu.memory_space<hbm>>, %arg4: memref<32x10240xf32, #tpu.memory_space<hbm>>, %arg5: memref<10000xi32, #tpu.memory_space<vmem>>, %arg6: memref<10240xf32, #tpu.memory_space<vmem>>) attributes {dimension_semantics = [#tpu.dimension_semantics<core_parallel>, #tpu.dimension_semantics<subcore_parallel>], iteration_bounds = array<i64: 2, 16>, scalar_prefetch = 0 : i64, scratch_operands = 2 : i64, tpu.core_type = #tpu.core_type<sc_vector_subcore>, window_params = [{transform_indices = #map}, {transform_indices = #map}, {transform_indices = #map1}]} {
    %mul3A = arith.constant 16 : i32
    %mul3A_0 = arith.muli %arg0, %mul3A : i32
    %add3A = arith.addi %mul3A_0, %arg1 : i32
    "tpu.region"() ({
      %run_scoped3A = tpu.sem_alloc : memref<!tpu.dma_semaphore, #tpu.memory_space<semaphore_mem>>
      tpu.enqueue_dma source(%arg3 : memref<10240xf32, #tpu.memory_space<hbm>>) target(%arg6 : memref<10240xf32, #tpu.memory_space<vmem>>) target_semaphore(%run_scoped3A : memref<!tpu.dma_semaphore, #tpu.memory_space<semaphore_mem>>)
      tpu.wait_dma2 semaphore(%run_scoped3A : memref<!tpu.dma_semaphore, #tpu.memory_space<semaphore_mem>>) src(%arg3 : memref<10240xf32, #tpu.memory_space<hbm>>) dst(%arg6 : memref<10240xf32, #tpu.memory_space<vmem>>)
      tpu.yield
    }) : () -> ()
    %mul3A_1 = arith.constant 10000 : i32
    %mul3A_2 = arith.muli %add3A, %mul3A_1 : i32
    %add3A_3 = arith.constant 320000 : i32
    %add3A_4 = arith.addi %add3A_3, %mul3A_2 : i32
    "tpu.region"() ({
      %run_scoped3A = tpu.sem_alloc : memref<!tpu.dma_semaphore, #tpu.memory_space<semaphore_mem>>
      %dma_start3A = tpu.memref_slice %arg2[%add3A_4] : memref<640000xi32, #tpu.memory_space<hbm>> -> memref<10000xi32, #tpu.memory_space<hbm>>
      %dma_start3A_11 = tpu.memref_slice %arg2[%add3A_4] : memref<640000xi32, #tpu.memory_space<hbm>> -> memref<10000xi32, #tpu.memory_space<hbm>>
      tpu.enqueue_dma source(%dma_start3A_11 : memref<10000xi32, #tpu.memory_space<hbm>>) target(%arg5 : memref<10000xi32, #tpu.memory_space<vmem>>) target_semaphore(%run_scoped3A : memref<!tpu.dma_semaphore, #tpu.memory_space<semaphore_mem>>)
      %dma_wait3A = tpu.memref_slice %arg2[%add3A_4] : memref<640000xi32, #tpu.memory_space<hbm>> -> memref<10000xi32, #tpu.memory_space<hbm>>
      %dma_wait3A_12 = tpu.memref_slice %arg2[%add3A_4] : memref<640000xi32, #tpu.memory_space<hbm>> -> memref<10000xi32, #tpu.memory_space<hbm>>
      tpu.wait_dma2 semaphore(%run_scoped3A : memref<!tpu.dma_semaphore, #tpu.memory_space<semaphore_mem>>) src(%dma_wait3A_12 : memref<10000xi32, #tpu.memory_space<hbm>>) dst(%arg5 : memref<10000xi32, #tpu.memory_space<vmem>>)
      tpu.yield
    }) : () -> ()
    %broadcast_in_dim3A = arith.constant 1.000000e+00 : f32
    %broadcast_in_dim3A_5 = vector.broadcast %broadcast_in_dim3A : f32 to vector<16xf32>
    %scan3A = arith.constant 0 : i32
    %scan3A_6 = arith.constant 0 : i32
    %scan3A_7 = arith.constant 625 : i32
    %scan3A_8 = arith.addi %scan3A_6, %scan3A_7 : i32
    %scan3A_9 = arith.constant 1 : i32
    scf.for %scan3A_11 = %scan3A_6 to %scan3A_8 step %scan3A_9  : i32 {
      %mul3A_12 = arith.constant 16 : i32
      %mul3A_13 = arith.muli %scan3A_11, %mul3A_12 : i32
      %get3A = arith.index_cast %mul3A_13 : i32 to index
      %get3A_14 = tpu.vector_load %arg5[%get3A] {strides = array<i32>} : memref<10000xi32, #tpu.memory_space<vmem>>, vector<16xi32>,
      tpu.vector_store_idx %arg6[%get3A_14], %broadcast_in_dim3A_5 {add = true} : memref<10240xf32, #tpu.memory_space<vmem>>[vector<16xi32>], vector<16xf32>,
    }
    %scan3A_10 = arith.constant 625 : i32
    "tpu.region"() ({
      %run_scoped3A = tpu.sem_alloc : memref<!tpu.dma_semaphore, #tpu.memory_space<semaphore_mem>>
      %dma_start3A = arith.constant 0 : i32
      %dma_start3A_11 = tpu.memref_slice %arg4[%add3A, %dma_start3A] : memref<32x10240xf32, #tpu.memory_space<hbm>> -> memref<1x10240xf32, #tpu.memory_space<hbm>>
      %dma_start3A_12 = tpu.memref_squeeze %dma_start3A_11 : memref<1x10240xf32, #tpu.memory_space<hbm>> -> memref<10240xf32, #tpu.memory_space<hbm>>
      %dma_start3A_13 = arith.constant 0 : i32
      %dma_start3A_14 = tpu.memref_slice %arg4[%add3A, %dma_start3A_13] : memref<32x10240xf32, #tpu.memory_space<hbm>> -> memref<1x10240xf32, #tpu.memory_space<hbm>>
      %dma_start3A_15 = tpu.memref_squeeze %dma_start3A_14 : memref<1x10240xf32, #tpu.memory_space<hbm>> -> memref<10240xf32, #tpu.memory_space<hbm>>
      tpu.enqueue_dma source(%arg6 : memref<10240xf32, #tpu.memory_space<vmem>>) target(%dma_start3A_15 : memref<10240xf32, #tpu.memory_space<hbm>>) target_semaphore(%run_scoped3A : memref<!tpu.dma_semaphore, #tpu.memory_space<semaphore_mem>>)
      %dma_wait3A = arith.constant 0 : i32
      %dma_wait3A_16 = tpu.memref_slice %arg4[%add3A, %dma_wait3A] : memref<32x10240xf32, #tpu.memory_space<hbm>> -> memref<1x10240xf32, #tpu.memory_space<hbm>>
      %dma_wait3A_17 = tpu.memref_squeeze %dma_wait3A_16 : memref<1x10240xf32, #tpu.memory_space<hbm>> -> memref<10240xf32, #tpu.memory_space<hbm>>
      %dma_wait3A_18 = arith.constant 0 : i32
      %dma_wait3A_19 = tpu.memref_slice %arg4[%add3A, %dma_wait3A_18] : memref<32x10240xf32, #tpu.memory_space<hbm>> -> memref<1x10240xf32, #tpu.memory_space<hbm>>
      %dma_wait3A_20 = tpu.memref_squeeze %dma_wait3A_19 : memref<1x10240xf32, #tpu.memory_space<hbm>> -> memref<10240xf32, #tpu.memory_space<hbm>>
      tpu.wait_dma2 semaphore(%run_scoped3A : memref<!tpu.dma_semaphore, #tpu.memory_space<semaphore_mem>>) src(%arg6 : memref<10240xf32, #tpu.memory_space<vmem>>) dst(%dma_wait3A_20 : memref<10240xf32, #tpu.memory_space<hbm>>)
      tpu.yield
    }) : () -> ()
    return
  }
}

#map = affine_map<(d0, d1) -> (0, 0)>
#map1 = affine_map<(d0, d1) -> (0, 0, 0)>
module attributes {stable_mosaic.version = 14 : i64} {
  func.func @scatter_kernel(%arg0: i32, %arg1: i32, %arg2: memref<10112x16xf32, #tpu.memory_space<hbm>>, %arg3: memref<32x10x1024xi32, #tpu.memory_space<hbm>>, %arg4: memref<32x80x128xi32, #tpu.memory_space<hbm>>, %arg5: memref<10112x16xf32, #tpu.memory_space<hbm>>, %arg6: memref<10112x16xf32, #tpu.memory_space<hbm>>, %arg7: memref<10112x16xf32, #tpu.memory_space<hbm>>, %arg8: memref<10x1024xi32, #tpu.memory_space<vmem>>, %arg9: memref<80x128xi32, #tpu.memory_space<vmem>>, %arg10: memref<1024x16xf32, #tpu.memory_space<vmem>>, %arg11: memref<1024x16xf32, #tpu.memory_space<vmem>>, %arg12: memref<10112x16xf32, #tpu.memory_space<vmem_shared>>, %arg13: memref<10112x16xf32, #tpu.memory_space<vmem_shared>>, %arg14: memref<!tpu.dma_semaphore, #tpu.memory_space<semaphore_mem>>, %arg15: memref<!tpu.dma_semaphore, #tpu.memory_space<semaphore_mem>>, %arg16: memref<!tpu.dma_semaphore, #tpu.memory_space<semaphore_mem>>, %arg17: memref<!tpu.dma_semaphore, #tpu.memory_space<semaphore_mem>>) attributes {dimension_semantics = [#tpu.dimension_semantics<core_parallel>, #tpu.dimension_semantics<subcore_parallel>], iteration_bounds = array<i64: 2, 16>, scalar_prefetch = 0 : i64, scratch_operands = 10 : i64, tpu.core_type = #tpu.core_type<sc_vector_subcore>, window_params = [{transform_indices = #map}, {transform_indices = #map1}, {transform_indices = #map1}, {transform_indices = #map}, {transform_indices = #map}, {transform_indices = #map}]} {
    %mul3A = arith.constant 16 : i32
    %mul3A_0 = arith.muli %arg0, %mul3A : i32
    %add3A = arith.addi %mul3A_0, %arg1 : i32
    %mul3A_1 = arith.constant 632 : i32
    %mul3A_2 = arith.muli %arg1, %mul3A_1 : i32
    %mul3A_3 = arith.constant 632 : i32
    %mul3A_4 = arith.muli %arg1, %mul3A_3 : i32
    "tpu.region"() ({
      %run_scoped3A = tpu.sem_alloc : memref<!tpu.dma_semaphore, #tpu.memory_space<semaphore_mem>>
      %dma_start3A_28 = arith.constant 0 : i32
      %dma_start3A_29 = tpu.memref_slice %arg12[%mul3A_4, %dma_start3A_28] : memref<10112x16xf32, #tpu.memory_space<vmem_shared>> -> memref<632x16xf32, #tpu.memory_space<vmem_shared>>
      %dma_start3A_30 = arith.constant 0 : i32
      %dma_start3A_31 = tpu.memref_slice %arg5[%mul3A_2, %dma_start3A_30] : memref<10112x16xf32, #tpu.memory_space<hbm>> -> memref<632x16xf32, #tpu.memory_space<hbm>>
      tpu.enqueue_dma source(%dma_start3A_31 : memref<632x16xf32, #tpu.memory_space<hbm>>) target(%dma_start3A_29 : memref<632x16xf32, #tpu.memory_space<vmem_shared>>) target_semaphore(%run_scoped3A : memref<!tpu.dma_semaphore, #tpu.memory_space<semaphore_mem>>)
      %dma_wait3A = arith.constant 0 : i32
      %dma_wait3A_32 = tpu.memref_slice %arg12[%mul3A_4, %dma_wait3A] : memref<10112x16xf32, #tpu.memory_space<vmem_shared>> -> memref<632x16xf32, #tpu.memory_space<vmem_shared>>
      %dma_wait3A_33 = arith.constant 0 : i32
      %dma_wait3A_34 = tpu.memref_slice %arg5[%mul3A_2, %dma_wait3A_33] : memref<10112x16xf32, #tpu.memory_space<hbm>> -> memref<632x16xf32, #tpu.memory_space<hbm>>
      tpu.wait_dma2 semaphore(%run_scoped3A : memref<!tpu.dma_semaphore, #tpu.memory_space<semaphore_mem>>) src(%dma_wait3A_34 : memref<632x16xf32, #tpu.memory_space<hbm>>) dst(%dma_wait3A_32 : memref<632x16xf32, #tpu.memory_space<vmem_shared>>)
      tpu.yield
    }) : () -> ()
    %mul3A_5 = arith.constant 632 : i32
    %mul3A_6 = arith.muli %arg1, %mul3A_5 : i32
    %mul3A_7 = arith.constant 632 : i32
    %mul3A_8 = arith.muli %arg1, %mul3A_7 : i32
    "tpu.region"() ({
      %run_scoped3A = tpu.sem_alloc : memref<!tpu.dma_semaphore, #tpu.memory_space<semaphore_mem>>
      %dma_start3A_28 = arith.constant 0 : i32
      %dma_start3A_29 = tpu.memref_slice %arg13[%mul3A_8, %dma_start3A_28] : memref<10112x16xf32, #tpu.memory_space<vmem_shared>> -> memref<632x16xf32, #tpu.memory_space<vmem_shared>>
      %dma_start3A_30 = arith.constant 0 : i32
      %dma_start3A_31 = tpu.memref_slice %arg2[%mul3A_6, %dma_start3A_30] : memref<10112x16xf32, #tpu.memory_space<hbm>> -> memref<632x16xf32, #tpu.memory_space<hbm>>
      tpu.enqueue_dma source(%dma_start3A_31 : memref<632x16xf32, #tpu.memory_space<hbm>>) target(%dma_start3A_29 : memref<632x16xf32, #tpu.memory_space<vmem_shared>>) target_semaphore(%run_scoped3A : memref<!tpu.dma_semaphore, #tpu.memory_space<semaphore_mem>>)
      %dma_wait3A = arith.constant 0 : i32
      %dma_wait3A_32 = tpu.memref_slice %arg13[%mul3A_8, %dma_wait3A] : memref<10112x16xf32, #tpu.memory_space<vmem_shared>> -> memref<632x16xf32, #tpu.memory_space<vmem_shared>>
      %dma_wait3A_33 = arith.constant 0 : i32
      %dma_wait3A_34 = tpu.memref_slice %arg2[%mul3A_6, %dma_wait3A_33] : memref<10112x16xf32, #tpu.memory_space<hbm>> -> memref<632x16xf32, #tpu.memory_space<hbm>>
      tpu.wait_dma2 semaphore(%run_scoped3A : memref<!tpu.dma_semaphore, #tpu.memory_space<semaphore_mem>>) src(%dma_wait3A_34 : memref<632x16xf32, #tpu.memory_space<hbm>>) dst(%dma_wait3A_32 : memref<632x16xf32, #tpu.memory_space<vmem_shared>>)
      tpu.yield
    }) : () -> ()
    "tpu.region"() ({
      %run_scoped3A = tpu.sem_alloc : memref<!tpu.dma_semaphore, #tpu.memory_space<semaphore_mem>>
      %dma_start3A_28 = arith.constant 0 : i32
      %dma_start3A_29 = arith.constant 0 : i32
      %dma_start3A_30 = tpu.memref_slice %arg3[%add3A, %dma_start3A_28, %dma_start3A_29] : memref<32x10x1024xi32, #tpu.memory_space<hbm>> -> memref<1x10x1024xi32, #tpu.memory_space<hbm>>
      %dma_start3A_31 = tpu.memref_squeeze %dma_start3A_30 : memref<1x10x1024xi32, #tpu.memory_space<hbm>> -> memref<10x1024xi32, #tpu.memory_space<hbm>>
      %dma_start3A_32 = arith.constant 0 : i32
      %dma_start3A_33 = arith.constant 0 : i32
      %dma_start3A_34 = tpu.memref_slice %arg3[%add3A, %dma_start3A_32, %dma_start3A_33] : memref<32x10x1024xi32, #tpu.memory_space<hbm>> -> memref<1x10x1024xi32, #tpu.memory_space<hbm>>
      %dma_start3A_35 = tpu.memref_squeeze %dma_start3A_34 : memref<1x10x1024xi32, #tpu.memory_space<hbm>> -> memref<10x1024xi32, #tpu.memory_space<hbm>>
      tpu.enqueue_dma source(%dma_start3A_35 : memref<10x1024xi32, #tpu.memory_space<hbm>>) target(%arg8 : memref<10x1024xi32, #tpu.memory_space<vmem>>) target_semaphore(%run_scoped3A : memref<!tpu.dma_semaphore, #tpu.memory_space<semaphore_mem>>)
      %dma_wait3A = arith.constant 0 : i32
      %dma_wait3A_36 = arith.constant 0 : i32
      %dma_wait3A_37 = tpu.memref_slice %arg3[%add3A, %dma_wait3A, %dma_wait3A_36] : memref<32x10x1024xi32, #tpu.memory_space<hbm>> -> memref<1x10x1024xi32, #tpu.memory_space<hbm>>
      %dma_wait3A_38 = tpu.memref_squeeze %dma_wait3A_37 : memref<1x10x1024xi32, #tpu.memory_space<hbm>> -> memref<10x1024xi32, #tpu.memory_space<hbm>>
      %dma_wait3A_39 = arith.constant 0 : i32
      %dma_wait3A_40 = arith.constant 0 : i32
      %dma_wait3A_41 = tpu.memref_slice %arg3[%add3A, %dma_wait3A_39, %dma_wait3A_40] : memref<32x10x1024xi32, #tpu.memory_space<hbm>> -> memref<1x10x1024xi32, #tpu.memory_space<hbm>>
      %dma_wait3A_42 = tpu.memref_squeeze %dma_wait3A_41 : memref<1x10x1024xi32, #tpu.memory_space<hbm>> -> memref<10x1024xi32, #tpu.memory_space<hbm>>
      tpu.wait_dma2 semaphore(%run_scoped3A : memref<!tpu.dma_semaphore, #tpu.memory_space<semaphore_mem>>) src(%dma_wait3A_42 : memref<10x1024xi32, #tpu.memory_space<hbm>>) dst(%arg8 : memref<10x1024xi32, #tpu.memory_space<vmem>>)
      tpu.yield
    }) : () -> ()
    "tpu.region"() ({
      %run_scoped3A = tpu.sem_alloc : memref<!tpu.dma_semaphore, #tpu.memory_space<semaphore_mem>>
      %dma_start3A_28 = arith.constant 0 : i32
      %dma_start3A_29 = arith.constant 0 : i32
      %dma_start3A_30 = tpu.memref_slice %arg4[%add3A, %dma_start3A_28, %dma_start3A_29] : memref<32x80x128xi32, #tpu.memory_space<hbm>> -> memref<1x80x128xi32, #tpu.memory_space<hbm>>
      %dma_start3A_31 = tpu.memref_squeeze %dma_start3A_30 : memref<1x80x128xi32, #tpu.memory_space<hbm>> -> memref<80x128xi32, #tpu.memory_space<hbm>>
      %dma_start3A_32 = arith.constant 0 : i32
      %dma_start3A_33 = arith.constant 0 : i32
      %dma_start3A_34 = tpu.memref_slice %arg4[%add3A, %dma_start3A_32, %dma_start3A_33] : memref<32x80x128xi32, #tpu.memory_space<hbm>> -> memref<1x80x128xi32, #tpu.memory_space<hbm>>
      %dma_start3A_35 = tpu.memref_squeeze %dma_start3A_34 : memref<1x80x128xi32, #tpu.memory_space<hbm>> -> memref<80x128xi32, #tpu.memory_space<hbm>>
      tpu.enqueue_dma source(%dma_start3A_35 : memref<80x128xi32, #tpu.memory_space<hbm>>) target(%arg9 : memref<80x128xi32, #tpu.memory_space<vmem>>) target_semaphore(%run_scoped3A : memref<!tpu.dma_semaphore, #tpu.memory_space<semaphore_mem>>)
      %dma_wait3A = arith.constant 0 : i32
      %dma_wait3A_36 = arith.constant 0 : i32
      %dma_wait3A_37 = tpu.memref_slice %arg4[%add3A, %dma_wait3A, %dma_wait3A_36] : memref<32x80x128xi32, #tpu.memory_space<hbm>> -> memref<1x80x128xi32, #tpu.memory_space<hbm>>
      %dma_wait3A_38 = tpu.memref_squeeze %dma_wait3A_37 : memref<1x80x128xi32, #tpu.memory_space<hbm>> -> memref<80x128xi32, #tpu.memory_space<hbm>>
      %dma_wait3A_39 = arith.constant 0 : i32
      %dma_wait3A_40 = arith.constant 0 : i32
      %dma_wait3A_41 = tpu.memref_slice %arg4[%add3A, %dma_wait3A_39, %dma_wait3A_40] : memref<32x80x128xi32, #tpu.memory_space<hbm>> -> memref<1x80x128xi32, #tpu.memory_space<hbm>>
      %dma_wait3A_42 = tpu.memref_squeeze %dma_wait3A_41 : memref<1x80x128xi32, #tpu.memory_space<hbm>> -> memref<80x128xi32, #tpu.memory_space<hbm>>
      tpu.wait_dma2 semaphore(%run_scoped3A : memref<!tpu.dma_semaphore, #tpu.memory_space<semaphore_mem>>) src(%dma_wait3A_42 : memref<80x128xi32, #tpu.memory_space<hbm>>) dst(%arg9 : memref<80x128xi32, #tpu.memory_space<vmem>>)
      tpu.yield
    }) : () -> ()
    %barrier3A = arith.constant 0 : index
    tpu.barrier barrier_id(%barrier3A)
    %dma_start3A = arith.constant 0 : i32
    %dma_start3A_9 = arith.constant 0 : i32
    %dma_start3A_10 = tpu.memref_slice %arg8[%dma_start3A, %dma_start3A_9] : memref<10x1024xi32, #tpu.memory_space<vmem>> -> memref<1x1024xi32, #tpu.memory_space<vmem>>
    %dma_start3A_11 = tpu.memref_squeeze %dma_start3A_10 : memref<1x1024xi32, #tpu.memory_space<vmem>> -> memref<1024xi32, #tpu.memory_space<vmem>>
    %dma_start3A_12 = arith.constant 0 : i32
    %dma_start3A_13 = arith.constant 0 : i32
    %dma_start3A_14 = tpu.memref_slice %arg13[%dma_start3A_12, %dma_start3A_13] : memref<10112x16xf32, #tpu.memory_space<vmem_shared>> -> memref<10112x16xf32, #tpu.memory_space<vmem_shared>>
    tpu.enqueue_indirect_dma source(%dma_start3A_14 : memref<10112x16xf32, #tpu.memory_space<vmem_shared>>) target(%arg10 : memref<1024x16xf32, #tpu.memory_space<vmem>>) offsets(%dma_start3A_11 : memref<1024xi32, #tpu.memory_space<vmem>>) semaphore(%arg14 : memref<!tpu.dma_semaphore, #tpu.memory_space<semaphore_mem>>)
    %scan3A = arith.constant 0 : i32
    %scan3A_15 = arith.constant 0 : i32
    %scan3A_16 = arith.constant 5 : i32
    %scan3A_17 = arith.addi %scan3A_15, %scan3A_16 : i32
    %scan3A_18 = arith.constant 1 : i32
    scf.for %scan3A_28 = %scan3A_15 to %scan3A_17 step %scan3A_18  : i32 {
      %mul3A_29 = arith.constant 2 : i32
      %mul3A_30 = arith.muli %scan3A_28, %mul3A_29 : i32
      %mul3A_31 = arith.constant 8 : i32
      %mul3A_32 = arith.muli %mul3A_30, %mul3A_31 : i32
      %add3A_33 = arith.constant 8 : i32
      %add3A_34 = arith.addi %mul3A_32, %add3A_33 : i32
      %jit3A = arith.constant 8 : i32
      %div3A = arith.divsi %mul3A_32, %jit3A : i32
      %sign3A = arith.constant 0 : i32
      %sign3A_35 = arith.cmpi sgt, %mul3A_32, %sign3A : i32
      %sign3A_36 = arith.extui %sign3A_35 : i1 to i32
      %sign3A_37 = arith.constant 0 : i32
      %sign3A_38 = arith.cmpi slt, %mul3A_32, %sign3A_37 : i32
      %sign3A_39 = arith.extui %sign3A_38 : i1 to i32
      %sign3A_40 = arith.subi %sign3A_36, %sign3A_39 : i32
      %sign3A_41 = arith.constant 0 : i32
      %sign3A_42 = arith.cmpi sgt, %jit3A, %sign3A_41 : i32
      %sign3A_43 = arith.extui %sign3A_42 : i1 to i32
      %sign3A_44 = arith.constant 0 : i32
      %sign3A_45 = arith.cmpi slt, %jit3A, %sign3A_44 : i32
      %sign3A_46 = arith.extui %sign3A_45 : i1 to i32
      %sign3A_47 = arith.subi %sign3A_43, %sign3A_46 : i32
      %ne3A = arith.cmpi ne, %sign3A_40, %sign3A_47 : i32
      %rem3A = arith.remsi %mul3A_32, %jit3A : i32
      %ne3A_48 = arith.constant 0 : i32
      %ne3A_49 = arith.cmpi ne, %rem3A, %ne3A_48 : i32
      %and3A = arith.andi %ne3A, %ne3A_49 : i1
      %sub3A = arith.constant 1 : i32
      %sub3A_50 = arith.subi %div3A, %sub3A : i32
      %select_n3A = arith.select %and3A, %sub3A_50, %div3A : i32
      %dma_wait3A = arith.constant 0 : i32
      %dma_wait3A_51 = tpu.memref_slice %arg8[%select_n3A, %dma_wait3A] : memref<10x1024xi32, #tpu.memory_space<vmem>> -> memref<1x1024xi32, #tpu.memory_space<vmem>>
      %dma_wait3A_52 = tpu.memref_squeeze %dma_wait3A_51 : memref<1x1024xi32, #tpu.memory_space<vmem>> -> memref<1024xi32, #tpu.memory_space<vmem>>
      %dma_wait3A_53 = arith.constant 0 : i32
      %dma_wait3A_54 = arith.constant 0 : i32
      %dma_wait3A_55 = tpu.memref_slice %arg13[%dma_wait3A_53, %dma_wait3A_54] : memref<10112x16xf32, #tpu.memory_space<vmem_shared>> -> memref<10112x16xf32, #tpu.memory_space<vmem_shared>>
      tpu.wait_indirect_dma semaphore(%arg14 : memref<!tpu.dma_semaphore, #tpu.memory_space<semaphore_mem>>) src(%dma_wait3A_55 : memref<10112x16xf32, #tpu.memory_space<vmem_shared>>) dst(%arg10 : memref<1024x16xf32, #tpu.memory_space<vmem>>)
      %jit3A_56 = arith.constant 8 : i32
      %div3A_57 = arith.divsi %add3A_34, %jit3A_56 : i32
      %sign3A_58 = arith.constant 0 : i32
      %sign3A_59 = arith.cmpi sgt, %add3A_34, %sign3A_58 : i32
      %sign3A_60 = arith.extui %sign3A_59 : i1 to i32
      %sign3A_61 = arith.constant 0 : i32
      %sign3A_62 = arith.cmpi slt, %add3A_34, %sign3A_61 : i32
      %sign3A_63 = arith.extui %sign3A_62 : i1 to i32
      %sign3A_64 = arith.subi %sign3A_60, %sign3A_63 : i32
      %sign3A_65 = arith.constant 0 : i32
      %sign3A_66 = arith.cmpi sgt, %jit3A_56, %sign3A_65 : i32
      %sign3A_67 = arith.extui %sign3A_66 : i1 to i32
      %sign3A_68 = arith.constant 0 : i32
      %sign3A_69 = arith.cmpi slt, %jit3A_56, %sign3A_68 : i32
      %sign3A_70 = arith.extui %sign3A_69 : i1 to i32
      %sign3A_71 = arith.subi %sign3A_67, %sign3A_70 : i32
      %ne3A_72 = arith.cmpi ne, %sign3A_64, %sign3A_71 : i32
      %rem3A_73 = arith.remsi %add3A_34, %jit3A_56 : i32
      %ne3A_74 = arith.constant 0 : i32
      %ne3A_75 = arith.cmpi ne, %rem3A_73, %ne3A_74 : i32
      %and3A_76 = arith.andi %ne3A_72, %ne3A_75 : i1
      %sub3A_77 = arith.constant 1 : i32
      %sub3A_78 = arith.subi %div3A_57, %sub3A_77 : i32
      %select_n3A_79 = arith.select %and3A_76, %sub3A_78, %div3A_57 : i32
      %dma_start3A_80 = arith.constant 0 : i32
      %dma_start3A_81 = tpu.memref_slice %arg8[%select_n3A_79, %dma_start3A_80] : memref<10x1024xi32, #tpu.memory_space<vmem>> -> memref<1x1024xi32, #tpu.memory_space<vmem>>
      %dma_start3A_82 = tpu.memref_squeeze %dma_start3A_81 : memref<1x1024xi32, #tpu.memory_space<vmem>> -> memref<1024xi32, #tpu.memory_space<vmem>>
      %dma_start3A_83 = arith.constant 0 : i32
      %dma_start3A_84 = arith.constant 0 : i32
      %dma_start3A_85 = tpu.memref_slice %arg13[%dma_start3A_83, %dma_start3A_84] : memref<10112x16xf32, #tpu.memory_space<vmem_shared>> -> memref<10112x16xf32, #tpu.memory_space<vmem_shared>>
      tpu.enqueue_indirect_dma source(%dma_start3A_85 : memref<10112x16xf32, #tpu.memory_space<vmem_shared>>) target(%arg11 : memref<1024x16xf32, #tpu.memory_space<vmem>>) offsets(%dma_start3A_82 : memref<1024xi32, #tpu.memory_space<vmem>>) semaphore(%arg15 : memref<!tpu.dma_semaphore, #tpu.memory_space<semaphore_mem>>)
      %add3A_86 = arith.constant 0 : i32
      %add3A_87 = arith.addi %mul3A_32, %add3A_86 : i32
      %dma_start3A_88 = arith.constant 0 : i32
      %dma_start3A_89 = arith.constant 0 : i32
      %dma_start3A_90 = tpu.memref_slice %arg10[%dma_start3A_88, %dma_start3A_89] : memref<1024x16xf32, #tpu.memory_space<vmem>> -> memref<128x16xf32, #tpu.memory_space<vmem>>
      %dma_start3A_91 = arith.constant 0 : i32
      %dma_start3A_92 = tpu.memref_slice %arg9[%add3A_87, %dma_start3A_91] : memref<80x128xi32, #tpu.memory_space<vmem>> -> memref<1x128xi32, #tpu.memory_space<vmem>>
      %dma_start3A_93 = tpu.memref_squeeze %dma_start3A_92 : memref<1x128xi32, #tpu.memory_space<vmem>> -> memref<128xi32, #tpu.memory_space<vmem>>
      %dma_start3A_94 = arith.constant 0 : i32
      %dma_start3A_95 = arith.constant 0 : i32
      %dma_start3A_96 = tpu.memref_slice %arg12[%dma_start3A_94, %dma_start3A_95] : memref<10112x16xf32, #tpu.memory_space<vmem_shared>> -> memref<10112x16xf32, #tpu.memory_space<vmem_shared>>
      tpu.enqueue_indirect_dma source(%dma_start3A_90 : memref<128x16xf32, #tpu.memory_space<vmem>>) target(%dma_start3A_96 : memref<10112x16xf32, #tpu.memory_space<vmem_shared>>) offsets(%dma_start3A_93 : memref<128xi32, #tpu.memory_space<vmem>>) semaphore(%arg16 : memref<!tpu.dma_semaphore, #tpu.memory_space<semaphore_mem>>) {add = true}
      %add3A_97 = arith.constant 1 : i32
      %add3A_98 = arith.addi %mul3A_32, %add3A_97 : i32
      %dma_start3A_99 = arith.constant 128 : i32
      %dma_start3A_100 = arith.constant 0 : i32
      %dma_start3A_101 = tpu.memref_slice %arg10[%dma_start3A_99, %dma_start3A_100] : memref<1024x16xf32, #tpu.memory_space<vmem>> -> memref<128x16xf32, #tpu.memory_space<vmem>>
      %dma_start3A_102 = arith.constant 0 : i32
      %dma_start3A_103 = tpu.memref_slice %arg9[%add3A_98, %dma_start3A_102] : memref<80x128xi32, #tpu.memory_space<vmem>> -> memref<1x128xi32, #tpu.memory_space<vmem>>
      %dma_start3A_104 = tpu.memref_squeeze %dma_start3A_103 : memref<1x128xi32, #tpu.memory_space<vmem>> -> memref<128xi32, #tpu.memory_space<vmem>>
      %dma_start3A_105 = arith.constant 0 : i32
      %dma_start3A_106 = arith.constant 0 : i32
      %dma_start3A_107 = tpu.memref_slice %arg12[%dma_start3A_105, %dma_start3A_106] : memref<10112x16xf32, #tpu.memory_space<vmem_shared>> -> memref<10112x16xf32, #tpu.memory_space<vmem_shared>>
      tpu.enqueue_indirect_dma source(%dma_start3A_101 : memref<128x16xf32, #tpu.memory_space<vmem>>) target(%dma_start3A_107 : memref<10112x16xf32, #tpu.memory_space<vmem_shared>>) offsets(%dma_start3A_104 : memref<128xi32, #tpu.memory_space<vmem>>) semaphore(%arg16 : memref<!tpu.dma_semaphore, #tpu.memory_space<semaphore_mem>>) {add = true}
      %add3A_108 = arith.constant 2 : i32
      %add3A_109 = arith.addi %mul3A_32, %add3A_108 : i32
      %dma_start3A_110 = arith.constant 256 : i32
      %dma_start3A_111 = arith.constant 0 : i32
      %dma_start3A_112 = tpu.memref_slice %arg10[%dma_start3A_110, %dma_start3A_111] : memref<1024x16xf32, #tpu.memory_space<vmem>> -> memref<128x16xf32, #tpu.memory_space<vmem>>
      %dma_start3A_113 = arith.constant 0 : i32
      %dma_start3A_114 = tpu.memref_slice %arg9[%add3A_109, %dma_start3A_113] : memref<80x128xi32, #tpu.memory_space<vmem>> -> memref<1x128xi32, #tpu.memory_space<vmem>>
      %dma_start3A_115 = tpu.memref_squeeze %dma_start3A_114 : memref<1x128xi32, #tpu.memory_space<vmem>> -> memref<128xi32, #tpu.memory_space<vmem>>
      %dma_start3A_116 = arith.constant 0 : i32
      %dma_start3A_117 = arith.constant 0 : i32
      %dma_start3A_118 = tpu.memref_slice %arg12[%dma_start3A_116, %dma_start3A_117] : memref<10112x16xf32, #tpu.memory_space<vmem_shared>> -> memref<10112x16xf32, #tpu.memory_space<vmem_shared>>
      tpu.enqueue_indirect_dma source(%dma_start3A_112 : memref<128x16xf32, #tpu.memory_space<vmem>>) target(%dma_start3A_118 : memref<10112x16xf32, #tpu.memory_space<vmem_shared>>) offsets(%dma_start3A_115 : memref<128xi32, #tpu.memory_space<vmem>>) semaphore(%arg16 : memref<!tpu.dma_semaphore, #tpu.memory_space<semaphore_mem>>) {add = true}
      %add3A_119 = arith.constant 3 : i32
      %add3A_120 = arith.addi %mul3A_32, %add3A_119 : i32
      %dma_start3A_121 = arith.constant 384 : i32
      %dma_start3A_122 = arith.constant 0 : i32
      %dma_start3A_123 = tpu.memref_slice %arg10[%dma_start3A_121, %dma_start3A_122] : memref<1024x16xf32, #tpu.memory_space<vmem>> -> memref<128x16xf32, #tpu.memory_space<vmem>>
      %dma_start3A_124 = arith.constant 0 : i32
      %dma_start3A_125 = tpu.memref_slice %arg9[%add3A_120, %dma_start3A_124] : memref<80x128xi32, #tpu.memory_space<vmem>> -> memref<1x128xi32, #tpu.memory_space<vmem>>
      %dma_start3A_126 = tpu.memref_squeeze %dma_start3A_125 : memref<1x128xi32, #tpu.memory_space<vmem>> -> memref<128xi32, #tpu.memory_space<vmem>>
      %dma_start3A_127 = arith.constant 0 : i32
      %dma_start3A_128 = arith.constant 0 : i32
      %dma_start3A_129 = tpu.memref_slice %arg12[%dma_start3A_127, %dma_start3A_128] : memref<10112x16xf32, #tpu.memory_space<vmem_shared>> -> memref<10112x16xf32, #tpu.memory_space<vmem_shared>>
      tpu.enqueue_indirect_dma source(%dma_start3A_123 : memref<128x16xf32, #tpu.memory_space<vmem>>) target(%dma_start3A_129 : memref<10112x16xf32, #tpu.memory_space<vmem_shared>>) offsets(%dma_start3A_126 : memref<128xi32, #tpu.memory_space<vmem>>) semaphore(%arg16 : memref<!tpu.dma_semaphore, #tpu.memory_space<semaphore_mem>>) {add = true}
      %add3A_130 = arith.constant 4 : i32
      %add3A_131 = arith.addi %mul3A_32, %add3A_130 : i32
      %dma_start3A_132 = arith.constant 512 : i32
      %dma_start3A_133 = arith.constant 0 : i32
      %dma_start3A_134 = tpu.memref_slice %arg10[%dma_start3A_132, %dma_start3A_133] : memref<1024x16xf32, #tpu.memory_space<vmem>> -> memref<128x16xf32, #tpu.memory_space<vmem>>
      %dma_start3A_135 = arith.constant 0 : i32
      %dma_start3A_136 = tpu.memref_slice %arg9[%add3A_131, %dma_start3A_135] : memref<80x128xi32, #tpu.memory_space<vmem>> -> memref<1x128xi32, #tpu.memory_space<vmem>>
      %dma_start3A_137 = tpu.memref_squeeze %dma_start3A_136 : memref<1x128xi32, #tpu.memory_space<vmem>> -> memref<128xi32, #tpu.memory_space<vmem>>
      %dma_start3A_138 = arith.constant 0 : i32
      %dma_start3A_139 = arith.constant 0 : i32
      %dma_start3A_140 = tpu.memref_slice %arg12[%dma_start3A_138, %dma_start3A_139] : memref<10112x16xf32, #tpu.memory_space<vmem_shared>> -> memref<10112x16xf32, #tpu.memory_space<vmem_shared>>
      tpu.enqueue_indirect_dma source(%dma_start3A_134 : memref<128x16xf32, #tpu.memory_space<vmem>>) target(%dma_start3A_140 : memref<10112x16xf32, #tpu.memory_space<vmem_shared>>) offsets(%dma_start3A_137 : memref<128xi32, #tpu.memory_space<vmem>>) semaphore(%arg16 : memref<!tpu.dma_semaphore, #tpu.memory_space<semaphore_mem>>) {add = true}
      %add3A_141 = arith.constant 5 : i32
      %add3A_142 = arith.addi %mul3A_32, %add3A_141 : i32
      %dma_start3A_143 = arith.constant 640 : i32
      %dma_start3A_144 = arith.constant 0 : i32
      %dma_start3A_145 = tpu.memref_slice %arg10[%dma_start3A_143, %dma_start3A_144] : memref<1024x16xf32, #tpu.memory_space<vmem>> -> memref<128x16xf32, #tpu.memory_space<vmem>>
      %dma_start3A_146 = arith.constant 0 : i32
      %dma_start3A_147 = tpu.memref_slice %arg9[%add3A_142, %dma_start3A_146] : memref<80x128xi32, #tpu.memory_space<vmem>> -> memref<1x128xi32, #tpu.memory_space<vmem>>
      %dma_start3A_148 = tpu.memref_squeeze %dma_start3A_147 : memref<1x128xi32, #tpu.memory_space<vmem>> -> memref<128xi32, #tpu.memory_space<vmem>>
      %dma_start3A_149 = arith.constant 0 : i32
      %dma_start3A_150 = arith.constant 0 : i32
      %dma_start3A_151 = tpu.memref_slice %arg12[%dma_start3A_149, %dma_start3A_150] : memref<10112x16xf32, #tpu.memory_space<vmem_shared>> -> memref<10112x16xf32, #tpu.memory_space<vmem_shared>>
      tpu.enqueue_indirect_dma source(%dma_start3A_145 : memref<128x16xf32, #tpu.memory_space<vmem>>) target(%dma_start3A_151 : memref<10112x16xf32, #tpu.memory_space<vmem_shared>>) offsets(%dma_start3A_148 : memref<128xi32, #tpu.memory_space<vmem>>) semaphore(%arg16 : memref<!tpu.dma_semaphore, #tpu.memory_space<semaphore_mem>>) {add = true}
      %add3A_152 = arith.constant 6 : i32
      %add3A_153 = arith.addi %mul3A_32, %add3A_152 : i32
      %dma_start3A_154 = arith.constant 768 : i32
      %dma_start3A_155 = arith.constant 0 : i32
      %dma_start3A_156 = tpu.memref_slice %arg10[%dma_start3A_154, %dma_start3A_155] : memref<1024x16xf32, #tpu.memory_space<vmem>> -> memref<128x16xf32, #tpu.memory_space<vmem>>
      %dma_start3A_157 = arith.constant 0 : i32
      %dma_start3A_158 = tpu.memref_slice %arg9[%add3A_153, %dma_start3A_157] : memref<80x128xi32, #tpu.memory_space<vmem>> -> memref<1x128xi32, #tpu.memory_space<vmem>>
      %dma_start3A_159 = tpu.memref_squeeze %dma_start3A_158 : memref<1x128xi32, #tpu.memory_space<vmem>> -> memref<128xi32, #tpu.memory_space<vmem>>
      %dma_start3A_160 = arith.constant 0 : i32
      %dma_start3A_161 = arith.constant 0 : i32
      %dma_start3A_162 = tpu.memref_slice %arg12[%dma_start3A_160, %dma_start3A_161] : memref<10112x16xf32, #tpu.memory_space<vmem_shared>> -> memref<10112x16xf32, #tpu.memory_space<vmem_shared>>
      tpu.enqueue_indirect_dma source(%dma_start3A_156 : memref<128x16xf32, #tpu.memory_space<vmem>>) target(%dma_start3A_162 : memref<10112x16xf32, #tpu.memory_space<vmem_shared>>) offsets(%dma_start3A_159 : memref<128xi32, #tpu.memory_space<vmem>>) semaphore(%arg16 : memref<!tpu.dma_semaphore, #tpu.memory_space<semaphore_mem>>) {add = true}
      %add3A_163 = arith.constant 7 : i32
      %add3A_164 = arith.addi %mul3A_32, %add3A_163 : i32
      %dma_start3A_165 = arith.constant 896 : i32
      %dma_start3A_166 = arith.constant 0 : i32
      %dma_start3A_167 = tpu.memref_slice %arg10[%dma_start3A_165, %dma_start3A_166] : memref<1024x16xf32, #tpu.memory_space<vmem>> -> memref<128x16xf32, #tpu.memory_space<vmem>>
      %dma_start3A_168 = arith.constant 0 : i32
      %dma_start3A_169 = tpu.memref_slice %arg9[%add3A_164, %dma_start3A_168] : memref<80x128xi32, #tpu.memory_space<vmem>> -> memref<1x128xi32, #tpu.memory_space<vmem>>
      %dma_start3A_170 = tpu.memref_squeeze %dma_start3A_169 : memref<1x128xi32, #tpu.memory_space<vmem>> -> memref<128xi32, #tpu.memory_space<vmem>>
      %dma_start3A_171 = arith.constant 0 : i32
      %dma_start3A_172 = arith.constant 0 : i32
      %dma_start3A_173 = tpu.memref_slice %arg12[%dma_start3A_171, %dma_start3A_172] : memref<10112x16xf32, #tpu.memory_space<vmem_shared>> -> memref<10112x16xf32, #tpu.memory_space<vmem_shared>>
      tpu.enqueue_indirect_dma source(%dma_start3A_167 : memref<128x16xf32, #tpu.memory_space<vmem>>) target(%dma_start3A_173 : memref<10112x16xf32, #tpu.memory_space<vmem_shared>>) offsets(%dma_start3A_170 : memref<128xi32, #tpu.memory_space<vmem>>) semaphore(%arg16 : memref<!tpu.dma_semaphore, #tpu.memory_space<semaphore_mem>>) {add = true}
      %add3A_174 = arith.constant 0 : i32
      %add3A_175 = arith.addi %mul3A_32, %add3A_174 : i32
      %dma_wait3A_176 = arith.constant 0 : i32
      %dma_wait3A_177 = arith.constant 0 : i32
      %dma_wait3A_178 = tpu.memref_slice %arg10[%dma_wait3A_176, %dma_wait3A_177] : memref<1024x16xf32, #tpu.memory_space<vmem>> -> memref<128x16xf32, #tpu.memory_space<vmem>>
      %dma_wait3A_179 = arith.constant 0 : i32
      %dma_wait3A_180 = tpu.memref_slice %arg9[%add3A_175, %dma_wait3A_179] : memref<80x128xi32, #tpu.memory_space<vmem>> -> memref<1x128xi32, #tpu.memory_space<vmem>>
      %dma_wait3A_181 = tpu.memref_squeeze %dma_wait3A_180 : memref<1x128xi32, #tpu.memory_space<vmem>> -> memref<128xi32, #tpu.memory_space<vmem>>
      %dma_wait3A_182 = arith.constant 0 : i32
      %dma_wait3A_183 = arith.constant 0 : i32
      %dma_wait3A_184 = tpu.memref_slice %arg12[%dma_wait3A_182, %dma_wait3A_183] : memref<10112x16xf32, #tpu.memory_space<vmem_shared>> -> memref<10112x16xf32, #tpu.memory_space<vmem_shared>>
      tpu.wait_indirect_dma semaphore(%arg16 : memref<!tpu.dma_semaphore, #tpu.memory_space<semaphore_mem>>) src(%dma_wait3A_178 : memref<128x16xf32, #tpu.memory_space<vmem>>) dst(%dma_wait3A_184 : memref<10112x16xf32, #tpu.memory_space<vmem_shared>>)
      %add3A_185 = arith.constant 1 : i32
      %add3A_186 = arith.addi %mul3A_32, %add3A_185 : i32
      %dma_wait3A_187 = arith.constant 128 : i32
      %dma_wait3A_188 = arith.constant 0 : i32
      %dma_wait3A_189 = tpu.memref_slice %arg10[%dma_wait3A_187, %dma_wait3A_188] : memref<1024x16xf32, #tpu.memory_space<vmem>> -> memref<128x16xf32, #tpu.memory_space<vmem>>
      %dma_wait3A_190 = arith.constant 0 : i32
      %dma_wait3A_191 = tpu.memref_slice %arg9[%add3A_186, %dma_wait3A_190] : memref<80x128xi32, #tpu.memory_space<vmem>> -> memref<1x128xi32, #tpu.memory_space<vmem>>
      %dma_wait3A_192 = tpu.memref_squeeze %dma_wait3A_191 : memref<1x128xi32, #tpu.memory_space<vmem>> -> memref<128xi32, #tpu.memory_space<vmem>>
      %dma_wait3A_193 = arith.constant 0 : i32
      %dma_wait3A_194 = arith.constant 0 : i32
      %dma_wait3A_195 = tpu.memref_slice %arg12[%dma_wait3A_193, %dma_wait3A_194] : memref<10112x16xf32, #tpu.memory_space<vmem_shared>> -> memref<10112x16xf32, #tpu.memory_space<vmem_shared>>
      tpu.wait_indirect_dma semaphore(%arg16 : memref<!tpu.dma_semaphore, #tpu.memory_space<semaphore_mem>>) src(%dma_wait3A_189 : memref<128x16xf32, #tpu.memory_space<vmem>>) dst(%dma_wait3A_195 : memref<10112x16xf32, #tpu.memory_space<vmem_shared>>)
      %add3A_196 = arith.constant 2 : i32
      %add3A_197 = arith.addi %mul3A_32, %add3A_196 : i32
      %dma_wait3A_198 = arith.constant 256 : i32
      %dma_wait3A_199 = arith.constant 0 : i32
      %dma_wait3A_200 = tpu.memref_slice %arg10[%dma_wait3A_198, %dma_wait3A_199] : memref<1024x16xf32, #tpu.memory_space<vmem>> -> memref<128x16xf32, #tpu.memory_space<vmem>>
      %dma_wait3A_201 = arith.constant 0 : i32
      %dma_wait3A_202 = tpu.memref_slice %arg9[%add3A_197, %dma_wait3A_201] : memref<80x128xi32, #tpu.memory_space<vmem>> -> memref<1x128xi32, #tpu.memory_space<vmem>>
      %dma_wait3A_203 = tpu.memref_squeeze %dma_wait3A_202 : memref<1x128xi32, #tpu.memory_space<vmem>> -> memref<128xi32, #tpu.memory_space<vmem>>
      %dma_wait3A_204 = arith.constant 0 : i32
      %dma_wait3A_205 = arith.constant 0 : i32
      %dma_wait3A_206 = tpu.memref_slice %arg12[%dma_wait3A_204, %dma_wait3A_205] : memref<10112x16xf32, #tpu.memory_space<vmem_shared>> -> memref<10112x16xf32, #tpu.memory_space<vmem_shared>>
      tpu.wait_indirect_dma semaphore(%arg16 : memref<!tpu.dma_semaphore, #tpu.memory_space<semaphore_mem>>) src(%dma_wait3A_200 : memref<128x16xf32, #tpu.memory_space<vmem>>) dst(%dma_wait3A_206 : memref<10112x16xf32, #tpu.memory_space<vmem_shared>>)
      %add3A_207 = arith.constant 3 : i32
      %add3A_208 = arith.addi %mul3A_32, %add3A_207 : i32
      %dma_wait3A_209 = arith.constant 384 : i32
      %dma_wait3A_210 = arith.constant 0 : i32
      %dma_wait3A_211 = tpu.memref_slice %arg10[%dma_wait3A_209, %dma_wait3A_210] : memref<1024x16xf32, #tpu.memory_space<vmem>> -> memref<128x16xf32, #tpu.memory_space<vmem>>
      %dma_wait3A_212 = arith.constant 0 : i32
      %dma_wait3A_213 = tpu.memref_slice %arg9[%add3A_208, %dma_wait3A_212] : memref<80x128xi32, #tpu.memory_space<vmem>> -> memref<1x128xi32, #tpu.memory_space<vmem>>
      %dma_wait3A_214 = tpu.memref_squeeze %dma_wait3A_213 : memref<1x128xi32, #tpu.memory_space<vmem>> -> memref<128xi32, #tpu.memory_space<vmem>>
      %dma_wait3A_215 = arith.constant 0 : i32
      %dma_wait3A_216 = arith.constant 0 : i32
      %dma_wait3A_217 = tpu.memref_slice %arg12[%dma_wait3A_215, %dma_wait3A_216] : memref<10112x16xf32, #tpu.memory_space<vmem_shared>> -> memref<10112x16xf32, #tpu.memory_space<vmem_shared>>
      tpu.wait_indirect_dma semaphore(%arg16 : memref<!tpu.dma_semaphore, #tpu.memory_space<semaphore_mem>>) src(%dma_wait3A_211 : memref<128x16xf32, #tpu.memory_space<vmem>>) dst(%dma_wait3A_217 : memref<10112x16xf32, #tpu.memory_space<vmem_shared>>)
      %add3A_218 = arith.constant 4 : i32
      %add3A_219 = arith.addi %mul3A_32, %add3A_218 : i32
      %dma_wait3A_220 = arith.constant 512 : i32
      %dma_wait3A_221 = arith.constant 0 : i32
      %dma_wait3A_222 = tpu.memref_slice %arg10[%dma_wait3A_220, %dma_wait3A_221] : memref<1024x16xf32, #tpu.memory_space<vmem>> -> memref<128x16xf32, #tpu.memory_space<vmem>>
      %dma_wait3A_223 = arith.constant 0 : i32
      %dma_wait3A_224 = tpu.memref_slice %arg9[%add3A_219, %dma_wait3A_223] : memref<80x128xi32, #tpu.memory_space<vmem>> -> memref<1x128xi32, #tpu.memory_space<vmem>>
      %dma_wait3A_225 = tpu.memref_squeeze %dma_wait3A_224 : memref<1x128xi32, #tpu.memory_space<vmem>> -> memref<128xi32, #tpu.memory_space<vmem>>
      %dma_wait3A_226 = arith.constant 0 : i32
      %dma_wait3A_227 = arith.constant 0 : i32
      %dma_wait3A_228 = tpu.memref_slice %arg12[%dma_wait3A_226, %dma_wait3A_227] : memref<10112x16xf32, #tpu.memory_space<vmem_shared>> -> memref<10112x16xf32, #tpu.memory_space<vmem_shared>>
      tpu.wait_indirect_dma semaphore(%arg16 : memref<!tpu.dma_semaphore, #tpu.memory_space<semaphore_mem>>) src(%dma_wait3A_222 : memref<128x16xf32, #tpu.memory_space<vmem>>) dst(%dma_wait3A_228 : memref<10112x16xf32, #tpu.memory_space<vmem_shared>>)
      %add3A_229 = arith.constant 5 : i32
      %add3A_230 = arith.addi %mul3A_32, %add3A_229 : i32
      %dma_wait3A_231 = arith.constant 640 : i32
      %dma_wait3A_232 = arith.constant 0 : i32
      %dma_wait3A_233 = tpu.memref_slice %arg10[%dma_wait3A_231, %dma_wait3A_232] : memref<1024x16xf32, #tpu.memory_space<vmem>> -> memref<128x16xf32, #tpu.memory_space<vmem>>
      %dma_wait3A_234 = arith.constant 0 : i32
      %dma_wait3A_235 = tpu.memref_slice %arg9[%add3A_230, %dma_wait3A_234] : memref<80x128xi32, #tpu.memory_space<vmem>> -> memref<1x128xi32, #tpu.memory_space<vmem>>
      %dma_wait3A_236 = tpu.memref_squeeze %dma_wait3A_235 : memref<1x128xi32, #tpu.memory_space<vmem>> -> memref<128xi32, #tpu.memory_space<vmem>>
      %dma_wait3A_237 = arith.constant 0 : i32
      %dma_wait3A_238 = arith.constant 0 : i32
      %dma_wait3A_239 = tpu.memref_slice %arg12[%dma_wait3A_237, %dma_wait3A_238] : memref<10112x16xf32, #tpu.memory_space<vmem_shared>> -> memref<10112x16xf32, #tpu.memory_space<vmem_shared>>
      tpu.wait_indirect_dma semaphore(%arg16 : memref<!tpu.dma_semaphore, #tpu.memory_space<semaphore_mem>>) src(%dma_wait3A_233 : memref<128x16xf32, #tpu.memory_space<vmem>>) dst(%dma_wait3A_239 : memref<10112x16xf32, #tpu.memory_space<vmem_shared>>)
      %add3A_240 = arith.constant 6 : i32
      %add3A_241 = arith.addi %mul3A_32, %add3A_240 : i32
      %dma_wait3A_242 = arith.constant 768 : i32
      %dma_wait3A_243 = arith.constant 0 : i32
      %dma_wait3A_244 = tpu.memref_slice %arg10[%dma_wait3A_242, %dma_wait3A_243] : memref<1024x16xf32, #tpu.memory_space<vmem>> -> memref<128x16xf32, #tpu.memory_space<vmem>>
      %dma_wait3A_245 = arith.constant 0 : i32
      %dma_wait3A_246 = tpu.memref_slice %arg9[%add3A_241, %dma_wait3A_245] : memref<80x128xi32, #tpu.memory_space<vmem>> -> memref<1x128xi32, #tpu.memory_space<vmem>>
      %dma_wait3A_247 = tpu.memref_squeeze %dma_wait3A_246 : memref<1x128xi32, #tpu.memory_space<vmem>> -> memref<128xi32, #tpu.memory_space<vmem>>
      %dma_wait3A_248 = arith.constant 0 : i32
      %dma_wait3A_249 = arith.constant 0 : i32
      %dma_wait3A_250 = tpu.memref_slice %arg12[%dma_wait3A_248, %dma_wait3A_249] : memref<10112x16xf32, #tpu.memory_space<vmem_shared>> -> memref<10112x16xf32, #tpu.memory_space<vmem_shared>>
      tpu.wait_indirect_dma semaphore(%arg16 : memref<!tpu.dma_semaphore, #tpu.memory_space<semaphore_mem>>) src(%dma_wait3A_244 : memref<128x16xf32, #tpu.memory_space<vmem>>) dst(%dma_wait3A_250 : memref<10112x16xf32, #tpu.memory_space<vmem_shared>>)
      %add3A_251 = arith.constant 7 : i32
      %add3A_252 = arith.addi %mul3A_32, %add3A_251 : i32
      %dma_wait3A_253 = arith.constant 896 : i32
      %dma_wait3A_254 = arith.constant 0 : i32
      %dma_wait3A_255 = tpu.memref_slice %arg10[%dma_wait3A_253, %dma_wait3A_254] : memref<1024x16xf32, #tpu.memory_space<vmem>> -> memref<128x16xf32, #tpu.memory_space<vmem>>
      %dma_wait3A_256 = arith.constant 0 : i32
      %dma_wait3A_257 = tpu.memref_slice %arg9[%add3A_252, %dma_wait3A_256] : memref<80x128xi32, #tpu.memory_space<vmem>> -> memref<1x128xi32, #tpu.memory_space<vmem>>
      %dma_wait3A_258 = tpu.memref_squeeze %dma_wait3A_257 : memref<1x128xi32, #tpu.memory_space<vmem>> -> memref<128xi32, #tpu.memory_space<vmem>>
      %dma_wait3A_259 = arith.constant 0 : i32
      %dma_wait3A_260 = arith.constant 0 : i32
      %dma_wait3A_261 = tpu.memref_slice %arg12[%dma_wait3A_259, %dma_wait3A_260] : memref<10112x16xf32, #tpu.memory_space<vmem_shared>> -> memref<10112x16xf32, #tpu.memory_space<vmem_shared>>
      tpu.wait_indirect_dma semaphore(%arg16 : memref<!tpu.dma_semaphore, #tpu.memory_space<semaphore_mem>>) src(%dma_wait3A_255 : memref<128x16xf32, #tpu.memory_space<vmem>>) dst(%dma_wait3A_261 : memref<10112x16xf32, #tpu.memory_space<vmem_shared>>)
      %jit3A_262 = arith.constant 8 : i32
      %div3A_263 = arith.divsi %add3A_34, %jit3A_262 : i32
      %sign3A_264 = arith.constant 0 : i32
      %sign3A_265 = arith.cmpi sgt, %add3A_34, %sign3A_264 : i32
      %sign3A_266 = arith.extui %sign3A_265 : i1 to i32
      %sign3A_267 = arith.constant 0 : i32
      %sign3A_268 = arith.cmpi slt, %add3A_34, %sign3A_267 : i32
      %sign3A_269 = arith.extui %sign3A_268 : i1 to i32
      %sign3A_270 = arith.subi %sign3A_266, %sign3A_269 : i32
      %sign3A_271 = arith.constant 0 : i32
      %sign3A_272 = arith.cmpi sgt, %jit3A_262, %sign3A_271 : i32
      %sign3A_273 = arith.extui %sign3A_272 : i1 to i32
      %sign3A_274 = arith.constant 0 : i32
      %sign3A_275 = arith.cmpi slt, %jit3A_262, %sign3A_274 : i32
      %sign3A_276 = arith.extui %sign3A_275 : i1 to i32
      %sign3A_277 = arith.subi %sign3A_273, %sign3A_276 : i32
      %ne3A_278 = arith.cmpi ne, %sign3A_270, %sign3A_277 : i32
      %rem3A_279 = arith.remsi %add3A_34, %jit3A_262 : i32
      %ne3A_280 = arith.constant 0 : i32
      %ne3A_281 = arith.cmpi ne, %rem3A_279, %ne3A_280 : i32
      %and3A_282 = arith.andi %ne3A_278, %ne3A_281 : i1
      %sub3A_283 = arith.constant 1 : i32
      %sub3A_284 = arith.subi %div3A_263, %sub3A_283 : i32
      %select_n3A_285 = arith.select %and3A_282, %sub3A_284, %div3A_263 : i32
      %dma_wait3A_286 = arith.constant 0 : i32
      %dma_wait3A_287 = tpu.memref_slice %arg8[%select_n3A_285, %dma_wait3A_286] : memref<10x1024xi32, #tpu.memory_space<vmem>> -> memref<1x1024xi32, #tpu.memory_space<vmem>>
      %dma_wait3A_288 = tpu.memref_squeeze %dma_wait3A_287 : memref<1x1024xi32, #tpu.memory_space<vmem>> -> memref<1024xi32, #tpu.memory_space<vmem>>
      %dma_wait3A_289 = arith.constant 0 : i32
      %dma_wait3A_290 = arith.constant 0 : i32
      %dma_wait3A_291 = tpu.memref_slice %arg13[%dma_wait3A_289, %dma_wait3A_290] : memref<10112x16xf32, #tpu.memory_space<vmem_shared>> -> memref<10112x16xf32, #tpu.memory_space<vmem_shared>>
      tpu.wait_indirect_dma semaphore(%arg15 : memref<!tpu.dma_semaphore, #tpu.memory_space<semaphore_mem>>) src(%dma_wait3A_291 : memref<10112x16xf32, #tpu.memory_space<vmem_shared>>) dst(%arg11 : memref<1024x16xf32, #tpu.memory_space<vmem>>)
      %add3A_292 = arith.constant 1 : i32
      %add3A_293 = arith.addi %scan3A_28, %add3A_292 : i32
      %lt3A = arith.constant 5 : i32
      %lt3A_294 = arith.cmpi slt, %add3A_293, %lt3A : i32
      %convert_element_type3A_295 = arith.extui %lt3A_294 : i1 to i32
      %cond3A_296 = arith.constant 0 : i32
      %cond3A_297 = arith.cmpi ne, %convert_element_type3A_295, %cond3A_296 : i32
      scf.if %cond3A_297 {
        %add3A_474 = arith.constant 16 : i32
        %add3A_475 = arith.addi %mul3A_32, %add3A_474 : i32
        %jit3A_476 = arith.constant 8 : i32
        %div3A_477 = arith.divsi %add3A_475, %jit3A_476 : i32
        %sign3A_478 = arith.constant 0 : i32
        %sign3A_479 = arith.cmpi sgt, %add3A_475, %sign3A_478 : i32
        %sign3A_480 = arith.extui %sign3A_479 : i1 to i32
        %sign3A_481 = arith.constant 0 : i32
        %sign3A_482 = arith.cmpi slt, %add3A_475, %sign3A_481 : i32
        %sign3A_483 = arith.extui %sign3A_482 : i1 to i32
        %sign3A_484 = arith.subi %sign3A_480, %sign3A_483 : i32
        %sign3A_485 = arith.constant 0 : i32
        %sign3A_486 = arith.cmpi sgt, %jit3A_476, %sign3A_485 : i32
        %sign3A_487 = arith.extui %sign3A_486 : i1 to i32
        %sign3A_488 = arith.constant 0 : i32
        %sign3A_489 = arith.cmpi slt, %jit3A_476, %sign3A_488 : i32
        %sign3A_490 = arith.extui %sign3A_489 : i1 to i32
        %sign3A_491 = arith.subi %sign3A_487, %sign3A_490 : i32
        %ne3A_492 = arith.cmpi ne, %sign3A_484, %sign3A_491 : i32
        %rem3A_493 = arith.remsi %add3A_475, %jit3A_476 : i32
        %ne3A_494 = arith.constant 0 : i32
        %ne3A_495 = arith.cmpi ne, %rem3A_493, %ne3A_494 : i32
        %and3A_496 = arith.andi %ne3A_492, %ne3A_495 : i1
        %sub3A_497 = arith.constant 1 : i32
        %sub3A_498 = arith.subi %div3A_477, %sub3A_497 : i32
        %select_n3A_499 = arith.select %and3A_496, %sub3A_498, %div3A_477 : i32
        %dma_start3A_500 = arith.constant 0 : i32
        %dma_start3A_501 = tpu.memref_slice %arg8[%select_n3A_499, %dma_start3A_500] : memref<10x1024xi32, #tpu.memory_space<vmem>> -> memref<1x1024xi32, #tpu.memory_space<vmem>>
        %dma_start3A_502 = tpu.memref_squeeze %dma_start3A_501 : memref<1x1024xi32, #tpu.memory_space<vmem>> -> memref<1024xi32, #tpu.memory_space<vmem>>
        %dma_start3A_503 = arith.constant 0 : i32
        %dma_start3A_504 = arith.constant 0 : i32
        %dma_start3A_505 = tpu.memref_slice %arg13[%dma_start3A_503, %dma_start3A_504] : memref<10112x16xf32, #tpu.memory_space<vmem_shared>> -> memref<10112x16xf32, #tpu.memory_space<vmem_shared>>
        tpu.enqueue_indirect_dma source(%dma_start3A_505 : memref<10112x16xf32, #tpu.memory_space<vmem_shared>>) target(%arg10 : memref<1024x16xf32, #tpu.memory_space<vmem>>) offsets(%dma_start3A_502 : memref<1024xi32, #tpu.memory_space<vmem>>) semaphore(%arg14 : memref<!tpu.dma_semaphore, #tpu.memory_space<semaphore_mem>>)
      } else {
      }
      %add3A_298 = arith.constant 0 : i32
      %add3A_299 = arith.addi %add3A_34, %add3A_298 : i32
      %dma_start3A_300 = arith.constant 0 : i32
      %dma_start3A_301 = arith.constant 0 : i32
      %dma_start3A_302 = tpu.memref_slice %arg11[%dma_start3A_300, %dma_start3A_301] : memref<1024x16xf32, #tpu.memory_space<vmem>> -> memref<128x16xf32, #tpu.memory_space<vmem>>
      %dma_start3A_303 = arith.constant 0 : i32
      %dma_start3A_304 = tpu.memref_slice %arg9[%add3A_299, %dma_start3A_303] : memref<80x128xi32, #tpu.memory_space<vmem>> -> memref<1x128xi32, #tpu.memory_space<vmem>>
      %dma_start3A_305 = tpu.memref_squeeze %dma_start3A_304 : memref<1x128xi32, #tpu.memory_space<vmem>> -> memref<128xi32, #tpu.memory_space<vmem>>
      %dma_start3A_306 = arith.constant 0 : i32
      %dma_start3A_307 = arith.constant 0 : i32
      %dma_start3A_308 = tpu.memref_slice %arg12[%dma_start3A_306, %dma_start3A_307] : memref<10112x16xf32, #tpu.memory_space<vmem_shared>> -> memref<10112x16xf32, #tpu.memory_space<vmem_shared>>
      tpu.enqueue_indirect_dma source(%dma_start3A_302 : memref<128x16xf32, #tpu.memory_space<vmem>>) target(%dma_start3A_308 : memref<10112x16xf32, #tpu.memory_space<vmem_shared>>) offsets(%dma_start3A_305 : memref<128xi32, #tpu.memory_space<vmem>>) semaphore(%arg17 : memref<!tpu.dma_semaphore, #tpu.memory_space<semaphore_mem>>) {add = true}
      %add3A_309 = arith.constant 1 : i32
      %add3A_310 = arith.addi %add3A_34, %add3A_309 : i32
      %dma_start3A_311 = arith.constant 128 : i32
      %dma_start3A_312 = arith.constant 0 : i32
      %dma_start3A_313 = tpu.memref_slice %arg11[%dma_start3A_311, %dma_start3A_312] : memref<1024x16xf32, #tpu.memory_space<vmem>> -> memref<128x16xf32, #tpu.memory_space<vmem>>
      %dma_start3A_314 = arith.constant 0 : i32
      %dma_start3A_315 = tpu.memref_slice %arg9[%add3A_310, %dma_start3A_314] : memref<80x128xi32, #tpu.memory_space<vmem>> -> memref<1x128xi32, #tpu.memory_space<vmem>>
      %dma_start3A_316 = tpu.memref_squeeze %dma_start3A_315 : memref<1x128xi32, #tpu.memory_space<vmem>> -> memref<128xi32, #tpu.memory_space<vmem>>
      %dma_start3A_317 = arith.constant 0 : i32
      %dma_start3A_318 = arith.constant 0 : i32
      %dma_start3A_319 = tpu.memref_slice %arg12[%dma_start3A_317, %dma_start3A_318] : memref<10112x16xf32, #tpu.memory_space<vmem_shared>> -> memref<10112x16xf32, #tpu.memory_space<vmem_shared>>
      tpu.enqueue_indirect_dma source(%dma_start3A_313 : memref<128x16xf32, #tpu.memory_space<vmem>>) target(%dma_start3A_319 : memref<10112x16xf32, #tpu.memory_space<vmem_shared>>) offsets(%dma_start3A_316 : memref<128xi32, #tpu.memory_space<vmem>>) semaphore(%arg17 : memref<!tpu.dma_semaphore, #tpu.memory_space<semaphore_mem>>) {add = true}
      %add3A_320 = arith.constant 2 : i32
      %add3A_321 = arith.addi %add3A_34, %add3A_320 : i32
      %dma_start3A_322 = arith.constant 256 : i32
      %dma_start3A_323 = arith.constant 0 : i32
      %dma_start3A_324 = tpu.memref_slice %arg11[%dma_start3A_322, %dma_start3A_323] : memref<1024x16xf32, #tpu.memory_space<vmem>> -> memref<128x16xf32, #tpu.memory_space<vmem>>
      %dma_start3A_325 = arith.constant 0 : i32
      %dma_start3A_326 = tpu.memref_slice %arg9[%add3A_321, %dma_start3A_325] : memref<80x128xi32, #tpu.memory_space<vmem>> -> memref<1x128xi32, #tpu.memory_space<vmem>>
      %dma_start3A_327 = tpu.memref_squeeze %dma_start3A_326 : memref<1x128xi32, #tpu.memory_space<vmem>> -> memref<128xi32, #tpu.memory_space<vmem>>
      %dma_start3A_328 = arith.constant 0 : i32
      %dma_start3A_329 = arith.constant 0 : i32
      %dma_start3A_330 = tpu.memref_slice %arg12[%dma_start3A_328, %dma_start3A_329] : memref<10112x16xf32, #tpu.memory_space<vmem_shared>> -> memref<10112x16xf32, #tpu.memory_space<vmem_shared>>
      tpu.enqueue_indirect_dma source(%dma_start3A_324 : memref<128x16xf32, #tpu.memory_space<vmem>>) target(%dma_start3A_330 : memref<10112x16xf32, #tpu.memory_space<vmem_shared>>) offsets(%dma_start3A_327 : memref<128xi32, #tpu.memory_space<vmem>>) semaphore(%arg17 : memref<!tpu.dma_semaphore, #tpu.memory_space<semaphore_mem>>) {add = true}
      %add3A_331 = arith.constant 3 : i32
      %add3A_332 = arith.addi %add3A_34, %add3A_331 : i32
      %dma_start3A_333 = arith.constant 384 : i32
      %dma_start3A_334 = arith.constant 0 : i32
      %dma_start3A_335 = tpu.memref_slice %arg11[%dma_start3A_333, %dma_start3A_334] : memref<1024x16xf32, #tpu.memory_space<vmem>> -> memref<128x16xf32, #tpu.memory_space<vmem>>
      %dma_start3A_336 = arith.constant 0 : i32
      %dma_start3A_337 = tpu.memref_slice %arg9[%add3A_332, %dma_start3A_336] : memref<80x128xi32, #tpu.memory_space<vmem>> -> memref<1x128xi32, #tpu.memory_space<vmem>>
      %dma_start3A_338 = tpu.memref_squeeze %dma_start3A_337 : memref<1x128xi32, #tpu.memory_space<vmem>> -> memref<128xi32, #tpu.memory_space<vmem>>
      %dma_start3A_339 = arith.constant 0 : i32
      %dma_start3A_340 = arith.constant 0 : i32
      %dma_start3A_341 = tpu.memref_slice %arg12[%dma_start3A_339, %dma_start3A_340] : memref<10112x16xf32, #tpu.memory_space<vmem_shared>> -> memref<10112x16xf32, #tpu.memory_space<vmem_shared>>
      tpu.enqueue_indirect_dma source(%dma_start3A_335 : memref<128x16xf32, #tpu.memory_space<vmem>>) target(%dma_start3A_341 : memref<10112x16xf32, #tpu.memory_space<vmem_shared>>) offsets(%dma_start3A_338 : memref<128xi32, #tpu.memory_space<vmem>>) semaphore(%arg17 : memref<!tpu.dma_semaphore, #tpu.memory_space<semaphore_mem>>) {add = true}
      %add3A_342 = arith.constant 4 : i32
      %add3A_343 = arith.addi %add3A_34, %add3A_342 : i32
      %dma_start3A_344 = arith.constant 512 : i32
      %dma_start3A_345 = arith.constant 0 : i32
      %dma_start3A_346 = tpu.memref_slice %arg11[%dma_start3A_344, %dma_start3A_345] : memref<1024x16xf32, #tpu.memory_space<vmem>> -> memref<128x16xf32, #tpu.memory_space<vmem>>
      %dma_start3A_347 = arith.constant 0 : i32
      %dma_start3A_348 = tpu.memref_slice %arg9[%add3A_343, %dma_start3A_347] : memref<80x128xi32, #tpu.memory_space<vmem>> -> memref<1x128xi32, #tpu.memory_space<vmem>>
      %dma_start3A_349 = tpu.memref_squeeze %dma_start3A_348 : memref<1x128xi32, #tpu.memory_space<vmem>> -> memref<128xi32, #tpu.memory_space<vmem>>
      %dma_start3A_350 = arith.constant 0 : i32
      %dma_start3A_351 = arith.constant 0 : i32
      %dma_start3A_352 = tpu.memref_slice %arg12[%dma_start3A_350, %dma_start3A_351] : memref<10112x16xf32, #tpu.memory_space<vmem_shared>> -> memref<10112x16xf32, #tpu.memory_space<vmem_shared>>
      tpu.enqueue_indirect_dma source(%dma_start3A_346 : memref<128x16xf32, #tpu.memory_space<vmem>>) target(%dma_start3A_352 : memref<10112x16xf32, #tpu.memory_space<vmem_shared>>) offsets(%dma_start3A_349 : memref<128xi32, #tpu.memory_space<vmem>>) semaphore(%arg17 : memref<!tpu.dma_semaphore, #tpu.memory_space<semaphore_mem>>) {add = true}
      %add3A_353 = arith.constant 5 : i32
      %add3A_354 = arith.addi %add3A_34, %add3A_353 : i32
      %dma_start3A_355 = arith.constant 640 : i32
      %dma_start3A_356 = arith.constant 0 : i32
      %dma_start3A_357 = tpu.memref_slice %arg11[%dma_start3A_355, %dma_start3A_356] : memref<1024x16xf32, #tpu.memory_space<vmem>> -> memref<128x16xf32, #tpu.memory_space<vmem>>
      %dma_start3A_358 = arith.constant 0 : i32
      %dma_start3A_359 = tpu.memref_slice %arg9[%add3A_354, %dma_start3A_358] : memref<80x128xi32, #tpu.memory_space<vmem>> -> memref<1x128xi32, #tpu.memory_space<vmem>>
      %dma_start3A_360 = tpu.memref_squeeze %dma_start3A_359 : memref<1x128xi32, #tpu.memory_space<vmem>> -> memref<128xi32, #tpu.memory_space<vmem>>
      %dma_start3A_361 = arith.constant 0 : i32
      %dma_start3A_362 = arith.constant 0 : i32
      %dma_start3A_363 = tpu.memref_slice %arg12[%dma_start3A_361, %dma_start3A_362] : memref<10112x16xf32, #tpu.memory_space<vmem_shared>> -> memref<10112x16xf32, #tpu.memory_space<vmem_shared>>
      tpu.enqueue_indirect_dma source(%dma_start3A_357 : memref<128x16xf32, #tpu.memory_space<vmem>>) target(%dma_start3A_363 : memref<10112x16xf32, #tpu.memory_space<vmem_shared>>) offsets(%dma_start3A_360 : memref<128xi32, #tpu.memory_space<vmem>>) semaphore(%arg17 : memref<!tpu.dma_semaphore, #tpu.memory_space<semaphore_mem>>) {add = true}
      %add3A_364 = arith.constant 6 : i32
      %add3A_365 = arith.addi %add3A_34, %add3A_364 : i32
      %dma_start3A_366 = arith.constant 768 : i32
      %dma_start3A_367 = arith.constant 0 : i32
      %dma_start3A_368 = tpu.memref_slice %arg11[%dma_start3A_366, %dma_start3A_367] : memref<1024x16xf32, #tpu.memory_space<vmem>> -> memref<128x16xf32, #tpu.memory_space<vmem>>
      %dma_start3A_369 = arith.constant 0 : i32
      %dma_start3A_370 = tpu.memref_slice %arg9[%add3A_365, %dma_start3A_369] : memref<80x128xi32, #tpu.memory_space<vmem>> -> memref<1x128xi32, #tpu.memory_space<vmem>>
      %dma_start3A_371 = tpu.memref_squeeze %dma_start3A_370 : memref<1x128xi32, #tpu.memory_space<vmem>> -> memref<128xi32, #tpu.memory_space<vmem>>
      %dma_start3A_372 = arith.constant 0 : i32
      %dma_start3A_373 = arith.constant 0 : i32
      %dma_start3A_374 = tpu.memref_slice %arg12[%dma_start3A_372, %dma_start3A_373] : memref<10112x16xf32, #tpu.memory_space<vmem_shared>> -> memref<10112x16xf32, #tpu.memory_space<vmem_shared>>
      tpu.enqueue_indirect_dma source(%dma_start3A_368 : memref<128x16xf32, #tpu.memory_space<vmem>>) target(%dma_start3A_374 : memref<10112x16xf32, #tpu.memory_space<vmem_shared>>) offsets(%dma_start3A_371 : memref<128xi32, #tpu.memory_space<vmem>>) semaphore(%arg17 : memref<!tpu.dma_semaphore, #tpu.memory_space<semaphore_mem>>) {add = true}
      %add3A_375 = arith.constant 7 : i32
      %add3A_376 = arith.addi %add3A_34, %add3A_375 : i32
      %dma_start3A_377 = arith.constant 896 : i32
      %dma_start3A_378 = arith.constant 0 : i32
      %dma_start3A_379 = tpu.memref_slice %arg11[%dma_start3A_377, %dma_start3A_378] : memref<1024x16xf32, #tpu.memory_space<vmem>> -> memref<128x16xf32, #tpu.memory_space<vmem>>
      %dma_start3A_380 = arith.constant 0 : i32
      %dma_start3A_381 = tpu.memref_slice %arg9[%add3A_376, %dma_start3A_380] : memref<80x128xi32, #tpu.memory_space<vmem>> -> memref<1x128xi32, #tpu.memory_space<vmem>>
      %dma_start3A_382 = tpu.memref_squeeze %dma_start3A_381 : memref<1x128xi32, #tpu.memory_space<vmem>> -> memref<128xi32, #tpu.memory_space<vmem>>
      %dma_start3A_383 = arith.constant 0 : i32
      %dma_start3A_384 = arith.constant 0 : i32
      %dma_start3A_385 = tpu.memref_slice %arg12[%dma_start3A_383, %dma_start3A_384] : memref<10112x16xf32, #tpu.memory_space<vmem_shared>> -> memref<10112x16xf32, #tpu.memory_space<vmem_shared>>
      tpu.enqueue_indirect_dma source(%dma_start3A_379 : memref<128x16xf32, #tpu.memory_space<vmem>>) target(%dma_start3A_385 : memref<10112x16xf32, #tpu.memory_space<vmem_shared>>) offsets(%dma_start3A_382 : memref<128xi32, #tpu.memory_space<vmem>>) semaphore(%arg17 : memref<!tpu.dma_semaphore, #tpu.memory_space<semaphore_mem>>) {add = true}
      %add3A_386 = arith.constant 0 : i32
      %add3A_387 = arith.addi %add3A_34, %add3A_386 : i32
      %dma_wait3A_388 = arith.constant 0 : i32
      %dma_wait3A_389 = arith.constant 0 : i32
      %dma_wait3A_390 = tpu.memref_slice %arg11[%dma_wait3A_388, %dma_wait3A_389] : memref<1024x16xf32, #tpu.memory_space<vmem>> -> memref<128x16xf32, #tpu.memory_space<vmem>>
      %dma_wait3A_391 = arith.constant 0 : i32
      %dma_wait3A_392 = tpu.memref_slice %arg9[%add3A_387, %dma_wait3A_391] : memref<80x128xi32, #tpu.memory_space<vmem>> -> memref<1x128xi32, #tpu.memory_space<vmem>>
      %dma_wait3A_393 = tpu.memref_squeeze %dma_wait3A_392 : memref<1x128xi32, #tpu.memory_space<vmem>> -> memref<128xi32, #tpu.memory_space<vmem>>
      %dma_wait3A_394 = arith.constant 0 : i32
      %dma_wait3A_395 = arith.constant 0 : i32
      %dma_wait3A_396 = tpu.memref_slice %arg12[%dma_wait3A_394, %dma_wait3A_395] : memref<10112x16xf32, #tpu.memory_space<vmem_shared>> -> memref<10112x16xf32, #tpu.memory_space<vmem_shared>>
      tpu.wait_indirect_dma semaphore(%arg17 : memref<!tpu.dma_semaphore, #tpu.memory_space<semaphore_mem>>) src(%dma_wait3A_390 : memref<128x16xf32, #tpu.memory_space<vmem>>) dst(%dma_wait3A_396 : memref<10112x16xf32, #tpu.memory_space<vmem_shared>>)
      %add3A_397 = arith.constant 1 : i32
      %add3A_398 = arith.addi %add3A_34, %add3A_397 : i32
      %dma_wait3A_399 = arith.constant 128 : i32
      %dma_wait3A_400 = arith.constant 0 : i32
      %dma_wait3A_401 = tpu.memref_slice %arg11[%dma_wait3A_399, %dma_wait3A_400] : memref<1024x16xf32, #tpu.memory_space<vmem>> -> memref<128x16xf32, #tpu.memory_space<vmem>>
      %dma_wait3A_402 = arith.constant 0 : i32
      %dma_wait3A_403 = tpu.memref_slice %arg9[%add3A_398, %dma_wait3A_402] : memref<80x128xi32, #tpu.memory_space<vmem>> -> memref<1x128xi32, #tpu.memory_space<vmem>>
      %dma_wait3A_404 = tpu.memref_squeeze %dma_wait3A_403 : memref<1x128xi32, #tpu.memory_space<vmem>> -> memref<128xi32, #tpu.memory_space<vmem>>
      %dma_wait3A_405 = arith.constant 0 : i32
      %dma_wait3A_406 = arith.constant 0 : i32
      %dma_wait3A_407 = tpu.memref_slice %arg12[%dma_wait3A_405, %dma_wait3A_406] : memref<10112x16xf32, #tpu.memory_space<vmem_shared>> -> memref<10112x16xf32, #tpu.memory_space<vmem_shared>>
      tpu.wait_indirect_dma semaphore(%arg17 : memref<!tpu.dma_semaphore, #tpu.memory_space<semaphore_mem>>) src(%dma_wait3A_401 : memref<128x16xf32, #tpu.memory_space<vmem>>) dst(%dma_wait3A_407 : memref<10112x16xf32, #tpu.memory_space<vmem_shared>>)
      %add3A_408 = arith.constant 2 : i32
      %add3A_409 = arith.addi %add3A_34, %add3A_408 : i32
      %dma_wait3A_410 = arith.constant 256 : i32
      %dma_wait3A_411 = arith.constant 0 : i32
      %dma_wait3A_412 = tpu.memref_slice %arg11[%dma_wait3A_410, %dma_wait3A_411] : memref<1024x16xf32, #tpu.memory_space<vmem>> -> memref<128x16xf32, #tpu.memory_space<vmem>>
      %dma_wait3A_413 = arith.constant 0 : i32
      %dma_wait3A_414 = tpu.memref_slice %arg9[%add3A_409, %dma_wait3A_413] : memref<80x128xi32, #tpu.memory_space<vmem>> -> memref<1x128xi32, #tpu.memory_space<vmem>>
      %dma_wait3A_415 = tpu.memref_squeeze %dma_wait3A_414 : memref<1x128xi32, #tpu.memory_space<vmem>> -> memref<128xi32, #tpu.memory_space<vmem>>
      %dma_wait3A_416 = arith.constant 0 : i32
      %dma_wait3A_417 = arith.constant 0 : i32
      %dma_wait3A_418 = tpu.memref_slice %arg12[%dma_wait3A_416, %dma_wait3A_417] : memref<10112x16xf32, #tpu.memory_space<vmem_shared>> -> memref<10112x16xf32, #tpu.memory_space<vmem_shared>>
      tpu.wait_indirect_dma semaphore(%arg17 : memref<!tpu.dma_semaphore, #tpu.memory_space<semaphore_mem>>) src(%dma_wait3A_412 : memref<128x16xf32, #tpu.memory_space<vmem>>) dst(%dma_wait3A_418 : memref<10112x16xf32, #tpu.memory_space<vmem_shared>>)
      %add3A_419 = arith.constant 3 : i32
      %add3A_420 = arith.addi %add3A_34, %add3A_419 : i32
      %dma_wait3A_421 = arith.constant 384 : i32
      %dma_wait3A_422 = arith.constant 0 : i32
      %dma_wait3A_423 = tpu.memref_slice %arg11[%dma_wait3A_421, %dma_wait3A_422] : memref<1024x16xf32, #tpu.memory_space<vmem>> -> memref<128x16xf32, #tpu.memory_space<vmem>>
      %dma_wait3A_424 = arith.constant 0 : i32
      %dma_wait3A_425 = tpu.memref_slice %arg9[%add3A_420, %dma_wait3A_424] : memref<80x128xi32, #tpu.memory_space<vmem>> -> memref<1x128xi32, #tpu.memory_space<vmem>>
      %dma_wait3A_426 = tpu.memref_squeeze %dma_wait3A_425 : memref<1x128xi32, #tpu.memory_space<vmem>> -> memref<128xi32, #tpu.memory_space<vmem>>
      %dma_wait3A_427 = arith.constant 0 : i32
      %dma_wait3A_428 = arith.constant 0 : i32
      %dma_wait3A_429 = tpu.memref_slice %arg12[%dma_wait3A_427, %dma_wait3A_428] : memref<10112x16xf32, #tpu.memory_space<vmem_shared>> -> memref<10112x16xf32, #tpu.memory_space<vmem_shared>>
      tpu.wait_indirect_dma semaphore(%arg17 : memref<!tpu.dma_semaphore, #tpu.memory_space<semaphore_mem>>) src(%dma_wait3A_423 : memref<128x16xf32, #tpu.memory_space<vmem>>) dst(%dma_wait3A_429 : memref<10112x16xf32, #tpu.memory_space<vmem_shared>>)
      %add3A_430 = arith.constant 4 : i32
      %add3A_431 = arith.addi %add3A_34, %add3A_430 : i32
      %dma_wait3A_432 = arith.constant 512 : i32
      %dma_wait3A_433 = arith.constant 0 : i32
      %dma_wait3A_434 = tpu.memref_slice %arg11[%dma_wait3A_432, %dma_wait3A_433] : memref<1024x16xf32, #tpu.memory_space<vmem>> -> memref<128x16xf32, #tpu.memory_space<vmem>>
      %dma_wait3A_435 = arith.constant 0 : i32
      %dma_wait3A_436 = tpu.memref_slice %arg9[%add3A_431, %dma_wait3A_435] : memref<80x128xi32, #tpu.memory_space<vmem>> -> memref<1x128xi32, #tpu.memory_space<vmem>>
      %dma_wait3A_437 = tpu.memref_squeeze %dma_wait3A_436 : memref<1x128xi32, #tpu.memory_space<vmem>> -> memref<128xi32, #tpu.memory_space<vmem>>
      %dma_wait3A_438 = arith.constant 0 : i32
      %dma_wait3A_439 = arith.constant 0 : i32
      %dma_wait3A_440 = tpu.memref_slice %arg12[%dma_wait3A_438, %dma_wait3A_439] : memref<10112x16xf32, #tpu.memory_space<vmem_shared>> -> memref<10112x16xf32, #tpu.memory_space<vmem_shared>>
      tpu.wait_indirect_dma semaphore(%arg17 : memref<!tpu.dma_semaphore, #tpu.memory_space<semaphore_mem>>) src(%dma_wait3A_434 : memref<128x16xf32, #tpu.memory_space<vmem>>) dst(%dma_wait3A_440 : memref<10112x16xf32, #tpu.memory_space<vmem_shared>>)
      %add3A_441 = arith.constant 5 : i32
      %add3A_442 = arith.addi %add3A_34, %add3A_441 : i32
      %dma_wait3A_443 = arith.constant 640 : i32
      %dma_wait3A_444 = arith.constant 0 : i32
      %dma_wait3A_445 = tpu.memref_slice %arg11[%dma_wait3A_443, %dma_wait3A_444] : memref<1024x16xf32, #tpu.memory_space<vmem>> -> memref<128x16xf32, #tpu.memory_space<vmem>>
      %dma_wait3A_446 = arith.constant 0 : i32
      %dma_wait3A_447 = tpu.memref_slice %arg9[%add3A_442, %dma_wait3A_446] : memref<80x128xi32, #tpu.memory_space<vmem>> -> memref<1x128xi32, #tpu.memory_space<vmem>>
      %dma_wait3A_448 = tpu.memref_squeeze %dma_wait3A_447 : memref<1x128xi32, #tpu.memory_space<vmem>> -> memref<128xi32, #tpu.memory_space<vmem>>
      %dma_wait3A_449 = arith.constant 0 : i32
      %dma_wait3A_450 = arith.constant 0 : i32
      %dma_wait3A_451 = tpu.memref_slice %arg12[%dma_wait3A_449, %dma_wait3A_450] : memref<10112x16xf32, #tpu.memory_space<vmem_shared>> -> memref<10112x16xf32, #tpu.memory_space<vmem_shared>>
      tpu.wait_indirect_dma semaphore(%arg17 : memref<!tpu.dma_semaphore, #tpu.memory_space<semaphore_mem>>) src(%dma_wait3A_445 : memref<128x16xf32, #tpu.memory_space<vmem>>) dst(%dma_wait3A_451 : memref<10112x16xf32, #tpu.memory_space<vmem_shared>>)
      %add3A_452 = arith.constant 6 : i32
      %add3A_453 = arith.addi %add3A_34, %add3A_452 : i32
      %dma_wait3A_454 = arith.constant 768 : i32
      %dma_wait3A_455 = arith.constant 0 : i32
      %dma_wait3A_456 = tpu.memref_slice %arg11[%dma_wait3A_454, %dma_wait3A_455] : memref<1024x16xf32, #tpu.memory_space<vmem>> -> memref<128x16xf32, #tpu.memory_space<vmem>>
      %dma_wait3A_457 = arith.constant 0 : i32
      %dma_wait3A_458 = tpu.memref_slice %arg9[%add3A_453, %dma_wait3A_457] : memref<80x128xi32, #tpu.memory_space<vmem>> -> memref<1x128xi32, #tpu.memory_space<vmem>>
      %dma_wait3A_459 = tpu.memref_squeeze %dma_wait3A_458 : memref<1x128xi32, #tpu.memory_space<vmem>> -> memref<128xi32, #tpu.memory_space<vmem>>
      %dma_wait3A_460 = arith.constant 0 : i32
      %dma_wait3A_461 = arith.constant 0 : i32
      %dma_wait3A_462 = tpu.memref_slice %arg12[%dma_wait3A_460, %dma_wait3A_461] : memref<10112x16xf32, #tpu.memory_space<vmem_shared>> -> memref<10112x16xf32, #tpu.memory_space<vmem_shared>>
      tpu.wait_indirect_dma semaphore(%arg17 : memref<!tpu.dma_semaphore, #tpu.memory_space<semaphore_mem>>) src(%dma_wait3A_456 : memref<128x16xf32, #tpu.memory_space<vmem>>) dst(%dma_wait3A_462 : memref<10112x16xf32, #tpu.memory_space<vmem_shared>>)
      %add3A_463 = arith.constant 7 : i32
      %add3A_464 = arith.addi %add3A_34, %add3A_463 : i32
      %dma_wait3A_465 = arith.constant 896 : i32
      %dma_wait3A_466 = arith.constant 0 : i32
      %dma_wait3A_467 = tpu.memref_slice %arg11[%dma_wait3A_465, %dma_wait3A_466] : memref<1024x16xf32, #tpu.memory_space<vmem>> -> memref<128x16xf32, #tpu.memory_space<vmem>>
      %dma_wait3A_468 = arith.constant 0 : i32
      %dma_wait3A_469 = tpu.memref_slice %arg9[%add3A_464, %dma_wait3A_468] : memref<80x128xi32, #tpu.memory_space<vmem>> -> memref<1x128xi32, #tpu.memory_space<vmem>>
      %dma_wait3A_470 = tpu.memref_squeeze %dma_wait3A_469 : memref<1x128xi32, #tpu.memory_space<vmem>> -> memref<128xi32, #tpu.memory_space<vmem>>
      %dma_wait3A_471 = arith.constant 0 : i32
      %dma_wait3A_472 = arith.constant 0 : i32
      %dma_wait3A_473 = tpu.memref_slice %arg12[%dma_wait3A_471, %dma_wait3A_472] : memref<10112x16xf32, #tpu.memory_space<vmem_shared>> -> memref<10112x16xf32, #tpu.memory_space<vmem_shared>>
      tpu.wait_indirect_dma semaphore(%arg17 : memref<!tpu.dma_semaphore, #tpu.memory_space<semaphore_mem>>) src(%dma_wait3A_467 : memref<128x16xf32, #tpu.memory_space<vmem>>) dst(%dma_wait3A_473 : memref<10112x16xf32, #tpu.memory_space<vmem_shared>>)
    }
    %scan3A_19 = arith.constant 5 : i32
    %barrier3A_20 = arith.constant 0 : index
    tpu.barrier barrier_id(%barrier3A_20)
    %eq3A = arith.constant 0 : i32
    %eq3A_21 = arith.cmpi eq, %arg0, %eq3A : i32
    %convert_element_type3A = arith.extui %eq3A_21 : i1 to i32
    %cond3A = arith.constant 0 : i32
    %cond3A_22 = arith.cmpi ne, %convert_element_type3A, %cond3A : i32
    scf.if %cond3A_22 {
      %mul3A_28 = arith.constant 632 : i32
      %mul3A_29 = arith.muli %arg1, %mul3A_28 : i32
      %mul3A_30 = arith.constant 632 : i32
      %mul3A_31 = arith.muli %arg1, %mul3A_30 : i32
      "tpu.region"() ({
        %run_scoped3A = tpu.sem_alloc : memref<!tpu.dma_semaphore, #tpu.memory_space<semaphore_mem>>
        %dma_start3A_32 = arith.constant 0 : i32
        %dma_start3A_33 = tpu.memref_slice %arg6[%mul3A_31, %dma_start3A_32] : memref<10112x16xf32, #tpu.memory_space<hbm>> -> memref<632x16xf32, #tpu.memory_space<hbm>>
        %dma_start3A_34 = arith.constant 0 : i32
        %dma_start3A_35 = tpu.memref_slice %arg12[%mul3A_29, %dma_start3A_34] : memref<10112x16xf32, #tpu.memory_space<vmem_shared>> -> memref<632x16xf32, #tpu.memory_space<vmem_shared>>
        tpu.enqueue_dma source(%dma_start3A_35 : memref<632x16xf32, #tpu.memory_space<vmem_shared>>) target(%dma_start3A_33 : memref<632x16xf32, #tpu.memory_space<hbm>>) target_semaphore(%run_scoped3A : memref<!tpu.dma_semaphore, #tpu.memory_space<semaphore_mem>>)
        %dma_wait3A = arith.constant 0 : i32
        %dma_wait3A_36 = tpu.memref_slice %arg6[%mul3A_31, %dma_wait3A] : memref<10112x16xf32, #tpu.memory_space<hbm>> -> memref<632x16xf32, #tpu.memory_space<hbm>>
        %dma_wait3A_37 = arith.constant 0 : i32
        %dma_wait3A_38 = tpu.memref_slice %arg12[%mul3A_29, %dma_wait3A_37] : memref<10112x16xf32, #tpu.memory_space<vmem_shared>> -> memref<632x16xf32, #tpu.memory_space<vmem_shared>>
        tpu.wait_dma2 semaphore(%run_scoped3A : memref<!tpu.dma_semaphore, #tpu.memory_space<semaphore_mem>>) src(%dma_wait3A_38 : memref<632x16xf32, #tpu.memory_space<vmem_shared>>) dst(%dma_wait3A_36 : memref<632x16xf32, #tpu.memory_space<hbm>>)
        tpu.yield
      }) : () -> ()
    } else {
    }
    %eq3A_23 = arith.constant 1 : i32
    %eq3A_24 = arith.cmpi eq, %arg0, %eq3A_23 : i32
    %convert_element_type3A_25 = arith.extui %eq3A_24 : i1 to i32
    %cond3A_26 = arith.constant 0 : i32
    %cond3A_27 = arith.cmpi ne, %convert_element_type3A_25, %cond3A_26 : i32
    scf.if %cond3A_27 {
      %mul3A_28 = arith.constant 632 : i32
      %mul3A_29 = arith.muli %arg1, %mul3A_28 : i32
      %mul3A_30 = arith.constant 632 : i32
      %mul3A_31 = arith.muli %arg1, %mul3A_30 : i32
      "tpu.region"() ({
        %run_scoped3A = tpu.sem_alloc : memref<!tpu.dma_semaphore, #tpu.memory_space<semaphore_mem>>
        %dma_start3A_32 = arith.constant 0 : i32
        %dma_start3A_33 = tpu.memref_slice %arg7[%mul3A_31, %dma_start3A_32] : memref<10112x16xf32, #tpu.memory_space<hbm>> -> memref<632x16xf32, #tpu.memory_space<hbm>>
        %dma_start3A_34 = arith.constant 0 : i32
        %dma_start3A_35 = tpu.memref_slice %arg12[%mul3A_29, %dma_start3A_34] : memref<10112x16xf32, #tpu.memory_space<vmem_shared>> -> memref<632x16xf32, #tpu.memory_space<vmem_shared>>
        tpu.enqueue_dma source(%dma_start3A_35 : memref<632x16xf32, #tpu.memory_space<vmem_shared>>) target(%dma_start3A_33 : memref<632x16xf32, #tpu.memory_space<hbm>>) target_semaphore(%run_scoped3A : memref<!tpu.dma_semaphore, #tpu.memory_space<semaphore_mem>>)
        %dma_wait3A = arith.constant 0 : i32
        %dma_wait3A_36 = tpu.memref_slice %arg7[%mul3A_31, %dma_wait3A] : memref<10112x16xf32, #tpu.memory_space<hbm>> -> memref<632x16xf32, #tpu.memory_space<hbm>>
        %dma_wait3A_37 = arith.constant 0 : i32
        %dma_wait3A_38 = tpu.memref_slice %arg12[%mul3A_29, %dma_wait3A_37] : memref<10112x16xf32, #tpu.memory_space<vmem_shared>> -> memref<632x16xf32, #tpu.memory_space<vmem_shared>>
        tpu.wait_dma2 semaphore(%run_scoped3A : memref<!tpu.dma_semaphore, #tpu.memory_space<semaphore_mem>>) src(%dma_wait3A_38 : memref<632x16xf32, #tpu.memory_space<vmem_shared>>) dst(%dma_wait3A_36 : memref<632x16xf32, #tpu.memory_space<hbm>>)
        tpu.yield
      }) : () -> ()
    } else {
    }
    return
  }
}

#map = affine_map<(d0, d1) -> (0, 0)>
#map1 = affine_map<(d0, d1) -> (0, 0, 0)>
module attributes {stable_mosaic.version = 14 : i64} {
  func.func @scatter_kernel(%arg0: i32, %arg1: i32, %arg2: memref<10112x16xf32, #tpu.memory_space<hbm>>, %arg3: memref<32x10x1024xi32, #tpu.memory_space<hbm>>, %arg4: memref<32x80x128xi32, #tpu.memory_space<hbm>>, %arg5: memref<10112x16xf32, #tpu.memory_space<hbm>>, %arg6: memref<10112x16xf32, #tpu.memory_space<hbm>>, %arg7: memref<10112x16xf32, #tpu.memory_space<hbm>>, %arg8: memref<10x1024xi32, #tpu.memory_space<vmem>>, %arg9: memref<80x128xi32, #tpu.memory_space<vmem>>, %arg10: memref<1024x16xf32, #tpu.memory_space<vmem>>, %arg11: memref<1024x16xf32, #tpu.memory_space<vmem>>, %arg12: memref<10112x16xf32, #tpu.memory_space<vmem_shared>>, %arg13: memref<10112x16xf32, #tpu.memory_space<vmem_shared>>, %arg14: memref<!tpu.dma_semaphore, #tpu.memory_space<semaphore_mem>>, %arg15: memref<!tpu.dma_semaphore, #tpu.memory_space<semaphore_mem>>, %arg16: memref<!tpu.dma_semaphore, #tpu.memory_space<semaphore_mem>>, %arg17: memref<!tpu.dma_semaphore, #tpu.memory_space<semaphore_mem>>) attributes {dimension_semantics = [#tpu.dimension_semantics<core_parallel>, #tpu.dimension_semantics<subcore_parallel>], iteration_bounds = array<i64: 2, 16>, scalar_prefetch = 0 : i64, scratch_operands = 10 : i64, tpu.core_type = #tpu.core_type<sc_vector_subcore>, window_params = [{transform_indices = #map}, {transform_indices = #map1}, {transform_indices = #map1}, {transform_indices = #map}, {transform_indices = #map}, {transform_indices = #map}]} {
    %mul3A = arith.constant 16 : i32
    %mul3A_0 = arith.muli %arg0, %mul3A : i32
    %add3A = arith.addi %mul3A_0, %arg1 : i32
    %mul3A_1 = arith.constant 632 : i32
    %mul3A_2 = arith.muli %arg1, %mul3A_1 : i32
    %mul3A_3 = arith.constant 632 : i32
    %mul3A_4 = arith.muli %arg1, %mul3A_3 : i32
    "tpu.region"() ({
      %run_scoped3A = tpu.sem_alloc : memref<!tpu.dma_semaphore, #tpu.memory_space<semaphore_mem>>
      %dma_start3A_28 = arith.constant 0 : i32
      %dma_start3A_29 = tpu.memref_slice %arg12[%mul3A_4, %dma_start3A_28] : memref<10112x16xf32, #tpu.memory_space<vmem_shared>> -> memref<632x16xf32, #tpu.memory_space<vmem_shared>>
      %dma_start3A_30 = arith.constant 0 : i32
      %dma_start3A_31 = tpu.memref_slice %arg5[%mul3A_2, %dma_start3A_30] : memref<10112x16xf32, #tpu.memory_space<hbm>> -> memref<632x16xf32, #tpu.memory_space<hbm>>
      tpu.enqueue_dma source(%dma_start3A_31 : memref<632x16xf32, #tpu.memory_space<hbm>>) target(%dma_start3A_29 : memref<632x16xf32, #tpu.memory_space<vmem_shared>>) target_semaphore(%run_scoped3A : memref<!tpu.dma_semaphore, #tpu.memory_space<semaphore_mem>>)
      %dma_wait3A = arith.constant 0 : i32
      %dma_wait3A_32 = tpu.memref_slice %arg12[%mul3A_4, %dma_wait3A] : memref<10112x16xf32, #tpu.memory_space<vmem_shared>> -> memref<632x16xf32, #tpu.memory_space<vmem_shared>>
      %dma_wait3A_33 = arith.constant 0 : i32
      %dma_wait3A_34 = tpu.memref_slice %arg5[%mul3A_2, %dma_wait3A_33] : memref<10112x16xf32, #tpu.memory_space<hbm>> -> memref<632x16xf32, #tpu.memory_space<hbm>>
      tpu.wait_dma2 semaphore(%run_scoped3A : memref<!tpu.dma_semaphore, #tpu.memory_space<semaphore_mem>>) src(%dma_wait3A_34 : memref<632x16xf32, #tpu.memory_space<hbm>>) dst(%dma_wait3A_32 : memref<632x16xf32, #tpu.memory_space<vmem_shared>>)
      tpu.yield
    }) : () -> ()
    %mul3A_5 = arith.constant 632 : i32
    %mul3A_6 = arith.muli %arg1, %mul3A_5 : i32
    %mul3A_7 = arith.constant 632 : i32
    %mul3A_8 = arith.muli %arg1, %mul3A_7 : i32
    "tpu.region"() ({
      %run_scoped3A = tpu.sem_alloc : memref<!tpu.dma_semaphore, #tpu.memory_space<semaphore_mem>>
      %dma_start3A_28 = arith.constant 0 : i32
      %dma_start3A_29 = tpu.memref_slice %arg13[%mul3A_8, %dma_start3A_28] : memref<10112x16xf32, #tpu.memory_space<vmem_shared>> -> memref<632x16xf32, #tpu.memory_space<vmem_shared>>
      %dma_start3A_30 = arith.constant 0 : i32
      %dma_start3A_31 = tpu.memref_slice %arg2[%mul3A_6, %dma_start3A_30] : memref<10112x16xf32, #tpu.memory_space<hbm>> -> memref<632x16xf32, #tpu.memory_space<hbm>>
      tpu.enqueue_dma source(%dma_start3A_31 : memref<632x16xf32, #tpu.memory_space<hbm>>) target(%dma_start3A_29 : memref<632x16xf32, #tpu.memory_space<vmem_shared>>) target_semaphore(%run_scoped3A : memref<!tpu.dma_semaphore, #tpu.memory_space<semaphore_mem>>)
      %dma_wait3A = arith.constant 0 : i32
      %dma_wait3A_32 = tpu.memref_slice %arg13[%mul3A_8, %dma_wait3A] : memref<10112x16xf32, #tpu.memory_space<vmem_shared>> -> memref<632x16xf32, #tpu.memory_space<vmem_shared>>
      %dma_wait3A_33 = arith.constant 0 : i32
      %dma_wait3A_34 = tpu.memref_slice %arg2[%mul3A_6, %dma_wait3A_33] : memref<10112x16xf32, #tpu.memory_space<hbm>> -> memref<632x16xf32, #tpu.memory_space<hbm>>
      tpu.wait_dma2 semaphore(%run_scoped3A : memref<!tpu.dma_semaphore, #tpu.memory_space<semaphore_mem>>) src(%dma_wait3A_34 : memref<632x16xf32, #tpu.memory_space<hbm>>) dst(%dma_wait3A_32 : memref<632x16xf32, #tpu.memory_space<vmem_shared>>)
      tpu.yield
    }) : () -> ()
    "tpu.region"() ({
      %run_scoped3A = tpu.sem_alloc : memref<!tpu.dma_semaphore, #tpu.memory_space<semaphore_mem>>
      %dma_start3A_28 = arith.constant 0 : i32
      %dma_start3A_29 = arith.constant 0 : i32
      %dma_start3A_30 = tpu.memref_slice %arg3[%add3A, %dma_start3A_28, %dma_start3A_29] : memref<32x10x1024xi32, #tpu.memory_space<hbm>> -> memref<1x10x1024xi32, #tpu.memory_space<hbm>>
      %dma_start3A_31 = tpu.memref_squeeze %dma_start3A_30 : memref<1x10x1024xi32, #tpu.memory_space<hbm>> -> memref<10x1024xi32, #tpu.memory_space<hbm>>
      %dma_start3A_32 = arith.constant 0 : i32
      %dma_start3A_33 = arith.constant 0 : i32
      %dma_start3A_34 = tpu.memref_slice %arg3[%add3A, %dma_start3A_32, %dma_start3A_33] : memref<32x10x1024xi32, #tpu.memory_space<hbm>> -> memref<1x10x1024xi32, #tpu.memory_space<hbm>>
      %dma_start3A_35 = tpu.memref_squeeze %dma_start3A_34 : memref<1x10x1024xi32, #tpu.memory_space<hbm>> -> memref<10x1024xi32, #tpu.memory_space<hbm>>
      tpu.enqueue_dma source(%dma_start3A_35 : memref<10x1024xi32, #tpu.memory_space<hbm>>) target(%arg8 : memref<10x1024xi32, #tpu.memory_space<vmem>>) target_semaphore(%run_scoped3A : memref<!tpu.dma_semaphore, #tpu.memory_space<semaphore_mem>>)
      %dma_wait3A = arith.constant 0 : i32
      %dma_wait3A_36 = arith.constant 0 : i32
      %dma_wait3A_37 = tpu.memref_slice %arg3[%add3A, %dma_wait3A, %dma_wait3A_36] : memref<32x10x1024xi32, #tpu.memory_space<hbm>> -> memref<1x10x1024xi32, #tpu.memory_space<hbm>>
      %dma_wait3A_38 = tpu.memref_squeeze %dma_wait3A_37 : memref<1x10x1024xi32, #tpu.memory_space<hbm>> -> memref<10x1024xi32, #tpu.memory_space<hbm>>
      %dma_wait3A_39 = arith.constant 0 : i32
      %dma_wait3A_40 = arith.constant 0 : i32
      %dma_wait3A_41 = tpu.memref_slice %arg3[%add3A, %dma_wait3A_39, %dma_wait3A_40] : memref<32x10x1024xi32, #tpu.memory_space<hbm>> -> memref<1x10x1024xi32, #tpu.memory_space<hbm>>
      %dma_wait3A_42 = tpu.memref_squeeze %dma_wait3A_41 : memref<1x10x1024xi32, #tpu.memory_space<hbm>> -> memref<10x1024xi32, #tpu.memory_space<hbm>>
      tpu.wait_dma2 semaphore(%run_scoped3A : memref<!tpu.dma_semaphore, #tpu.memory_space<semaphore_mem>>) src(%dma_wait3A_42 : memref<10x1024xi32, #tpu.memory_space<hbm>>) dst(%arg8 : memref<10x1024xi32, #tpu.memory_space<vmem>>)
      tpu.yield
    }) : () -> ()
    "tpu.region"() ({
      %run_scoped3A = tpu.sem_alloc : memref<!tpu.dma_semaphore, #tpu.memory_space<semaphore_mem>>
      %dma_start3A_28 = arith.constant 0 : i32
      %dma_start3A_29 = arith.constant 0 : i32
      %dma_start3A_30 = tpu.memref_slice %arg4[%add3A, %dma_start3A_28, %dma_start3A_29] : memref<32x80x128xi32, #tpu.memory_space<hbm>> -> memref<1x80x128xi32, #tpu.memory_space<hbm>>
      %dma_start3A_31 = tpu.memref_squeeze %dma_start3A_30 : memref<1x80x128xi32, #tpu.memory_space<hbm>> -> memref<80x128xi32, #tpu.memory_space<hbm>>
      %dma_start3A_32 = arith.constant 0 : i32
      %dma_start3A_33 = arith.constant 0 : i32
      %dma_start3A_34 = tpu.memref_slice %arg4[%add3A, %dma_start3A_32, %dma_start3A_33] : memref<32x80x128xi32, #tpu.memory_space<hbm>> -> memref<1x80x128xi32, #tpu.memory_space<hbm>>
      %dma_start3A_35 = tpu.memref_squeeze %dma_start3A_34 : memref<1x80x128xi32, #tpu.memory_space<hbm>> -> memref<80x128xi32, #tpu.memory_space<hbm>>
      tpu.enqueue_dma source(%dma_start3A_35 : memref<80x128xi32, #tpu.memory_space<hbm>>) target(%arg9 : memref<80x128xi32, #tpu.memory_space<vmem>>) target_semaphore(%run_scoped3A : memref<!tpu.dma_semaphore, #tpu.memory_space<semaphore_mem>>)
      %dma_wait3A = arith.constant 0 : i32
      %dma_wait3A_36 = arith.constant 0 : i32
      %dma_wait3A_37 = tpu.memref_slice %arg4[%add3A, %dma_wait3A, %dma_wait3A_36] : memref<32x80x128xi32, #tpu.memory_space<hbm>> -> memref<1x80x128xi32, #tpu.memory_space<hbm>>
      %dma_wait3A_38 = tpu.memref_squeeze %dma_wait3A_37 : memref<1x80x128xi32, #tpu.memory_space<hbm>> -> memref<80x128xi32, #tpu.memory_space<hbm>>
      %dma_wait3A_39 = arith.constant 0 : i32
      %dma_wait3A_40 = arith.constant 0 : i32
      %dma_wait3A_41 = tpu.memref_slice %arg4[%add3A, %dma_wait3A_39, %dma_wait3A_40] : memref<32x80x128xi32, #tpu.memory_space<hbm>> -> memref<1x80x128xi32, #tpu.memory_space<hbm>>
      %dma_wait3A_42 = tpu.memref_squeeze %dma_wait3A_41 : memref<1x80x128xi32, #tpu.memory_space<hbm>> -> memref<80x128xi32, #tpu.memory_space<hbm>>
      tpu.wait_dma2 semaphore(%run_scoped3A : memref<!tpu.dma_semaphore, #tpu.memory_space<semaphore_mem>>) src(%dma_wait3A_42 : memref<80x128xi32, #tpu.memory_space<hbm>>) dst(%arg9 : memref<80x128xi32, #tpu.memory_space<vmem>>)
      tpu.yield
    }) : () -> ()
    %barrier3A = arith.constant 0 : index
    tpu.barrier barrier_id(%barrier3A)
    %dma_start3A = arith.constant 0 : i32
    %dma_start3A_9 = arith.constant 0 : i32
    %dma_start3A_10 = tpu.memref_slice %arg8[%dma_start3A, %dma_start3A_9] : memref<10x1024xi32, #tpu.memory_space<vmem>> -> memref<1x1024xi32, #tpu.memory_space<vmem>>
    %dma_start3A_11 = tpu.memref_squeeze %dma_start3A_10 : memref<1x1024xi32, #tpu.memory_space<vmem>> -> memref<1024xi32, #tpu.memory_space<vmem>>
    %dma_start3A_12 = arith.constant 0 : i32
    %dma_start3A_13 = arith.constant 0 : i32
    %dma_start3A_14 = tpu.memref_slice %arg13[%dma_start3A_12, %dma_start3A_13] : memref<10112x16xf32, #tpu.memory_space<vmem_shared>> -> memref<10112x16xf32, #tpu.memory_space<vmem_shared>>
    tpu.enqueue_indirect_dma source(%dma_start3A_14 : memref<10112x16xf32, #tpu.memory_space<vmem_shared>>) target(%arg10 : memref<1024x16xf32, #tpu.memory_space<vmem>>) offsets(%dma_start3A_11 : memref<1024xi32, #tpu.memory_space<vmem>>) semaphore(%arg14 : memref<!tpu.dma_semaphore, #tpu.memory_space<semaphore_mem>>)
    %scan3A = arith.constant 0 : i32
    %scan3A_15 = arith.constant 0 : i32
    %scan3A_16 = arith.constant 5 : i32
    %scan3A_17 = arith.addi %scan3A_15, %scan3A_16 : i32
    %scan3A_18 = arith.constant 1 : i32
    scf.for %scan3A_28 = %scan3A_15 to %scan3A_17 step %scan3A_18  : i32 {
      %mul3A_29 = arith.constant 2 : i32
      %mul3A_30 = arith.muli %scan3A_28, %mul3A_29 : i32
      %mul3A_31 = arith.constant 8 : i32
      %mul3A_32 = arith.muli %mul3A_30, %mul3A_31 : i32
      %add3A_33 = arith.constant 8 : i32
      %add3A_34 = arith.addi %mul3A_32, %add3A_33 : i32
      %jit3A = arith.constant 8 : i32
      %div3A = arith.divsi %mul3A_32, %jit3A : i32
      %sign3A = arith.constant 0 : i32
      %sign3A_35 = arith.cmpi sgt, %mul3A_32, %sign3A : i32
      %sign3A_36 = arith.extui %sign3A_35 : i1 to i32
      %sign3A_37 = arith.constant 0 : i32
      %sign3A_38 = arith.cmpi slt, %mul3A_32, %sign3A_37 : i32
      %sign3A_39 = arith.extui %sign3A_38 : i1 to i32
      %sign3A_40 = arith.subi %sign3A_36, %sign3A_39 : i32
      %sign3A_41 = arith.constant 0 : i32
      %sign3A_42 = arith.cmpi sgt, %jit3A, %sign3A_41 : i32
      %sign3A_43 = arith.extui %sign3A_42 : i1 to i32
      %sign3A_44 = arith.constant 0 : i32
      %sign3A_45 = arith.cmpi slt, %jit3A, %sign3A_44 : i32
      %sign3A_46 = arith.extui %sign3A_45 : i1 to i32
      %sign3A_47 = arith.subi %sign3A_43, %sign3A_46 : i32
      %ne3A = arith.cmpi ne, %sign3A_40, %sign3A_47 : i32
      %rem3A = arith.remsi %mul3A_32, %jit3A : i32
      %ne3A_48 = arith.constant 0 : i32
      %ne3A_49 = arith.cmpi ne, %rem3A, %ne3A_48 : i32
      %and3A = arith.andi %ne3A, %ne3A_49 : i1
      %sub3A = arith.constant 1 : i32
      %sub3A_50 = arith.subi %div3A, %sub3A : i32
      %select_n3A = arith.select %and3A, %sub3A_50, %div3A : i32
      %dma_wait3A = arith.constant 0 : i32
      %dma_wait3A_51 = tpu.memref_slice %arg8[%select_n3A, %dma_wait3A] : memref<10x1024xi32, #tpu.memory_space<vmem>> -> memref<1x1024xi32, #tpu.memory_space<vmem>>
      %dma_wait3A_52 = tpu.memref_squeeze %dma_wait3A_51 : memref<1x1024xi32, #tpu.memory_space<vmem>> -> memref<1024xi32, #tpu.memory_space<vmem>>
      %dma_wait3A_53 = arith.constant 0 : i32
      %dma_wait3A_54 = arith.constant 0 : i32
      %dma_wait3A_55 = tpu.memref_slice %arg13[%dma_wait3A_53, %dma_wait3A_54] : memref<10112x16xf32, #tpu.memory_space<vmem_shared>> -> memref<10112x16xf32, #tpu.memory_space<vmem_shared>>
      tpu.wait_indirect_dma semaphore(%arg14 : memref<!tpu.dma_semaphore, #tpu.memory_space<semaphore_mem>>) src(%dma_wait3A_55 : memref<10112x16xf32, #tpu.memory_space<vmem_shared>>) dst(%arg10 : memref<1024x16xf32, #tpu.memory_space<vmem>>)
      %jit3A_56 = arith.constant 8 : i32
      %div3A_57 = arith.divsi %add3A_34, %jit3A_56 : i32
      %sign3A_58 = arith.constant 0 : i32
      %sign3A_59 = arith.cmpi sgt, %add3A_34, %sign3A_58 : i32
      %sign3A_60 = arith.extui %sign3A_59 : i1 to i32
      %sign3A_61 = arith.constant 0 : i32
      %sign3A_62 = arith.cmpi slt, %add3A_34, %sign3A_61 : i32
      %sign3A_63 = arith.extui %sign3A_62 : i1 to i32
      %sign3A_64 = arith.subi %sign3A_60, %sign3A_63 : i32
      %sign3A_65 = arith.constant 0 : i32
      %sign3A_66 = arith.cmpi sgt, %jit3A_56, %sign3A_65 : i32
      %sign3A_67 = arith.extui %sign3A_66 : i1 to i32
      %sign3A_68 = arith.constant 0 : i32
      %sign3A_69 = arith.cmpi slt, %jit3A_56, %sign3A_68 : i32
      %sign3A_70 = arith.extui %sign3A_69 : i1 to i32
      %sign3A_71 = arith.subi %sign3A_67, %sign3A_70 : i32
      %ne3A_72 = arith.cmpi ne, %sign3A_64, %sign3A_71 : i32
      %rem3A_73 = arith.remsi %add3A_34, %jit3A_56 : i32
      %ne3A_74 = arith.constant 0 : i32
      %ne3A_75 = arith.cmpi ne, %rem3A_73, %ne3A_74 : i32
      %and3A_76 = arith.andi %ne3A_72, %ne3A_75 : i1
      %sub3A_77 = arith.constant 1 : i32
      %sub3A_78 = arith.subi %div3A_57, %sub3A_77 : i32
      %select_n3A_79 = arith.select %and3A_76, %sub3A_78, %div3A_57 : i32
      %dma_start3A_80 = arith.constant 0 : i32
      %dma_start3A_81 = tpu.memref_slice %arg8[%select_n3A_79, %dma_start3A_80] : memref<10x1024xi32, #tpu.memory_space<vmem>> -> memref<1x1024xi32, #tpu.memory_space<vmem>>
      %dma_start3A_82 = tpu.memref_squeeze %dma_start3A_81 : memref<1x1024xi32, #tpu.memory_space<vmem>> -> memref<1024xi32, #tpu.memory_space<vmem>>
      %dma_start3A_83 = arith.constant 0 : i32
      %dma_start3A_84 = arith.constant 0 : i32
      %dma_start3A_85 = tpu.memref_slice %arg13[%dma_start3A_83, %dma_start3A_84] : memref<10112x16xf32, #tpu.memory_space<vmem_shared>> -> memref<10112x16xf32, #tpu.memory_space<vmem_shared>>
      tpu.enqueue_indirect_dma source(%dma_start3A_85 : memref<10112x16xf32, #tpu.memory_space<vmem_shared>>) target(%arg11 : memref<1024x16xf32, #tpu.memory_space<vmem>>) offsets(%dma_start3A_82 : memref<1024xi32, #tpu.memory_space<vmem>>) semaphore(%arg15 : memref<!tpu.dma_semaphore, #tpu.memory_space<semaphore_mem>>)
      %add3A_86 = arith.constant 0 : i32
      %add3A_87 = arith.addi %mul3A_32, %add3A_86 : i32
      %dma_start3A_88 = arith.constant 0 : i32
      %dma_start3A_89 = arith.constant 0 : i32
      %dma_start3A_90 = tpu.memref_slice %arg10[%dma_start3A_88, %dma_start3A_89] : memref<1024x16xf32, #tpu.memory_space<vmem>> -> memref<128x16xf32, #tpu.memory_space<vmem>>
      %dma_start3A_91 = arith.constant 0 : i32
      %dma_start3A_92 = tpu.memref_slice %arg9[%add3A_87, %dma_start3A_91] : memref<80x128xi32, #tpu.memory_space<vmem>> -> memref<1x128xi32, #tpu.memory_space<vmem>>
      %dma_start3A_93 = tpu.memref_squeeze %dma_start3A_92 : memref<1x128xi32, #tpu.memory_space<vmem>> -> memref<128xi32, #tpu.memory_space<vmem>>
      %dma_start3A_94 = arith.constant 0 : i32
      %dma_start3A_95 = arith.constant 0 : i32
      %dma_start3A_96 = tpu.memref_slice %arg12[%dma_start3A_94, %dma_start3A_95] : memref<10112x16xf32, #tpu.memory_space<vmem_shared>> -> memref<10112x16xf32, #tpu.memory_space<vmem_shared>>
      tpu.enqueue_indirect_dma source(%dma_start3A_90 : memref<128x16xf32, #tpu.memory_space<vmem>>) target(%dma_start3A_96 : memref<10112x16xf32, #tpu.memory_space<vmem_shared>>) offsets(%dma_start3A_93 : memref<128xi32, #tpu.memory_space<vmem>>) semaphore(%arg16 : memref<!tpu.dma_semaphore, #tpu.memory_space<semaphore_mem>>) {add = true}
      %add3A_97 = arith.constant 1 : i32
      %add3A_98 = arith.addi %mul3A_32, %add3A_97 : i32
      %dma_start3A_99 = arith.constant 128 : i32
      %dma_start3A_100 = arith.constant 0 : i32
      %dma_start3A_101 = tpu.memref_slice %arg10[%dma_start3A_99, %dma_start3A_100] : memref<1024x16xf32, #tpu.memory_space<vmem>> -> memref<128x16xf32, #tpu.memory_space<vmem>>
      %dma_start3A_102 = arith.constant 0 : i32
      %dma_start3A_103 = tpu.memref_slice %arg9[%add3A_98, %dma_start3A_102] : memref<80x128xi32, #tpu.memory_space<vmem>> -> memref<1x128xi32, #tpu.memory_space<vmem>>
      %dma_start3A_104 = tpu.memref_squeeze %dma_start3A_103 : memref<1x128xi32, #tpu.memory_space<vmem>> -> memref<128xi32, #tpu.memory_space<vmem>>
      %dma_start3A_105 = arith.constant 0 : i32
      %dma_start3A_106 = arith.constant 0 : i32
      %dma_start3A_107 = tpu.memref_slice %arg12[%dma_start3A_105, %dma_start3A_106] : memref<10112x16xf32, #tpu.memory_space<vmem_shared>> -> memref<10112x16xf32, #tpu.memory_space<vmem_shared>>
      tpu.enqueue_indirect_dma source(%dma_start3A_101 : memref<128x16xf32, #tpu.memory_space<vmem>>) target(%dma_start3A_107 : memref<10112x16xf32, #tpu.memory_space<vmem_shared>>) offsets(%dma_start3A_104 : memref<128xi32, #tpu.memory_space<vmem>>) semaphore(%arg16 : memref<!tpu.dma_semaphore, #tpu.memory_space<semaphore_mem>>) {add = true}
      %add3A_108 = arith.constant 2 : i32
      %add3A_109 = arith.addi %mul3A_32, %add3A_108 : i32
      %dma_start3A_110 = arith.constant 256 : i32
      %dma_start3A_111 = arith.constant 0 : i32
      %dma_start3A_112 = tpu.memref_slice %arg10[%dma_start3A_110, %dma_start3A_111] : memref<1024x16xf32, #tpu.memory_space<vmem>> -> memref<128x16xf32, #tpu.memory_space<vmem>>
      %dma_start3A_113 = arith.constant 0 : i32
      %dma_start3A_114 = tpu.memref_slice %arg9[%add3A_109, %dma_start3A_113] : memref<80x128xi32, #tpu.memory_space<vmem>> -> memref<1x128xi32, #tpu.memory_space<vmem>>
      %dma_start3A_115 = tpu.memref_squeeze %dma_start3A_114 : memref<1x128xi32, #tpu.memory_space<vmem>> -> memref<128xi32, #tpu.memory_space<vmem>>
      %dma_start3A_116 = arith.constant 0 : i32
      %dma_start3A_117 = arith.constant 0 : i32
      %dma_start3A_118 = tpu.memref_slice %arg12[%dma_start3A_116, %dma_start3A_117] : memref<10112x16xf32, #tpu.memory_space<vmem_shared>> -> memref<10112x16xf32, #tpu.memory_space<vmem_shared>>
      tpu.enqueue_indirect_dma source(%dma_start3A_112 : memref<128x16xf32, #tpu.memory_space<vmem>>) target(%dma_start3A_118 : memref<10112x16xf32, #tpu.memory_space<vmem_shared>>) offsets(%dma_start3A_115 : memref<128xi32, #tpu.memory_space<vmem>>) semaphore(%arg16 : memref<!tpu.dma_semaphore, #tpu.memory_space<semaphore_mem>>) {add = true}
      %add3A_119 = arith.constant 3 : i32
      %add3A_120 = arith.addi %mul3A_32, %add3A_119 : i32
      %dma_start3A_121 = arith.constant 384 : i32
      %dma_start3A_122 = arith.constant 0 : i32
      %dma_start3A_123 = tpu.memref_slice %arg10[%dma_start3A_121, %dma_start3A_122] : memref<1024x16xf32, #tpu.memory_space<vmem>> -> memref<128x16xf32, #tpu.memory_space<vmem>>
      %dma_start3A_124 = arith.constant 0 : i32
      %dma_start3A_125 = tpu.memref_slice %arg9[%add3A_120, %dma_start3A_124] : memref<80x128xi32, #tpu.memory_space<vmem>> -> memref<1x128xi32, #tpu.memory_space<vmem>>
      %dma_start3A_126 = tpu.memref_squeeze %dma_start3A_125 : memref<1x128xi32, #tpu.memory_space<vmem>> -> memref<128xi32, #tpu.memory_space<vmem>>
      %dma_start3A_127 = arith.constant 0 : i32
      %dma_start3A_128 = arith.constant 0 : i32
      %dma_start3A_129 = tpu.memref_slice %arg12[%dma_start3A_127, %dma_start3A_128] : memref<10112x16xf32, #tpu.memory_space<vmem_shared>> -> memref<10112x16xf32, #tpu.memory_space<vmem_shared>>
      tpu.enqueue_indirect_dma source(%dma_start3A_123 : memref<128x16xf32, #tpu.memory_space<vmem>>) target(%dma_start3A_129 : memref<10112x16xf32, #tpu.memory_space<vmem_shared>>) offsets(%dma_start3A_126 : memref<128xi32, #tpu.memory_space<vmem>>) semaphore(%arg16 : memref<!tpu.dma_semaphore, #tpu.memory_space<semaphore_mem>>) {add = true}
      %add3A_130 = arith.constant 4 : i32
      %add3A_131 = arith.addi %mul3A_32, %add3A_130 : i32
      %dma_start3A_132 = arith.constant 512 : i32
      %dma_start3A_133 = arith.constant 0 : i32
      %dma_start3A_134 = tpu.memref_slice %arg10[%dma_start3A_132, %dma_start3A_133] : memref<1024x16xf32, #tpu.memory_space<vmem>> -> memref<128x16xf32, #tpu.memory_space<vmem>>
      %dma_start3A_135 = arith.constant 0 : i32
      %dma_start3A_136 = tpu.memref_slice %arg9[%add3A_131, %dma_start3A_135] : memref<80x128xi32, #tpu.memory_space<vmem>> -> memref<1x128xi32, #tpu.memory_space<vmem>>
      %dma_start3A_137 = tpu.memref_squeeze %dma_start3A_136 : memref<1x128xi32, #tpu.memory_space<vmem>> -> memref<128xi32, #tpu.memory_space<vmem>>
      %dma_start3A_138 = arith.constant 0 : i32
      %dma_start3A_139 = arith.constant 0 : i32
      %dma_start3A_140 = tpu.memref_slice %arg12[%dma_start3A_138, %dma_start3A_139] : memref<10112x16xf32, #tpu.memory_space<vmem_shared>> -> memref<10112x16xf32, #tpu.memory_space<vmem_shared>>
      tpu.enqueue_indirect_dma source(%dma_start3A_134 : memref<128x16xf32, #tpu.memory_space<vmem>>) target(%dma_start3A_140 : memref<10112x16xf32, #tpu.memory_space<vmem_shared>>) offsets(%dma_start3A_137 : memref<128xi32, #tpu.memory_space<vmem>>) semaphore(%arg16 : memref<!tpu.dma_semaphore, #tpu.memory_space<semaphore_mem>>) {add = true}
      %add3A_141 = arith.constant 5 : i32
      %add3A_142 = arith.addi %mul3A_32, %add3A_141 : i32
      %dma_start3A_143 = arith.constant 640 : i32
      %dma_start3A_144 = arith.constant 0 : i32
      %dma_start3A_145 = tpu.memref_slice %arg10[%dma_start3A_143, %dma_start3A_144] : memref<1024x16xf32, #tpu.memory_space<vmem>> -> memref<128x16xf32, #tpu.memory_space<vmem>>
      %dma_start3A_146 = arith.constant 0 : i32
      %dma_start3A_147 = tpu.memref_slice %arg9[%add3A_142, %dma_start3A_146] : memref<80x128xi32, #tpu.memory_space<vmem>> -> memref<1x128xi32, #tpu.memory_space<vmem>>
      %dma_start3A_148 = tpu.memref_squeeze %dma_start3A_147 : memref<1x128xi32, #tpu.memory_space<vmem>> -> memref<128xi32, #tpu.memory_space<vmem>>
      %dma_start3A_149 = arith.constant 0 : i32
      %dma_start3A_150 = arith.constant 0 : i32
      %dma_start3A_151 = tpu.memref_slice %arg12[%dma_start3A_149, %dma_start3A_150] : memref<10112x16xf32, #tpu.memory_space<vmem_shared>> -> memref<10112x16xf32, #tpu.memory_space<vmem_shared>>
      tpu.enqueue_indirect_dma source(%dma_start3A_145 : memref<128x16xf32, #tpu.memory_space<vmem>>) target(%dma_start3A_151 : memref<10112x16xf32, #tpu.memory_space<vmem_shared>>) offsets(%dma_start3A_148 : memref<128xi32, #tpu.memory_space<vmem>>) semaphore(%arg16 : memref<!tpu.dma_semaphore, #tpu.memory_space<semaphore_mem>>) {add = true}
      %add3A_152 = arith.constant 6 : i32
      %add3A_153 = arith.addi %mul3A_32, %add3A_152 : i32
      %dma_start3A_154 = arith.constant 768 : i32
      %dma_start3A_155 = arith.constant 0 : i32
      %dma_start3A_156 = tpu.memref_slice %arg10[%dma_start3A_154, %dma_start3A_155] : memref<1024x16xf32, #tpu.memory_space<vmem>> -> memref<128x16xf32, #tpu.memory_space<vmem>>
      %dma_start3A_157 = arith.constant 0 : i32
      %dma_start3A_158 = tpu.memref_slice %arg9[%add3A_153, %dma_start3A_157] : memref<80x128xi32, #tpu.memory_space<vmem>> -> memref<1x128xi32, #tpu.memory_space<vmem>>
      %dma_start3A_159 = tpu.memref_squeeze %dma_start3A_158 : memref<1x128xi32, #tpu.memory_space<vmem>> -> memref<128xi32, #tpu.memory_space<vmem>>
      %dma_start3A_160 = arith.constant 0 : i32
      %dma_start3A_161 = arith.constant 0 : i32
      %dma_start3A_162 = tpu.memref_slice %arg12[%dma_start3A_160, %dma_start3A_161] : memref<10112x16xf32, #tpu.memory_space<vmem_shared>> -> memref<10112x16xf32, #tpu.memory_space<vmem_shared>>
      tpu.enqueue_indirect_dma source(%dma_start3A_156 : memref<128x16xf32, #tpu.memory_space<vmem>>) target(%dma_start3A_162 : memref<10112x16xf32, #tpu.memory_space<vmem_shared>>) offsets(%dma_start3A_159 : memref<128xi32, #tpu.memory_space<vmem>>) semaphore(%arg16 : memref<!tpu.dma_semaphore, #tpu.memory_space<semaphore_mem>>) {add = true}
      %add3A_163 = arith.constant 7 : i32
      %add3A_164 = arith.addi %mul3A_32, %add3A_163 : i32
      %dma_start3A_165 = arith.constant 896 : i32
      %dma_start3A_166 = arith.constant 0 : i32
      %dma_start3A_167 = tpu.memref_slice %arg10[%dma_start3A_165, %dma_start3A_166] : memref<1024x16xf32, #tpu.memory_space<vmem>> -> memref<128x16xf32, #tpu.memory_space<vmem>>
      %dma_start3A_168 = arith.constant 0 : i32
      %dma_start3A_169 = tpu.memref_slice %arg9[%add3A_164, %dma_start3A_168] : memref<80x128xi32, #tpu.memory_space<vmem>> -> memref<1x128xi32, #tpu.memory_space<vmem>>
      %dma_start3A_170 = tpu.memref_squeeze %dma_start3A_169 : memref<1x128xi32, #tpu.memory_space<vmem>> -> memref<128xi32, #tpu.memory_space<vmem>>
      %dma_start3A_171 = arith.constant 0 : i32
      %dma_start3A_172 = arith.constant 0 : i32
      %dma_start3A_173 = tpu.memref_slice %arg12[%dma_start3A_171, %dma_start3A_172] : memref<10112x16xf32, #tpu.memory_space<vmem_shared>> -> memref<10112x16xf32, #tpu.memory_space<vmem_shared>>
      tpu.enqueue_indirect_dma source(%dma_start3A_167 : memref<128x16xf32, #tpu.memory_space<vmem>>) target(%dma_start3A_173 : memref<10112x16xf32, #tpu.memory_space<vmem_shared>>) offsets(%dma_start3A_170 : memref<128xi32, #tpu.memory_space<vmem>>) semaphore(%arg16 : memref<!tpu.dma_semaphore, #tpu.memory_space<semaphore_mem>>) {add = true}
      %add3A_174 = arith.constant 0 : i32
      %add3A_175 = arith.addi %mul3A_32, %add3A_174 : i32
      %dma_wait3A_176 = arith.constant 0 : i32
      %dma_wait3A_177 = arith.constant 0 : i32
      %dma_wait3A_178 = tpu.memref_slice %arg10[%dma_wait3A_176, %dma_wait3A_177] : memref<1024x16xf32, #tpu.memory_space<vmem>> -> memref<128x16xf32, #tpu.memory_space<vmem>>
      %dma_wait3A_179 = arith.constant 0 : i32
      %dma_wait3A_180 = tpu.memref_slice %arg9[%add3A_175, %dma_wait3A_179] : memref<80x128xi32, #tpu.memory_space<vmem>> -> memref<1x128xi32, #tpu.memory_space<vmem>>
      %dma_wait3A_181 = tpu.memref_squeeze %dma_wait3A_180 : memref<1x128xi32, #tpu.memory_space<vmem>> -> memref<128xi32, #tpu.memory_space<vmem>>
      %dma_wait3A_182 = arith.constant 0 : i32
      %dma_wait3A_183 = arith.constant 0 : i32
      %dma_wait3A_184 = tpu.memref_slice %arg12[%dma_wait3A_182, %dma_wait3A_183] : memref<10112x16xf32, #tpu.memory_space<vmem_shared>> -> memref<10112x16xf32, #tpu.memory_space<vmem_shared>>
      tpu.wait_indirect_dma semaphore(%arg16 : memref<!tpu.dma_semaphore, #tpu.memory_space<semaphore_mem>>) src(%dma_wait3A_178 : memref<128x16xf32, #tpu.memory_space<vmem>>) dst(%dma_wait3A_184 : memref<10112x16xf32, #tpu.memory_space<vmem_shared>>)
      %add3A_185 = arith.constant 1 : i32
      %add3A_186 = arith.addi %mul3A_32, %add3A_185 : i32
      %dma_wait3A_187 = arith.constant 128 : i32
      %dma_wait3A_188 = arith.constant 0 : i32
      %dma_wait3A_189 = tpu.memref_slice %arg10[%dma_wait3A_187, %dma_wait3A_188] : memref<1024x16xf32, #tpu.memory_space<vmem>> -> memref<128x16xf32, #tpu.memory_space<vmem>>
      %dma_wait3A_190 = arith.constant 0 : i32
      %dma_wait3A_191 = tpu.memref_slice %arg9[%add3A_186, %dma_wait3A_190] : memref<80x128xi32, #tpu.memory_space<vmem>> -> memref<1x128xi32, #tpu.memory_space<vmem>>
      %dma_wait3A_192 = tpu.memref_squeeze %dma_wait3A_191 : memref<1x128xi32, #tpu.memory_space<vmem>> -> memref<128xi32, #tpu.memory_space<vmem>>
      %dma_wait3A_193 = arith.constant 0 : i32
      %dma_wait3A_194 = arith.constant 0 : i32
      %dma_wait3A_195 = tpu.memref_slice %arg12[%dma_wait3A_193, %dma_wait3A_194] : memref<10112x16xf32, #tpu.memory_space<vmem_shared>> -> memref<10112x16xf32, #tpu.memory_space<vmem_shared>>
      tpu.wait_indirect_dma semaphore(%arg16 : memref<!tpu.dma_semaphore, #tpu.memory_space<semaphore_mem>>) src(%dma_wait3A_189 : memref<128x16xf32, #tpu.memory_space<vmem>>) dst(%dma_wait3A_195 : memref<10112x16xf32, #tpu.memory_space<vmem_shared>>)
      %add3A_196 = arith.constant 2 : i32
      %add3A_197 = arith.addi %mul3A_32, %add3A_196 : i32
      %dma_wait3A_198 = arith.constant 256 : i32
      %dma_wait3A_199 = arith.constant 0 : i32
      %dma_wait3A_200 = tpu.memref_slice %arg10[%dma_wait3A_198, %dma_wait3A_199] : memref<1024x16xf32, #tpu.memory_space<vmem>> -> memref<128x16xf32, #tpu.memory_space<vmem>>
      %dma_wait3A_201 = arith.constant 0 : i32
      %dma_wait3A_202 = tpu.memref_slice %arg9[%add3A_197, %dma_wait3A_201] : memref<80x128xi32, #tpu.memory_space<vmem>> -> memref<1x128xi32, #tpu.memory_space<vmem>>
      %dma_wait3A_203 = tpu.memref_squeeze %dma_wait3A_202 : memref<1x128xi32, #tpu.memory_space<vmem>> -> memref<128xi32, #tpu.memory_space<vmem>>
      %dma_wait3A_204 = arith.constant 0 : i32
      %dma_wait3A_205 = arith.constant 0 : i32
      %dma_wait3A_206 = tpu.memref_slice %arg12[%dma_wait3A_204, %dma_wait3A_205] : memref<10112x16xf32, #tpu.memory_space<vmem_shared>> -> memref<10112x16xf32, #tpu.memory_space<vmem_shared>>
      tpu.wait_indirect_dma semaphore(%arg16 : memref<!tpu.dma_semaphore, #tpu.memory_space<semaphore_mem>>) src(%dma_wait3A_200 : memref<128x16xf32, #tpu.memory_space<vmem>>) dst(%dma_wait3A_206 : memref<10112x16xf32, #tpu.memory_space<vmem_shared>>)
      %add3A_207 = arith.constant 3 : i32
      %add3A_208 = arith.addi %mul3A_32, %add3A_207 : i32
      %dma_wait3A_209 = arith.constant 384 : i32
      %dma_wait3A_210 = arith.constant 0 : i32
      %dma_wait3A_211 = tpu.memref_slice %arg10[%dma_wait3A_209, %dma_wait3A_210] : memref<1024x16xf32, #tpu.memory_space<vmem>> -> memref<128x16xf32, #tpu.memory_space<vmem>>
      %dma_wait3A_212 = arith.constant 0 : i32
      %dma_wait3A_213 = tpu.memref_slice %arg9[%add3A_208, %dma_wait3A_212] : memref<80x128xi32, #tpu.memory_space<vmem>> -> memref<1x128xi32, #tpu.memory_space<vmem>>
      %dma_wait3A_214 = tpu.memref_squeeze %dma_wait3A_213 : memref<1x128xi32, #tpu.memory_space<vmem>> -> memref<128xi32, #tpu.memory_space<vmem>>
      %dma_wait3A_215 = arith.constant 0 : i32
      %dma_wait3A_216 = arith.constant 0 : i32
      %dma_wait3A_217 = tpu.memref_slice %arg12[%dma_wait3A_215, %dma_wait3A_216] : memref<10112x16xf32, #tpu.memory_space<vmem_shared>> -> memref<10112x16xf32, #tpu.memory_space<vmem_shared>>
      tpu.wait_indirect_dma semaphore(%arg16 : memref<!tpu.dma_semaphore, #tpu.memory_space<semaphore_mem>>) src(%dma_wait3A_211 : memref<128x16xf32, #tpu.memory_space<vmem>>) dst(%dma_wait3A_217 : memref<10112x16xf32, #tpu.memory_space<vmem_shared>>)
      %add3A_218 = arith.constant 4 : i32
      %add3A_219 = arith.addi %mul3A_32, %add3A_218 : i32
      %dma_wait3A_220 = arith.constant 512 : i32
      %dma_wait3A_221 = arith.constant 0 : i32
      %dma_wait3A_222 = tpu.memref_slice %arg10[%dma_wait3A_220, %dma_wait3A_221] : memref<1024x16xf32, #tpu.memory_space<vmem>> -> memref<128x16xf32, #tpu.memory_space<vmem>>
      %dma_wait3A_223 = arith.constant 0 : i32
      %dma_wait3A_224 = tpu.memref_slice %arg9[%add3A_219, %dma_wait3A_223] : memref<80x128xi32, #tpu.memory_space<vmem>> -> memref<1x128xi32, #tpu.memory_space<vmem>>
      %dma_wait3A_225 = tpu.memref_squeeze %dma_wait3A_224 : memref<1x128xi32, #tpu.memory_space<vmem>> -> memref<128xi32, #tpu.memory_space<vmem>>
      %dma_wait3A_226 = arith.constant 0 : i32
      %dma_wait3A_227 = arith.constant 0 : i32
      %dma_wait3A_228 = tpu.memref_slice %arg12[%dma_wait3A_226, %dma_wait3A_227] : memref<10112x16xf32, #tpu.memory_space<vmem_shared>> -> memref<10112x16xf32, #tpu.memory_space<vmem_shared>>
      tpu.wait_indirect_dma semaphore(%arg16 : memref<!tpu.dma_semaphore, #tpu.memory_space<semaphore_mem>>) src(%dma_wait3A_222 : memref<128x16xf32, #tpu.memory_space<vmem>>) dst(%dma_wait3A_228 : memref<10112x16xf32, #tpu.memory_space<vmem_shared>>)
      %add3A_229 = arith.constant 5 : i32
      %add3A_230 = arith.addi %mul3A_32, %add3A_229 : i32
      %dma_wait3A_231 = arith.constant 640 : i32
      %dma_wait3A_232 = arith.constant 0 : i32
      %dma_wait3A_233 = tpu.memref_slice %arg10[%dma_wait3A_231, %dma_wait3A_232] : memref<1024x16xf32, #tpu.memory_space<vmem>> -> memref<128x16xf32, #tpu.memory_space<vmem>>
      %dma_wait3A_234 = arith.constant 0 : i32
      %dma_wait3A_235 = tpu.memref_slice %arg9[%add3A_230, %dma_wait3A_234] : memref<80x128xi32, #tpu.memory_space<vmem>> -> memref<1x128xi32, #tpu.memory_space<vmem>>
      %dma_wait3A_236 = tpu.memref_squeeze %dma_wait3A_235 : memref<1x128xi32, #tpu.memory_space<vmem>> -> memref<128xi32, #tpu.memory_space<vmem>>
      %dma_wait3A_237 = arith.constant 0 : i32
      %dma_wait3A_238 = arith.constant 0 : i32
      %dma_wait3A_239 = tpu.memref_slice %arg12[%dma_wait3A_237, %dma_wait3A_238] : memref<10112x16xf32, #tpu.memory_space<vmem_shared>> -> memref<10112x16xf32, #tpu.memory_space<vmem_shared>>
      tpu.wait_indirect_dma semaphore(%arg16 : memref<!tpu.dma_semaphore, #tpu.memory_space<semaphore_mem>>) src(%dma_wait3A_233 : memref<128x16xf32, #tpu.memory_space<vmem>>) dst(%dma_wait3A_239 : memref<10112x16xf32, #tpu.memory_space<vmem_shared>>)
      %add3A_240 = arith.constant 6 : i32
      %add3A_241 = arith.addi %mul3A_32, %add3A_240 : i32
      %dma_wait3A_242 = arith.constant 768 : i32
      %dma_wait3A_243 = arith.constant 0 : i32
      %dma_wait3A_244 = tpu.memref_slice %arg10[%dma_wait3A_242, %dma_wait3A_243] : memref<1024x16xf32, #tpu.memory_space<vmem>> -> memref<128x16xf32, #tpu.memory_space<vmem>>
      %dma_wait3A_245 = arith.constant 0 : i32
      %dma_wait3A_246 = tpu.memref_slice %arg9[%add3A_241, %dma_wait3A_245] : memref<80x128xi32, #tpu.memory_space<vmem>> -> memref<1x128xi32, #tpu.memory_space<vmem>>
      %dma_wait3A_247 = tpu.memref_squeeze %dma_wait3A_246 : memref<1x128xi32, #tpu.memory_space<vmem>> -> memref<128xi32, #tpu.memory_space<vmem>>
      %dma_wait3A_248 = arith.constant 0 : i32
      %dma_wait3A_249 = arith.constant 0 : i32
      %dma_wait3A_250 = tpu.memref_slice %arg12[%dma_wait3A_248, %dma_wait3A_249] : memref<10112x16xf32, #tpu.memory_space<vmem_shared>> -> memref<10112x16xf32, #tpu.memory_space<vmem_shared>>
      tpu.wait_indirect_dma semaphore(%arg16 : memref<!tpu.dma_semaphore, #tpu.memory_space<semaphore_mem>>) src(%dma_wait3A_244 : memref<128x16xf32, #tpu.memory_space<vmem>>) dst(%dma_wait3A_250 : memref<10112x16xf32, #tpu.memory_space<vmem_shared>>)
      %add3A_251 = arith.constant 7 : i32
      %add3A_252 = arith.addi %mul3A_32, %add3A_251 : i32
      %dma_wait3A_253 = arith.constant 896 : i32
      %dma_wait3A_254 = arith.constant 0 : i32
      %dma_wait3A_255 = tpu.memref_slice %arg10[%dma_wait3A_253, %dma_wait3A_254] : memref<1024x16xf32, #tpu.memory_space<vmem>> -> memref<128x16xf32, #tpu.memory_space<vmem>>
      %dma_wait3A_256 = arith.constant 0 : i32
      %dma_wait3A_257 = tpu.memref_slice %arg9[%add3A_252, %dma_wait3A_256] : memref<80x128xi32, #tpu.memory_space<vmem>> -> memref<1x128xi32, #tpu.memory_space<vmem>>
      %dma_wait3A_258 = tpu.memref_squeeze %dma_wait3A_257 : memref<1x128xi32, #tpu.memory_space<vmem>> -> memref<128xi32, #tpu.memory_space<vmem>>
      %dma_wait3A_259 = arith.constant 0 : i32
      %dma_wait3A_260 = arith.constant 0 : i32
      %dma_wait3A_261 = tpu.memref_slice %arg12[%dma_wait3A_259, %dma_wait3A_260] : memref<10112x16xf32, #tpu.memory_space<vmem_shared>> -> memref<10112x16xf32, #tpu.memory_space<vmem_shared>>
      tpu.wait_indirect_dma semaphore(%arg16 : memref<!tpu.dma_semaphore, #tpu.memory_space<semaphore_mem>>) src(%dma_wait3A_255 : memref<128x16xf32, #tpu.memory_space<vmem>>) dst(%dma_wait3A_261 : memref<10112x16xf32, #tpu.memory_space<vmem_shared>>)
      %jit3A_262 = arith.constant 8 : i32
      %div3A_263 = arith.divsi %add3A_34, %jit3A_262 : i32
      %sign3A_264 = arith.constant 0 : i32
      %sign3A_265 = arith.cmpi sgt, %add3A_34, %sign3A_264 : i32
      %sign3A_266 = arith.extui %sign3A_265 : i1 to i32
      %sign3A_267 = arith.constant 0 : i32
      %sign3A_268 = arith.cmpi slt, %add3A_34, %sign3A_267 : i32
      %sign3A_269 = arith.extui %sign3A_268 : i1 to i32
      %sign3A_270 = arith.subi %sign3A_266, %sign3A_269 : i32
      %sign3A_271 = arith.constant 0 : i32
      %sign3A_272 = arith.cmpi sgt, %jit3A_262, %sign3A_271 : i32
      %sign3A_273 = arith.extui %sign3A_272 : i1 to i32
      %sign3A_274 = arith.constant 0 : i32
      %sign3A_275 = arith.cmpi slt, %jit3A_262, %sign3A_274 : i32
      %sign3A_276 = arith.extui %sign3A_275 : i1 to i32
      %sign3A_277 = arith.subi %sign3A_273, %sign3A_276 : i32
      %ne3A_278 = arith.cmpi ne, %sign3A_270, %sign3A_277 : i32
      %rem3A_279 = arith.remsi %add3A_34, %jit3A_262 : i32
      %ne3A_280 = arith.constant 0 : i32
      %ne3A_281 = arith.cmpi ne, %rem3A_279, %ne3A_280 : i32
      %and3A_282 = arith.andi %ne3A_278, %ne3A_281 : i1
      %sub3A_283 = arith.constant 1 : i32
      %sub3A_284 = arith.subi %div3A_263, %sub3A_283 : i32
      %select_n3A_285 = arith.select %and3A_282, %sub3A_284, %div3A_263 : i32
      %dma_wait3A_286 = arith.constant 0 : i32
      %dma_wait3A_287 = tpu.memref_slice %arg8[%select_n3A_285, %dma_wait3A_286] : memref<10x1024xi32, #tpu.memory_space<vmem>> -> memref<1x1024xi32, #tpu.memory_space<vmem>>
      %dma_wait3A_288 = tpu.memref_squeeze %dma_wait3A_287 : memref<1x1024xi32, #tpu.memory_space<vmem>> -> memref<1024xi32, #tpu.memory_space<vmem>>
      %dma_wait3A_289 = arith.constant 0 : i32
      %dma_wait3A_290 = arith.constant 0 : i32
      %dma_wait3A_291 = tpu.memref_slice %arg13[%dma_wait3A_289, %dma_wait3A_290] : memref<10112x16xf32, #tpu.memory_space<vmem_shared>> -> memref<10112x16xf32, #tpu.memory_space<vmem_shared>>
      tpu.wait_indirect_dma semaphore(%arg15 : memref<!tpu.dma_semaphore, #tpu.memory_space<semaphore_mem>>) src(%dma_wait3A_291 : memref<10112x16xf32, #tpu.memory_space<vmem_shared>>) dst(%arg11 : memref<1024x16xf32, #tpu.memory_space<vmem>>)
      %add3A_292 = arith.constant 1 : i32
      %add3A_293 = arith.addi %scan3A_28, %add3A_292 : i32
      %lt3A = arith.constant 5 : i32
      %lt3A_294 = arith.cmpi slt, %add3A_293, %lt3A : i32
      %convert_element_type3A_295 = arith.extui %lt3A_294 : i1 to i32
      %cond3A_296 = arith.constant 0 : i32
      %cond3A_297 = arith.cmpi ne, %convert_element_type3A_295, %cond3A_296 : i32
      scf.if %cond3A_297 {
        %add3A_474 = arith.constant 16 : i32
        %add3A_475 = arith.addi %mul3A_32, %add3A_474 : i32
        %jit3A_476 = arith.constant 8 : i32
        %div3A_477 = arith.divsi %add3A_475, %jit3A_476 : i32
        %sign3A_478 = arith.constant 0 : i32
        %sign3A_479 = arith.cmpi sgt, %add3A_475, %sign3A_478 : i32
        %sign3A_480 = arith.extui %sign3A_479 : i1 to i32
        %sign3A_481 = arith.constant 0 : i32
        %sign3A_482 = arith.cmpi slt, %add3A_475, %sign3A_481 : i32
        %sign3A_483 = arith.extui %sign3A_482 : i1 to i32
        %sign3A_484 = arith.subi %sign3A_480, %sign3A_483 : i32
        %sign3A_485 = arith.constant 0 : i32
        %sign3A_486 = arith.cmpi sgt, %jit3A_476, %sign3A_485 : i32
        %sign3A_487 = arith.extui %sign3A_486 : i1 to i32
        %sign3A_488 = arith.constant 0 : i32
        %sign3A_489 = arith.cmpi slt, %jit3A_476, %sign3A_488 : i32
        %sign3A_490 = arith.extui %sign3A_489 : i1 to i32
        %sign3A_491 = arith.subi %sign3A_487, %sign3A_490 : i32
        %ne3A_492 = arith.cmpi ne, %sign3A_484, %sign3A_491 : i32
        %rem3A_493 = arith.remsi %add3A_475, %jit3A_476 : i32
        %ne3A_494 = arith.constant 0 : i32
        %ne3A_495 = arith.cmpi ne, %rem3A_493, %ne3A_494 : i32
        %and3A_496 = arith.andi %ne3A_492, %ne3A_495 : i1
        %sub3A_497 = arith.constant 1 : i32
        %sub3A_498 = arith.subi %div3A_477, %sub3A_497 : i32
        %select_n3A_499 = arith.select %and3A_496, %sub3A_498, %div3A_477 : i32
        %dma_start3A_500 = arith.constant 0 : i32
        %dma_start3A_501 = tpu.memref_slice %arg8[%select_n3A_499, %dma_start3A_500] : memref<10x1024xi32, #tpu.memory_space<vmem>> -> memref<1x1024xi32, #tpu.memory_space<vmem>>
        %dma_start3A_502 = tpu.memref_squeeze %dma_start3A_501 : memref<1x1024xi32, #tpu.memory_space<vmem>> -> memref<1024xi32, #tpu.memory_space<vmem>>
        %dma_start3A_503 = arith.constant 0 : i32
        %dma_start3A_504 = arith.constant 0 : i32
        %dma_start3A_505 = tpu.memref_slice %arg13[%dma_start3A_503, %dma_start3A_504] : memref<10112x16xf32, #tpu.memory_space<vmem_shared>> -> memref<10112x16xf32, #tpu.memory_space<vmem_shared>>
        tpu.enqueue_indirect_dma source(%dma_start3A_505 : memref<10112x16xf32, #tpu.memory_space<vmem_shared>>) target(%arg10 : memref<1024x16xf32, #tpu.memory_space<vmem>>) offsets(%dma_start3A_502 : memref<1024xi32, #tpu.memory_space<vmem>>) semaphore(%arg14 : memref<!tpu.dma_semaphore, #tpu.memory_space<semaphore_mem>>)
      } else {
      }
      %add3A_298 = arith.constant 0 : i32
      %add3A_299 = arith.addi %add3A_34, %add3A_298 : i32
      %dma_start3A_300 = arith.constant 0 : i32
      %dma_start3A_301 = arith.constant 0 : i32
      %dma_start3A_302 = tpu.memref_slice %arg11[%dma_start3A_300, %dma_start3A_301] : memref<1024x16xf32, #tpu.memory_space<vmem>> -> memref<128x16xf32, #tpu.memory_space<vmem>>
      %dma_start3A_303 = arith.constant 0 : i32
      %dma_start3A_304 = tpu.memref_slice %arg9[%add3A_299, %dma_start3A_303] : memref<80x128xi32, #tpu.memory_space<vmem>> -> memref<1x128xi32, #tpu.memory_space<vmem>>
      %dma_start3A_305 = tpu.memref_squeeze %dma_start3A_304 : memref<1x128xi32, #tpu.memory_space<vmem>> -> memref<128xi32, #tpu.memory_space<vmem>>
      %dma_start3A_306 = arith.constant 0 : i32
      %dma_start3A_307 = arith.constant 0 : i32
      %dma_start3A_308 = tpu.memref_slice %arg12[%dma_start3A_306, %dma_start3A_307] : memref<10112x16xf32, #tpu.memory_space<vmem_shared>> -> memref<10112x16xf32, #tpu.memory_space<vmem_shared>>
      tpu.enqueue_indirect_dma source(%dma_start3A_302 : memref<128x16xf32, #tpu.memory_space<vmem>>) target(%dma_start3A_308 : memref<10112x16xf32, #tpu.memory_space<vmem_shared>>) offsets(%dma_start3A_305 : memref<128xi32, #tpu.memory_space<vmem>>) semaphore(%arg17 : memref<!tpu.dma_semaphore, #tpu.memory_space<semaphore_mem>>) {add = true}
      %add3A_309 = arith.constant 1 : i32
      %add3A_310 = arith.addi %add3A_34, %add3A_309 : i32
      %dma_start3A_311 = arith.constant 128 : i32
      %dma_start3A_312 = arith.constant 0 : i32
      %dma_start3A_313 = tpu.memref_slice %arg11[%dma_start3A_311, %dma_start3A_312] : memref<1024x16xf32, #tpu.memory_space<vmem>> -> memref<128x16xf32, #tpu.memory_space<vmem>>
      %dma_start3A_314 = arith.constant 0 : i32
      %dma_start3A_315 = tpu.memref_slice %arg9[%add3A_310, %dma_start3A_314] : memref<80x128xi32, #tpu.memory_space<vmem>> -> memref<1x128xi32, #tpu.memory_space<vmem>>
      %dma_start3A_316 = tpu.memref_squeeze %dma_start3A_315 : memref<1x128xi32, #tpu.memory_space<vmem>> -> memref<128xi32, #tpu.memory_space<vmem>>
      %dma_start3A_317 = arith.constant 0 : i32
      %dma_start3A_318 = arith.constant 0 : i32
      %dma_start3A_319 = tpu.memref_slice %arg12[%dma_start3A_317, %dma_start3A_318] : memref<10112x16xf32, #tpu.memory_space<vmem_shared>> -> memref<10112x16xf32, #tpu.memory_space<vmem_shared>>
      tpu.enqueue_indirect_dma source(%dma_start3A_313 : memref<128x16xf32, #tpu.memory_space<vmem>>) target(%dma_start3A_319 : memref<10112x16xf32, #tpu.memory_space<vmem_shared>>) offsets(%dma_start3A_316 : memref<128xi32, #tpu.memory_space<vmem>>) semaphore(%arg17 : memref<!tpu.dma_semaphore, #tpu.memory_space<semaphore_mem>>) {add = true}
      %add3A_320 = arith.constant 2 : i32
      %add3A_321 = arith.addi %add3A_34, %add3A_320 : i32
      %dma_start3A_322 = arith.constant 256 : i32
      %dma_start3A_323 = arith.constant 0 : i32
      %dma_start3A_324 = tpu.memref_slice %arg11[%dma_start3A_322, %dma_start3A_323] : memref<1024x16xf32, #tpu.memory_space<vmem>> -> memref<128x16xf32, #tpu.memory_space<vmem>>
      %dma_start3A_325 = arith.constant 0 : i32
      %dma_start3A_326 = tpu.memref_slice %arg9[%add3A_321, %dma_start3A_325] : memref<80x128xi32, #tpu.memory_space<vmem>> -> memref<1x128xi32, #tpu.memory_space<vmem>>
      %dma_start3A_327 = tpu.memref_squeeze %dma_start3A_326 : memref<1x128xi32, #tpu.memory_space<vmem>> -> memref<128xi32, #tpu.memory_space<vmem>>
      %dma_start3A_328 = arith.constant 0 : i32
      %dma_start3A_329 = arith.constant 0 : i32
      %dma_start3A_330 = tpu.memref_slice %arg12[%dma_start3A_328, %dma_start3A_329] : memref<10112x16xf32, #tpu.memory_space<vmem_shared>> -> memref<10112x16xf32, #tpu.memory_space<vmem_shared>>
      tpu.enqueue_indirect_dma source(%dma_start3A_324 : memref<128x16xf32, #tpu.memory_space<vmem>>) target(%dma_start3A_330 : memref<10112x16xf32, #tpu.memory_space<vmem_shared>>) offsets(%dma_start3A_327 : memref<128xi32, #tpu.memory_space<vmem>>) semaphore(%arg17 : memref<!tpu.dma_semaphore, #tpu.memory_space<semaphore_mem>>) {add = true}
      %add3A_331 = arith.constant 3 : i32
      %add3A_332 = arith.addi %add3A_34, %add3A_331 : i32
      %dma_start3A_333 = arith.constant 384 : i32
      %dma_start3A_334 = arith.constant 0 : i32
      %dma_start3A_335 = tpu.memref_slice %arg11[%dma_start3A_333, %dma_start3A_334] : memref<1024x16xf32, #tpu.memory_space<vmem>> -> memref<128x16xf32, #tpu.memory_space<vmem>>
      %dma_start3A_336 = arith.constant 0 : i32
      %dma_start3A_337 = tpu.memref_slice %arg9[%add3A_332, %dma_start3A_336] : memref<80x128xi32, #tpu.memory_space<vmem>> -> memref<1x128xi32, #tpu.memory_space<vmem>>
      %dma_start3A_338 = tpu.memref_squeeze %dma_start3A_337 : memref<1x128xi32, #tpu.memory_space<vmem>> -> memref<128xi32, #tpu.memory_space<vmem>>
      %dma_start3A_339 = arith.constant 0 : i32
      %dma_start3A_340 = arith.constant 0 : i32
      %dma_start3A_341 = tpu.memref_slice %arg12[%dma_start3A_339, %dma_start3A_340] : memref<10112x16xf32, #tpu.memory_space<vmem_shared>> -> memref<10112x16xf32, #tpu.memory_space<vmem_shared>>
      tpu.enqueue_indirect_dma source(%dma_start3A_335 : memref<128x16xf32, #tpu.memory_space<vmem>>) target(%dma_start3A_341 : memref<10112x16xf32, #tpu.memory_space<vmem_shared>>) offsets(%dma_start3A_338 : memref<128xi32, #tpu.memory_space<vmem>>) semaphore(%arg17 : memref<!tpu.dma_semaphore, #tpu.memory_space<semaphore_mem>>) {add = true}
      %add3A_342 = arith.constant 4 : i32
      %add3A_343 = arith.addi %add3A_34, %add3A_342 : i32
      %dma_start3A_344 = arith.constant 512 : i32
      %dma_start3A_345 = arith.constant 0 : i32
      %dma_start3A_346 = tpu.memref_slice %arg11[%dma_start3A_344, %dma_start3A_345] : memref<1024x16xf32, #tpu.memory_space<vmem>> -> memref<128x16xf32, #tpu.memory_space<vmem>>
      %dma_start3A_347 = arith.constant 0 : i32
      %dma_start3A_348 = tpu.memref_slice %arg9[%add3A_343, %dma_start3A_347] : memref<80x128xi32, #tpu.memory_space<vmem>> -> memref<1x128xi32, #tpu.memory_space<vmem>>
      %dma_start3A_349 = tpu.memref_squeeze %dma_start3A_348 : memref<1x128xi32, #tpu.memory_space<vmem>> -> memref<128xi32, #tpu.memory_space<vmem>>
      %dma_start3A_350 = arith.constant 0 : i32
      %dma_start3A_351 = arith.constant 0 : i32
      %dma_start3A_352 = tpu.memref_slice %arg12[%dma_start3A_350, %dma_start3A_351] : memref<10112x16xf32, #tpu.memory_space<vmem_shared>> -> memref<10112x16xf32, #tpu.memory_space<vmem_shared>>
      tpu.enqueue_indirect_dma source(%dma_start3A_346 : memref<128x16xf32, #tpu.memory_space<vmem>>) target(%dma_start3A_352 : memref<10112x16xf32, #tpu.memory_space<vmem_shared>>) offsets(%dma_start3A_349 : memref<128xi32, #tpu.memory_space<vmem>>) semaphore(%arg17 : memref<!tpu.dma_semaphore, #tpu.memory_space<semaphore_mem>>) {add = true}
      %add3A_353 = arith.constant 5 : i32
      %add3A_354 = arith.addi %add3A_34, %add3A_353 : i32
      %dma_start3A_355 = arith.constant 640 : i32
      %dma_start3A_356 = arith.constant 0 : i32
      %dma_start3A_357 = tpu.memref_slice %arg11[%dma_start3A_355, %dma_start3A_356] : memref<1024x16xf32, #tpu.memory_space<vmem>> -> memref<128x16xf32, #tpu.memory_space<vmem>>
      %dma_start3A_358 = arith.constant 0 : i32
      %dma_start3A_359 = tpu.memref_slice %arg9[%add3A_354, %dma_start3A_358] : memref<80x128xi32, #tpu.memory_space<vmem>> -> memref<1x128xi32, #tpu.memory_space<vmem>>
      %dma_start3A_360 = tpu.memref_squeeze %dma_start3A_359 : memref<1x128xi32, #tpu.memory_space<vmem>> -> memref<128xi32, #tpu.memory_space<vmem>>
      %dma_start3A_361 = arith.constant 0 : i32
      %dma_start3A_362 = arith.constant 0 : i32
      %dma_start3A_363 = tpu.memref_slice %arg12[%dma_start3A_361, %dma_start3A_362] : memref<10112x16xf32, #tpu.memory_space<vmem_shared>> -> memref<10112x16xf32, #tpu.memory_space<vmem_shared>>
      tpu.enqueue_indirect_dma source(%dma_start3A_357 : memref<128x16xf32, #tpu.memory_space<vmem>>) target(%dma_start3A_363 : memref<10112x16xf32, #tpu.memory_space<vmem_shared>>) offsets(%dma_start3A_360 : memref<128xi32, #tpu.memory_space<vmem>>) semaphore(%arg17 : memref<!tpu.dma_semaphore, #tpu.memory_space<semaphore_mem>>) {add = true}
      %add3A_364 = arith.constant 6 : i32
      %add3A_365 = arith.addi %add3A_34, %add3A_364 : i32
      %dma_start3A_366 = arith.constant 768 : i32
      %dma_start3A_367 = arith.constant 0 : i32
      %dma_start3A_368 = tpu.memref_slice %arg11[%dma_start3A_366, %dma_start3A_367] : memref<1024x16xf32, #tpu.memory_space<vmem>> -> memref<128x16xf32, #tpu.memory_space<vmem>>
      %dma_start3A_369 = arith.constant 0 : i32
      %dma_start3A_370 = tpu.memref_slice %arg9[%add3A_365, %dma_start3A_369] : memref<80x128xi32, #tpu.memory_space<vmem>> -> memref<1x128xi32, #tpu.memory_space<vmem>>
      %dma_start3A_371 = tpu.memref_squeeze %dma_start3A_370 : memref<1x128xi32, #tpu.memory_space<vmem>> -> memref<128xi32, #tpu.memory_space<vmem>>
      %dma_start3A_372 = arith.constant 0 : i32
      %dma_start3A_373 = arith.constant 0 : i32
      %dma_start3A_374 = tpu.memref_slice %arg12[%dma_start3A_372, %dma_start3A_373] : memref<10112x16xf32, #tpu.memory_space<vmem_shared>> -> memref<10112x16xf32, #tpu.memory_space<vmem_shared>>
      tpu.enqueue_indirect_dma source(%dma_start3A_368 : memref<128x16xf32, #tpu.memory_space<vmem>>) target(%dma_start3A_374 : memref<10112x16xf32, #tpu.memory_space<vmem_shared>>) offsets(%dma_start3A_371 : memref<128xi32, #tpu.memory_space<vmem>>) semaphore(%arg17 : memref<!tpu.dma_semaphore, #tpu.memory_space<semaphore_mem>>) {add = true}
      %add3A_375 = arith.constant 7 : i32
      %add3A_376 = arith.addi %add3A_34, %add3A_375 : i32
      %dma_start3A_377 = arith.constant 896 : i32
      %dma_start3A_378 = arith.constant 0 : i32
      %dma_start3A_379 = tpu.memref_slice %arg11[%dma_start3A_377, %dma_start3A_378] : memref<1024x16xf32, #tpu.memory_space<vmem>> -> memref<128x16xf32, #tpu.memory_space<vmem>>
      %dma_start3A_380 = arith.constant 0 : i32
      %dma_start3A_381 = tpu.memref_slice %arg9[%add3A_376, %dma_start3A_380] : memref<80x128xi32, #tpu.memory_space<vmem>> -> memref<1x128xi32, #tpu.memory_space<vmem>>
      %dma_start3A_382 = tpu.memref_squeeze %dma_start3A_381 : memref<1x128xi32, #tpu.memory_space<vmem>> -> memref<128xi32, #tpu.memory_space<vmem>>
      %dma_start3A_383 = arith.constant 0 : i32
      %dma_start3A_384 = arith.constant 0 : i32
      %dma_start3A_385 = tpu.memref_slice %arg12[%dma_start3A_383, %dma_start3A_384] : memref<10112x16xf32, #tpu.memory_space<vmem_shared>> -> memref<10112x16xf32, #tpu.memory_space<vmem_shared>>
      tpu.enqueue_indirect_dma source(%dma_start3A_379 : memref<128x16xf32, #tpu.memory_space<vmem>>) target(%dma_start3A_385 : memref<10112x16xf32, #tpu.memory_space<vmem_shared>>) offsets(%dma_start3A_382 : memref<128xi32, #tpu.memory_space<vmem>>) semaphore(%arg17 : memref<!tpu.dma_semaphore, #tpu.memory_space<semaphore_mem>>) {add = true}
      %add3A_386 = arith.constant 0 : i32
      %add3A_387 = arith.addi %add3A_34, %add3A_386 : i32
      %dma_wait3A_388 = arith.constant 0 : i32
      %dma_wait3A_389 = arith.constant 0 : i32
      %dma_wait3A_390 = tpu.memref_slice %arg11[%dma_wait3A_388, %dma_wait3A_389] : memref<1024x16xf32, #tpu.memory_space<vmem>> -> memref<128x16xf32, #tpu.memory_space<vmem>>
      %dma_wait3A_391 = arith.constant 0 : i32
      %dma_wait3A_392 = tpu.memref_slice %arg9[%add3A_387, %dma_wait3A_391] : memref<80x128xi32, #tpu.memory_space<vmem>> -> memref<1x128xi32, #tpu.memory_space<vmem>>
      %dma_wait3A_393 = tpu.memref_squeeze %dma_wait3A_392 : memref<1x128xi32, #tpu.memory_space<vmem>> -> memref<128xi32, #tpu.memory_space<vmem>>
      %dma_wait3A_394 = arith.constant 0 : i32
      %dma_wait3A_395 = arith.constant 0 : i32
      %dma_wait3A_396 = tpu.memref_slice %arg12[%dma_wait3A_394, %dma_wait3A_395] : memref<10112x16xf32, #tpu.memory_space<vmem_shared>> -> memref<10112x16xf32, #tpu.memory_space<vmem_shared>>
      tpu.wait_indirect_dma semaphore(%arg17 : memref<!tpu.dma_semaphore, #tpu.memory_space<semaphore_mem>>) src(%dma_wait3A_390 : memref<128x16xf32, #tpu.memory_space<vmem>>) dst(%dma_wait3A_396 : memref<10112x16xf32, #tpu.memory_space<vmem_shared>>)
      %add3A_397 = arith.constant 1 : i32
      %add3A_398 = arith.addi %add3A_34, %add3A_397 : i32
      %dma_wait3A_399 = arith.constant 128 : i32
      %dma_wait3A_400 = arith.constant 0 : i32
      %dma_wait3A_401 = tpu.memref_slice %arg11[%dma_wait3A_399, %dma_wait3A_400] : memref<1024x16xf32, #tpu.memory_space<vmem>> -> memref<128x16xf32, #tpu.memory_space<vmem>>
      %dma_wait3A_402 = arith.constant 0 : i32
      %dma_wait3A_403 = tpu.memref_slice %arg9[%add3A_398, %dma_wait3A_402] : memref<80x128xi32, #tpu.memory_space<vmem>> -> memref<1x128xi32, #tpu.memory_space<vmem>>
      %dma_wait3A_404 = tpu.memref_squeeze %dma_wait3A_403 : memref<1x128xi32, #tpu.memory_space<vmem>> -> memref<128xi32, #tpu.memory_space<vmem>>
      %dma_wait3A_405 = arith.constant 0 : i32
      %dma_wait3A_406 = arith.constant 0 : i32
      %dma_wait3A_407 = tpu.memref_slice %arg12[%dma_wait3A_405, %dma_wait3A_406] : memref<10112x16xf32, #tpu.memory_space<vmem_shared>> -> memref<10112x16xf32, #tpu.memory_space<vmem_shared>>
      tpu.wait_indirect_dma semaphore(%arg17 : memref<!tpu.dma_semaphore, #tpu.memory_space<semaphore_mem>>) src(%dma_wait3A_401 : memref<128x16xf32, #tpu.memory_space<vmem>>) dst(%dma_wait3A_407 : memref<10112x16xf32, #tpu.memory_space<vmem_shared>>)
      %add3A_408 = arith.constant 2 : i32
      %add3A_409 = arith.addi %add3A_34, %add3A_408 : i32
      %dma_wait3A_410 = arith.constant 256 : i32
      %dma_wait3A_411 = arith.constant 0 : i32
      %dma_wait3A_412 = tpu.memref_slice %arg11[%dma_wait3A_410, %dma_wait3A_411] : memref<1024x16xf32, #tpu.memory_space<vmem>> -> memref<128x16xf32, #tpu.memory_space<vmem>>
      %dma_wait3A_413 = arith.constant 0 : i32
      %dma_wait3A_414 = tpu.memref_slice %arg9[%add3A_409, %dma_wait3A_413] : memref<80x128xi32, #tpu.memory_space<vmem>> -> memref<1x128xi32, #tpu.memory_space<vmem>>
      %dma_wait3A_415 = tpu.memref_squeeze %dma_wait3A_414 : memref<1x128xi32, #tpu.memory_space<vmem>> -> memref<128xi32, #tpu.memory_space<vmem>>
      %dma_wait3A_416 = arith.constant 0 : i32
      %dma_wait3A_417 = arith.constant 0 : i32
      %dma_wait3A_418 = tpu.memref_slice %arg12[%dma_wait3A_416, %dma_wait3A_417] : memref<10112x16xf32, #tpu.memory_space<vmem_shared>> -> memref<10112x16xf32, #tpu.memory_space<vmem_shared>>
      tpu.wait_indirect_dma semaphore(%arg17 : memref<!tpu.dma_semaphore, #tpu.memory_space<semaphore_mem>>) src(%dma_wait3A_412 : memref<128x16xf32, #tpu.memory_space<vmem>>) dst(%dma_wait3A_418 : memref<10112x16xf32, #tpu.memory_space<vmem_shared>>)
      %add3A_419 = arith.constant 3 : i32
      %add3A_420 = arith.addi %add3A_34, %add3A_419 : i32
      %dma_wait3A_421 = arith.constant 384 : i32
      %dma_wait3A_422 = arith.constant 0 : i32
      %dma_wait3A_423 = tpu.memref_slice %arg11[%dma_wait3A_421, %dma_wait3A_422] : memref<1024x16xf32, #tpu.memory_space<vmem>> -> memref<128x16xf32, #tpu.memory_space<vmem>>
      %dma_wait3A_424 = arith.constant 0 : i32
      %dma_wait3A_425 = tpu.memref_slice %arg9[%add3A_420, %dma_wait3A_424] : memref<80x128xi32, #tpu.memory_space<vmem>> -> memref<1x128xi32, #tpu.memory_space<vmem>>
      %dma_wait3A_426 = tpu.memref_squeeze %dma_wait3A_425 : memref<1x128xi32, #tpu.memory_space<vmem>> -> memref<128xi32, #tpu.memory_space<vmem>>
      %dma_wait3A_427 = arith.constant 0 : i32
      %dma_wait3A_428 = arith.constant 0 : i32
      %dma_wait3A_429 = tpu.memref_slice %arg12[%dma_wait3A_427, %dma_wait3A_428] : memref<10112x16xf32, #tpu.memory_space<vmem_shared>> -> memref<10112x16xf32, #tpu.memory_space<vmem_shared>>
      tpu.wait_indirect_dma semaphore(%arg17 : memref<!tpu.dma_semaphore, #tpu.memory_space<semaphore_mem>>) src(%dma_wait3A_423 : memref<128x16xf32, #tpu.memory_space<vmem>>) dst(%dma_wait3A_429 : memref<10112x16xf32, #tpu.memory_space<vmem_shared>>)
      %add3A_430 = arith.constant 4 : i32
      %add3A_431 = arith.addi %add3A_34, %add3A_430 : i32
      %dma_wait3A_432 = arith.constant 512 : i32
      %dma_wait3A_433 = arith.constant 0 : i32
      %dma_wait3A_434 = tpu.memref_slice %arg11[%dma_wait3A_432, %dma_wait3A_433] : memref<1024x16xf32, #tpu.memory_space<vmem>> -> memref<128x16xf32, #tpu.memory_space<vmem>>
      %dma_wait3A_435 = arith.constant 0 : i32
      %dma_wait3A_436 = tpu.memref_slice %arg9[%add3A_431, %dma_wait3A_435] : memref<80x128xi32, #tpu.memory_space<vmem>> -> memref<1x128xi32, #tpu.memory_space<vmem>>
      %dma_wait3A_437 = tpu.memref_squeeze %dma_wait3A_436 : memref<1x128xi32, #tpu.memory_space<vmem>> -> memref<128xi32, #tpu.memory_space<vmem>>
      %dma_wait3A_438 = arith.constant 0 : i32
      %dma_wait3A_439 = arith.constant 0 : i32
      %dma_wait3A_440 = tpu.memref_slice %arg12[%dma_wait3A_438, %dma_wait3A_439] : memref<10112x16xf32, #tpu.memory_space<vmem_shared>> -> memref<10112x16xf32, #tpu.memory_space<vmem_shared>>
      tpu.wait_indirect_dma semaphore(%arg17 : memref<!tpu.dma_semaphore, #tpu.memory_space<semaphore_mem>>) src(%dma_wait3A_434 : memref<128x16xf32, #tpu.memory_space<vmem>>) dst(%dma_wait3A_440 : memref<10112x16xf32, #tpu.memory_space<vmem_shared>>)
      %add3A_441 = arith.constant 5 : i32
      %add3A_442 = arith.addi %add3A_34, %add3A_441 : i32
      %dma_wait3A_443 = arith.constant 640 : i32
      %dma_wait3A_444 = arith.constant 0 : i32
      %dma_wait3A_445 = tpu.memref_slice %arg11[%dma_wait3A_443, %dma_wait3A_444] : memref<1024x16xf32, #tpu.memory_space<vmem>> -> memref<128x16xf32, #tpu.memory_space<vmem>>
      %dma_wait3A_446 = arith.constant 0 : i32
      %dma_wait3A_447 = tpu.memref_slice %arg9[%add3A_442, %dma_wait3A_446] : memref<80x128xi32, #tpu.memory_space<vmem>> -> memref<1x128xi32, #tpu.memory_space<vmem>>
      %dma_wait3A_448 = tpu.memref_squeeze %dma_wait3A_447 : memref<1x128xi32, #tpu.memory_space<vmem>> -> memref<128xi32, #tpu.memory_space<vmem>>
      %dma_wait3A_449 = arith.constant 0 : i32
      %dma_wait3A_450 = arith.constant 0 : i32
      %dma_wait3A_451 = tpu.memref_slice %arg12[%dma_wait3A_449, %dma_wait3A_450] : memref<10112x16xf32, #tpu.memory_space<vmem_shared>> -> memref<10112x16xf32, #tpu.memory_space<vmem_shared>>
      tpu.wait_indirect_dma semaphore(%arg17 : memref<!tpu.dma_semaphore, #tpu.memory_space<semaphore_mem>>) src(%dma_wait3A_445 : memref<128x16xf32, #tpu.memory_space<vmem>>) dst(%dma_wait3A_451 : memref<10112x16xf32, #tpu.memory_space<vmem_shared>>)
      %add3A_452 = arith.constant 6 : i32
      %add3A_453 = arith.addi %add3A_34, %add3A_452 : i32
      %dma_wait3A_454 = arith.constant 768 : i32
      %dma_wait3A_455 = arith.constant 0 : i32
      %dma_wait3A_456 = tpu.memref_slice %arg11[%dma_wait3A_454, %dma_wait3A_455] : memref<1024x16xf32, #tpu.memory_space<vmem>> -> memref<128x16xf32, #tpu.memory_space<vmem>>
      %dma_wait3A_457 = arith.constant 0 : i32
      %dma_wait3A_458 = tpu.memref_slice %arg9[%add3A_453, %dma_wait3A_457] : memref<80x128xi32, #tpu.memory_space<vmem>> -> memref<1x128xi32, #tpu.memory_space<vmem>>
      %dma_wait3A_459 = tpu.memref_squeeze %dma_wait3A_458 : memref<1x128xi32, #tpu.memory_space<vmem>> -> memref<128xi32, #tpu.memory_space<vmem>>
      %dma_wait3A_460 = arith.constant 0 : i32
      %dma_wait3A_461 = arith.constant 0 : i32
      %dma_wait3A_462 = tpu.memref_slice %arg12[%dma_wait3A_460, %dma_wait3A_461] : memref<10112x16xf32, #tpu.memory_space<vmem_shared>> -> memref<10112x16xf32, #tpu.memory_space<vmem_shared>>
      tpu.wait_indirect_dma semaphore(%arg17 : memref<!tpu.dma_semaphore, #tpu.memory_space<semaphore_mem>>) src(%dma_wait3A_456 : memref<128x16xf32, #tpu.memory_space<vmem>>) dst(%dma_wait3A_462 : memref<10112x16xf32, #tpu.memory_space<vmem_shared>>)
      %add3A_463 = arith.constant 7 : i32
      %add3A_464 = arith.addi %add3A_34, %add3A_463 : i32
      %dma_wait3A_465 = arith.constant 896 : i32
      %dma_wait3A_466 = arith.constant 0 : i32
      %dma_wait3A_467 = tpu.memref_slice %arg11[%dma_wait3A_465, %dma_wait3A_466] : memref<1024x16xf32, #tpu.memory_space<vmem>> -> memref<128x16xf32, #tpu.memory_space<vmem>>
      %dma_wait3A_468 = arith.constant 0 : i32
      %dma_wait3A_469 = tpu.memref_slice %arg9[%add3A_464, %dma_wait3A_468] : memref<80x128xi32, #tpu.memory_space<vmem>> -> memref<1x128xi32, #tpu.memory_space<vmem>>
      %dma_wait3A_470 = tpu.memref_squeeze %dma_wait3A_469 : memref<1x128xi32, #tpu.memory_space<vmem>> -> memref<128xi32, #tpu.memory_space<vmem>>
      %dma_wait3A_471 = arith.constant 0 : i32
      %dma_wait3A_472 = arith.constant 0 : i32
      %dma_wait3A_473 = tpu.memref_slice %arg12[%dma_wait3A_471, %dma_wait3A_472] : memref<10112x16xf32, #tpu.memory_space<vmem_shared>> -> memref<10112x16xf32, #tpu.memory_space<vmem_shared>>
      tpu.wait_indirect_dma semaphore(%arg17 : memref<!tpu.dma_semaphore, #tpu.memory_space<semaphore_mem>>) src(%dma_wait3A_467 : memref<128x16xf32, #tpu.memory_space<vmem>>) dst(%dma_wait3A_473 : memref<10112x16xf32, #tpu.memory_space<vmem_shared>>)
    }
    %scan3A_19 = arith.constant 5 : i32
    %barrier3A_20 = arith.constant 0 : index
    tpu.barrier barrier_id(%barrier3A_20)
    %eq3A = arith.constant 0 : i32
    %eq3A_21 = arith.cmpi eq, %arg0, %eq3A : i32
    %convert_element_type3A = arith.extui %eq3A_21 : i1 to i32
    %cond3A = arith.constant 0 : i32
    %cond3A_22 = arith.cmpi ne, %convert_element_type3A, %cond3A : i32
    scf.if %cond3A_22 {
      %mul3A_28 = arith.constant 632 : i32
      %mul3A_29 = arith.muli %arg1, %mul3A_28 : i32
      %mul3A_30 = arith.constant 632 : i32
      %mul3A_31 = arith.muli %arg1, %mul3A_30 : i32
      "tpu.region"() ({
        %run_scoped3A = tpu.sem_alloc : memref<!tpu.dma_semaphore, #tpu.memory_space<semaphore_mem>>
        %dma_start3A_32 = arith.constant 0 : i32
        %dma_start3A_33 = tpu.memref_slice %arg6[%mul3A_31, %dma_start3A_32] : memref<10112x16xf32, #tpu.memory_space<hbm>> -> memref<632x16xf32, #tpu.memory_space<hbm>>
        %dma_start3A_34 = arith.constant 0 : i32
        %dma_start3A_35 = tpu.memref_slice %arg12[%mul3A_29, %dma_start3A_34] : memref<10112x16xf32, #tpu.memory_space<vmem_shared>> -> memref<632x16xf32, #tpu.memory_space<vmem_shared>>
        tpu.enqueue_dma source(%dma_start3A_35 : memref<632x16xf32, #tpu.memory_space<vmem_shared>>) target(%dma_start3A_33 : memref<632x16xf32, #tpu.memory_space<hbm>>) target_semaphore(%run_scoped3A : memref<!tpu.dma_semaphore, #tpu.memory_space<semaphore_mem>>)
        %dma_wait3A = arith.constant 0 : i32
        %dma_wait3A_36 = tpu.memref_slice %arg6[%mul3A_31, %dma_wait3A] : memref<10112x16xf32, #tpu.memory_space<hbm>> -> memref<632x16xf32, #tpu.memory_space<hbm>>
        %dma_wait3A_37 = arith.constant 0 : i32
        %dma_wait3A_38 = tpu.memref_slice %arg12[%mul3A_29, %dma_wait3A_37] : memref<10112x16xf32, #tpu.memory_space<vmem_shared>> -> memref<632x16xf32, #tpu.memory_space<vmem_shared>>
        tpu.wait_dma2 semaphore(%run_scoped3A : memref<!tpu.dma_semaphore, #tpu.memory_space<semaphore_mem>>) src(%dma_wait3A_38 : memref<632x16xf32, #tpu.memory_space<vmem_shared>>) dst(%dma_wait3A_36 : memref<632x16xf32, #tpu.memory_space<hbm>>)
        tpu.yield
      }) : () -> ()
    } else {
    }
    %eq3A_23 = arith.constant 1 : i32
    %eq3A_24 = arith.cmpi eq, %arg0, %eq3A_23 : i32
    %convert_element_type3A_25 = arith.extui %eq3A_24 : i1 to i32
    %cond3A_26 = arith.constant 0 : i32
    %cond3A_27 = arith.cmpi ne, %convert_element_type3A_25, %cond3A_26 : i32
    scf.if %cond3A_27 {
      %mul3A_28 = arith.constant 632 : i32
      %mul3A_29 = arith.muli %arg1, %mul3A_28 : i32
      %mul3A_30 = arith.constant 632 : i32
      %mul3A_31 = arith.muli %arg1, %mul3A_30 : i32
      "tpu.region"() ({
        %run_scoped3A = tpu.sem_alloc : memref<!tpu.dma_semaphore, #tpu.memory_space<semaphore_mem>>
        %dma_start3A_32 = arith.constant 0 : i32
        %dma_start3A_33 = tpu.memref_slice %arg7[%mul3A_31, %dma_start3A_32] : memref<10112x16xf32, #tpu.memory_space<hbm>> -> memref<632x16xf32, #tpu.memory_space<hbm>>
        %dma_start3A_34 = arith.constant 0 : i32
        %dma_start3A_35 = tpu.memref_slice %arg12[%mul3A_29, %dma_start3A_34] : memref<10112x16xf32, #tpu.memory_space<vmem_shared>> -> memref<632x16xf32, #tpu.memory_space<vmem_shared>>
        tpu.enqueue_dma source(%dma_start3A_35 : memref<632x16xf32, #tpu.memory_space<vmem_shared>>) target(%dma_start3A_33 : memref<632x16xf32, #tpu.memory_space<hbm>>) target_semaphore(%run_scoped3A : memref<!tpu.dma_semaphore, #tpu.memory_space<semaphore_mem>>)
        %dma_wait3A = arith.constant 0 : i32
        %dma_wait3A_36 = tpu.memref_slice %arg7[%mul3A_31, %dma_wait3A] : memref<10112x16xf32, #tpu.memory_space<hbm>> -> memref<632x16xf32, #tpu.memory_space<hbm>>
        %dma_wait3A_37 = arith.constant 0 : i32
        %dma_wait3A_38 = tpu.memref_slice %arg12[%mul3A_29, %dma_wait3A_37] : memref<10112x16xf32, #tpu.memory_space<vmem_shared>> -> memref<632x16xf32, #tpu.memory_space<vmem_shared>>
        tpu.wait_dma2 semaphore(%run_scoped3A : memref<!tpu.dma_semaphore, #tpu.memory_space<semaphore_mem>>) src(%dma_wait3A_38 : memref<632x16xf32, #tpu.memory_space<vmem_shared>>) dst(%dma_wait3A_36 : memref<632x16xf32, #tpu.memory_space<hbm>>)
        tpu.yield
      }) : () -> ()
    } else {
    }
    return
  }
}

module attributes {stable_mosaic.version = 14 : i64} {
  func.func @_prep_body(%arg0: i32, %arg1: memref<32x1024xf32, #tpu.memory_space<vmem>>, %arg2: memref<1024x200xf32, #tpu.memory_space<vmem>>, %arg3: memref<200x32xf32, #tpu.memory_space<vmem>>, %arg4: memref<1024x1xf32, #tpu.memory_space<vmem>>, %arg5: memref<1024x32xf32, #tpu.memory_space<vmem>>) attributes {dimension_semantics = [#tpu.dimension_semantics<arbitrary>], iteration_bounds = array<i64: 10>, scalar_prefetch = 0 : i64, scratch_operands = 0 : i64, tpu.core_type = #tpu.core_type<tc>, window_params = [{transform_indices = @transform_0, window_bounds = array<i64: 32, 1024>}, {transform_indices = @transform_1, window_bounds = array<i64: 1024, 200>}, {pipeline_mode = #tpu.pipeline_mode<synchronous>, transform_indices = @transform_2, window_bounds = array<i64: 200, 32>}, {transform_indices = @transform_3, window_bounds = array<i64: 1024, 1>}, {transform_indices = @transform_4, window_bounds = array<i64: 1024, 32>}]} {
    %broadcast_in_dim3A = arith.constant 1.000000e+00 : f32
    %broadcast_in_dim3A_0 = vector.broadcast %broadcast_in_dim3A : f32 to vector<32x1xf32>
    %get3A = arith.constant 0 : index
    %get3A_1 = arith.constant 0 : index
    %get3A_2 = vector.load %arg1[%get3A, %get3A_1] : memref<32x1024xf32, #tpu.memory_space<vmem>>, vector<32x1024xf32>
    %dot_general3A = arith.constant dense<0.000000e+00> : vector<1024x1xf32>
    %dot_general3A_3 = tpu.matmul %get3A_2, %broadcast_in_dim3A_0, %dot_general3A {dimension_numbers = #tpu.dot_dimension_numbers<[0], [0], [1], [1], [0, 1, 1, 1], [], []>, transpose_lhs_hint = false} : vector<32x1024xf32>, vector<32x1xf32>, vector<1024x1xf32> -> vector<1024x1xf32>
    %add3A = arith.constant 1.000000e+00 : f32
    %add3A_4 = vector.broadcast %add3A : f32 to vector<1024x1xf32>
    %add3A_5 = arith.addf %dot_general3A_3, %add3A_4 : vector<1024x1xf32>
    %rsqrt3A = math.rsqrt %add3A_5 : vector<1024x1xf32>
    %swap3A = arith.constant 0 : index
    %swap3A_6 = arith.constant 0 : index
    %swap3A_7 = vector.load %arg4[%swap3A, %swap3A_6] : memref<1024x1xf32, #tpu.memory_space<vmem>>, vector<1024x1xf32>
    tpu.vector_store %arg4[%swap3A, %swap3A_6], %rsqrt3A {strides = array<i32>} : memref<1024x1xf32, #tpu.memory_space<vmem>>, vector<1024x1xf32>,
    %get3A_8 = arith.constant 0 : index
    %get3A_9 = arith.constant 0 : index
    %get3A_10 = vector.load %arg2[%get3A_8, %get3A_9] : memref<1024x200xf32, #tpu.memory_space<vmem>>, vector<1024x200xf32>
    %get3A_11 = arith.constant 0 : index
    %get3A_12 = arith.constant 0 : index
    %get3A_13 = vector.load %arg3[%get3A_11, %get3A_12] : memref<200x32xf32, #tpu.memory_space<vmem>>, vector<200x32xf32>
    %dot_general3A_14 = arith.constant dense<0.000000e+00> : vector<1024x32xf32>
    %dot_general3A_15 = tpu.matmul %get3A_10, %get3A_13, %dot_general3A_14 {dimension_numbers = #tpu.dot_dimension_numbers<[1], [0], [0], [1], [0, 0, 1, 1], [], []>, transpose_lhs_hint = false} : vector<1024x200xf32>, vector<200x32xf32>, vector<1024x32xf32> -> vector<1024x32xf32>
    %mul3A = vector.broadcast %rsqrt3A : vector<1024x1xf32> to vector<1024x32xf32>
    %mul3A_16 = arith.mulf %mul3A, %dot_general3A_15 : vector<1024x32xf32>
    %swap3A_17 = arith.constant 0 : index
    %swap3A_18 = arith.constant 0 : index
    %swap3A_19 = vector.load %arg5[%swap3A_17, %swap3A_18] : memref<1024x32xf32, #tpu.memory_space<vmem>>, vector<1024x32xf32>
    tpu.vector_store %arg5[%swap3A_17, %swap3A_18], %mul3A_16 {strides = array<i32>} : memref<1024x32xf32, #tpu.memory_space<vmem>>, vector<1024x32xf32>,
    return
  }
  func.func @transform_0(%arg0: i32) -> (i32, i32) {
    %c0_i32 = arith.constant 0 : i32
    %c0_i32_0 = arith.constant 0 : i32
    return %c0_i32, %arg0 : i32, i32
  }
  func.func @transform_1(%arg0: i32) -> (i32, i32) {
    %c0_i32 = arith.constant 0 : i32
    %c0_i32_0 = arith.constant 0 : i32
    return %arg0, %c0_i32 : i32, i32
  }
  func.func @transform_2(%arg0: i32) -> (i32, i32) {
    %c0_i32 = arith.constant 0 : i32
    %c0_i32_0 = arith.constant 0 : i32
    %c0_i32_1 = arith.constant 0 : i32
    return %c0_i32, %c0_i32_0 : i32, i32
  }
  func.func @transform_3(%arg0: i32) -> (i32, i32) {
    %c0_i32 = arith.constant 0 : i32
    %c0_i32_0 = arith.constant 0 : i32
    return %arg0, %c0_i32 : i32, i32
  }
  func.func @transform_4(%arg0: i32) -> (i32, i32) {
    %c0_i32 = arith.constant 0 : i32
    %c0_i32_0 = arith.constant 0 : i32
    return %arg0, %c0_i32 : i32, i32
  }
}

module attributes {stable_mosaic.version = 14 : i64} {
  func.func @_mid1_body(%arg0: i32, %arg1: memref<1024x32xf32, #tpu.memory_space<vmem>>, %arg2: memref<1024x32xf32, #tpu.memory_space<vmem>>, %arg3: memref<1024x32xf32, #tpu.memory_space<vmem>>, %arg4: memref<1024x1xf32, #tpu.memory_space<vmem>>, %arg5: memref<1x32xf32, #tpu.memory_space<vmem>>, %arg6: memref<32x16xf32, #tpu.memory_space<vmem>>, %arg7: memref<1024x16xf32, #tpu.memory_space<vmem>>) attributes {dimension_semantics = [#tpu.dimension_semantics<arbitrary>], iteration_bounds = array<i64: 10>, scalar_prefetch = 0 : i64, scratch_operands = 0 : i64, tpu.core_type = #tpu.core_type<tc>, window_params = [{transform_indices = @transform_0, window_bounds = array<i64: 1024, 32>}, {transform_indices = @transform_1, window_bounds = array<i64: 1024, 32>}, {transform_indices = @transform_2, window_bounds = array<i64: 1024, 32>}, {transform_indices = @transform_3, window_bounds = array<i64: 1024, 1>}, {pipeline_mode = #tpu.pipeline_mode<synchronous>, transform_indices = @transform_4, window_bounds = array<i64: 1, 32>}, {pipeline_mode = #tpu.pipeline_mode<synchronous>, transform_indices = @transform_5, window_bounds = array<i64: 32, 16>}, {transform_indices = @transform_6, window_bounds = array<i64: 1024, 16>}]} {
    %get3A = arith.constant 0 : index
    %get3A_0 = arith.constant 0 : index
    %get3A_1 = vector.load %arg4[%get3A, %get3A_0] : memref<1024x1xf32, #tpu.memory_space<vmem>>, vector<1024x1xf32>
    %get3A_2 = arith.constant 0 : index
    %get3A_3 = arith.constant 0 : index
    %get3A_4 = vector.load %arg1[%get3A_2, %get3A_3] : memref<1024x32xf32, #tpu.memory_space<vmem>>, vector<1024x32xf32>
    %get3A_5 = arith.constant 0 : index
    %get3A_6 = arith.constant 0 : index
    %get3A_7 = vector.load %arg2[%get3A_5, %get3A_6] : memref<1024x32xf32, #tpu.memory_space<vmem>>, vector<1024x32xf32>
    %add3A = arith.addf %get3A_4, %get3A_7 : vector<1024x32xf32>
    %get3A_8 = arith.constant 0 : index
    %get3A_9 = arith.constant 0 : index
    %get3A_10 = vector.load %arg3[%get3A_8, %get3A_9] : memref<1024x32xf32, #tpu.memory_space<vmem>>, vector<1024x32xf32>
    %add3A_11 = arith.addf %add3A, %get3A_10 : vector<1024x32xf32>
    %mul3A = vector.broadcast %get3A_1 : vector<1024x1xf32> to vector<1024x32xf32>
    %mul3A_12 = arith.mulf %mul3A, %add3A_11 : vector<1024x32xf32>
    %get3A_13 = arith.constant 0 : index
    %get3A_14 = arith.constant 0 : index
    %get3A_15 = vector.load %arg5[%get3A_13, %get3A_14] : memref<1x32xf32, #tpu.memory_space<vmem>>, vector<1x32xf32>
    %add3A_16 = vector.broadcast %get3A_15 : vector<1x32xf32> to vector<1024x32xf32>
    %add3A_17 = arith.addf %mul3A_12, %add3A_16 : vector<1024x32xf32>
    %max3A = arith.constant 0.000000e+00 : f32
    %max3A_18 = vector.broadcast %max3A : f32 to vector<1024x32xf32>
    %max3A_19 = arith.maximumf %add3A_17, %max3A_18 : vector<1024x32xf32>
    %get3A_20 = arith.constant 0 : index
    %get3A_21 = arith.constant 0 : index
    %get3A_22 = vector.load %arg4[%get3A_20, %get3A_21] : memref<1024x1xf32, #tpu.memory_space<vmem>>, vector<1024x1xf32>
    %get3A_23 = arith.constant 0 : index
    %get3A_24 = arith.constant 0 : index
    %get3A_25 = vector.load %arg6[%get3A_23, %get3A_24] : memref<32x16xf32, #tpu.memory_space<vmem>>, vector<32x16xf32>
    %dot_general3A = arith.constant dense<0.000000e+00> : vector<1024x16xf32>
    %dot_general3A_26 = tpu.matmul %max3A_19, %get3A_25, %dot_general3A {dimension_numbers = #tpu.dot_dimension_numbers<[1], [0], [0], [1], [0, 0, 1, 1], [], []>, transpose_lhs_hint = false} : vector<1024x32xf32>, vector<32x16xf32>, vector<1024x16xf32> -> vector<1024x16xf32>
    %mul3A_27 = vector.broadcast %get3A_22 : vector<1024x1xf32> to vector<1024x16xf32>
    %mul3A_28 = arith.mulf %mul3A_27, %dot_general3A_26 : vector<1024x16xf32>
    %swap3A = arith.constant 0 : index
    %swap3A_29 = arith.constant 0 : index
    %swap3A_30 = vector.load %arg7[%swap3A, %swap3A_29] : memref<1024x16xf32, #tpu.memory_space<vmem>>, vector<1024x16xf32>
    tpu.vector_store %arg7[%swap3A, %swap3A_29], %mul3A_28 {strides = array<i32>} : memref<1024x16xf32, #tpu.memory_space<vmem>>, vector<1024x16xf32>,
    return
  }
  func.func @transform_0(%arg0: i32) -> (i32, i32) {
    %c0_i32 = arith.constant 0 : i32
    %c0_i32_0 = arith.constant 0 : i32
    return %arg0, %c0_i32 : i32, i32
  }
  func.func @transform_1(%arg0: i32) -> (i32, i32) {
    %c0_i32 = arith.constant 0 : i32
    %c0_i32_0 = arith.constant 0 : i32
    return %arg0, %c0_i32 : i32, i32
  }
  func.func @transform_2(%arg0: i32) -> (i32, i32) {
    %c0_i32 = arith.constant 0 : i32
    %c0_i32_0 = arith.constant 0 : i32
    return %arg0, %c0_i32 : i32, i32
  }
  func.func @transform_3(%arg0: i32) -> (i32, i32) {
    %c0_i32 = arith.constant 0 : i32
    %c0_i32_0 = arith.constant 0 : i32
    return %arg0, %c0_i32 : i32, i32
  }
  func.func @transform_4(%arg0: i32) -> (i32, i32) {
    %c0_i32 = arith.constant 0 : i32
    %c0_i32_0 = arith.constant 0 : i32
    %c0_i32_1 = arith.constant 0 : i32
    return %c0_i32, %c0_i32_0 : i32, i32
  }
  func.func @transform_5(%arg0: i32) -> (i32, i32) {
    %c0_i32 = arith.constant 0 : i32
    %c0_i32_0 = arith.constant 0 : i32
    %c0_i32_1 = arith.constant 0 : i32
    return %c0_i32, %c0_i32_0 : i32, i32
  }
  func.func @transform_6(%arg0: i32) -> (i32, i32) {
    %c0_i32 = arith.constant 0 : i32
    %c0_i32_0 = arith.constant 0 : i32
    return %arg0, %c0_i32 : i32, i32
  }
}

module attributes {stable_mosaic.version = 14 : i64} {
  func.func @_mid2_body(%arg0: i32, %arg1: memref<1024x16xf32, #tpu.memory_space<vmem>>, %arg2: memref<1024x16xf32, #tpu.memory_space<vmem>>, %arg3: memref<1024x16xf32, #tpu.memory_space<vmem>>, %arg4: memref<1024x1xf32, #tpu.memory_space<vmem>>, %arg5: memref<1x16xf32, #tpu.memory_space<vmem>>, %arg6: memref<1024x16xf32, #tpu.memory_space<vmem>>) attributes {dimension_semantics = [#tpu.dimension_semantics<arbitrary>], iteration_bounds = array<i64: 10>, scalar_prefetch = 0 : i64, scratch_operands = 0 : i64, tpu.core_type = #tpu.core_type<tc>, window_params = [{transform_indices = @transform_0, window_bounds = array<i64: 1024, 16>}, {transform_indices = @transform_1, window_bounds = array<i64: 1024, 16>}, {transform_indices = @transform_2, window_bounds = array<i64: 1024, 16>}, {transform_indices = @transform_3, window_bounds = array<i64: 1024, 1>}, {pipeline_mode = #tpu.pipeline_mode<synchronous>, transform_indices = @transform_4, window_bounds = array<i64: 1, 16>}, {transform_indices = @transform_5, window_bounds = array<i64: 1024, 16>}]} {
    %get3A = arith.constant 0 : index
    %get3A_0 = arith.constant 0 : index
    %get3A_1 = vector.load %arg4[%get3A, %get3A_0] : memref<1024x1xf32, #tpu.memory_space<vmem>>, vector<1024x1xf32>
    %get3A_2 = arith.constant 0 : index
    %get3A_3 = arith.constant 0 : index
    %get3A_4 = vector.load %arg1[%get3A_2, %get3A_3] : memref<1024x16xf32, #tpu.memory_space<vmem>>, vector<1024x16xf32>
    %get3A_5 = arith.constant 0 : index
    %get3A_6 = arith.constant 0 : index
    %get3A_7 = vector.load %arg2[%get3A_5, %get3A_6] : memref<1024x16xf32, #tpu.memory_space<vmem>>, vector<1024x16xf32>
    %add3A = arith.addf %get3A_4, %get3A_7 : vector<1024x16xf32>
    %get3A_8 = arith.constant 0 : index
    %get3A_9 = arith.constant 0 : index
    %get3A_10 = vector.load %arg3[%get3A_8, %get3A_9] : memref<1024x16xf32, #tpu.memory_space<vmem>>, vector<1024x16xf32>
    %add3A_11 = arith.addf %add3A, %get3A_10 : vector<1024x16xf32>
    %mul3A = vector.broadcast %get3A_1 : vector<1024x1xf32> to vector<1024x16xf32>
    %mul3A_12 = arith.mulf %mul3A, %add3A_11 : vector<1024x16xf32>
    %get3A_13 = arith.constant 0 : index
    %get3A_14 = arith.constant 0 : index
    %get3A_15 = vector.load %arg5[%get3A_13, %get3A_14] : memref<1x16xf32, #tpu.memory_space<vmem>>, vector<1x16xf32>
    %add3A_16 = vector.broadcast %get3A_15 : vector<1x16xf32> to vector<1024x16xf32>
    %add3A_17 = arith.addf %mul3A_12, %add3A_16 : vector<1024x16xf32>
    %max3A = arith.constant 0.000000e+00 : f32
    %max3A_18 = vector.broadcast %max3A : f32 to vector<1024x16xf32>
    %max3A_19 = arith.maximumf %add3A_17, %max3A_18 : vector<1024x16xf32>
    %get3A_20 = arith.constant 0 : index
    %get3A_21 = arith.constant 0 : index
    %get3A_22 = vector.load %arg4[%get3A_20, %get3A_21] : memref<1024x1xf32, #tpu.memory_space<vmem>>, vector<1024x1xf32>
    %mul3A_23 = vector.broadcast %get3A_22 : vector<1024x1xf32> to vector<1024x16xf32>
    %mul3A_24 = arith.mulf %mul3A_23, %max3A_19 : vector<1024x16xf32>
    %swap3A = arith.constant 0 : index
    %swap3A_25 = arith.constant 0 : index
    %swap3A_26 = vector.load %arg6[%swap3A, %swap3A_25] : memref<1024x16xf32, #tpu.memory_space<vmem>>, vector<1024x16xf32>
    tpu.vector_store %arg6[%swap3A, %swap3A_25], %mul3A_24 {strides = array<i32>} : memref<1024x16xf32, #tpu.memory_space<vmem>>, vector<1024x16xf32>,
    return
  }
  func.func @transform_0(%arg0: i32) -> (i32, i32) {
    %c0_i32 = arith.constant 0 : i32
    %c0_i32_0 = arith.constant 0 : i32
    return %arg0, %c0_i32 : i32, i32
  }
  func.func @transform_1(%arg0: i32) -> (i32, i32) {
    %c0_i32 = arith.constant 0 : i32
    %c0_i32_0 = arith.constant 0 : i32
    return %arg0, %c0_i32 : i32, i32
  }
  func.func @transform_2(%arg0: i32) -> (i32, i32) {
    %c0_i32 = arith.constant 0 : i32
    %c0_i32_0 = arith.constant 0 : i32
    return %arg0, %c0_i32 : i32, i32
  }
  func.func @transform_3(%arg0: i32) -> (i32, i32) {
    %c0_i32 = arith.constant 0 : i32
    %c0_i32_0 = arith.constant 0 : i32
    return %arg0, %c0_i32 : i32, i32
  }
  func.func @transform_4(%arg0: i32) -> (i32, i32) {
    %c0_i32 = arith.constant 0 : i32
    %c0_i32_0 = arith.constant 0 : i32
    %c0_i32_1 = arith.constant 0 : i32
    return %c0_i32, %c0_i32_0 : i32, i32
  }
  func.func @transform_5(%arg0: i32) -> (i32, i32) {
    %c0_i32 = arith.constant 0 : i32
    %c0_i32_0 = arith.constant 0 : i32
    return %arg0, %c0_i32 : i32, i32
  }
}

module attributes {stable_mosaic.version = 14 : i64} {
  func.func @_final_body(%arg0: i32, %arg1: memref<1024x16xf32, #tpu.memory_space<vmem>>, %arg2: memref<1024x16xf32, #tpu.memory_space<vmem>>, %arg3: memref<1024x16xf32, #tpu.memory_space<vmem>>, %arg4: memref<1024x1xf32, #tpu.memory_space<vmem>>, %arg5: memref<16x200xf32, #tpu.memory_space<vmem>>, %arg6: memref<1x200xf32, #tpu.memory_space<vmem>>, %arg7: memref<1024x200xf32, #tpu.memory_space<vmem>>) attributes {dimension_semantics = [#tpu.dimension_semantics<arbitrary>], iteration_bounds = array<i64: 10>, scalar_prefetch = 0 : i64, scratch_operands = 0 : i64, tpu.core_type = #tpu.core_type<tc>, window_params = [{transform_indices = @transform_0, window_bounds = array<i64: 1024, 16>}, {transform_indices = @transform_1, window_bounds = array<i64: 1024, 16>}, {transform_indices = @transform_2, window_bounds = array<i64: 1024, 16>}, {transform_indices = @transform_3, window_bounds = array<i64: 1024, 1>}, {pipeline_mode = #tpu.pipeline_mode<synchronous>, transform_indices = @transform_4, window_bounds = array<i64: 16, 200>}, {pipeline_mode = #tpu.pipeline_mode<synchronous>, transform_indices = @transform_5, window_bounds = array<i64: 1, 200>}, {transform_indices = @transform_6, window_bounds = array<i64: 1024, 200>}]} {
    %get3A = arith.constant 0 : index
    %get3A_0 = arith.constant 0 : index
    %get3A_1 = vector.load %arg4[%get3A, %get3A_0] : memref<1024x1xf32, #tpu.memory_space<vmem>>, vector<1024x1xf32>
    %get3A_2 = arith.constant 0 : index
    %get3A_3 = arith.constant 0 : index
    %get3A_4 = vector.load %arg1[%get3A_2, %get3A_3] : memref<1024x16xf32, #tpu.memory_space<vmem>>, vector<1024x16xf32>
    %get3A_5 = arith.constant 0 : index
    %get3A_6 = arith.constant 0 : index
    %get3A_7 = vector.load %arg2[%get3A_5, %get3A_6] : memref<1024x16xf32, #tpu.memory_space<vmem>>, vector<1024x16xf32>
    %add3A = arith.addf %get3A_4, %get3A_7 : vector<1024x16xf32>
    %get3A_8 = arith.constant 0 : index
    %get3A_9 = arith.constant 0 : index
    %get3A_10 = vector.load %arg3[%get3A_8, %get3A_9] : memref<1024x16xf32, #tpu.memory_space<vmem>>, vector<1024x16xf32>
    %add3A_11 = arith.addf %add3A, %get3A_10 : vector<1024x16xf32>
    %mul3A = vector.broadcast %get3A_1 : vector<1024x1xf32> to vector<1024x16xf32>
    %mul3A_12 = arith.mulf %mul3A, %add3A_11 : vector<1024x16xf32>
    %get3A_13 = arith.constant 0 : index
    %get3A_14 = arith.constant 0 : index
    %get3A_15 = vector.load %arg5[%get3A_13, %get3A_14] : memref<16x200xf32, #tpu.memory_space<vmem>>, vector<16x200xf32>
    %dot_general3A = arith.constant dense<0.000000e+00> : vector<1024x200xf32>
    %dot_general3A_16 = tpu.matmul %mul3A_12, %get3A_15, %dot_general3A {dimension_numbers = #tpu.dot_dimension_numbers<[1], [0], [0], [1], [0, 0, 1, 1], [], []>, transpose_lhs_hint = false} : vector<1024x16xf32>, vector<16x200xf32>, vector<1024x200xf32> -> vector<1024x200xf32>
    %get3A_17 = arith.constant 0 : index
    %get3A_18 = arith.constant 0 : index
    %get3A_19 = vector.load %arg6[%get3A_17, %get3A_18] : memref<1x200xf32, #tpu.memory_space<vmem>>, vector<1x200xf32>
    %add3A_20 = vector.broadcast %get3A_19 : vector<1x200xf32> to vector<1024x200xf32>
    %add3A_21 = arith.addf %dot_general3A_16, %add3A_20 : vector<1024x200xf32>
    %reduce_max3A = arith.constant dense<0xFF800000> : vector<1024xf32>
    %reduce_max3A_22 = vector.multi_reduction <maximumf>, %add3A_21, %reduce_max3A [1] : vector<1024x200xf32> to vector<1024xf32>
    %broadcast_in_dim3A = vector.shape_cast %reduce_max3A_22 : vector<1024xf32> to vector<1024x1xf32>
    %sub3A = vector.broadcast %broadcast_in_dim3A : vector<1024x1xf32> to vector<1024x200xf32>
    %sub3A_23 = arith.subf %add3A_21, %sub3A : vector<1024x200xf32>
    %exp3A = math.exp %sub3A_23 : vector<1024x200xf32>
    %reduce_sum3A = arith.constant dense<0.000000e+00> : vector<1024xf32>
    %reduce_sum3A_24 = vector.multi_reduction <add>, %exp3A, %reduce_sum3A [1] : vector<1024x200xf32> to vector<1024xf32>
    %broadcast_in_dim3A_25 = vector.shape_cast %reduce_sum3A_24 : vector<1024xf32> to vector<1024x1xf32>
    %log3A = math.log %broadcast_in_dim3A_25 : vector<1024x1xf32>
    %sub3A_26 = vector.broadcast %log3A : vector<1024x1xf32> to vector<1024x200xf32>
    %sub3A_27 = arith.subf %sub3A_23, %sub3A_26 : vector<1024x200xf32>
    %swap3A = arith.constant 0 : index
    %swap3A_28 = arith.constant 0 : index
    %swap3A_29 = vector.load %arg7[%swap3A, %swap3A_28] : memref<1024x200xf32, #tpu.memory_space<vmem>>, vector<1024x200xf32>
    tpu.vector_store %arg7[%swap3A, %swap3A_28], %sub3A_27 {strides = array<i32>} : memref<1024x200xf32, #tpu.memory_space<vmem>>, vector<1024x200xf32>,
    return
  }
  func.func @transform_0(%arg0: i32) -> (i32, i32) {
    %c0_i32 = arith.constant 0 : i32
    %c0_i32_0 = arith.constant 0 : i32
    return %arg0, %c0_i32 : i32, i32
  }
  func.func @transform_1(%arg0: i32) -> (i32, i32) {
    %c0_i32 = arith.constant 0 : i32
    %c0_i32_0 = arith.constant 0 : i32
    return %arg0, %c0_i32 : i32, i32
  }
  func.func @transform_2(%arg0: i32) -> (i32, i32) {
    %c0_i32 = arith.constant 0 : i32
    %c0_i32_0 = arith.constant 0 : i32
    return %arg0, %c0_i32 : i32, i32
  }
  func.func @transform_3(%arg0: i32) -> (i32, i32) {
    %c0_i32 = arith.constant 0 : i32
    %c0_i32_0 = arith.constant 0 : i32
    return %arg0, %c0_i32 : i32, i32
  }
  func.func @transform_4(%arg0: i32) -> (i32, i32) {
    %c0_i32 = arith.constant 0 : i32
    %c0_i32_0 = arith.constant 0 : i32
    %c0_i32_1 = arith.constant 0 : i32
    return %c0_i32, %c0_i32_0 : i32, i32
  }
  func.func @transform_5(%arg0: i32) -> (i32, i32) {
    %c0_i32 = arith.constant 0 : i32
    %c0_i32_0 = arith.constant 0 : i32
    %c0_i32_1 = arith.constant 0 : i32
    return %c0_i32, %c0_i32_0 : i32, i32
  }
  func.func @transform_6(%arg0: i32) -> (i32, i32) {
    %c0_i32 = arith.constant 0 : i32
    %c0_i32_0 = arith.constant 0 : i32
    return %arg0, %c0_i32 : i32, i32
  }
}

</mosaic_0001>

<sc_bundles>
// kernel: kernel.10.cloned.1.call-start
scs
__scs_entry_jumppad:
0x0: {  	(pc) =	sbr.rel $0x88, $3  }
0x1: {  	(tag) =	ssettag $0x0;
	lr =	simm.s32 $0x1  }
0x2: {  	[smem:$0x3F99] =	sst lr;
	_ =	strace $0xD0000000  }
0x3: {  	_ = 	snop  }
0x4: {  	_ = 	snop  }
0x5: {  	_ = 	snop  }
0x6: {  	_ = 	snop  }
0x7: {  	_ = 	snop  }
__scs_overlays_trampoline_lowered:
0x8: {  	[smem:$0x3FA8] =	sst s0  }
0x9: {  	[smem:$0x3FA9] =	sst s1  }
0xa: {  	[smem:$0x3FAA] =	sst s2  }
0xb: {  	[smem:$0x3FAB] =	sst s3  }
0xc: {  	[smem:$0x3FAC] =	sst s4  }
0xd: {  	[smem:$0x3FAD] =	sst s5  }
0xe: {  	[smem:$0x3FAE] =	sst s6  }
0xf: {  	[smem:$0x3FAF] =	sst s7  }
0x10: {  	[smem:$0x3FB0] =	sst s8  }
0x11: {  	[smem:$0x3FB1] =	sst s9;
	s0 =	simm.s32 @!p0 $0x0  }
0x12: {  	s1 =	sld [smem:$0x3F97];
	s0 =	simm.s32 @p0 $0x1  }
0x13: {  	[smem:$0x3FB2] =	sst s0;
	s0 =	simm.s32 @!p1 $0x0  }
0x14: {  	s2 =	sld [smem:$0x3F96];
	s0 =	simm.s32 @p1 $0x1  }
0x15: {  	[smem:$0x3FB3] =	sst s0;
	s0 =	simm.s32 @!p2 $0x0  }
0x16: {  	s3 =	sld [smem:$0x3FDB];
	s0 =	simm.s32 @p2 $0x1  }
0x17: {  	s4 =	simm.s32 $0x1BF5;
	[smem:$0x3FB5] =	sst s0  }
0x18: {  	s0 =	sld [smem:$0x3F98];
	_ =	swait.ge [sflag:s4], $0x0  }
0x19: {  	s7 =	sld [smem:$0x3F99]  }
0x1a: {  	s8 =	sadd.s32 $0xFFFFE003, lr  }
0x1b: {  	s9 =	sadd.s32 $0xFFFFFEF7, lr;
	s5 =	simm.s32 $0xFFFFFFFF;
	p2 =	slt.u32 s8, $0xFFFFF086  }
0x1c: {  	p1 =	slt.u32 s9, $0xF7A;
	s5 =	simm.s32 @!p2 $0x0  }
0x1d: {  	s5 =	simm.s32 @p1 $0x1;
	p0 =	seq.s32 s7, s2  }
0x1e: {  	s7 =	smul.u32 @!p0 $0xF7A, s2;
	p2 =	seq.s32 @!p0 s5, $0x0  }
0x1f: {  	s9 =	smul.u32 $0xF7A, s1;
	s8 =	simm.s32 @!p0 $0x1BF5;
	p2 =	por !p2, p0  }
0x20: {  	[sflag:s8] =	ssyncset.s32 @!p0 $0xFFFFF086;
	s6 =	sadd.s32 @!p0 s3, s7;
	s7 =	simm.s32 @!p0 $0x108  }
0x21: {  	s3 =	sadd.s32 s3, s9;
	s6 =	sadd.s32 @!p0 $0x88, s6;
	s7 =	simm.s32 @p2 $0x1082  }
0x22: {  	[simem:s7], [sflag:s8] =	dma.local @!p0 [hbm:s6], $0xF7A  }
0x23: {  	s9 =	sor.u32 $0xD0000000, s2;
	s6 =	simm.s32 $0x108;
	_ =	swait.ge @!p0 [sflag:s8], $0x0  }
0x24: {  	s3 =	sadd.s32 $0x88, s3;
	s6 =	simm.s32 @!p1 $0x1082;
	[sflag:s4] =	ssyncset.s32 $0xFFFFF086  }
0x25: {  	[simem:s6], [sflag:s4] =	dma.local [hbm:s3], $0xF7A  }
0x26: {  	[smem:$0x3F99] =	sst s1;
	(tag) =	ssettag s2;
	_ =	strace s9  }
0x27: {  	s1 =	sld [smem:$0x3FA9]  }
0x28: {  	s2 =	sld [smem:$0x3FAA]  }
0x29: {  	s4 =	sld [smem:$0x3FAC]  }
0x2a: {  	p0 =	seq.s32 s5, $0x0;
	s5 =	sld [smem:$0x3FAD]  }
0x2b: {  	s6 =	sld [smem:$0x3FAE]  }
0x2c: {  	s7 =	sld [smem:$0x3FAF]  }
0x2d: {  	s3 =	simm.s32 $0x108;
	s8 =	sld [smem:$0x3FB0]  }
0x2e: {  	s3 =	simm.s32 @!p0 $0x1082;
	s9 =	sld [smem:$0x3FB1]  }
0x2f: {  	lr =	sadd.s32 s0, s3;
	s0 =	sld [smem:$0x3FA8]  }
0x30: {  	s3 =	sld [smem:$0x3FAB]  }
0x31: {  	[smem:$0x3FB4] =	sst s10  }
0x32: {  	s10 =	sld [smem:$0x3FB2];
	_ =	sdelay $0x3  }
0x33: {  	p0 =	seq.s32 s10, $0x1;
	s10 =	sld [smem:$0x3FB4];
	_ =	sdelay $0x3  }
0x34: {  	[smem:$0x3FB4] =	sst s10  }
0x35: {  	s10 =	sld [smem:$0x3FB3];
	_ =	sdelay $0x3  }
0x36: {  	p1 =	seq.s32 s10, $0x1;
	s10 =	sld [smem:$0x3FB4];
	_ =	sdelay $0x3  }
0x37: {  	[smem:$0x3FB4] =	sst s10  }
0x38: {  	s10 =	sld [smem:$0x3FB5]  }
0x39: {  	_ = 	snop;
	(pc) =	sbr.ind lr, $3  }
0x3a: {  	_ = 	snop  }
0x3b: {  	_ = 	snop  }
0x3c: {  	p2 =	seq.s32 s10, $0x1;
	s10 =	sld [smem:$0x3FB4]  }
0x3d: {  	_ =	shalt  }
0x3e: {  	_ =	shalt  }
0x3f: {  	_ =	shalt  }
0x40: {  	_ =	shalt  }
0x41: {  	_ =	shalt  }
0x42: {  	_ =	shalt  }
0x43: {  	_ =	shalt  }
0x44: {  	_ =	shalt  }
0x45: {  	_ =	shalt  }
0x46: {  	_ =	shalt  }
0x47: {  	_ =	shalt  }
0x48: {  	_ =	shalt  }
0x49: {  	_ =	shalt  }
0x4a: {  	_ =	shalt  }
0x4b: {  	_ =	shalt  }
0x4c: {  	_ =	shalt  }
0x4d: {  	_ =	shalt  }
0x4e: {  	_ =	shalt  }
0x4f: {  	_ =	shalt  }
0x50: {  	_ =	shalt  }
0x51: {  	_ =	shalt  }
0x52: {  	_ =	shalt  }
0x53: {  	_ =	shalt  }
0x54: {  	_ =	shalt  }
0x55: {  	_ =	shalt  }
0x56: {  	_ =	shalt  }
0x57: {  	_ =	shalt  }
0x58: {  	_ =	shalt  }
0x59: {  	_ =	shalt  }
0x5a: {  	_ =	shalt  }
0x5b: {  	_ =	shalt  }
0x5c: {  	_ =	shalt  }
0x5d: {  	_ =	shalt  }
0x5e: {  	_ =	shalt  }
0x5f: {  	_ =	shalt  }
0x60: {  	_ =	shalt  }
0x61: {  	_ =	shalt  }
0x62: {  	_ =	shalt  }
0x63: {  	_ =	shalt  }
0x64: {  	_ =	shalt  }
0x65: {  	_ =	shalt  }
0x66: {  	_ =	shalt  }
0x67: {  	_ =	shalt  }
0x68: {  	_ =	shalt  }
0x69: {  	_ =	shalt  }
0x6a: {  	_ =	shalt  }
0x6b: {  	_ =	shalt  }
0x6c: {  	_ =	shalt  }
0x6d: {  	_ =	shalt  }
0x6e: {  	_ =	shalt  }
0x6f: {  	_ =	shalt  }
0x70: {  	_ =	shalt  }
0x71: {  	_ =	shalt  }
0x72: {  	_ =	shalt  }
0x73: {  	_ =	shalt  }
0x74: {  	_ =	shalt  }
0x75: {  	_ =	shalt  }
0x76: {  	_ =	shalt  }
0x77: {  	_ =	shalt  }
0x78: {  	_ =	shalt  }
0x79: {  	_ =	shalt  }
0x7a: {  	_ =	shalt  }
0x7b: {  	_ =	shalt  }
0x7c: {  	_ =	shalt  }
0x7d: {  	_ =	shalt  }
0x7e: {  	_ =	shalt  }
0x7f: {  	_ =	shalt  }
0x80: {  	_ =	shalt  }
0x81: {  	_ =	shalt  }
0x82: {  	_ =	shalt  }
0x83: {  	_ =	shalt  }
0x84: {  	_ =	shalt  }
0x85: {  	_ =	shalt  }
0x86: {  	_ =	shalt  }
0x87: {  	_ =	shalt  }
.Lfunc_end0:
.L_simem_size_0:
called_computation_lowered:
.L_overlay_start_0:
0x88: {  	s2 =	sld [smem:$0x3FD9]  }
0x89: {  	s3 =	sld [smem:$0x3FFE];
	_ =	sdelay $0x1  }
0x8a: {  	s1 =	srdreg.scid  }
0x8b: {  	s0 =	sand.u32 $0x1, s1  }
0x8c: {  	s17 =	sshll.u32 s0, $0xA;
	s2 =	sadd.s32 s3, s2  }
0x8d: {  	s2 =	sadd.s32 s2, s17  }
0x8e: {  	[smem:$0x3FC0] =	sst s2  }
0x8f: {  	_ = 	snop  }
0x90: {  	s2 =	sld [smem:$0x3FD0];
	(tm) =	ssettm $0x1  }
0x91: {  	s18 =	sld [smem:$0x3FFB];
	_ =	sdelay $0x3  }
0x92: {  	_ =	strace s18  }
0x93: {  	s3 =	sld [smem:$0x3FFC];
	_ =	sdelay $0x3  }
0x94: {  	_ =	strace s3  }
0x95: {  	s3 =	sld [smem:$0x3FFD];
	_ =	sdelay $0x3  }
0x96: {  	_ =	strace s3  }
0x97: {  	_ =	strace $0x8FFFFFFF  }
0x98: {  	s19 =	sld [smem:$0x3FDB];
	_ =	sdelay $0x1  }
0x99: {  	s4 =	simm.s32 $_scs_section_size  }
0x9a: {  	s5 =	simm.s32 $_size__tile_overlayer_lowered;
	s6 =	simm.s32 $_tile_overlayer_lowered  }
0x9b: {  	s22 =	simm.s32 $0x1BFF;
	s21 =	sshll.u32 s6, $0x1;
	s3 =	sadd.s32 s4, s19  }
0x9c: {  	s7 =	simm.s32 $0x0;
	s20 =	sshll.u32 s5, $0x1;
	s5 =	sadd.s32 s21, s3  }
0x9d: {  	[timem:s7], [sflag:s22] =	dma.local [hbm:s5], s20  }
0x9e: {  	_ =	swait.ge [sflag:s22], s20  }
0x9f: {  	s4 =	ssub.s32 $0x0, s20;
	[sflag:s22] =	ssyncset.done $0x0  }
0xa0: {  	[sflag:s22] =	ssyncadd.s32 s4;
	_ =	sdelay $0x1  }
0xa1: {  	s23 =	simm.s32 $0x1B8B  }
0xa2: {  	_ =	swait.ge [sflag:s23], $0x1  }
0xa3: {  	[sflag:s23] =	ssyncset.done $0x0  }
0xa4: {  	s25 =	simm.s32 $0x1B8E;
	s24 =	sld [smem:$0x3FFE];
	[sflag:s23] =	ssyncadd.s32 $0xFFFFFFFF  }
0xa5: {  	s26 =	simm.s32 $execute0_lowered;
	[smem:$0x3FD2] =	sst s25  }
0xa6: {  	s5 =	sshll.u32 s26, $0x1;
	_ =	strace $0x80000046;
	[dreg:$0x1] =	wrdreg $0xFFFFFFFF  }
0xa7: {  	s28 =	simm.s32 $_size_execute0_lowered;
	s3 =	sadd.s32 s3, s5;
	[dreg:$0x0] =	wrdreg $0x0  }
0xa8: {  	s5 =	sshll.u32 s28, $0x1;
	[dreg:$0x2] =	wrdreg s3  }
0xa9: {  	[dreg:$0x3] =	wrdreg s5  }
0xaa: {  	[dreg:$0x4] =	wrdreg $0xC0  }
0xab: {  	_ =	task [dreg:s7], $0x5FFFF  }
0xac: {  	[dreg:$0x1] =	wrdreg $0xFFFFFFFF  }
0xad: {  	[dreg:$0x0] =	wrdreg $0x60  }
0xae: {  	[dreg:$0x2] =	wrdreg s2  }
0xaf: {  	[dreg:$0x3] =	wrdreg s24  }
0xb0: {  	[dreg:$0x4] =	wrdreg $0x9  }
0xb1: {  	_ =	task.clear_ibuf [dreg:s7], $0x5FFFF;
	_ =	strace $0x90000046  }
0xb2: {  	s29 =	simm.s32 $0x9;
	_ =	strace $0x80000048  }
0xb3: {  	_ =	swait.ge [sflag:s29], $0x1  }
0xb4: {  	[sflag:s29] =	ssyncadd.s32 $0xFFFFFFFF  }
0xb5: {  	_ =	strace $0x90000048  }
0xb6: {  	_ =	sfence  }
0xb7: {  	s30 =	sld [smem:$0x0];
	_ =	sdelay $0x2  }
0xb8: {  	s31 =	sshll.u32 s1, $0xD;
	s1 =	sshrl.u32 s1, $0x2  }
0xb9: {  	s3 =	sand.u32 $0x4000, s31;
	s1 =	sadd.s32 s1, s30  }
0xba: {  	s0 =	sor.u32 s3, s0;
	s1 =	sshll.u32 s1, $0x11  }
0xbb: {  	s0 =	sor.u32 s1, s0  }
0xbc: {  	s0 =	sadd.s32 $0x8F2B, s0  }
0xbd: {  	[sflag:s0] =	ssyncadd.remote.s32 $0x1  }
0xbe: {  	_ =	sfence.sel $0xFFFF  }
0xbf: {  	[dreg:$0x0] =	wrdreg $0xFFFFFFFF;
	(pc) =	sbr.abs _section_cstart, $3  }
0xc0: {  	[dreg:$0x1] =	wrdreg $0xFFFFFFFF  }
0xc1: {  	_ =	task.clear_ibuf [dreg:s7], $0x2FFFF;
	_ =	strace $0x9FFFFFFF  }
0xc2: {  	(tm) =	ssettm $0x7FFFFFFF  }
0xc3: {  	_ =	shalt  }
tec
execute0_lowered:
.L_overlay_start_1:
0x0: {  	(tag) =	ssettag $0x1  }
0x1: {  	s5 =	rddreg [dreg:$0x0]  }
0x2: {  	s0 =	srdreg.scid;
	s6 =	rddreg [dreg:$0x1]  }
0x3: {  	s2 =	simm.s32 $0x0;
	s10 =	simm.s32 $0x400;
	s4 =	sand.u32 $0x1, s0  }
0x4: {  	s11 =	simm.s32 $0x0;
	s0 =	stileid.u32;
	s1 =	sshll.u32 s4, $0x4  }
0x5: {  	[smem:$0x7FF] =	sst s2;
	s8 =	sshll.u32 s0, $0x7;
	s3 =	sor.u32 s0, s1  }
0x6: {  	s4 =	ssub.s32 $0x2, s4;
	s7 =	sshrl.u32 s3, $0x3;
	s9 =	smul.u32 $0x2710, s3  }
0x7: {  	s1 =	rddreg [dreg:$0x2];
	s8 =	sand.u32 $0x380, s8;
	s7 =	smul.u32 $0x14000, s7  }
0x8: {  	_ =	strace $0x80000047;
	s31 =	sshrl.u32 s4, $0x1;
	s3 =	sadd.s32 $0x3800, s6  }
0x9: {  	s30 =	sshrl.u32 s9, $0x3;
	s9 =	simm.s32 $0x80;
	s7 =	sor.u32 s8, s7  }
0xa: {  	s5 =	sadd.s32 s5, s30;
	s8 =	simm.s32 $0x1;
	s7 =	sshrl.u32 s7, $0x3  }
0xb: {  	s6 =	sadd.s32 s7, s6;
	s7 =	ssub.s32 s4, s31;
	s4 =	sadd.s32 $0x9C40, s5  }
0xc: {  	v0 =	vimm.f32 $1.000000000e+00;
	s5 =	sadd.s32 $0x3E00, s6;
	s6 =	smax.u32 s7, $0x1;
	s7 =	simm.s32 $0x2780  }
.LBB2_1:
0xd: {  	[tilespmem:s7], [sflag:$0x1] =	stream.linear.gather [hbm4b:s3+s2], $0x2800, $0x38;
	[tilespmem:$0x4F80] =	vst v63  }
0xe: {  	_ =	swait.ge [sflag:s8], $0x2800  }
0xf: {  	[sflag:s8] =	ssyncset.done $0x0  }
0x10: {  	[sflag:s8] =	ssyncadd.s32 $0xFFFFD800  }
0x11: {  	[tilespmem:s2], [sflag:$0x1] =	stream.linear.gather [hbm4b:s4+s2], $0x2710, $0x38;
	[tilespmem:$0x4F80] =	vst v63  }
0x12: {  	_ =	swait.ge [sflag:s8], $0x2710  }
0x13: {  	[sflag:s8] =	ssyncset.done $0x0  }
0x14: {  	s13 =	simm.s32 $0x0;
	s12 =	simm.s32 $0x40;
	[sflag:s8] =	ssyncadd.s32 $0xFFFFD8F0  }
.LBB2_2:
0x15: {  	p0 =	sne.s32 s12, $0x9C00;
	v1 =	vld [tilespmem:s13+$0x0];
	_ =	sdelay $0x3  }
.Ltmp0:
0x16: {  	(pc) =	sbr.rel @p0 .LBB2_2-.Ltmp0, $2  }
0x17: {  	_ =	sdelay $0x2  }
0x18: {  	s13 =	sshra.s32 s12, $0x2;
	s12 =	sadd.s32 $0x40, s12;
	[tilespmem:v1+s7+$0x0] =	vst.idx.add.f32.msk $0xffff, v0  }
0x19: {  	v1 =	vld [tilespmem:s13+$0x0];
	_ =	sdelay $0x5  }
0x1a: {  	s11 =	sadd.s32 $0x1, s11  }
0x1b: {  	p0 =	sne.s32 s11, s6  }
.Ltmp1:
0x1c: {  	[tilespmem:v1+s7+$0x0] =	vst.idx.add.f32.msk $0xffff, v0;
	(pc) =	sbr.rel @p0 .LBB2_1-.Ltmp1, $4  }
0x1d: {  	[hbm4b:s5+s9] =	stream.strided.scatter [tilespmem:s7], [sflag:$0x1], $0x2800, s10, s9, $0x38;
	[tilespmem:$0x4F80] =	vst v63  }
0x1e: {  	_ =	swait.ge [sflag:s8], $0x2800  }
0x1f: {  	[sflag:s8] =	ssyncset.done $0x0  }
0x20: {  	[sflag:s8] =	ssyncadd.s32 $0xFFFFD800  }
0x21: {  	_ =	sfence.sel $0x180000  }
0x22: {  	[bflag:$0x0] =	sbarrier.arrive $0xFFFF  }
0x23: {  	p0 =	sne.s32 s0, $0x0;
	_ =	strace $0x90000047  }
0x24: {  	s0 =	sadd.s32 @!p0 $0x100000, s1;
	[bflag:$0x2] =	sbarrier.arrive $0xFFFF  }
0x25: {  	[sflag:s0] =	ssyncadd.tile.s32 @!p0 $0x1;
	_ =	shalt  }
.Lfunc_end2:
_tile_overlayer_lowered:
.L_overlay_start_2:
0x26: {  	(tag) =	ssettag $0x2  }
0x27: {  	s0 =	rddreg [dreg:$0x0];
	s2 =	stileid.u32  }
0x28: {  	s1 =	rddreg [dreg:$0x1];
	p0 =	sne.s32 s2, $0x0  }
0x29: {  	s3 =	rddreg [dreg:$0x2];
	[bflag:$0x3] =	sbarrier.arrive $0xFFFF;
	s2 =	simm.s32 @!p0 $0x1C01  }
0x2a: {  	[timem:s3], [sflag:s2] =	dma.local @!p0 [hbm:s0], s1  }
0x2b: {  	s0 =	simm.s32 @!p0 $0x1  }
0x2c: {  	_ =	swait.ge @!p0 [sflag:s0], s1  }
0x2d: {  	s1 =	ssub.s32 @!p0 $0x0, s1;
	[sflag:s0] =	ssyncset.done @!p0 $0x0  }
0x2e: {  	[sflag:s0] =	ssyncadd.s32 @!p0 s1  }
0x2f: {  	[bflag:$0x3] =	sbarrier.arrive $0xFFFF  }
0x30: {  	_ =	shalt  }

// kernel: kernel.13.cloned.1.call-start
scs
__scs_entry_jumppad:
0x0: {  	(pc) =	sbr.rel $0x88, $3  }
0x1: {  	(tag) =	ssettag $0x0;
	lr =	simm.s32 $0x1  }
0x2: {  	[smem:$0x3F99] =	sst lr;
	_ =	strace $0xD0000000  }
0x3: {  	_ = 	snop  }
0x4: {  	_ = 	snop  }
0x5: {  	_ = 	snop  }
0x6: {  	_ = 	snop  }
0x7: {  	_ = 	snop  }
__scs_overlays_trampoline_lowered:
0x8: {  	[smem:$0x3FA8] =	sst s0  }
0x9: {  	[smem:$0x3FA9] =	sst s1  }
0xa: {  	[smem:$0x3FAA] =	sst s2  }
0xb: {  	[smem:$0x3FAB] =	sst s3  }
0xc: {  	[smem:$0x3FAC] =	sst s4  }
0xd: {  	[smem:$0x3FAD] =	sst s5  }
0xe: {  	[smem:$0x3FAE] =	sst s6  }
0xf: {  	[smem:$0x3FAF] =	sst s7  }
0x10: {  	[smem:$0x3FB0] =	sst s8  }
0x11: {  	[smem:$0x3FB1] =	sst s9;
	s0 =	simm.s32 @!p0 $0x0  }
0x12: {  	s1 =	sld [smem:$0x3F97];
	s0 =	simm.s32 @p0 $0x1  }
0x13: {  	[smem:$0x3FB2] =	sst s0;
	s0 =	simm.s32 @!p1 $0x0  }
0x14: {  	s2 =	sld [smem:$0x3F96];
	s0 =	simm.s32 @p1 $0x1  }
0x15: {  	[smem:$0x3FB3] =	sst s0;
	s0 =	simm.s32 @!p2 $0x0  }
0x16: {  	s3 =	sld [smem:$0x3FDB];
	s0 =	simm.s32 @p2 $0x1  }
0x17: {  	s4 =	simm.s32 $0x1BF5;
	[smem:$0x3FB5] =	sst s0  }
0x18: {  	s0 =	sld [smem:$0x3F98];
	_ =	swait.ge [sflag:s4], $0x0  }
0x19: {  	s7 =	sld [smem:$0x3F99]  }
0x1a: {  	s8 =	sadd.s32 $0xFFFFE003, lr  }
0x1b: {  	s9 =	sadd.s32 $0xFFFFFEF7, lr;
	s5 =	simm.s32 $0xFFFFFFFF;
	p2 =	slt.u32 s8, $0xFFFFF086  }
0x1c: {  	p1 =	slt.u32 s9, $0xF7A;
	s5 =	simm.s32 @!p2 $0x0  }
0x1d: {  	s5 =	simm.s32 @p1 $0x1;
	p0 =	seq.s32 s7, s2  }
0x1e: {  	s7 =	smul.u32 @!p0 $0xF7A, s2;
	p2 =	seq.s32 @!p0 s5, $0x0  }
0x1f: {  	s9 =	smul.u32 $0xF7A, s1;
	s8 =	simm.s32 @!p0 $0x1BF5;
	p2 =	por !p2, p0  }
0x20: {  	[sflag:s8] =	ssyncset.s32 @!p0 $0xFFFFF086;
	s6 =	sadd.s32 @!p0 s3, s7;
	s7 =	simm.s32 @!p0 $0x108  }
0x21: {  	s3 =	sadd.s32 s3, s9;
	s6 =	sadd.s32 @!p0 $0x88, s6;
	s7 =	simm.s32 @p2 $0x1082  }
0x22: {  	[simem:s7], [sflag:s8] =	dma.local @!p0 [hbm:s6], $0xF7A  }
0x23: {  	s9 =	sor.u32 $0xD0000000, s2;
	s6 =	simm.s32 $0x108;
	_ =	swait.ge @!p0 [sflag:s8], $0x0  }
0x24: {  	s3 =	sadd.s32 $0x88, s3;
	s6 =	simm.s32 @!p1 $0x1082;
	[sflag:s4] =	ssyncset.s32 $0xFFFFF086  }
0x25: {  	[simem:s6], [sflag:s4] =	dma.local [hbm:s3], $0xF7A  }
0x26: {  	[smem:$0x3F99] =	sst s1;
	(tag) =	ssettag s2;
	_ =	strace s9  }
0x27: {  	s1 =	sld [smem:$0x3FA9]  }
0x28: {  	s2 =	sld [smem:$0x3FAA]  }
0x29: {  	s4 =	sld [smem:$0x3FAC]  }
0x2a: {  	p0 =	seq.s32 s5, $0x0;
	s5 =	sld [smem:$0x3FAD]  }
0x2b: {  	s6 =	sld [smem:$0x3FAE]  }
0x2c: {  	s7 =	sld [smem:$0x3FAF]  }
0x2d: {  	s3 =	simm.s32 $0x108;
	s8 =	sld [smem:$0x3FB0]  }
0x2e: {  	s3 =	simm.s32 @!p0 $0x1082;
	s9 =	sld [smem:$0x3FB1]  }
0x2f: {  	lr =	sadd.s32 s0, s3;
	s0 =	sld [smem:$0x3FA8]  }
0x30: {  	s3 =	sld [smem:$0x3FAB]  }
0x31: {  	[smem:$0x3FB4] =	sst s10  }
0x32: {  	s10 =	sld [smem:$0x3FB2];
	_ =	sdelay $0x3  }
0x33: {  	p0 =	seq.s32 s10, $0x1;
	s10 =	sld [smem:$0x3FB4];
	_ =	sdelay $0x3  }
0x34: {  	[smem:$0x3FB4] =	sst s10  }
0x35: {  	s10 =	sld [smem:$0x3FB3];
	_ =	sdelay $0x3  }
0x36: {  	p1 =	seq.s32 s10, $0x1;
	s10 =	sld [smem:$0x3FB4];
	_ =	sdelay $0x3  }
0x37: {  	[smem:$0x3FB4] =	sst s10  }
0x38: {  	s10 =	sld [smem:$0x3FB5]  }
0x39: {  	_ = 	snop;
	(pc) =	sbr.ind lr, $3  }
0x3a: {  	_ = 	snop  }
0x3b: {  	_ = 	snop  }
0x3c: {  	p2 =	seq.s32 s10, $0x1;
	s10 =	sld [smem:$0x3FB4]  }
0x3d: {  	_ =	shalt  }
0x3e: {  	_ =	shalt  }
0x3f: {  	_ =	shalt  }
0x40: {  	_ =	shalt  }
0x41: {  	_ =	shalt  }
0x42: {  	_ =	shalt  }
0x43: {  	_ =	shalt  }
0x44: {  	_ =	shalt  }
0x45: {  	_ =	shalt  }
0x46: {  	_ =	shalt  }
0x47: {  	_ =	shalt  }
0x48: {  	_ =	shalt  }
0x49: {  	_ =	shalt  }
0x4a: {  	_ =	shalt  }
0x4b: {  	_ =	shalt  }
0x4c: {  	_ =	shalt  }
0x4d: {  	_ =	shalt  }
0x4e: {  	_ =	shalt  }
0x4f: {  	_ =	shalt  }
0x50: {  	_ =	shalt  }
0x51: {  	_ =	shalt  }
0x52: {  	_ =	shalt  }
0x53: {  	_ =	shalt  }
0x54: {  	_ =	shalt  }
0x55: {  	_ =	shalt  }
0x56: {  	_ =	shalt  }
0x57: {  	_ =	shalt  }
0x58: {  	_ =	shalt  }
0x59: {  	_ =	shalt  }
0x5a: {  	_ =	shalt  }
0x5b: {  	_ =	shalt  }
0x5c: {  	_ =	shalt  }
0x5d: {  	_ =	shalt  }
0x5e: {  	_ =	shalt  }
0x5f: {  	_ =	shalt  }
0x60: {  	_ =	shalt  }
0x61: {  	_ =	shalt  }
0x62: {  	_ =	shalt  }
0x63: {  	_ =	shalt  }
0x64: {  	_ =	shalt  }
0x65: {  	_ =	shalt  }
0x66: {  	_ =	shalt  }
0x67: {  	_ =	shalt  }
0x68: {  	_ =	shalt  }
0x69: {  	_ =	shalt  }
0x6a: {  	_ =	shalt  }
0x6b: {  	_ =	shalt  }
0x6c: {  	_ =	shalt  }
0x6d: {  	_ =	shalt  }
0x6e: {  	_ =	shalt  }
0x6f: {  	_ =	shalt  }
0x70: {  	_ =	shalt  }
0x71: {  	_ =	shalt  }
0x72: {  	_ =	shalt  }
0x73: {  	_ =	shalt  }
0x74: {  	_ =	shalt  }
0x75: {  	_ =	shalt  }
0x76: {  	_ =	shalt  }
0x77: {  	_ =	shalt  }
0x78: {  	_ =	shalt  }
0x79: {  	_ =	shalt  }
0x7a: {  	_ =	shalt  }
0x7b: {  	_ =	shalt  }
0x7c: {  	_ =	shalt  }
0x7d: {  	_ =	shalt  }
0x7e: {  	_ =	shalt  }
0x7f: {  	_ =	shalt  }
0x80: {  	_ =	shalt  }
0x81: {  	_ =	shalt  }
0x82: {  	_ =	shalt  }
0x83: {  	_ =	shalt  }
0x84: {  	_ =	shalt  }
0x85: {  	_ =	shalt  }
0x86: {  	_ =	shalt  }
0x87: {  	_ =	shalt  }
.Lfunc_end0:
.L_simem_size_0:
called_computation.1_lowered:
.L_overlay_start_0:
0x88: {  	s2 =	sld [smem:$0x3FD9]  }
0x89: {  	s3 =	sld [smem:$0x3FFE];
	_ =	sdelay $0x1  }
0x8a: {  	s1 =	srdreg.scid  }
0x8b: {  	s0 =	sand.u32 $0x1, s1  }
0x8c: {  	s16 =	sshll.u32 s0, $0xA;
	s2 =	sadd.s32 s3, s2  }
0x8d: {  	s2 =	sadd.s32 s2, s16  }
0x8e: {  	[smem:$0x3FC0] =	sst s2  }
0x8f: {  	_ = 	snop  }
0x90: {  	(tm) =	ssettm $0x1  }
0x91: {  	s17 =	sld [smem:$0x3FFB];
	_ =	sdelay $0x3  }
0x92: {  	_ =	strace s17  }
0x93: {  	s2 =	sld [smem:$0x3FFC];
	_ =	sdelay $0x3  }
0x94: {  	_ =	strace s2  }
0x95: {  	s2 =	sld [smem:$0x3FFD];
	_ =	sdelay $0x3  }
0x96: {  	_ =	strace s2  }
0x97: {  	_ =	strace $0x8FFFFFFF  }
0x98: {  	s18 =	sld [smem:$0x3FDB];
	_ =	sdelay $0x1  }
0x99: {  	s19 =	simm.s32 $_scs_section_size  }
0x9a: {  	s4 =	simm.s32 $_size__tile_overlayer_lowered;
	s5 =	simm.s32 $_tile_overlayer_lowered  }
0x9b: {  	s22 =	simm.s32 $0x1BFF;
	s21 =	sshll.u32 s5, $0x1;
	s2 =	sadd.s32 s19, s18  }
0x9c: {  	s6 =	simm.s32 $0x0;
	s20 =	sshll.u32 s4, $0x1;
	s4 =	sadd.s32 s21, s2  }
0x9d: {  	[timem:s6], [sflag:s22] =	dma.local [hbm:s4], s20  }
0x9e: {  	_ =	swait.ge [sflag:s22], s20  }
0x9f: {  	s3 =	ssub.s32 $0x0, s20;
	[sflag:s22] =	ssyncset.done $0x0  }
0xa0: {  	[sflag:s22] =	ssyncadd.s32 s3;
	_ =	sdelay $0x1  }
0xa1: {  	s23 =	simm.s32 $0x1B8B  }
0xa2: {  	_ =	swait.ge [sflag:s23], $0x1  }
0xa3: {  	[sflag:s23] =	ssyncset.done $0x0  }
0xa4: {  	s25 =	simm.s32 $0x1B8E;
	s24 =	sld [smem:$0x3FFE];
	[sflag:s23] =	ssyncadd.s32 $0xFFFFFFFF  }
0xa5: {  	s26 =	simm.s32 $execute0_lowered;
	[smem:$0x3FD2] =	sst s25  }
0xa6: {  	s4 =	sshll.u32 s26, $0x1;
	_ =	strace $0x80000049;
	[dreg:$0x1] =	wrdreg $0xFFFFFFFF  }
0xa7: {  	s28 =	simm.s32 $_size_execute0_lowered;
	s2 =	sadd.s32 s2, s4;
	[dreg:$0x0] =	wrdreg $0x0  }
0xa8: {  	s4 =	sshll.u32 s28, $0x1;
	[dreg:$0x2] =	wrdreg s2  }
0xa9: {  	[dreg:$0x3] =	wrdreg s4  }
0xaa: {  	[dreg:$0x4] =	wrdreg $0xC0  }
0xab: {  	_ =	task [dreg:s6], $0x5FFFF  }
0xac: {  	[dreg:$0x1] =	wrdreg $0xFFFFFFFF  }
0xad: {  	[dreg:$0x0] =	wrdreg $0x60  }
0xae: {  	[dreg:$0x2] =	wrdreg s24  }
0xaf: {  	[dreg:$0x3] =	wrdreg $0x150000  }
0xb0: {  	[dreg:$0x4] =	wrdreg $0x19F000  }
0xb1: {  	[dreg:$0x5] =	wrdreg $0x9  }
0xb2: {  	_ =	task.clear_ibuf [dreg:s6], $0x6FFFF;
	_ =	strace $0x90000049  }
0xb3: {  	s29 =	simm.s32 $0x9;
	_ =	strace $0x8000004B  }
0xb4: {  	_ =	swait.ge [sflag:s29], $0x1  }
0xb5: {  	[sflag:s29] =	ssyncadd.s32 $0xFFFFFFFF  }
0xb6: {  	_ =	strace $0x9000004B  }
0xb7: {  	_ =	sfence  }
0xb8: {  	s30 =	sld [smem:$0x0];
	_ =	sdelay $0x2  }
0xb9: {  	s31 =	sshll.u32 s1, $0xD;
	s1 =	sshrl.u32 s1, $0x2  }
0xba: {  	s3 =	sand.u32 $0x4000, s31;
	s1 =	sadd.s32 s1, s30  }
0xbb: {  	s0 =	sor.u32 s3, s0;
	s1 =	sshll.u32 s1, $0x11  }
0xbc: {  	s0 =	sor.u32 s1, s0  }
0xbd: {  	s0 =	sadd.s32 $0x8F2B, s0  }
0xbe: {  	[sflag:s0] =	ssyncadd.remote.s32 $0x1  }
0xbf: {  	_ =	sfence.sel $0xFFFF  }
0xc0: {  	[dreg:$0x0] =	wrdreg $0xFFFFFFFF;
	(pc) =	sbr.abs _section_cstart, $3  }
0xc1: {  	[dreg:$0x1] =	wrdreg $0xFFFFFFFF  }
0xc2: {  	_ =	task.clear_ibuf [dreg:s6], $0x2FFFF;
	_ =	strace $0x9FFFFFFF  }
0xc3: {  	(tm) =	ssettm $0x7FFFFFFF  }
tec
execute0_lowered:
.L_overlay_start_1:
0x0: {  	(tag) =	ssettag $0x1  }
0x1: {  	s5 =	rddreg [dreg:$0x0]  }
0x2: {  	s1 =	rddreg [dreg:$0x1];
	s0 =	srdreg.scid  }
0x3: {  	s3 =	rddreg [dreg:$0x2];
	s2 =	stileid.u32;
	s4 =	simm.s32 $0x0  }
0x4: {  	s25 =	simm.s32 $0x6000;
	s26 =	simm.s32 $0x7000;
	[smem:$0x7FF] =	sst s4  }
0x5: {  	s28 =	simm.s32 $0x8000;
	_ =	strace $0x8000004A;
	[dreg:$0x4] =	wrdreg s25  }
0x6: {  	s29 =	simm.s32 $0x9000;
	s30 =	simm.s32 $0xA000;
	[dreg:$0x5] =	wrdreg s26  }
0x7: {  	s16 =	simm.s32 $0xB000;
	s31 =	simm.s32 $0xC000;
	[dreg:$0x6] =	wrdreg s28  }
0x8: {  	s17 =	simm.s32 $0xE000;
	s18 =	simm.s32 $0xF000;
	[dreg:$0x7] =	wrdreg s29  }
0x9: {  	s19 =	simm.s32 $0x10000;
	s20 =	simm.s32 $0x11000;
	[dreg:$0x8] =	wrdreg s30  }
0xa: {  	s21 =	simm.s32 $0x12000;
	s22 =	simm.s32 $0x2;
	[dreg:$0x9] =	wrdreg s16  }
0xb: {  	s10 =	sand.u32 $0x1, s0;
	s7 =	smul.u32 $0x4F00, s2;
	[dreg:$0xa] =	wrdreg s31  }
0xc: {  	s24 =	sshll.u32 s2, $0x6;
	s6 =	sshll.u32 s10, $0x4;
	[dreg:$0xb] =	wrdreg s17  }
0xd: {  	s9 =	ssub.s32 $0x2, s10;
	p0 =	seq.s32 s10, $0x1;
	[dreg:$0xc] =	wrdreg s18  }
0xe: {  	s16 =	simm.s32 $0x400;
	s17 =	simm.s32 $0x5000;
	[dreg:$0xd] =	wrdreg s19  }
0xf: {  	s18 =	simm.s32 $0x1;
	s19 =	simm.s32 $0xD000;
	[dreg:$0xe] =	wrdreg s20  }
0x10: {  	s20 =	simm.s32 $0x80;
	[dreg:$0xf] =	wrdreg s21;
	s21 =	simm.s32 $0x3  }
0x11: {  	s25 =	simm.s32 $0x0;
	s6 =	sor.u32 s2, s6;
	s8 =	sshrl.u32 s7, $0x3  }
0x12: {  	s23 =	sshrl.u32 s9, $0x1;
	s14 =	sadd.s32 s7, s1;
	s15 =	sadd.s32 s7, s3  }
0x13: {  	s6 =	smul.u32 $0x500, s6;
	s11 =	sadd.s32 s8, s5;
	s13 =	ssub.s32 s9, s23  }
0x14: {  	s23 =	simm.s32 $0x13000;
	s7 =	sadd.s32 $0x3800, s11;
	s10 =	smax.u32 s13, $0x1  }
0x15: {  	s13 =	simm.s32 $0x2BC00;
	[dreg:$0x10] =	wrdreg s23;
	s23 =	simm.s32 $0x14000  }
0x16: {  	s12 =	sadd.s32 s6, s5;
	s5 =	sadd.s32 $0x21E00, s11;
	s6 =	sor.u32 $0x1C05, s24  }
0x17: {  	s13 =	simm.s32 @!p0 $0x35A00;
	s24 =	simm.s32 $0x4;
	s8 =	sadd.s32 $0x17E00, s12  }
0x18: {  	s9 =	sadd.s32 $0xDE00, s12;
	s11 =	sadd.s32 s13, s11;
	s12 =	sshrl.u32 s14, $0x3  }
0x19: {  	s13 =	simm.s32 $0x5;
	s14 =	sshrl.u32 s15, $0x3;
	s15 =	simm.s32 $0x2800  }
.LBB2_1:
0x1a: {  	[spmem:s12], [sflag:s6] =	dma.local [hbm:s5], $0x9E0  }
0x1b: {  	_ =	swait.ge [sflag:s13], $0x9E0  }
0x1c: {  	[sflag:s13] =	ssyncset.done $0x0  }
0x1d: {  	[sflag:s13] =	ssyncadd.s32 $0xFFFFF620  }
0x1e: {  	[spmem:s14], [sflag:s6] =	dma.local [hbm:s7], $0x9E0  }
0x1f: {  	_ =	swait.ge [sflag:s13], $0x9E0  }
0x20: {  	[sflag:s13] =	ssyncset.done $0x0  }
0x21: {  	[sflag:s13] =	ssyncadd.s32 $0xFFFFF620  }
0x22: {  	[tilespmem:s4], [sflag:$0x5] =	stream.linear.gather [hbm4b:s8+s4], $0x2800, $0x38;
	[tilespmem:$0x1EE00] =	vst v63  }
0x23: {  	_ =	swait.ge [sflag:s13], $0x2800  }
0x24: {  	[sflag:s13] =	ssyncset.done $0x0  }
0x25: {  	[sflag:s13] =	ssyncadd.s32 $0xFFFFD800  }
0x26: {  	[tilespmem:s15], [sflag:$0x5] =	stream.linear.gather [hbm4b:s9+s4], $0x2800, $0x38;
	[tilespmem:$0x1EE00] =	vst v63  }
0x27: {  	_ =	swait.ge [sflag:s13], $0x2800  }
0x28: {  	[sflag:s13] =	ssyncset.done $0x0  }
0x29: {  	[sflag:s13] =	ssyncadd.s32 $0xFFFFD800  }
0x2a: {  	[bflag:$0x0] =	sbarrier.arrive $0xFFFF  }
0x2b: {  	[tilespmem:s17], [sflag:$0x1] =	stream.indirect.gather [spmem:s3], $0x20, s4, s16, $0xb8;
	[tilespmem:$0x1EE00] =	vst v63  }
0x2c: {  	_ =	swait.ge [sflag:s18], $0x8000  }
0x2d: {  	[sflag:s18] =	ssyncset.done $0x0  }
0x2e: {  	s26 =	simm.s32 $0x400;
	[sflag:s18] =	ssyncadd.s32 $0xFFFF8000  }
0x2f: {  	[tilespmem:s19], [sflag:$0x2] =	stream.indirect.gather [spmem:s3], $0x20, s26, s16, $0xb8;
	[tilespmem:$0x1EE00] =	vst v63  }
0x30: {  	s30 =	simm.s32 $0x2800  }
0x31: {  	[spmem:s1] =	stream.indirect.scatter.add.f32 [tilespmem:s17], [sflag:$0x3], $0x20, s30, s20, $0xb8;
	[tilespmem:$0x1EE00] =	vst v63  }
0x32: {  	s31 =	simm.s32 $0x2880;
	s28 =	rddreg [dreg:$0x4]  }
0x33: {  	[spmem:s1] =	stream.indirect.scatter.add.f32 [tilespmem:s28], [sflag:$0x3], $0x20, s31, s20, $0xb8;
	[tilespmem:$0x1EE00] =	vst v63  }
0x34: {  	s0 =	simm.s32 $0x2900;
	s29 =	rddreg [dreg:$0x5]  }
0x35: {  	[spmem:s1] =	stream.indirect.scatter.add.f32 [tilespmem:s29], [sflag:$0x3], $0x20, s0, s20, $0xb8;
	[tilespmem:$0x1EE00] =	vst v63  }
0x36: {  	s30 =	rddreg [dreg:$0x6];
	s31 =	simm.s32 $0x2980  }
0x37: {  	[spmem:s1] =	stream.indirect.scatter.add.f32 [tilespmem:s30], [sflag:$0x3], $0x20, s31, s20, $0xb8;
	[tilespmem:$0x1EE00] =	vst v63  }
0x38: {  	s0 =	rddreg [dreg:$0x7];
	s30 =	simm.s32 $0x2A00  }
0x39: {  	[spmem:s1] =	stream.indirect.scatter.add.f32 [tilespmem:s0], [sflag:$0x3], $0x20, s30, s20, $0xb8;
	[tilespmem:$0x1EE00] =	vst v63  }
0x3a: {  	s31 =	rddreg [dreg:$0x8];
	s0 =	simm.s32 $0x2A80  }
0x3b: {  	[spmem:s1] =	stream.indirect.scatter.add.f32 [tilespmem:s31], [sflag:$0x3], $0x20, s0, s20, $0xb8;
	[tilespmem:$0x1EE00] =	vst v63  }
0x3c: {  	s30 =	rddreg [dreg:$0x9];
	s31 =	simm.s32 $0x2B00  }
0x3d: {  	[spmem:s1] =	stream.indirect.scatter.add.f32 [tilespmem:s30], [sflag:$0x3], $0x20, s31, s20, $0xb8;
	[tilespmem:$0x1EE00] =	vst v63  }
0x3e: {  	s29 =	simm.s32 $0x2B80;
	s0 =	rddreg [dreg:$0xa]  }
0x3f: {  	[spmem:s1] =	stream.indirect.scatter.add.f32 [tilespmem:s0], [sflag:$0x3], $0x20, s29, s20, $0xb8;
	[tilespmem:$0x1EE00] =	vst v63  }
0x40: {  	_ =	swait.ge [sflag:s21], $0x1000  }
0x41: {  	[sflag:s21] =	ssyncset.done $0x0  }
0x42: {  	[sflag:s21] =	ssyncadd.s32 $0xFFFFF000  }
0x43: {  	_ =	swait.ge [sflag:s21], $0x1000  }
0x44: {  	[sflag:s21] =	ssyncset.done $0x0  }
0x45: {  	[sflag:s21] =	ssyncadd.s32 $0xFFFFF000  }
0x46: {  	_ =	swait.ge [sflag:s21], $0x1000  }
0x47: {  	[sflag:s21] =	ssyncset.done $0x0  }
0x48: {  	[sflag:s21] =	ssyncadd.s32 $0xFFFFF000  }
0x49: {  	_ =	swait.ge [sflag:s21], $0x1000  }
0x4a: {  	[sflag:s21] =	ssyncset.done $0x0  }
0x4b: {  	[sflag:s21] =	ssyncadd.s32 $0xFFFFF000  }
0x4c: {  	_ =	swait.ge [sflag:s21], $0x1000  }
0x4d: {  	[sflag:s21] =	ssyncset.done $0x0  }
0x4e: {  	[sflag:s21] =	ssyncadd.s32 $0xFFFFF000  }
0x4f: {  	_ =	swait.ge [sflag:s21], $0x1000  }
0x50: {  	[sflag:s21] =	ssyncset.done $0x0  }
0x51: {  	[sflag:s21] =	ssyncadd.s32 $0xFFFFF000  }
0x52: {  	_ =	swait.ge [sflag:s21], $0x1000  }
0x53: {  	[sflag:s21] =	ssyncset.done $0x0  }
0x54: {  	[sflag:s21] =	ssyncadd.s32 $0xFFFFF000  }
0x55: {  	_ =	swait.ge [sflag:s21], $0x1000  }
0x56: {  	[sflag:s21] =	ssyncset.done $0x0  }
0x57: {  	[sflag:s21] =	ssyncadd.s32 $0xFFFFF000  }
0x58: {  	p0 =	por $0x0, $0x0;
	_ =	swait.ge [sflag:s22], $0x8000  }
0x59: {  	s26 =	simm.s32 @!p0 $0x5000;
	[sflag:s22] =	ssyncset.done $0x0  }
0x5a: {  	s28 =	simm.s32 @!p0 $0x800;
	s29 =	simm.s32 @!p0 $0x400;
	[sflag:s22] =	ssyncadd.s32 $0xFFFF8000  }
0x5b: {  	[tilespmem:s26], [sflag:$0x1] =	stream.indirect.gather @!p0 [spmem:s3], $0x20, s28, s29, $0xb8;
	[tilespmem:$0x1EE00] =	vst v63  }
0x5c: {  	s30 =	simm.s32 $0x2C00  }
0x5d: {  	[spmem:s1] =	stream.indirect.scatter.add.f32 [tilespmem:s19], [sflag:$0x4], $0x20, s30, s20, $0xb8;
	[tilespmem:$0x1EE00] =	vst v63  }
0x5e: {  	s0 =	simm.s32 $0x2C80;
	s31 =	rddreg [dreg:$0xb]  }
0x5f: {  	[spmem:s1] =	stream.indirect.scatter.add.f32 [tilespmem:s31], [sflag:$0x4], $0x20, s0, s20, $0xb8;
	[tilespmem:$0x1EE00] =	vst v63  }
0x60: {  	s30 =	rddreg [dreg:$0xc];
	s31 =	simm.s32 $0x2D00  }
0x61: {  	[spmem:s1] =	stream.indirect.scatter.add.f32 [tilespmem:s30], [sflag:$0x4], $0x20, s31, s20, $0xb8;
	[tilespmem:$0x1EE00] =	vst v63  }
0x62: {  	s0 =	rddreg [dreg:$0xd];
	s30 =	simm.s32 $0x2D80  }
0x63: {  	[spmem:s1] =	stream.indirect.scatter.add.f32 [tilespmem:s0], [sflag:$0x4], $0x20, s30, s20, $0xb8;
	[tilespmem:$0x1EE00] =	vst v63  }
0x64: {  	s31 =	rddreg [dreg:$0xe];
	s0 =	simm.s32 $0x2E00  }
0x65: {  	[spmem:s1] =	stream.indirect.scatter.add.f32 [tilespmem:s31], [sflag:$0x4], $0x20, s0, s20, $0xb8;
	[tilespmem:$0x1EE00] =	vst v63  }
0x66: {  	s30 =	rddreg [dreg:$0xf];
	s31 =	simm.s32 $0x2E80  }
0x67: {  	[spmem:s1] =	stream.indirect.scatter.add.f32 [tilespmem:s30], [sflag:$0x4], $0x20, s31, s20, $0xb8;
	[tilespmem:$0x1EE00] =	vst v63  }
0x68: {  	s0 =	rddreg [dreg:$0x10];
	s30 =	simm.s32 $0x2F00  }
0x69: {  	[spmem:s1] =	stream.indirect.scatter.add.f32 [tilespmem:s0], [sflag:$0x4], $0x20, s30, s20, $0xb8;
	[tilespmem:$0x1EE00] =	vst v63  }
0x6a: {  	s31 =	simm.s32 $0x2F80  }
0x6b: {  	[spmem:s1] =	stream.indirect.scatter.add.f32 [tilespmem:s23], [sflag:$0x4], $0x20, s31, s20, $0xb8;
	[tilespmem:$0x1EE00] =	vst v63  }
0x6c: {  	_ =	swait.ge [sflag:s24], $0x1000  }
0x6d: {  	[sflag:s24] =	ssyncset.done $0x0  }
0x6e: {  	[sflag:s24] =	ssyncadd.s32 $0xFFFFF000  }
0x6f: {  	_ =	swait.ge [sflag:s24], $0x1000  }
0x70: {  	[sflag:s24] =	ssyncset.done $0x0  }
0x71: {  	[sflag:s24] =	ssyncadd.s32 $0xFFFFF000  }
0x72: {  	_ =	swait.ge [sflag:s24], $0x1000  }
0x73: {  	[sflag:s24] =	ssyncset.done $0x0  }
0x74: {  	[sflag:s24] =	ssyncadd.s32 $0xFFFFF000  }
0x75: {  	_ =	swait.ge [sflag:s24], $0x1000  }
0x76: {  	[sflag:s24] =	ssyncset.done $0x0  }
0x77: {  	[sflag:s24] =	ssyncadd.s32 $0xFFFFF000  }
0x78: {  	_ =	swait.ge [sflag:s24], $0x1000  }
0x79: {  	[sflag:s24] =	ssyncset.done $0x0  }
0x7a: {  	[sflag:s24] =	ssyncadd.s32 $0xFFFFF000  }
0x7b: {  	_ =	swait.ge [sflag:s24], $0x1000  }
0x7c: {  	[sflag:s24] =	ssyncset.done $0x0  }
0x7d: {  	[sflag:s24] =	ssyncadd.s32 $0xFFFFF000  }
0x7e: {  	_ =	swait.ge [sflag:s24], $0x1000  }
0x7f: {  	[sflag:s24] =	ssyncset.done $0x0  }
0x80: {  	[sflag:s24] =	ssyncadd.s32 $0xFFFFF000  }
0x81: {  	_ =	swait.ge [sflag:s24], $0x1000  }
0x82: {  	s26 =	simm.s32 $0x2000;
	[sflag:s24] =	ssyncset.done $0x0  }
.LBB2_2:
0x83: {  	[sflag:s24] =	ssyncadd.s32 $0xFFFFF000  }
0x84: {  	s29 =	smov.u32 s26;
	_ =	swait.ge [sflag:s18], $0x8000  }
0x85: {  	s28 =	sshra.s32 s29, $0x2;
	[sflag:s18] =	ssyncset.done $0x0  }
0x86: {  	s30 =	sadd.s32 $0x400, s28;
	[sflag:s18] =	ssyncadd.s32 $0xFFFF8000  }
0x87: {  	[tilespmem:s19], [sflag:$0x2] =	stream.indirect.gather [spmem:s3], $0x20, s30, s16, $0xb8;
	[tilespmem:$0x1EE00] =	vst v63  }
0x88: {  	s0 =	sadd.s32 $0x2800, s28  }
0x89: {  	[spmem:s1] =	stream.indirect.scatter.add.f32 [tilespmem:s17], [sflag:$0x3], $0x20, s0, s20, $0xb8;
	[tilespmem:$0x1EE00] =	vst v63  }
0x8a: {  	s31 =	rddreg [dreg:$0x4];
	s30 =	sadd.s32 $0x2880, s28  }
0x8b: {  	[spmem:s1] =	stream.indirect.scatter.add.f32 [tilespmem:s31], [sflag:$0x3], $0x20, s30, s20, $0xb8;
	[tilespmem:$0x1EE00] =	vst v63  }
0x8c: {  	s0 =	rddreg [dreg:$0x5];
	s30 =	sadd.s32 $0x2900, s28  }
0x8d: {  	[spmem:s1] =	stream.indirect.scatter.add.f32 [tilespmem:s0], [sflag:$0x3], $0x20, s30, s20, $0xb8;
	[tilespmem:$0x1EE00] =	vst v63  }
0x8e: {  	s31 =	rddreg [dreg:$0x6];
	s0 =	sadd.s32 $0x2980, s28  }
0x8f: {  	[spmem:s1] =	stream.indirect.scatter.add.f32 [tilespmem:s31], [sflag:$0x3], $0x20, s0, s20, $0xb8;
	[tilespmem:$0x1EE00] =	vst v63  }
0x90: {  	s30 =	rddreg [dreg:$0x7];
	s0 =	sadd.s32 $0x2A00, s28  }
0x91: {  	[spmem:s1] =	stream.indirect.scatter.add.f32 [tilespmem:s30], [sflag:$0x3], $0x20, s0, s20, $0xb8;
	[tilespmem:$0x1EE00] =	vst v63  }
0x92: {  	s31 =	rddreg [dreg:$0x8];
	s0 =	sadd.s32 $0x2A80, s28  }
0x93: {  	[spmem:s1] =	stream.indirect.scatter.add.f32 [tilespmem:s31], [sflag:$0x3], $0x20, s0, s20, $0xb8;
	[tilespmem:$0x1EE00] =	vst v63  }
0x94: {  	s30 =	rddreg [dreg:$0x9];
	s0 =	sadd.s32 $0x2B00, s28  }
0x95: {  	[spmem:s1] =	stream.indirect.scatter.add.f32 [tilespmem:s30], [sflag:$0x3], $0x20, s0, s20, $0xb8;
	[tilespmem:$0x1EE00] =	vst v63  }
0x96: {  	s31 =	rddreg [dreg:$0xa];
	s30 =	sadd.s32 $0x2B80, s28  }
0x97: {  	[spmem:s1] =	stream.indirect.scatter.add.f32 [tilespmem:s31], [sflag:$0x3], $0x20, s30, s20, $0xb8;
	[tilespmem:$0x1EE00] =	vst v63  }
0x98: {  	_ =	swait.ge [sflag:s21], $0x1000  }
0x99: {  	[sflag:s21] =	ssyncset.done $0x0  }
0x9a: {  	[sflag:s21] =	ssyncadd.s32 $0xFFFFF000  }
0x9b: {  	_ =	swait.ge [sflag:s21], $0x1000  }
0x9c: {  	[sflag:s21] =	ssyncset.done $0x0  }
0x9d: {  	[sflag:s21] =	ssyncadd.s32 $0xFFFFF000  }
0x9e: {  	_ =	swait.ge [sflag:s21], $0x1000  }
0x9f: {  	[sflag:s21] =	ssyncset.done $0x0  }
0xa0: {  	[sflag:s21] =	ssyncadd.s32 $0xFFFFF000  }
0xa1: {  	_ =	swait.ge [sflag:s21], $0x1000  }
0xa2: {  	[sflag:s21] =	ssyncset.done $0x0  }
0xa3: {  	[sflag:s21] =	ssyncadd.s32 $0xFFFFF000  }
0xa4: {  	_ =	swait.ge [sflag:s21], $0x1000  }
0xa5: {  	[sflag:s21] =	ssyncset.done $0x0  }
0xa6: {  	[sflag:s21] =	ssyncadd.s32 $0xFFFFF000  }
0xa7: {  	_ =	swait.ge [sflag:s21], $0x1000  }
0xa8: {  	[sflag:s21] =	ssyncset.done $0x0  }
0xa9: {  	[sflag:s21] =	ssyncadd.s32 $0xFFFFF000  }
0xaa: {  	_ =	swait.ge [sflag:s21], $0x1000  }
0xab: {  	[sflag:s21] =	ssyncset.done $0x0  }
0xac: {  	[sflag:s21] =	ssyncadd.s32 $0xFFFFF000  }
0xad: {  	_ =	swait.ge [sflag:s21], $0x1000  }
0xae: {  	[sflag:s21] =	ssyncset.done $0x0  }
0xaf: {  	[sflag:s21] =	ssyncadd.s32 $0xFFFFF000  }
0xb0: {  	p1 =	seq.s32 s29, $0x8000;
	_ =	swait.ge [sflag:s22], $0x8000  }
0xb1: {  	s0 =	sshra.s32 @!p1 s29, $0x2;
	s29 =	simm.s32 @!p1 $0x5000;
	[sflag:s22] =	ssyncset.done $0x0  }
0xb2: {  	s0 =	sadd.s32 @!p1 $0x800, s0;
	s30 =	simm.s32 @!p1 $0x400;
	[sflag:s22] =	ssyncadd.s32 $0xFFFF8000  }
0xb3: {  	[tilespmem:s29], [sflag:$0x1] =	stream.indirect.gather @!p1 [spmem:s3], $0x20, s0, s30, $0xb8;
	[tilespmem:$0x1EE00] =	vst v63  }
0xb4: {  	s30 =	sadd.s32 $0x2C00, s28  }
0xb5: {  	[spmem:s1] =	stream.indirect.scatter.add.f32 [tilespmem:s19], [sflag:$0x4], $0x20, s30, s20, $0xb8;
	[tilespmem:$0x1EE00] =	vst v63  }
0xb6: {  	s31 =	sadd.s32 $0x2C80, s28;
	s29 =	rddreg [dreg:$0xb]  }
0xb7: {  	[spmem:s1] =	stream.indirect.scatter.add.f32 [tilespmem:s29], [sflag:$0x4], $0x20, s31, s20, $0xb8;
	[tilespmem:$0x1EE00] =	vst v63  }
0xb8: {  	s30 =	rddreg [dreg:$0xc];
	s31 =	sadd.s32 $0x2D00, s28  }
0xb9: {  	[spmem:s1] =	stream.indirect.scatter.add.f32 [tilespmem:s30], [sflag:$0x4], $0x20, s31, s20, $0xb8;
	[tilespmem:$0x1EE00] =	vst v63  }
0xba: {  	s29 =	rddreg [dreg:$0xd];
	s31 =	sadd.s32 $0x2D80, s28  }
0xbb: {  	[spmem:s1] =	stream.indirect.scatter.add.f32 [tilespmem:s29], [sflag:$0x4], $0x20, s31, s20, $0xb8;
	[tilespmem:$0x1EE00] =	vst v63  }
0xbc: {  	s30 =	rddreg [dreg:$0xe];
	s31 =	sadd.s32 $0x2E00, s28  }
0xbd: {  	[spmem:s1] =	stream.indirect.scatter.add.f32 [tilespmem:s30], [sflag:$0x4], $0x20, s31, s20, $0xb8;
	[tilespmem:$0x1EE00] =	vst v63  }
0xbe: {  	s0 =	sadd.s32 $0x2E80, s28;
	s29 =	rddreg [dreg:$0xf]  }
0xbf: {  	[spmem:s1] =	stream.indirect.scatter.add.f32 [tilespmem:s29], [sflag:$0x4], $0x20, s0, s20, $0xb8;
	[tilespmem:$0x1EE00] =	vst v63  }
0xc0: {  	s31 =	rddreg [dreg:$0x10];
	s29 =	sadd.s32 $0x2F00, s28  }
0xc1: {  	[spmem:s1] =	stream.indirect.scatter.add.f32 [tilespmem:s31], [sflag:$0x4], $0x20, s29, s20, $0xb8;
	[tilespmem:$0x1EE00] =	vst v63  }
0xc2: {  	s31 =	sadd.s32 $0x2F80, s28  }
0xc3: {  	[spmem:s1] =	stream.indirect.scatter.add.f32 [tilespmem:s23], [sflag:$0x4], $0x20, s31, s20, $0xb8;
	[tilespmem:$0x1EE00] =	vst v63  }
0xc4: {  	_ =	swait.ge [sflag:s24], $0x1000  }
0xc5: {  	[sflag:s24] =	ssyncset.done $0x0  }
0xc6: {  	[sflag:s24] =	ssyncadd.s32 $0xFFFFF000  }
0xc7: {  	_ =	swait.ge [sflag:s24], $0x1000  }
0xc8: {  	[sflag:s24] =	ssyncset.done $0x0  }
0xc9: {  	[sflag:s24] =	ssyncadd.s32 $0xFFFFF000  }
0xca: {  	_ =	swait.ge [sflag:s24], $0x1000  }
0xcb: {  	[sflag:s24] =	ssyncset.done $0x0  }
0xcc: {  	[sflag:s24] =	ssyncadd.s32 $0xFFFFF000  }
0xcd: {  	_ =	swait.ge [sflag:s24], $0x1000  }
0xce: {  	[sflag:s24] =	ssyncset.done $0x0  }
0xcf: {  	[sflag:s24] =	ssyncadd.s32 $0xFFFFF000  }
0xd0: {  	_ =	swait.ge [sflag:s24], $0x1000  }
0xd1: {  	[sflag:s24] =	ssyncset.done $0x0  }
0xd2: {  	[sflag:s24] =	ssyncadd.s32 $0xFFFFF000  }
0xd3: {  	_ =	swait.ge [sflag:s24], $0x1000  }
0xd4: {  	s26 =	sadd.s32 $0x2000, s26;
	[sflag:s24] =	ssyncset.done $0x0  }
0xd5: {  	p0 =	sne.s32 s26, $0xA000;
	[sflag:s24] =	ssyncadd.s32 $0xFFFFF000  }
.Ltmp0:
0xd6: {  	_ =	swait.ge [sflag:s24], $0x1000;
	(pc) =	sbr.rel @p0 .LBB2_2-.Ltmp0, $4  }
0xd7: {  	[sflag:s24] =	ssyncset.done $0x0  }
0xd8: {  	[sflag:s24] =	ssyncadd.s32 $0xFFFFF000  }
0xd9: {  	_ =	swait.ge [sflag:s24], $0x1000  }
0xda: {  	[sflag:s24] =	ssyncset.done $0x0  }
0xdb: {  	s25 =	sadd.s32 $0x1, s25  }
0xdc: {  	[sflag:s24] =	ssyncadd.s32 $0xFFFFF000;
	p0 =	sne.s32 s25, s10  }
.Ltmp1:
0xdd: {  	[bflag:$0x0] =	sbarrier.arrive $0xFFFF;
	(pc) =	sbr.rel @p0 .LBB2_1-.Ltmp1, $4  }
0xde: {  	[hbm:s11], [sflag:s6] =	dma.local [spmem:s12], $0x9E0  }
0xdf: {  	_ =	swait.ge [sflag:s13], $0x9E0  }
0xe0: {  	[sflag:s13] =	ssyncset.done $0x0  }
0xe1: {  	[sflag:s13] =	ssyncadd.s32 $0xFFFFF620  }
0xe2: {  	_ =	sfence.sel $0x180000  }
0xe3: {  	[bflag:$0x0] =	sbarrier.arrive $0xFFFF  }
0xe4: {  	_ =	strace $0x9000004A  }
0xe5: {  	[bflag:$0x2] =	sbarrier.arrive $0xFFFF  }
0xe6: {  	p0 =	sne.s32 s2, $0x0;
	s0 =	rddreg [dreg:$0x3]  }
0xe7: {  	s0 =	sadd.s32 @!p0 $0x100000, s0  }
0xe8: {  	[sflag:s0] =	ssyncadd.tile.s32 @!p0 $0x1;
	_ =	shalt  }
.Lfunc_end2:
_tile_overlayer_lowered:
.L_overlay_start_2:
0xe9: {  	(tag) =	ssettag $0x2  }
0xea: {  	s0 =	rddreg [dreg:$0x0];
	s2 =	stileid.u32  }
0xeb: {  	s1 =	rddreg [dreg:$0x1];
	p0 =	sne.s32 s2, $0x0  }
0xec: {  	s3 =	rddreg [dreg:$0x2];
	[bflag:$0x3] =	sbarrier.arrive $0xFFFF;
	s2 =	simm.s32 @!p0 $0x1C05  }
0xed: {  	[timem:s3], [sflag:s2] =	dma.local @!p0 [hbm:s0], s1  }
0xee: {  	s0 =	simm.s32 @!p0 $0x5  }
0xef: {  	_ =	swait.ge @!p0 [sflag:s0], s1  }
0xf0: {  	s1 =	ssub.s32 @!p0 $0x0, s1;
	[sflag:s0] =	ssyncset.done @!p0 $0x0  }
0xf1: {  	[sflag:s0] =	ssyncadd.s32 @!p0 s1  }
0xf2: {  	[bflag:$0x3] =	sbarrier.arrive $0xFFFF  }
0xf3: {  	_ =	shalt  }

// kernel: kernel.16.cloned.1.call-start
scs
__scs_entry_jumppad:
0x0: {  	(pc) =	sbr.rel $0x88, $3  }
0x1: {  	(tag) =	ssettag $0x0;
	lr =	simm.s32 $0x1  }
0x2: {  	[smem:$0x3F99] =	sst lr;
	_ =	strace $0xD0000000  }
0x3: {  	_ = 	snop  }
0x4: {  	_ = 	snop  }
0x5: {  	_ = 	snop  }
0x6: {  	_ = 	snop  }
0x7: {  	_ = 	snop  }
__scs_overlays_trampoline_lowered:
0x8: {  	[smem:$0x3FA8] =	sst s0  }
0x9: {  	[smem:$0x3FA9] =	sst s1  }
0xa: {  	[smem:$0x3FAA] =	sst s2  }
0xb: {  	[smem:$0x3FAB] =	sst s3  }
0xc: {  	[smem:$0x3FAC] =	sst s4  }
0xd: {  	[smem:$0x3FAD] =	sst s5  }
0xe: {  	[smem:$0x3FAE] =	sst s6  }
0xf: {  	[smem:$0x3FAF] =	sst s7  }
0x10: {  	[smem:$0x3FB0] =	sst s8  }
0x11: {  	[smem:$0x3FB1] =	sst s9;
	s0 =	simm.s32 @!p0 $0x0  }
0x12: {  	s1 =	sld [smem:$0x3F97];
	s0 =	simm.s32 @p0 $0x1  }
0x13: {  	[smem:$0x3FB2] =	sst s0;
	s0 =	simm.s32 @!p1 $0x0  }
0x14: {  	s2 =	sld [smem:$0x3F96];
	s0 =	simm.s32 @p1 $0x1  }
0x15: {  	[smem:$0x3FB3] =	sst s0;
	s0 =	simm.s32 @!p2 $0x0  }
0x16: {  	s3 =	sld [smem:$0x3FDB];
	s0 =	simm.s32 @p2 $0x1  }
0x17: {  	s4 =	simm.s32 $0x1BF5;
	[smem:$0x3FB5] =	sst s0  }
0x18: {  	s0 =	sld [smem:$0x3F98];
	_ =	swait.ge [sflag:s4], $0x0  }
0x19: {  	s7 =	sld [smem:$0x3F99]  }
0x1a: {  	s8 =	sadd.s32 $0xFFFFE003, lr  }
0x1b: {  	s9 =	sadd.s32 $0xFFFFFEF7, lr;
	s5 =	simm.s32 $0xFFFFFFFF;
	p2 =	slt.u32 s8, $0xFFFFF086  }
0x1c: {  	p1 =	slt.u32 s9, $0xF7A;
	s5 =	simm.s32 @!p2 $0x0  }
0x1d: {  	s5 =	simm.s32 @p1 $0x1;
	p0 =	seq.s32 s7, s2  }
0x1e: {  	s7 =	smul.u32 @!p0 $0xF7A, s2;
	p2 =	seq.s32 @!p0 s5, $0x0  }
0x1f: {  	s9 =	smul.u32 $0xF7A, s1;
	s8 =	simm.s32 @!p0 $0x1BF5;
	p2 =	por !p2, p0  }
0x20: {  	[sflag:s8] =	ssyncset.s32 @!p0 $0xFFFFF086;
	s6 =	sadd.s32 @!p0 s3, s7;
	s7 =	simm.s32 @!p0 $0x108  }
0x21: {  	s3 =	sadd.s32 s3, s9;
	s6 =	sadd.s32 @!p0 $0x88, s6;
	s7 =	simm.s32 @p2 $0x1082  }
0x22: {  	[simem:s7], [sflag:s8] =	dma.local @!p0 [hbm:s6], $0xF7A  }
0x23: {  	s9 =	sor.u32 $0xD0000000, s2;
	s6 =	simm.s32 $0x108;
	_ =	swait.ge @!p0 [sflag:s8], $0x0  }
0x24: {  	s3 =	sadd.s32 $0x88, s3;
	s6 =	simm.s32 @!p1 $0x1082;
	[sflag:s4] =	ssyncset.s32 $0xFFFFF086  }
0x25: {  	[simem:s6], [sflag:s4] =	dma.local [hbm:s3], $0xF7A  }
0x26: {  	[smem:$0x3F99] =	sst s1;
	(tag) =	ssettag s2;
	_ =	strace s9  }
0x27: {  	s1 =	sld [smem:$0x3FA9]  }
0x28: {  	s2 =	sld [smem:$0x3FAA]  }
0x29: {  	s4 =	sld [smem:$0x3FAC]  }
0x2a: {  	p0 =	seq.s32 s5, $0x0;
	s5 =	sld [smem:$0x3FAD]  }
0x2b: {  	s6 =	sld [smem:$0x3FAE]  }
0x2c: {  	s7 =	sld [smem:$0x3FAF]  }
0x2d: {  	s3 =	simm.s32 $0x108;
	s8 =	sld [smem:$0x3FB0]  }
0x2e: {  	s3 =	simm.s32 @!p0 $0x1082;
	s9 =	sld [smem:$0x3FB1]  }
0x2f: {  	lr =	sadd.s32 s0, s3;
	s0 =	sld [smem:$0x3FA8]  }
0x30: {  	s3 =	sld [smem:$0x3FAB]  }
0x31: {  	[smem:$0x3FB4] =	sst s10  }
0x32: {  	s10 =	sld [smem:$0x3FB2];
	_ =	sdelay $0x3  }
0x33: {  	p0 =	seq.s32 s10, $0x1;
	s10 =	sld [smem:$0x3FB4];
	_ =	sdelay $0x3  }
0x34: {  	[smem:$0x3FB4] =	sst s10  }
0x35: {  	s10 =	sld [smem:$0x3FB3];
	_ =	sdelay $0x3  }
0x36: {  	p1 =	seq.s32 s10, $0x1;
	s10 =	sld [smem:$0x3FB4];
	_ =	sdelay $0x3  }
0x37: {  	[smem:$0x3FB4] =	sst s10  }
0x38: {  	s10 =	sld [smem:$0x3FB5]  }
0x39: {  	_ = 	snop;
	(pc) =	sbr.ind lr, $3  }
0x3a: {  	_ = 	snop  }
0x3b: {  	_ = 	snop  }
0x3c: {  	p2 =	seq.s32 s10, $0x1;
	s10 =	sld [smem:$0x3FB4]  }
0x3d: {  	_ =	shalt  }
0x3e: {  	_ =	shalt  }
0x3f: {  	_ =	shalt  }
0x40: {  	_ =	shalt  }
0x41: {  	_ =	shalt  }
0x42: {  	_ =	shalt  }
0x43: {  	_ =	shalt  }
0x44: {  	_ =	shalt  }
0x45: {  	_ =	shalt  }
0x46: {  	_ =	shalt  }
0x47: {  	_ =	shalt  }
0x48: {  	_ =	shalt  }
0x49: {  	_ =	shalt  }
0x4a: {  	_ =	shalt  }
0x4b: {  	_ =	shalt  }
0x4c: {  	_ =	shalt  }
0x4d: {  	_ =	shalt  }
0x4e: {  	_ =	shalt  }
0x4f: {  	_ =	shalt  }
0x50: {  	_ =	shalt  }
0x51: {  	_ =	shalt  }
0x52: {  	_ =	shalt  }
0x53: {  	_ =	shalt  }
0x54: {  	_ =	shalt  }
0x55: {  	_ =	shalt  }
0x56: {  	_ =	shalt  }
0x57: {  	_ =	shalt  }
0x58: {  	_ =	shalt  }
0x59: {  	_ =	shalt  }
0x5a: {  	_ =	shalt  }
0x5b: {  	_ =	shalt  }
0x5c: {  	_ =	shalt  }
0x5d: {  	_ =	shalt  }
0x5e: {  	_ =	shalt  }
0x5f: {  	_ =	shalt  }
0x60: {  	_ =	shalt  }
0x61: {  	_ =	shalt  }
0x62: {  	_ =	shalt  }
0x63: {  	_ =	shalt  }
0x64: {  	_ =	shalt  }
0x65: {  	_ =	shalt  }
0x66: {  	_ =	shalt  }
0x67: {  	_ =	shalt  }
0x68: {  	_ =	shalt  }
0x69: {  	_ =	shalt  }
0x6a: {  	_ =	shalt  }
0x6b: {  	_ =	shalt  }
0x6c: {  	_ =	shalt  }
0x6d: {  	_ =	shalt  }
0x6e: {  	_ =	shalt  }
0x6f: {  	_ =	shalt  }
0x70: {  	_ =	shalt  }
0x71: {  	_ =	shalt  }
0x72: {  	_ =	shalt  }
0x73: {  	_ =	shalt  }
0x74: {  	_ =	shalt  }
0x75: {  	_ =	shalt  }
0x76: {  	_ =	shalt  }
0x77: {  	_ =	shalt  }
0x78: {  	_ =	shalt  }
0x79: {  	_ =	shalt  }
0x7a: {  	_ =	shalt  }
0x7b: {  	_ =	shalt  }
0x7c: {  	_ =	shalt  }
0x7d: {  	_ =	shalt  }
0x7e: {  	_ =	shalt  }
0x7f: {  	_ =	shalt  }
0x80: {  	_ =	shalt  }
0x81: {  	_ =	shalt  }
0x82: {  	_ =	shalt  }
0x83: {  	_ =	shalt  }
0x84: {  	_ =	shalt  }
0x85: {  	_ =	shalt  }
0x86: {  	_ =	shalt  }
0x87: {  	_ =	shalt  }
.Lfunc_end0:
.L_simem_size_0:
called_computation.2_lowered:
.L_overlay_start_0:
0x88: {  	s2 =	sld [smem:$0x3FD9]  }
0x89: {  	s3 =	sld [smem:$0x3FFE];
	_ =	sdelay $0x1  }
0x8a: {  	s1 =	srdreg.scid  }
0x8b: {  	s0 =	sand.u32 $0x1, s1  }
0x8c: {  	s16 =	sshll.u32 s0, $0xA;
	s2 =	sadd.s32 s3, s2  }
0x8d: {  	s2 =	sadd.s32 s2, s16  }
0x8e: {  	[smem:$0x3FC0] =	sst s2  }
0x8f: {  	_ = 	snop  }
0x90: {  	(tm) =	ssettm $0x1  }
0x91: {  	s17 =	sld [smem:$0x3FFB];
	_ =	sdelay $0x3  }
0x92: {  	_ =	strace s17  }
0x93: {  	s2 =	sld [smem:$0x3FFC];
	_ =	sdelay $0x3  }
0x94: {  	_ =	strace s2  }
0x95: {  	s2 =	sld [smem:$0x3FFD];
	_ =	sdelay $0x3  }
0x96: {  	_ =	strace s2  }
0x97: {  	_ =	strace $0x8FFFFFFF  }
0x98: {  	s18 =	sld [smem:$0x3FDB];
	_ =	sdelay $0x1  }
0x99: {  	s19 =	simm.s32 $_scs_section_size  }
0x9a: {  	s4 =	simm.s32 $_size__tile_overlayer_lowered;
	s5 =	simm.s32 $_tile_overlayer_lowered  }
0x9b: {  	s22 =	simm.s32 $0x1BFF;
	s21 =	sshll.u32 s5, $0x1;
	s2 =	sadd.s32 s19, s18  }
0x9c: {  	s6 =	simm.s32 $0x0;
	s20 =	sshll.u32 s4, $0x1;
	s4 =	sadd.s32 s21, s2  }
0x9d: {  	[timem:s6], [sflag:s22] =	dma.local [hbm:s4], s20  }
0x9e: {  	_ =	swait.ge [sflag:s22], s20  }
0x9f: {  	s3 =	ssub.s32 $0x0, s20;
	[sflag:s22] =	ssyncset.done $0x0  }
0xa0: {  	[sflag:s22] =	ssyncadd.s32 s3;
	_ =	sdelay $0x1  }
0xa1: {  	s23 =	simm.s32 $0x1B8B  }
0xa2: {  	_ =	swait.ge [sflag:s23], $0x1  }
0xa3: {  	[sflag:s23] =	ssyncset.done $0x0  }
0xa4: {  	s25 =	simm.s32 $0x1B8E;
	s24 =	sld [smem:$0x3FFE];
	[sflag:s23] =	ssyncadd.s32 $0xFFFFFFFF  }
0xa5: {  	s26 =	simm.s32 $execute0_lowered;
	[smem:$0x3FD2] =	sst s25  }
0xa6: {  	s4 =	sshll.u32 s26, $0x1;
	_ =	strace $0x8000004C;
	[dreg:$0x1] =	wrdreg $0xFFFFFFFF  }
0xa7: {  	s28 =	simm.s32 $_size_execute0_lowered;
	s2 =	sadd.s32 s2, s4;
	[dreg:$0x0] =	wrdreg $0x0  }
0xa8: {  	s4 =	sshll.u32 s28, $0x1;
	[dreg:$0x2] =	wrdreg s2  }
0xa9: {  	[dreg:$0x3] =	wrdreg s4  }
0xaa: {  	[dreg:$0x4] =	wrdreg $0xC0  }
0xab: {  	_ =	task [dreg:s6], $0x5FFFF  }
0xac: {  	[dreg:$0x1] =	wrdreg $0xFFFFFFFF  }
0xad: {  	[dreg:$0x0] =	wrdreg $0x60  }
0xae: {  	[dreg:$0x2] =	wrdreg s24  }
0xaf: {  	[dreg:$0x3] =	wrdreg $0xD0000  }
0xb0: {  	[dreg:$0x4] =	wrdreg $0xF7800  }
0xb1: {  	[dreg:$0x5] =	wrdreg $0x9  }
0xb2: {  	_ =	task.clear_ibuf [dreg:s6], $0x6FFFF;
	_ =	strace $0x9000004C  }
0xb3: {  	s29 =	simm.s32 $0x9;
	_ =	strace $0x8000004E  }
0xb4: {  	_ =	swait.ge [sflag:s29], $0x1  }
0xb5: {  	[sflag:s29] =	ssyncadd.s32 $0xFFFFFFFF  }
0xb6: {  	_ =	strace $0x9000004E  }
0xb7: {  	_ =	sfence  }
0xb8: {  	s30 =	sld [smem:$0x0];
	_ =	sdelay $0x2  }
0xb9: {  	s31 =	sshll.u32 s1, $0xD;
	s1 =	sshrl.u32 s1, $0x2  }
0xba: {  	s3 =	sand.u32 $0x4000, s31;
	s1 =	sadd.s32 s1, s30  }
0xbb: {  	s0 =	sor.u32 s3, s0;
	s1 =	sshll.u32 s1, $0x11  }
0xbc: {  	s0 =	sor.u32 s1, s0  }
0xbd: {  	s0 =	sadd.s32 $0x8F2B, s0  }
0xbe: {  	[sflag:s0] =	ssyncadd.remote.s32 $0x1  }
0xbf: {  	_ =	sfence.sel $0xFFFF  }
0xc0: {  	[dreg:$0x0] =	wrdreg $0xFFFFFFFF;
	(pc) =	sbr.abs _section_cstart, $3  }
0xc1: {  	[dreg:$0x1] =	wrdreg $0xFFFFFFFF  }
0xc2: {  	_ =	task.clear_ibuf [dreg:s6], $0x2FFFF;
	_ =	strace $0x9FFFFFFF  }
0xc3: {  	(tm) =	ssettm $0x7FFFFFFF  }
tec
execute0_lowered:
.L_overlay_start_1:
0x0: {  	(tag) =	ssettag $0x1  }
0x1: {  	s5 =	rddreg [dreg:$0x0]  }
0x2: {  	s1 =	rddreg [dreg:$0x1];
	s0 =	srdreg.scid  }
0x3: {  	s3 =	rddreg [dreg:$0x2];
	s2 =	stileid.u32;
	s4 =	simm.s32 $0x0  }
0x4: {  	s25 =	simm.s32 $0x5800;
	s26 =	simm.s32 $0x6000;
	[smem:$0x7FF] =	sst s4  }
0x5: {  	s28 =	simm.s32 $0x6800;
	_ =	strace $0x8000004D;
	[dreg:$0x4] =	wrdreg s25  }
0x6: {  	s29 =	simm.s32 $0x7000;
	s30 =	simm.s32 $0x7800;
	[dreg:$0x5] =	wrdreg s26  }
0x7: {  	s16 =	simm.s32 $0x8000;
	s31 =	simm.s32 $0x8800;
	[dreg:$0x6] =	wrdreg s28  }
0x8: {  	s17 =	simm.s32 $0x9800;
	s18 =	simm.s32 $0xA000;
	[dreg:$0x7] =	wrdreg s29  }
0x9: {  	s19 =	simm.s32 $0xA800;
	s20 =	simm.s32 $0xB000;
	[dreg:$0x8] =	wrdreg s30  }
0xa: {  	s21 =	simm.s32 $0xB800;
	s22 =	simm.s32 $0x2;
	[dreg:$0x9] =	wrdreg s16  }
0xb: {  	s10 =	sand.u32 $0x1, s0;
	s7 =	smul.u32 $0x2780, s2;
	[dreg:$0xa] =	wrdreg s31  }
0xc: {  	s24 =	sshll.u32 s2, $0x6;
	s6 =	sshll.u32 s10, $0x4;
	[dreg:$0xb] =	wrdreg s17  }
0xd: {  	s9 =	ssub.s32 $0x2, s10;
	p0 =	seq.s32 s10, $0x1;
	[dreg:$0xc] =	wrdreg s18  }
0xe: {  	s16 =	simm.s32 $0x400;
	s17 =	simm.s32 $0x5000;
	[dreg:$0xd] =	wrdreg s19  }
0xf: {  	s18 =	simm.s32 $0x1;
	s19 =	simm.s32 $0x9000;
	[dreg:$0xe] =	wrdreg s20  }
0x10: {  	s20 =	simm.s32 $0x80;
	[dreg:$0xf] =	wrdreg s21;
	s21 =	simm.s32 $0x3  }
0x11: {  	s25 =	simm.s32 $0x0;
	s6 =	sor.u32 s2, s6;
	s8 =	sshrl.u32 s7, $0x3  }
0x12: {  	s23 =	sshrl.u32 s9, $0x1;
	s14 =	sadd.s32 s7, s1;
	s15 =	sadd.s32 s7, s3  }
0x13: {  	s6 =	smul.u32 $0x500, s6;
	s11 =	sadd.s32 s8, s5;
	s13 =	ssub.s32 s9, s23  }
0x14: {  	s23 =	simm.s32 $0xC000;
	s7 =	sadd.s32 $0x3800, s11;
	s10 =	smax.u32 s13, $0x1  }
0x15: {  	s13 =	simm.s32 $0x21E00;
	[dreg:$0x10] =	wrdreg s23;
	s23 =	simm.s32 $0xC800  }
0x16: {  	s12 =	sadd.s32 s6, s5;
	s5 =	sadd.s32 $0x8800, s11;
	s6 =	sor.u32 $0x1C05, s24  }
0x17: {  	s13 =	simm.s32 @!p0 $0x26E00;
	s24 =	simm.s32 $0x4;
	s8 =	sadd.s32 $0x17E00, s12  }
0x18: {  	s9 =	sadd.s32 $0xDE00, s12;
	s11 =	sadd.s32 s13, s11;
	s12 =	sshrl.u32 s14, $0x3  }
0x19: {  	s13 =	simm.s32 $0x5;
	s14 =	sshrl.u32 s15, $0x3;
	s15 =	simm.s32 $0x2800  }
.LBB2_1:
0x1a: {  	[spmem:s12], [sflag:s6] =	dma.local [hbm:s5], $0x4F0  }
0x1b: {  	_ =	swait.ge [sflag:s13], $0x4F0  }
0x1c: {  	[sflag:s13] =	ssyncset.done $0x0  }
0x1d: {  	[sflag:s13] =	ssyncadd.s32 $0xFFFFFB10  }
0x1e: {  	[spmem:s14], [sflag:s6] =	dma.local [hbm:s7], $0x4F0  }
0x1f: {  	_ =	swait.ge [sflag:s13], $0x4F0  }
0x20: {  	[sflag:s13] =	ssyncset.done $0x0  }
0x21: {  	[sflag:s13] =	ssyncadd.s32 $0xFFFFFB10  }
0x22: {  	[tilespmem:s4], [sflag:$0x5] =	stream.linear.gather [hbm4b:s8+s4], $0x2800, $0x38;
	[tilespmem:$0x11F00] =	vst v63  }
0x23: {  	_ =	swait.ge [sflag:s13], $0x2800  }
0x24: {  	[sflag:s13] =	ssyncset.done $0x0  }
0x25: {  	[sflag:s13] =	ssyncadd.s32 $0xFFFFD800  }
0x26: {  	[tilespmem:s15], [sflag:$0x5] =	stream.linear.gather [hbm4b:s9+s4], $0x2800, $0x38;
	[tilespmem:$0x11F00] =	vst v63  }
0x27: {  	_ =	swait.ge [sflag:s13], $0x2800  }
0x28: {  	[sflag:s13] =	ssyncset.done $0x0  }
0x29: {  	[sflag:s13] =	ssyncadd.s32 $0xFFFFD800  }
0x2a: {  	[bflag:$0x0] =	sbarrier.arrive $0xFFFF  }
0x2b: {  	[tilespmem:s17], [sflag:$0x1] =	stream.indirect.gather [spmem:s3], $0x10, s4, s16, $0xb8;
	[tilespmem:$0x11F00] =	vst v63  }
0x2c: {  	_ =	swait.ge [sflag:s18], $0x4000  }
0x2d: {  	[sflag:s18] =	ssyncset.done $0x0  }
0x2e: {  	s26 =	simm.s32 $0x400;
	[sflag:s18] =	ssyncadd.s32 $0xFFFFC000  }
0x2f: {  	[tilespmem:s19], [sflag:$0x2] =	stream.indirect.gather [spmem:s3], $0x10, s26, s16, $0xb8;
	[tilespmem:$0x11F00] =	vst v63  }
0x30: {  	s30 =	simm.s32 $0x2800  }
0x31: {  	[spmem:s1] =	stream.indirect.scatter.add.f32 [tilespmem:s17], [sflag:$0x3], $0x10, s30, s20, $0xb8;
	[tilespmem:$0x11F00] =	vst v63  }
0x32: {  	s31 =	simm.s32 $0x2880;
	s28 =	rddreg [dreg:$0x4]  }
0x33: {  	[spmem:s1] =	stream.indirect.scatter.add.f32 [tilespmem:s28], [sflag:$0x3], $0x10, s31, s20, $0xb8;
	[tilespmem:$0x11F00] =	vst v63  }
0x34: {  	s0 =	simm.s32 $0x2900;
	s29 =	rddreg [dreg:$0x5]  }
0x35: {  	[spmem:s1] =	stream.indirect.scatter.add.f32 [tilespmem:s29], [sflag:$0x3], $0x10, s0, s20, $0xb8;
	[tilespmem:$0x11F00] =	vst v63  }
0x36: {  	s30 =	rddreg [dreg:$0x6];
	s31 =	simm.s32 $0x2980  }
0x37: {  	[spmem:s1] =	stream.indirect.scatter.add.f32 [tilespmem:s30], [sflag:$0x3], $0x10, s31, s20, $0xb8;
	[tilespmem:$0x11F00] =	vst v63  }
0x38: {  	s0 =	rddreg [dreg:$0x7];
	s30 =	simm.s32 $0x2A00  }
0x39: {  	[spmem:s1] =	stream.indirect.scatter.add.f32 [tilespmem:s0], [sflag:$0x3], $0x10, s30, s20, $0xb8;
	[tilespmem:$0x11F00] =	vst v63  }
0x3a: {  	s31 =	rddreg [dreg:$0x8];
	s0 =	simm.s32 $0x2A80  }
0x3b: {  	[spmem:s1] =	stream.indirect.scatter.add.f32 [tilespmem:s31], [sflag:$0x3], $0x10, s0, s20, $0xb8;
	[tilespmem:$0x11F00] =	vst v63  }
0x3c: {  	s30 =	rddreg [dreg:$0x9];
	s31 =	simm.s32 $0x2B00  }
0x3d: {  	[spmem:s1] =	stream.indirect.scatter.add.f32 [tilespmem:s30], [sflag:$0x3], $0x10, s31, s20, $0xb8;
	[tilespmem:$0x11F00] =	vst v63  }
0x3e: {  	s29 =	simm.s32 $0x2B80;
	s0 =	rddreg [dreg:$0xa]  }
0x3f: {  	[spmem:s1] =	stream.indirect.scatter.add.f32 [tilespmem:s0], [sflag:$0x3], $0x10, s29, s20, $0xb8;
	[tilespmem:$0x11F00] =	vst v63  }
0x40: {  	_ =	swait.ge [sflag:s21], $0x800  }
0x41: {  	[sflag:s21] =	ssyncset.done $0x0  }
0x42: {  	[sflag:s21] =	ssyncadd.s32 $0xFFFFF800  }
0x43: {  	_ =	swait.ge [sflag:s21], $0x800  }
0x44: {  	[sflag:s21] =	ssyncset.done $0x0  }
0x45: {  	[sflag:s21] =	ssyncadd.s32 $0xFFFFF800  }
0x46: {  	_ =	swait.ge [sflag:s21], $0x800  }
0x47: {  	[sflag:s21] =	ssyncset.done $0x0  }
0x48: {  	[sflag:s21] =	ssyncadd.s32 $0xFFFFF800  }
0x49: {  	_ =	swait.ge [sflag:s21], $0x800  }
0x4a: {  	[sflag:s21] =	ssyncset.done $0x0  }
0x4b: {  	[sflag:s21] =	ssyncadd.s32 $0xFFFFF800  }
0x4c: {  	_ =	swait.ge [sflag:s21], $0x800  }
0x4d: {  	[sflag:s21] =	ssyncset.done $0x0  }
0x4e: {  	[sflag:s21] =	ssyncadd.s32 $0xFFFFF800  }
0x4f: {  	_ =	swait.ge [sflag:s21], $0x800  }
0x50: {  	[sflag:s21] =	ssyncset.done $0x0  }
0x51: {  	[sflag:s21] =	ssyncadd.s32 $0xFFFFF800  }
0x52: {  	_ =	swait.ge [sflag:s21], $0x800  }
0x53: {  	[sflag:s21] =	ssyncset.done $0x0  }
0x54: {  	[sflag:s21] =	ssyncadd.s32 $0xFFFFF800  }
0x55: {  	_ =	swait.ge [sflag:s21], $0x800  }
0x56: {  	[sflag:s21] =	ssyncset.done $0x0  }
0x57: {  	[sflag:s21] =	ssyncadd.s32 $0xFFFFF800  }
0x58: {  	p0 =	por $0x0, $0x0;
	_ =	swait.ge [sflag:s22], $0x4000  }
0x59: {  	s26 =	simm.s32 @!p0 $0x5000;
	[sflag:s22] =	ssyncset.done $0x0  }
0x5a: {  	s28 =	simm.s32 @!p0 $0x800;
	s29 =	simm.s32 @!p0 $0x400;
	[sflag:s22] =	ssyncadd.s32 $0xFFFFC000  }
0x5b: {  	[tilespmem:s26], [sflag:$0x1] =	stream.indirect.gather @!p0 [spmem:s3], $0x10, s28, s29, $0xb8;
	[tilespmem:$0x11F00] =	vst v63  }
0x5c: {  	s30 =	simm.s32 $0x2C00  }
0x5d: {  	[spmem:s1] =	stream.indirect.scatter.add.f32 [tilespmem:s19], [sflag:$0x4], $0x10, s30, s20, $0xb8;
	[tilespmem:$0x11F00] =	vst v63  }
0x5e: {  	s0 =	simm.s32 $0x2C80;
	s31 =	rddreg [dreg:$0xb]  }
0x5f: {  	[spmem:s1] =	stream.indirect.scatter.add.f32 [tilespmem:s31], [sflag:$0x4], $0x10, s0, s20, $0xb8;
	[tilespmem:$0x11F00] =	vst v63  }
0x60: {  	s30 =	rddreg [dreg:$0xc];
	s31 =	simm.s32 $0x2D00  }
0x61: {  	[spmem:s1] =	stream.indirect.scatter.add.f32 [tilespmem:s30], [sflag:$0x4], $0x10, s31, s20, $0xb8;
	[tilespmem:$0x11F00] =	vst v63  }
0x62: {  	s0 =	rddreg [dreg:$0xd];
	s30 =	simm.s32 $0x2D80  }
0x63: {  	[spmem:s1] =	stream.indirect.scatter.add.f32 [tilespmem:s0], [sflag:$0x4], $0x10, s30, s20, $0xb8;
	[tilespmem:$0x11F00] =	vst v63  }
0x64: {  	s31 =	rddreg [dreg:$0xe];
	s0 =	simm.s32 $0x2E00  }
0x65: {  	[spmem:s1] =	stream.indirect.scatter.add.f32 [tilespmem:s31], [sflag:$0x4], $0x10, s0, s20, $0xb8;
	[tilespmem:$0x11F00] =	vst v63  }
0x66: {  	s30 =	rddreg [dreg:$0xf];
	s31 =	simm.s32 $0x2E80  }
0x67: {  	[spmem:s1] =	stream.indirect.scatter.add.f32 [tilespmem:s30], [sflag:$0x4], $0x10, s31, s20, $0xb8;
	[tilespmem:$0x11F00] =	vst v63  }
0x68: {  	s0 =	rddreg [dreg:$0x10];
	s30 =	simm.s32 $0x2F00  }
0x69: {  	[spmem:s1] =	stream.indirect.scatter.add.f32 [tilespmem:s0], [sflag:$0x4], $0x10, s30, s20, $0xb8;
	[tilespmem:$0x11F00] =	vst v63  }
0x6a: {  	s31 =	simm.s32 $0x2F80  }
0x6b: {  	[spmem:s1] =	stream.indirect.scatter.add.f32 [tilespmem:s23], [sflag:$0x4], $0x10, s31, s20, $0xb8;
	[tilespmem:$0x11F00] =	vst v63  }
0x6c: {  	_ =	swait.ge [sflag:s24], $0x800  }
0x6d: {  	[sflag:s24] =	ssyncset.done $0x0  }
0x6e: {  	[sflag:s24] =	ssyncadd.s32 $0xFFFFF800  }
0x6f: {  	_ =	swait.ge [sflag:s24], $0x800  }
0x70: {  	[sflag:s24] =	ssyncset.done $0x0  }
0x71: {  	[sflag:s24] =	ssyncadd.s32 $0xFFFFF800  }
0x72: {  	_ =	swait.ge [sflag:s24], $0x800  }
0x73: {  	[sflag:s24] =	ssyncset.done $0x0  }
0x74: {  	[sflag:s24] =	ssyncadd.s32 $0xFFFFF800  }
0x75: {  	_ =	swait.ge [sflag:s24], $0x800  }
0x76: {  	[sflag:s24] =	ssyncset.done $0x0  }
0x77: {  	[sflag:s24] =	ssyncadd.s32 $0xFFFFF800  }
0x78: {  	_ =	swait.ge [sflag:s24], $0x800  }
0x79: {  	[sflag:s24] =	ssyncset.done $0x0  }
0x7a: {  	[sflag:s24] =	ssyncadd.s32 $0xFFFFF800  }
0x7b: {  	_ =	swait.ge [sflag:s24], $0x800  }
0x7c: {  	[sflag:s24] =	ssyncset.done $0x0  }
0x7d: {  	[sflag:s24] =	ssyncadd.s32 $0xFFFFF800  }
0x7e: {  	_ =	swait.ge [sflag:s24], $0x800  }
0x7f: {  	[sflag:s24] =	ssyncset.done $0x0  }
0x80: {  	[sflag:s24] =	ssyncadd.s32 $0xFFFFF800  }
0x81: {  	_ =	swait.ge [sflag:s24], $0x800  }
0x82: {  	s26 =	simm.s32 $0x2000;
	[sflag:s24] =	ssyncset.done $0x0  }
.LBB2_2:
0x83: {  	[sflag:s24] =	ssyncadd.s32 $0xFFFFF800  }
0x84: {  	s29 =	smov.u32 s26;
	_ =	swait.ge [sflag:s18], $0x4000  }
0x85: {  	s28 =	sshra.s32 s29, $0x2;
	[sflag:s18] =	ssyncset.done $0x0  }
0x86: {  	s30 =	sadd.s32 $0x400, s28;
	[sflag:s18] =	ssyncadd.s32 $0xFFFFC000  }
0x87: {  	[tilespmem:s19], [sflag:$0x2] =	stream.indirect.gather [spmem:s3], $0x10, s30, s16, $0xb8;
	[tilespmem:$0x11F00] =	vst v63  }
0x88: {  	s0 =	sadd.s32 $0x2800, s28  }
0x89: {  	[spmem:s1] =	stream.indirect.scatter.add.f32 [tilespmem:s17], [sflag:$0x3], $0x10, s0, s20, $0xb8;
	[tilespmem:$0x11F00] =	vst v63  }
0x8a: {  	s31 =	rddreg [dreg:$0x4];
	s30 =	sadd.s32 $0x2880, s28  }
0x8b: {  	[spmem:s1] =	stream.indirect.scatter.add.f32 [tilespmem:s31], [sflag:$0x3], $0x10, s30, s20, $0xb8;
	[tilespmem:$0x11F00] =	vst v63  }
0x8c: {  	s0 =	rddreg [dreg:$0x5];
	s30 =	sadd.s32 $0x2900, s28  }
0x8d: {  	[spmem:s1] =	stream.indirect.scatter.add.f32 [tilespmem:s0], [sflag:$0x3], $0x10, s30, s20, $0xb8;
	[tilespmem:$0x11F00] =	vst v63  }
0x8e: {  	s31 =	rddreg [dreg:$0x6];
	s0 =	sadd.s32 $0x2980, s28  }
0x8f: {  	[spmem:s1] =	stream.indirect.scatter.add.f32 [tilespmem:s31], [sflag:$0x3], $0x10, s0, s20, $0xb8;
	[tilespmem:$0x11F00] =	vst v63  }
0x90: {  	s30 =	rddreg [dreg:$0x7];
	s0 =	sadd.s32 $0x2A00, s28  }
0x91: {  	[spmem:s1] =	stream.indirect.scatter.add.f32 [tilespmem:s30], [sflag:$0x3], $0x10, s0, s20, $0xb8;
	[tilespmem:$0x11F00] =	vst v63  }
0x92: {  	s31 =	rddreg [dreg:$0x8];
	s0 =	sadd.s32 $0x2A80, s28  }
0x93: {  	[spmem:s1] =	stream.indirect.scatter.add.f32 [tilespmem:s31], [sflag:$0x3], $0x10, s0, s20, $0xb8;
	[tilespmem:$0x11F00] =	vst v63  }
0x94: {  	s30 =	rddreg [dreg:$0x9];
	s0 =	sadd.s32 $0x2B00, s28  }
0x95: {  	[spmem:s1] =	stream.indirect.scatter.add.f32 [tilespmem:s30], [sflag:$0x3], $0x10, s0, s20, $0xb8;
	[tilespmem:$0x11F00] =	vst v63  }
0x96: {  	s31 =	rddreg [dreg:$0xa];
	s30 =	sadd.s32 $0x2B80, s28  }
0x97: {  	[spmem:s1] =	stream.indirect.scatter.add.f32 [tilespmem:s31], [sflag:$0x3], $0x10, s30, s20, $0xb8;
	[tilespmem:$0x11F00] =	vst v63  }
0x98: {  	_ =	swait.ge [sflag:s21], $0x800  }
0x99: {  	[sflag:s21] =	ssyncset.done $0x0  }
0x9a: {  	[sflag:s21] =	ssyncadd.s32 $0xFFFFF800  }
0x9b: {  	_ =	swait.ge [sflag:s21], $0x800  }
0x9c: {  	[sflag:s21] =	ssyncset.done $0x0  }
0x9d: {  	[sflag:s21] =	ssyncadd.s32 $0xFFFFF800  }
0x9e: {  	_ =	swait.ge [sflag:s21], $0x800  }
0x9f: {  	[sflag:s21] =	ssyncset.done $0x0  }
0xa0: {  	[sflag:s21] =	ssyncadd.s32 $0xFFFFF800  }
0xa1: {  	_ =	swait.ge [sflag:s21], $0x800  }
0xa2: {  	[sflag:s21] =	ssyncset.done $0x0  }
0xa3: {  	[sflag:s21] =	ssyncadd.s32 $0xFFFFF800  }
0xa4: {  	_ =	swait.ge [sflag:s21], $0x800  }
0xa5: {  	[sflag:s21] =	ssyncset.done $0x0  }
0xa6: {  	[sflag:s21] =	ssyncadd.s32 $0xFFFFF800  }
0xa7: {  	_ =	swait.ge [sflag:s21], $0x800  }
0xa8: {  	[sflag:s21] =	ssyncset.done $0x0  }
0xa9: {  	[sflag:s21] =	ssyncadd.s32 $0xFFFFF800  }
0xaa: {  	_ =	swait.ge [sflag:s21], $0x800  }
0xab: {  	[sflag:s21] =	ssyncset.done $0x0  }
0xac: {  	[sflag:s21] =	ssyncadd.s32 $0xFFFFF800  }
0xad: {  	_ =	swait.ge [sflag:s21], $0x800  }
0xae: {  	[sflag:s21] =	ssyncset.done $0x0  }
0xaf: {  	[sflag:s21] =	ssyncadd.s32 $0xFFFFF800  }
0xb0: {  	p1 =	seq.s32 s29, $0x8000;
	_ =	swait.ge [sflag:s22], $0x4000  }
0xb1: {  	s0 =	sshra.s32 @!p1 s29, $0x2;
	s29 =	simm.s32 @!p1 $0x5000;
	[sflag:s22] =	ssyncset.done $0x0  }
0xb2: {  	s0 =	sadd.s32 @!p1 $0x800, s0;
	s30 =	simm.s32 @!p1 $0x400;
	[sflag:s22] =	ssyncadd.s32 $0xFFFFC000  }
0xb3: {  	[tilespmem:s29], [sflag:$0x1] =	stream.indirect.gather @!p1 [spmem:s3], $0x10, s0, s30, $0xb8;
	[tilespmem:$0x11F00] =	vst v63  }
0xb4: {  	s30 =	sadd.s32 $0x2C00, s28  }
0xb5: {  	[spmem:s1] =	stream.indirect.scatter.add.f32 [tilespmem:s19], [sflag:$0x4], $0x10, s30, s20, $0xb8;
	[tilespmem:$0x11F00] =	vst v63  }
0xb6: {  	s31 =	sadd.s32 $0x2C80, s28;
	s29 =	rddreg [dreg:$0xb]  }
0xb7: {  	[spmem:s1] =	stream.indirect.scatter.add.f32 [tilespmem:s29], [sflag:$0x4], $0x10, s31, s20, $0xb8;
	[tilespmem:$0x11F00] =	vst v63  }
0xb8: {  	s30 =	rddreg [dreg:$0xc];
	s31 =	sadd.s32 $0x2D00, s28  }
0xb9: {  	[spmem:s1] =	stream.indirect.scatter.add.f32 [tilespmem:s30], [sflag:$0x4], $0x10, s31, s20, $0xb8;
	[tilespmem:$0x11F00] =	vst v63  }
0xba: {  	s29 =	rddreg [dreg:$0xd];
	s31 =	sadd.s32 $0x2D80, s28  }
0xbb: {  	[spmem:s1] =	stream.indirect.scatter.add.f32 [tilespmem:s29], [sflag:$0x4], $0x10, s31, s20, $0xb8;
	[tilespmem:$0x11F00] =	vst v63  }
0xbc: {  	s30 =	rddreg [dreg:$0xe];
	s31 =	sadd.s32 $0x2E00, s28  }
0xbd: {  	[spmem:s1] =	stream.indirect.scatter.add.f32 [tilespmem:s30], [sflag:$0x4], $0x10, s31, s20, $0xb8;
	[tilespmem:$0x11F00] =	vst v63  }
0xbe: {  	s0 =	sadd.s32 $0x2E80, s28;
	s29 =	rddreg [dreg:$0xf]  }
0xbf: {  	[spmem:s1] =	stream.indirect.scatter.add.f32 [tilespmem:s29], [sflag:$0x4], $0x10, s0, s20, $0xb8;
	[tilespmem:$0x11F00] =	vst v63  }
0xc0: {  	s31 =	rddreg [dreg:$0x10];
	s29 =	sadd.s32 $0x2F00, s28  }
0xc1: {  	[spmem:s1] =	stream.indirect.scatter.add.f32 [tilespmem:s31], [sflag:$0x4], $0x10, s29, s20, $0xb8;
	[tilespmem:$0x11F00] =	vst v63  }
0xc2: {  	s31 =	sadd.s32 $0x2F80, s28  }
0xc3: {  	[spmem:s1] =	stream.indirect.scatter.add.f32 [tilespmem:s23], [sflag:$0x4], $0x10, s31, s20, $0xb8;
	[tilespmem:$0x11F00] =	vst v63  }
0xc4: {  	_ =	swait.ge [sflag:s24], $0x800  }
0xc5: {  	[sflag:s24] =	ssyncset.done $0x0  }
0xc6: {  	[sflag:s24] =	ssyncadd.s32 $0xFFFFF800  }
0xc7: {  	_ =	swait.ge [sflag:s24], $0x800  }
0xc8: {  	[sflag:s24] =	ssyncset.done $0x0  }
0xc9: {  	[sflag:s24] =	ssyncadd.s32 $0xFFFFF800  }
0xca: {  	_ =	swait.ge [sflag:s24], $0x800  }
0xcb: {  	[sflag:s24] =	ssyncset.done $0x0  }
0xcc: {  	[sflag:s24] =	ssyncadd.s32 $0xFFFFF800  }
0xcd: {  	_ =	swait.ge [sflag:s24], $0x800  }
0xce: {  	[sflag:s24] =	ssyncset.done $0x0  }
0xcf: {  	[sflag:s24] =	ssyncadd.s32 $0xFFFFF800  }
0xd0: {  	_ =	swait.ge [sflag:s24], $0x800  }
0xd1: {  	[sflag:s24] =	ssyncset.done $0x0  }
0xd2: {  	[sflag:s24] =	ssyncadd.s32 $0xFFFFF800  }
0xd3: {  	_ =	swait.ge [sflag:s24], $0x800  }
0xd4: {  	s26 =	sadd.s32 $0x2000, s26;
	[sflag:s24] =	ssyncset.done $0x0  }
0xd5: {  	p0 =	sne.s32 s26, $0xA000;
	[sflag:s24] =	ssyncadd.s32 $0xFFFFF800  }
.Ltmp0:
0xd6: {  	_ =	swait.ge [sflag:s24], $0x800;
	(pc) =	sbr.rel @p0 .LBB2_2-.Ltmp0, $4  }
0xd7: {  	[sflag:s24] =	ssyncset.done $0x0  }
0xd8: {  	[sflag:s24] =	ssyncadd.s32 $0xFFFFF800  }
0xd9: {  	_ =	swait.ge [sflag:s24], $0x800  }
0xda: {  	[sflag:s24] =	ssyncset.done $0x0  }
0xdb: {  	s25 =	sadd.s32 $0x1, s25  }
0xdc: {  	[sflag:s24] =	ssyncadd.s32 $0xFFFFF800;
	p0 =	sne.s32 s25, s10  }
.Ltmp1:
0xdd: {  	[bflag:$0x0] =	sbarrier.arrive $0xFFFF;
	(pc) =	sbr.rel @p0 .LBB2_1-.Ltmp1, $4  }
0xde: {  	[hbm:s11], [sflag:s6] =	dma.local [spmem:s12], $0x4F0  }
0xdf: {  	_ =	swait.ge [sflag:s13], $0x4F0  }
0xe0: {  	[sflag:s13] =	ssyncset.done $0x0  }
0xe1: {  	[sflag:s13] =	ssyncadd.s32 $0xFFFFFB10  }
0xe2: {  	_ =	sfence.sel $0x180000  }
0xe3: {  	[bflag:$0x0] =	sbarrier.arrive $0xFFFF  }
0xe4: {  	_ =	strace $0x9000004D  }
0xe5: {  	[bflag:$0x2] =	sbarrier.arrive $0xFFFF  }
0xe6: {  	p0 =	sne.s32 s2, $0x0;
	s0 =	rddreg [dreg:$0x3]  }
0xe7: {  	s0 =	sadd.s32 @!p0 $0x100000, s0  }
0xe8: {  	[sflag:s0] =	ssyncadd.tile.s32 @!p0 $0x1;
	_ =	shalt  }
.Lfunc_end2:
_tile_overlayer_lowered:
.L_overlay_start_2:
0xe9: {  	(tag) =	ssettag $0x2  }
0xea: {  	s0 =	rddreg [dreg:$0x0];
	s2 =	stileid.u32  }
0xeb: {  	s1 =	rddreg [dreg:$0x1];
	p0 =	sne.s32 s2, $0x0  }
0xec: {  	s3 =	rddreg [dreg:$0x2];
	[bflag:$0x3] =	sbarrier.arrive $0xFFFF;
	s2 =	simm.s32 @!p0 $0x1C05  }
0xed: {  	[timem:s3], [sflag:s2] =	dma.local @!p0 [hbm:s0], s1  }
0xee: {  	s0 =	simm.s32 @!p0 $0x5  }
0xef: {  	_ =	swait.ge @!p0 [sflag:s0], s1  }
0xf0: {  	s1 =	ssub.s32 @!p0 $0x0, s1;
	[sflag:s0] =	ssyncset.done @!p0 $0x0  }
0xf1: {  	[sflag:s0] =	ssyncadd.s32 @!p0 s1  }
0xf2: {  	[bflag:$0x3] =	sbarrier.arrive $0xFFFF  }
0xf3: {  	_ =	shalt  }

// kernel: kernel.19.cloned.1.call-start
scs
__scs_entry_jumppad:
0x0: {  	(pc) =	sbr.rel $0x88, $3  }
0x1: {  	(tag) =	ssettag $0x0;
	lr =	simm.s32 $0x1  }
0x2: {  	[smem:$0x3F99] =	sst lr;
	_ =	strace $0xD0000000  }
0x3: {  	_ = 	snop  }
0x4: {  	_ = 	snop  }
0x5: {  	_ = 	snop  }
0x6: {  	_ = 	snop  }
0x7: {  	_ = 	snop  }
__scs_overlays_trampoline_lowered:
0x8: {  	[smem:$0x3FA8] =	sst s0  }
0x9: {  	[smem:$0x3FA9] =	sst s1  }
0xa: {  	[smem:$0x3FAA] =	sst s2  }
0xb: {  	[smem:$0x3FAB] =	sst s3  }
0xc: {  	[smem:$0x3FAC] =	sst s4  }
0xd: {  	[smem:$0x3FAD] =	sst s5  }
0xe: {  	[smem:$0x3FAE] =	sst s6  }
0xf: {  	[smem:$0x3FAF] =	sst s7  }
0x10: {  	[smem:$0x3FB0] =	sst s8  }
0x11: {  	[smem:$0x3FB1] =	sst s9;
	s0 =	simm.s32 @!p0 $0x0  }
0x12: {  	s1 =	sld [smem:$0x3F97];
	s0 =	simm.s32 @p0 $0x1  }
0x13: {  	[smem:$0x3FB2] =	sst s0;
	s0 =	simm.s32 @!p1 $0x0  }
0x14: {  	s2 =	sld [smem:$0x3F96];
	s0 =	simm.s32 @p1 $0x1  }
0x15: {  	[smem:$0x3FB3] =	sst s0;
	s0 =	simm.s32 @!p2 $0x0  }
0x16: {  	s3 =	sld [smem:$0x3FDB];
	s0 =	simm.s32 @p2 $0x1  }
0x17: {  	s4 =	simm.s32 $0x1BF5;
	[smem:$0x3FB5] =	sst s0  }
0x18: {  	s0 =	sld [smem:$0x3F98];
	_ =	swait.ge [sflag:s4], $0x0  }
0x19: {  	s7 =	sld [smem:$0x3F99]  }
0x1a: {  	s8 =	sadd.s32 $0xFFFFE003, lr  }
0x1b: {  	s9 =	sadd.s32 $0xFFFFFEF7, lr;
	s5 =	simm.s32 $0xFFFFFFFF;
	p2 =	slt.u32 s8, $0xFFFFF086  }
0x1c: {  	p1 =	slt.u32 s9, $0xF7A;
	s5 =	simm.s32 @!p2 $0x0  }
0x1d: {  	s5 =	simm.s32 @p1 $0x1;
	p0 =	seq.s32 s7, s2  }
0x1e: {  	s7 =	smul.u32 @!p0 $0xF7A, s2;
	p2 =	seq.s32 @!p0 s5, $0x0  }
0x1f: {  	s9 =	smul.u32 $0xF7A, s1;
	s8 =	simm.s32 @!p0 $0x1BF5;
	p2 =	por !p2, p0  }
0x20: {  	[sflag:s8] =	ssyncset.s32 @!p0 $0xFFFFF086;
	s6 =	sadd.s32 @!p0 s3, s7;
	s7 =	simm.s32 @!p0 $0x108  }
0x21: {  	s3 =	sadd.s32 s3, s9;
	s6 =	sadd.s32 @!p0 $0x88, s6;
	s7 =	simm.s32 @p2 $0x1082  }
0x22: {  	[simem:s7], [sflag:s8] =	dma.local @!p0 [hbm:s6], $0xF7A  }
0x23: {  	s9 =	sor.u32 $0xD0000000, s2;
	s6 =	simm.s32 $0x108;
	_ =	swait.ge @!p0 [sflag:s8], $0x0  }
0x24: {  	s3 =	sadd.s32 $0x88, s3;
	s6 =	simm.s32 @!p1 $0x1082;
	[sflag:s4] =	ssyncset.s32 $0xFFFFF086  }
0x25: {  	[simem:s6], [sflag:s4] =	dma.local [hbm:s3], $0xF7A  }
0x26: {  	[smem:$0x3F99] =	sst s1;
	(tag) =	ssettag s2;
	_ =	strace s9  }
0x27: {  	s1 =	sld [smem:$0x3FA9]  }
0x28: {  	s2 =	sld [smem:$0x3FAA]  }
0x29: {  	s4 =	sld [smem:$0x3FAC]  }
0x2a: {  	p0 =	seq.s32 s5, $0x0;
	s5 =	sld [smem:$0x3FAD]  }
0x2b: {  	s6 =	sld [smem:$0x3FAE]  }
0x2c: {  	s7 =	sld [smem:$0x3FAF]  }
0x2d: {  	s3 =	simm.s32 $0x108;
	s8 =	sld [smem:$0x3FB0]  }
0x2e: {  	s3 =	simm.s32 @!p0 $0x1082;
	s9 =	sld [smem:$0x3FB1]  }
0x2f: {  	lr =	sadd.s32 s0, s3;
	s0 =	sld [smem:$0x3FA8]  }
0x30: {  	s3 =	sld [smem:$0x3FAB]  }
0x31: {  	[smem:$0x3FB4] =	sst s10  }
0x32: {  	s10 =	sld [smem:$0x3FB2];
	_ =	sdelay $0x3  }
0x33: {  	p0 =	seq.s32 s10, $0x1;
	s10 =	sld [smem:$0x3FB4];
	_ =	sdelay $0x3  }
0x34: {  	[smem:$0x3FB4] =	sst s10  }
0x35: {  	s10 =	sld [smem:$0x3FB3];
	_ =	sdelay $0x3  }
0x36: {  	p1 =	seq.s32 s10, $0x1;
	s10 =	sld [smem:$0x3FB4];
	_ =	sdelay $0x3  }
0x37: {  	[smem:$0x3FB4] =	sst s10  }
0x38: {  	s10 =	sld [smem:$0x3FB5]  }
0x39: {  	_ = 	snop;
	(pc) =	sbr.ind lr, $3  }
0x3a: {  	_ = 	snop  }
0x3b: {  	_ = 	snop  }
0x3c: {  	p2 =	seq.s32 s10, $0x1;
	s10 =	sld [smem:$0x3FB4]  }
0x3d: {  	_ =	shalt  }
0x3e: {  	_ =	shalt  }
0x3f: {  	_ =	shalt  }
0x40: {  	_ =	shalt  }
0x41: {  	_ =	shalt  }
0x42: {  	_ =	shalt  }
0x43: {  	_ =	shalt  }
0x44: {  	_ =	shalt  }
0x45: {  	_ =	shalt  }
0x46: {  	_ =	shalt  }
0x47: {  	_ =	shalt  }
0x48: {  	_ =	shalt  }
0x49: {  	_ =	shalt  }
0x4a: {  	_ =	shalt  }
0x4b: {  	_ =	shalt  }
0x4c: {  	_ =	shalt  }
0x4d: {  	_ =	shalt  }
0x4e: {  	_ =	shalt  }
0x4f: {  	_ =	shalt  }
0x50: {  	_ =	shalt  }
0x51: {  	_ =	shalt  }
0x52: {  	_ =	shalt  }
0x53: {  	_ =	shalt  }
0x54: {  	_ =	shalt  }
0x55: {  	_ =	shalt  }
0x56: {  	_ =	shalt  }
0x57: {  	_ =	shalt  }
0x58: {  	_ =	shalt  }
0x59: {  	_ =	shalt  }
0x5a: {  	_ =	shalt  }
0x5b: {  	_ =	shalt  }
0x5c: {  	_ =	shalt  }
0x5d: {  	_ =	shalt  }
0x5e: {  	_ =	shalt  }
0x5f: {  	_ =	shalt  }
0x60: {  	_ =	shalt  }
0x61: {  	_ =	shalt  }
0x62: {  	_ =	shalt  }
0x63: {  	_ =	shalt  }
0x64: {  	_ =	shalt  }
0x65: {  	_ =	shalt  }
0x66: {  	_ =	shalt  }
0x67: {  	_ =	shalt  }
0x68: {  	_ =	shalt  }
0x69: {  	_ =	shalt  }
0x6a: {  	_ =	shalt  }
0x6b: {  	_ =	shalt  }
0x6c: {  	_ =	shalt  }
0x6d: {  	_ =	shalt  }
0x6e: {  	_ =	shalt  }
0x6f: {  	_ =	shalt  }
0x70: {  	_ =	shalt  }
0x71: {  	_ =	shalt  }
0x72: {  	_ =	shalt  }
0x73: {  	_ =	shalt  }
0x74: {  	_ =	shalt  }
0x75: {  	_ =	shalt  }
0x76: {  	_ =	shalt  }
0x77: {  	_ =	shalt  }
0x78: {  	_ =	shalt  }
0x79: {  	_ =	shalt  }
0x7a: {  	_ =	shalt  }
0x7b: {  	_ =	shalt  }
0x7c: {  	_ =	shalt  }
0x7d: {  	_ =	shalt  }
0x7e: {  	_ =	shalt  }
0x7f: {  	_ =	shalt  }
0x80: {  	_ =	shalt  }
0x81: {  	_ =	shalt  }
0x82: {  	_ =	shalt  }
0x83: {  	_ =	shalt  }
0x84: {  	_ =	shalt  }
0x85: {  	_ =	shalt  }
0x86: {  	_ =	shalt  }
0x87: {  	_ =	shalt  }
.Lfunc_end0:
.L_simem_size_0:
called_computation.3_lowered:
.L_overlay_start_0:
0x88: {  	s2 =	sld [smem:$0x3FD9]  }
0x89: {  	s3 =	sld [smem:$0x3FFE];
	_ =	sdelay $0x1  }
0x8a: {  	s1 =	srdreg.scid  }
0x8b: {  	s0 =	sand.u32 $0x1, s1  }
0x8c: {  	s17 =	sshll.u32 s0, $0xA;
	s2 =	sadd.s32 s3, s2  }
0x8d: {  	s2 =	sadd.s32 s2, s17  }
0x8e: {  	[smem:$0x3FC0] =	sst s2  }
0x8f: {  	_ = 	snop  }
0x90: {  	s2 =	sld [smem:$0x3FD0];
	(tm) =	ssettm $0x1  }
0x91: {  	s18 =	sld [smem:$0x3FFB];
	_ =	sdelay $0x3  }
0x92: {  	_ =	strace s18  }
0x93: {  	s3 =	sld [smem:$0x3FFC];
	_ =	sdelay $0x3  }
0x94: {  	_ =	strace s3  }
0x95: {  	s3 =	sld [smem:$0x3FFD];
	_ =	sdelay $0x3  }
0x96: {  	_ =	strace s3  }
0x97: {  	_ =	strace $0x8FFFFFFF  }
0x98: {  	s19 =	sld [smem:$0x3FDB];
	_ =	sdelay $0x1  }
0x99: {  	s4 =	simm.s32 $_scs_section_size  }
0x9a: {  	s5 =	simm.s32 $_size__tile_overlayer_lowered;
	s6 =	simm.s32 $_tile_overlayer_lowered  }
0x9b: {  	s22 =	simm.s32 $0x1BFF;
	s21 =	sshll.u32 s6, $0x1;
	s3 =	sadd.s32 s4, s19  }
0x9c: {  	s7 =	simm.s32 $0x0;
	s20 =	sshll.u32 s5, $0x1;
	s5 =	sadd.s32 s21, s3  }
0x9d: {  	[timem:s7], [sflag:s22] =	dma.local [hbm:s5], s20  }
0x9e: {  	_ =	swait.ge [sflag:s22], s20  }
0x9f: {  	s4 =	ssub.s32 $0x0, s20;
	[sflag:s22] =	ssyncset.done $0x0  }
0xa0: {  	[sflag:s22] =	ssyncadd.s32 s4;
	_ =	sdelay $0x1  }
0xa1: {  	s23 =	simm.s32 $0x1B8B  }
0xa2: {  	_ =	swait.ge [sflag:s23], $0x1  }
0xa3: {  	[sflag:s23] =	ssyncset.done $0x0  }
0xa4: {  	s25 =	simm.s32 $0x1B8E;
	s24 =	sld [smem:$0x3FFE];
	[sflag:s23] =	ssyncadd.s32 $0xFFFFFFFF  }
0xa5: {  	s26 =	simm.s32 $execute0_lowered;
	[smem:$0x3FD2] =	sst s25  }
0xa6: {  	s5 =	sshll.u32 s26, $0x1;
	_ =	strace $0x8000004F;
	[dreg:$0x1] =	wrdreg $0xFFFFFFFF  }
0xa7: {  	s28 =	simm.s32 $_size_execute0_lowered;
	s3 =	sadd.s32 s3, s5;
	[dreg:$0x0] =	wrdreg $0x0  }
0xa8: {  	s5 =	sshll.u32 s28, $0x1;
	[dreg:$0x2] =	wrdreg s3  }
0xa9: {  	[dreg:$0x3] =	wrdreg s5  }
0xaa: {  	[dreg:$0x4] =	wrdreg $0xC0  }
0xab: {  	_ =	task [dreg:s7], $0x5FFFF  }
0xac: {  	[dreg:$0x1] =	wrdreg $0xFFFFFFFF  }
0xad: {  	[dreg:$0x0] =	wrdreg $0x60  }
0xae: {  	[dreg:$0x2] =	wrdreg s2  }
0xaf: {  	[dreg:$0x3] =	wrdreg s24  }
0xb0: {  	[dreg:$0x4] =	wrdreg $0xD0000  }
0xb1: {  	[dreg:$0x5] =	wrdreg $0xF7800  }
0xb2: {  	[dreg:$0x6] =	wrdreg $0x9  }
0xb3: {  	_ =	task.clear_ibuf [dreg:s7], $0x7FFFF;
	_ =	strace $0x9000004F  }
0xb4: {  	s29 =	simm.s32 $0x9;
	_ =	strace $0x80000051  }
0xb5: {  	_ =	swait.ge [sflag:s29], $0x1  }
0xb6: {  	[sflag:s29] =	ssyncadd.s32 $0xFFFFFFFF  }
0xb7: {  	_ =	strace $0x90000051  }
0xb8: {  	_ =	sfence  }
0xb9: {  	s30 =	sld [smem:$0x0];
	_ =	sdelay $0x2  }
0xba: {  	s31 =	sshll.u32 s1, $0xD;
	s1 =	sshrl.u32 s1, $0x2  }
0xbb: {  	s3 =	sand.u32 $0x4000, s31;
	s1 =	sadd.s32 s1, s30  }
0xbc: {  	s0 =	sor.u32 s3, s0;
	s1 =	sshll.u32 s1, $0x11  }
0xbd: {  	s0 =	sor.u32 s1, s0  }
0xbe: {  	s0 =	sadd.s32 $0x8F2B, s0  }
0xbf: {  	[sflag:s0] =	ssyncadd.remote.s32 $0x1  }
0xc0: {  	_ =	sfence.sel $0xFFFF  }
0xc1: {  	[dreg:$0x0] =	wrdreg $0xFFFFFFFF;
	(pc) =	sbr.abs _section_cstart, $3  }
0xc2: {  	[dreg:$0x1] =	wrdreg $0xFFFFFFFF  }
0xc3: {  	_ =	task.clear_ibuf [dreg:s7], $0x2FFFF;
	_ =	strace $0x9FFFFFFF  }
0xc4: {  	(tm) =	ssettm $0x7FFFFFFF  }
0xc5: {  	_ =	shalt  }
tec
execute0_lowered:
.L_overlay_start_1:
0x0: {  	(tag) =	ssettag $0x1  }
0x1: {  	s7 =	rddreg [dreg:$0x0]  }
0x2: {  	s5 =	rddreg [dreg:$0x1]  }
0x3: {  	s1 =	rddreg [dreg:$0x2];
	s0 =	srdreg.scid  }
0x4: {  	s3 =	rddreg [dreg:$0x3];
	s2 =	stileid.u32;
	s4 =	simm.s32 $0x0  }
0x5: {  	s25 =	simm.s32 $0x5800;
	s26 =	simm.s32 $0x6000;
	[smem:$0x7FF] =	sst s4  }
0x6: {  	s16 =	simm.s32 $0x6800;
	_ =	strace $0x80000050;
	[dreg:$0x5] =	wrdreg s25  }
0x7: {  	s28 =	simm.s32 $0x7000;
	s29 =	simm.s32 $0x7800;
	[dreg:$0x6] =	wrdreg s26  }
0x8: {  	s30 =	simm.s32 $0x8000;
	s31 =	simm.s32 $0x8800;
	[dreg:$0x7] =	wrdreg s16  }
0x9: {  	s17 =	simm.s32 $0x9800;
	s18 =	simm.s32 $0xA000;
	[dreg:$0x8] =	wrdreg s28  }
0xa: {  	s19 =	simm.s32 $0xA800;
	s20 =	simm.s32 $0xB000;
	[dreg:$0x9] =	wrdreg s29  }
0xb: {  	s21 =	simm.s32 $0xB800;
	s22 =	simm.s32 $0x2;
	[dreg:$0xa] =	wrdreg s30  }
0xc: {  	s10 =	sand.u32 $0x1, s0;
	s8 =	smul.u32 $0x2780, s2;
	[dreg:$0xb] =	wrdreg s31  }
0xd: {  	s24 =	sshll.u32 s2, $0x6;
	s6 =	sshll.u32 s10, $0x4;
	[dreg:$0xc] =	wrdreg s17  }
0xe: {  	s11 =	ssub.s32 $0x2, s10;
	p0 =	seq.s32 s10, $0x1;
	[dreg:$0xd] =	wrdreg s18  }
0xf: {  	s16 =	simm.s32 $0x400;
	s17 =	simm.s32 $0x5000;
	[dreg:$0xe] =	wrdreg s19  }
0x10: {  	s18 =	simm.s32 $0x1;
	s19 =	simm.s32 $0x9000;
	[dreg:$0xf] =	wrdreg s20  }
0x11: {  	s20 =	simm.s32 $0x80;
	[dreg:$0x10] =	wrdreg s21;
	s21 =	simm.s32 $0x3  }
0x12: {  	s25 =	simm.s32 $0x0;
	s6 =	sor.u32 s2, s6;
	s9 =	sshrl.u32 s8, $0x3  }
0x13: {  	s23 =	sshrl.u32 s11, $0x1;
	s14 =	sadd.s32 s8, s1;
	s15 =	sadd.s32 s8, s3  }
0x14: {  	s6 =	smul.u32 $0x500, s6;
	s13 =	sadd.s32 s9, s5;
	s11 =	ssub.s32 s11, s23  }
0x15: {  	s7 =	sadd.s32 s7, s9;
	s23 =	simm.s32 $0xC000;
	s10 =	smax.u32 s11, $0x1  }
0x16: {  	[dreg:$0x11] =	wrdreg s23;
	s23 =	simm.s32 $0xC800;
	s12 =	sadd.s32 s6, s5  }
0x17: {  	s8 =	sadd.s32 $0x17E00, s12;
	s9 =	sadd.s32 $0xDE00, s12;
	s12 =	simm.s32 $0x3800  }
0x18: {  	s5 =	sadd.s32 $0x8800, s13;
	s6 =	sor.u32 $0x1C05, s24;
	s12 =	simm.s32 @!p0 $0x21E00  }
0x19: {  	s24 =	simm.s32 $0x4;
	s11 =	sadd.s32 s12, s13;
	s12 =	sshrl.u32 s14, $0x3  }
0x1a: {  	s13 =	simm.s32 $0x5;
	s14 =	sshrl.u32 s15, $0x3;
	s15 =	simm.s32 $0x2800  }
.LBB2_1:
0x1b: {  	[spmem:s12], [sflag:s6] =	dma.local [hbm:s5], $0x4F0  }
0x1c: {  	_ =	swait.ge [sflag:s13], $0x4F0  }
0x1d: {  	[sflag:s13] =	ssyncset.done $0x0  }
0x1e: {  	[sflag:s13] =	ssyncadd.s32 $0xFFFFFB10  }
0x1f: {  	[spmem:s14], [sflag:s6] =	dma.local [hbm:s7], $0x4F0  }
0x20: {  	_ =	swait.ge [sflag:s13], $0x4F0  }
0x21: {  	[sflag:s13] =	ssyncset.done $0x0  }
0x22: {  	[sflag:s13] =	ssyncadd.s32 $0xFFFFFB10  }
0x23: {  	[tilespmem:s4], [sflag:$0x5] =	stream.linear.gather [hbm4b:s8+s4], $0x2800, $0x38;
	[tilespmem:$0x11F00] =	vst v63  }
0x24: {  	_ =	swait.ge [sflag:s13], $0x2800  }
0x25: {  	[sflag:s13] =	ssyncset.done $0x0  }
0x26: {  	[sflag:s13] =	ssyncadd.s32 $0xFFFFD800  }
0x27: {  	[tilespmem:s15], [sflag:$0x5] =	stream.linear.gather [hbm4b:s9+s4], $0x2800, $0x38;
	[tilespmem:$0x11F00] =	vst v63  }
0x28: {  	_ =	swait.ge [sflag:s13], $0x2800  }
0x29: {  	[sflag:s13] =	ssyncset.done $0x0  }
0x2a: {  	[sflag:s13] =	ssyncadd.s32 $0xFFFFD800  }
0x2b: {  	[bflag:$0x0] =	sbarrier.arrive $0xFFFF  }
0x2c: {  	[tilespmem:s17], [sflag:$0x1] =	stream.indirect.gather [spmem:s3], $0x10, s4, s16, $0xb8;
	[tilespmem:$0x11F00] =	vst v63  }
0x2d: {  	_ =	swait.ge [sflag:s18], $0x4000  }
0x2e: {  	[sflag:s18] =	ssyncset.done $0x0  }
0x2f: {  	s26 =	simm.s32 $0x400;
	[sflag:s18] =	ssyncadd.s32 $0xFFFFC000  }
0x30: {  	[tilespmem:s19], [sflag:$0x2] =	stream.indirect.gather [spmem:s3], $0x10, s26, s16, $0xb8;
	[tilespmem:$0x11F00] =	vst v63  }
0x31: {  	s30 =	simm.s32 $0x2800  }
0x32: {  	[spmem:s1] =	stream.indirect.scatter.add.f32 [tilespmem:s17], [sflag:$0x3], $0x10, s30, s20, $0xb8;
	[tilespmem:$0x11F00] =	vst v63  }
0x33: {  	s31 =	simm.s32 $0x2880;
	s28 =	rddreg [dreg:$0x5]  }
0x34: {  	[spmem:s1] =	stream.indirect.scatter.add.f32 [tilespmem:s28], [sflag:$0x3], $0x10, s31, s20, $0xb8;
	[tilespmem:$0x11F00] =	vst v63  }
0x35: {  	s0 =	simm.s32 $0x2900;
	s29 =	rddreg [dreg:$0x6]  }
0x36: {  	[spmem:s1] =	stream.indirect.scatter.add.f32 [tilespmem:s29], [sflag:$0x3], $0x10, s0, s20, $0xb8;
	[tilespmem:$0x11F00] =	vst v63  }
0x37: {  	s30 =	rddreg [dreg:$0x7];
	s31 =	simm.s32 $0x2980  }
0x38: {  	[spmem:s1] =	stream.indirect.scatter.add.f32 [tilespmem:s30], [sflag:$0x3], $0x10, s31, s20, $0xb8;
	[tilespmem:$0x11F00] =	vst v63  }
0x39: {  	s0 =	rddreg [dreg:$0x8];
	s30 =	simm.s32 $0x2A00  }
0x3a: {  	[spmem:s1] =	stream.indirect.scatter.add.f32 [tilespmem:s0], [sflag:$0x3], $0x10, s30, s20, $0xb8;
	[tilespmem:$0x11F00] =	vst v63  }
0x3b: {  	s31 =	rddreg [dreg:$0x9];
	s0 =	simm.s32 $0x2A80  }
0x3c: {  	[spmem:s1] =	stream.indirect.scatter.add.f32 [tilespmem:s31], [sflag:$0x3], $0x10, s0, s20, $0xb8;
	[tilespmem:$0x11F00] =	vst v63  }
0x3d: {  	s30 =	rddreg [dreg:$0xa];
	s31 =	simm.s32 $0x2B00  }
0x3e: {  	[spmem:s1] =	stream.indirect.scatter.add.f32 [tilespmem:s30], [sflag:$0x3], $0x10, s31, s20, $0xb8;
	[tilespmem:$0x11F00] =	vst v63  }
0x3f: {  	s29 =	simm.s32 $0x2B80;
	s0 =	rddreg [dreg:$0xb]  }
0x40: {  	[spmem:s1] =	stream.indirect.scatter.add.f32 [tilespmem:s0], [sflag:$0x3], $0x10, s29, s20, $0xb8;
	[tilespmem:$0x11F00] =	vst v63  }
0x41: {  	_ =	swait.ge [sflag:s21], $0x800  }
0x42: {  	[sflag:s21] =	ssyncset.done $0x0  }
0x43: {  	[sflag:s21] =	ssyncadd.s32 $0xFFFFF800  }
0x44: {  	_ =	swait.ge [sflag:s21], $0x800  }
0x45: {  	[sflag:s21] =	ssyncset.done $0x0  }
0x46: {  	[sflag:s21] =	ssyncadd.s32 $0xFFFFF800  }
0x47: {  	_ =	swait.ge [sflag:s21], $0x800  }
0x48: {  	[sflag:s21] =	ssyncset.done $0x0  }
0x49: {  	[sflag:s21] =	ssyncadd.s32 $0xFFFFF800  }
0x4a: {  	_ =	swait.ge [sflag:s21], $0x800  }
0x4b: {  	[sflag:s21] =	ssyncset.done $0x0  }
0x4c: {  	[sflag:s21] =	ssyncadd.s32 $0xFFFFF800  }
0x4d: {  	_ =	swait.ge [sflag:s21], $0x800  }
0x4e: {  	[sflag:s21] =	ssyncset.done $0x0  }
0x4f: {  	[sflag:s21] =	ssyncadd.s32 $0xFFFFF800  }
0x50: {  	_ =	swait.ge [sflag:s21], $0x800  }
0x51: {  	[sflag:s21] =	ssyncset.done $0x0  }
0x52: {  	[sflag:s21] =	ssyncadd.s32 $0xFFFFF800  }
0x53: {  	_ =	swait.ge [sflag:s21], $0x800  }
0x54: {  	[sflag:s21] =	ssyncset.done $0x0  }
0x55: {  	[sflag:s21] =	ssyncadd.s32 $0xFFFFF800  }
0x56: {  	_ =	swait.ge [sflag:s21], $0x800  }
0x57: {  	[sflag:s21] =	ssyncset.done $0x0  }
0x58: {  	[sflag:s21] =	ssyncadd.s32 $0xFFFFF800  }
0x59: {  	p0 =	por $0x0, $0x0;
	_ =	swait.ge [sflag:s22], $0x4000  }
0x5a: {  	s26 =	simm.s32 @!p0 $0x5000;
	[sflag:s22] =	ssyncset.done $0x0  }
0x5b: {  	s28 =	simm.s32 @!p0 $0x800;
	s29 =	simm.s32 @!p0 $0x400;
	[sflag:s22] =	ssyncadd.s32 $0xFFFFC000  }
0x5c: {  	[tilespmem:s26], [sflag:$0x1] =	stream.indirect.gather @!p0 [spmem:s3], $0x10, s28, s29, $0xb8;
	[tilespmem:$0x11F00] =	vst v63  }
0x5d: {  	s30 =	simm.s32 $0x2C00  }
0x5e: {  	[spmem:s1] =	stream.indirect.scatter.add.f32 [tilespmem:s19], [sflag:$0x4], $0x10, s30, s20, $0xb8;
	[tilespmem:$0x11F00] =	vst v63  }
0x5f: {  	s0 =	simm.s32 $0x2C80;
	s31 =	rddreg [dreg:$0xc]  }
0x60: {  	[spmem:s1] =	stream.indirect.scatter.add.f32 [tilespmem:s31], [sflag:$0x4], $0x10, s0, s20, $0xb8;
	[tilespmem:$0x11F00] =	vst v63  }
0x61: {  	s30 =	rddreg [dreg:$0xd];
	s31 =	simm.s32 $0x2D00  }
0x62: {  	[spmem:s1] =	stream.indirect.scatter.add.f32 [tilespmem:s30], [sflag:$0x4], $0x10, s31, s20, $0xb8;
	[tilespmem:$0x11F00] =	vst v63  }
0x63: {  	s0 =	rddreg [dreg:$0xe];
	s30 =	simm.s32 $0x2D80  }
0x64: {  	[spmem:s1] =	stream.indirect.scatter.add.f32 [tilespmem:s0], [sflag:$0x4], $0x10, s30, s20, $0xb8;
	[tilespmem:$0x11F00] =	vst v63  }
0x65: {  	s31 =	rddreg [dreg:$0xf];
	s0 =	simm.s32 $0x2E00  }
0x66: {  	[spmem:s1] =	stream.indirect.scatter.add.f32 [tilespmem:s31], [sflag:$0x4], $0x10, s0, s20, $0xb8;
	[tilespmem:$0x11F00] =	vst v63  }
0x67: {  	s30 =	rddreg [dreg:$0x10];
	s31 =	simm.s32 $0x2E80  }
0x68: {  	[spmem:s1] =	stream.indirect.scatter.add.f32 [tilespmem:s30], [sflag:$0x4], $0x10, s31, s20, $0xb8;
	[tilespmem:$0x11F00] =	vst v63  }
0x69: {  	s0 =	rddreg [dreg:$0x11];
	s30 =	simm.s32 $0x2F00  }
0x6a: {  	[spmem:s1] =	stream.indirect.scatter.add.f32 [tilespmem:s0], [sflag:$0x4], $0x10, s30, s20, $0xb8;
	[tilespmem:$0x11F00] =	vst v63  }
0x6b: {  	s31 =	simm.s32 $0x2F80  }
0x6c: {  	[spmem:s1] =	stream.indirect.scatter.add.f32 [tilespmem:s23], [sflag:$0x4], $0x10, s31, s20, $0xb8;
	[tilespmem:$0x11F00] =	vst v63  }
0x6d: {  	_ =	swait.ge [sflag:s24], $0x800  }
0x6e: {  	[sflag:s24] =	ssyncset.done $0x0  }
0x6f: {  	[sflag:s24] =	ssyncadd.s32 $0xFFFFF800  }
0x70: {  	_ =	swait.ge [sflag:s24], $0x800  }
0x71: {  	[sflag:s24] =	ssyncset.done $0x0  }
0x72: {  	[sflag:s24] =	ssyncadd.s32 $0xFFFFF800  }
0x73: {  	_ =	swait.ge [sflag:s24], $0x800  }
0x74: {  	[sflag:s24] =	ssyncset.done $0x0  }
0x75: {  	[sflag:s24] =	ssyncadd.s32 $0xFFFFF800  }
0x76: {  	_ =	swait.ge [sflag:s24], $0x800  }
0x77: {  	[sflag:s24] =	ssyncset.done $0x0  }
0x78: {  	[sflag:s24] =	ssyncadd.s32 $0xFFFFF800  }
0x79: {  	_ =	swait.ge [sflag:s24], $0x800  }
0x7a: {  	[sflag:s24] =	ssyncset.done $0x0  }
0x7b: {  	[sflag:s24] =	ssyncadd.s32 $0xFFFFF800  }
0x7c: {  	_ =	swait.ge [sflag:s24], $0x800  }
0x7d: {  	[sflag:s24] =	ssyncset.done $0x0  }
0x7e: {  	[sflag:s24] =	ssyncadd.s32 $0xFFFFF800  }
0x7f: {  	_ =	swait.ge [sflag:s24], $0x800  }
0x80: {  	[sflag:s24] =	ssyncset.done $0x0  }
0x81: {  	[sflag:s24] =	ssyncadd.s32 $0xFFFFF800  }
0x82: {  	_ =	swait.ge [sflag:s24], $0x800  }
0x83: {  	s26 =	simm.s32 $0x2000;
	[sflag:s24] =	ssyncset.done $0x0  }
.LBB2_2:
0x84: {  	[sflag:s24] =	ssyncadd.s32 $0xFFFFF800  }
0x85: {  	s29 =	smov.u32 s26;
	_ =	swait.ge [sflag:s18], $0x4000  }
0x86: {  	s28 =	sshra.s32 s29, $0x2;
	[sflag:s18] =	ssyncset.done $0x0  }
0x87: {  	s30 =	sadd.s32 $0x400, s28;
	[sflag:s18] =	ssyncadd.s32 $0xFFFFC000  }
0x88: {  	[tilespmem:s19], [sflag:$0x2] =	stream.indirect.gather [spmem:s3], $0x10, s30, s16, $0xb8;
	[tilespmem:$0x11F00] =	vst v63  }
0x89: {  	s0 =	sadd.s32 $0x2800, s28  }
0x8a: {  	[spmem:s1] =	stream.indirect.scatter.add.f32 [tilespmem:s17], [sflag:$0x3], $0x10, s0, s20, $0xb8;
	[tilespmem:$0x11F00] =	vst v63  }
0x8b: {  	s31 =	rddreg [dreg:$0x5];
	s30 =	sadd.s32 $0x2880, s28  }
0x8c: {  	[spmem:s1] =	stream.indirect.scatter.add.f32 [tilespmem:s31], [sflag:$0x3], $0x10, s30, s20, $0xb8;
	[tilespmem:$0x11F00] =	vst v63  }
0x8d: {  	s0 =	rddreg [dreg:$0x6];
	s30 =	sadd.s32 $0x2900, s28  }
0x8e: {  	[spmem:s1] =	stream.indirect.scatter.add.f32 [tilespmem:s0], [sflag:$0x3], $0x10, s30, s20, $0xb8;
	[tilespmem:$0x11F00] =	vst v63  }
0x8f: {  	s31 =	rddreg [dreg:$0x7];
	s0 =	sadd.s32 $0x2980, s28  }
0x90: {  	[spmem:s1] =	stream.indirect.scatter.add.f32 [tilespmem:s31], [sflag:$0x3], $0x10, s0, s20, $0xb8;
	[tilespmem:$0x11F00] =	vst v63  }
0x91: {  	s30 =	rddreg [dreg:$0x8];
	s0 =	sadd.s32 $0x2A00, s28  }
0x92: {  	[spmem:s1] =	stream.indirect.scatter.add.f32 [tilespmem:s30], [sflag:$0x3], $0x10, s0, s20, $0xb8;
	[tilespmem:$0x11F00] =	vst v63  }
0x93: {  	s31 =	rddreg [dreg:$0x9];
	s0 =	sadd.s32 $0x2A80, s28  }
0x94: {  	[spmem:s1] =	stream.indirect.scatter.add.f32 [tilespmem:s31], [sflag:$0x3], $0x10, s0, s20, $0xb8;
	[tilespmem:$0x11F00] =	vst v63  }
0x95: {  	s30 =	rddreg [dreg:$0xa];
	s0 =	sadd.s32 $0x2B00, s28  }
0x96: {  	[spmem:s1] =	stream.indirect.scatter.add.f32 [tilespmem:s30], [sflag:$0x3], $0x10, s0, s20, $0xb8;
	[tilespmem:$0x11F00] =	vst v63  }
0x97: {  	s31 =	rddreg [dreg:$0xb];
	s30 =	sadd.s32 $0x2B80, s28  }
0x98: {  	[spmem:s1] =	stream.indirect.scatter.add.f32 [tilespmem:s31], [sflag:$0x3], $0x10, s30, s20, $0xb8;
	[tilespmem:$0x11F00] =	vst v63  }
0x99: {  	_ =	swait.ge [sflag:s21], $0x800  }
0x9a: {  	[sflag:s21] =	ssyncset.done $0x0  }
0x9b: {  	[sflag:s21] =	ssyncadd.s32 $0xFFFFF800  }
0x9c: {  	_ =	swait.ge [sflag:s21], $0x800  }
0x9d: {  	[sflag:s21] =	ssyncset.done $0x0  }
0x9e: {  	[sflag:s21] =	ssyncadd.s32 $0xFFFFF800  }
0x9f: {  	_ =	swait.ge [sflag:s21], $0x800  }
0xa0: {  	[sflag:s21] =	ssyncset.done $0x0  }
0xa1: {  	[sflag:s21] =	ssyncadd.s32 $0xFFFFF800  }
0xa2: {  	_ =	swait.ge [sflag:s21], $0x800  }
0xa3: {  	[sflag:s21] =	ssyncset.done $0x0  }
0xa4: {  	[sflag:s21] =	ssyncadd.s32 $0xFFFFF800  }
0xa5: {  	_ =	swait.ge [sflag:s21], $0x800  }
0xa6: {  	[sflag:s21] =	ssyncset.done $0x0  }
0xa7: {  	[sflag:s21] =	ssyncadd.s32 $0xFFFFF800  }
0xa8: {  	_ =	swait.ge [sflag:s21], $0x800  }
0xa9: {  	[sflag:s21] =	ssyncset.done $0x0  }
0xaa: {  	[sflag:s21] =	ssyncadd.s32 $0xFFFFF800  }
0xab: {  	_ =	swait.ge [sflag:s21], $0x800  }
0xac: {  	[sflag:s21] =	ssyncset.done $0x0  }
0xad: {  	[sflag:s21] =	ssyncadd.s32 $0xFFFFF800  }
0xae: {  	_ =	swait.ge [sflag:s21], $0x800  }
0xaf: {  	[sflag:s21] =	ssyncset.done $0x0  }
0xb0: {  	[sflag:s21] =	ssyncadd.s32 $0xFFFFF800  }
0xb1: {  	p1 =	seq.s32 s29, $0x8000;
	_ =	swait.ge [sflag:s22], $0x4000  }
0xb2: {  	s0 =	sshra.s32 @!p1 s29, $0x2;
	s29 =	simm.s32 @!p1 $0x5000;
	[sflag:s22] =	ssyncset.done $0x0  }
0xb3: {  	s0 =	sadd.s32 @!p1 $0x800, s0;
	s30 =	simm.s32 @!p1 $0x400;
	[sflag:s22] =	ssyncadd.s32 $0xFFFFC000  }
0xb4: {  	[tilespmem:s29], [sflag:$0x1] =	stream.indirect.gather @!p1 [spmem:s3], $0x10, s0, s30, $0xb8;
	[tilespmem:$0x11F00] =	vst v63  }
0xb5: {  	s30 =	sadd.s32 $0x2C00, s28  }
0xb6: {  	[spmem:s1] =	stream.indirect.scatter.add.f32 [tilespmem:s19], [sflag:$0x4], $0x10, s30, s20, $0xb8;
	[tilespmem:$0x11F00] =	vst v63  }
0xb7: {  	s31 =	sadd.s32 $0x2C80, s28;
	s29 =	rddreg [dreg:$0xc]  }
0xb8: {  	[spmem:s1] =	stream.indirect.scatter.add.f32 [tilespmem:s29], [sflag:$0x4], $0x10, s31, s20, $0xb8;
	[tilespmem:$0x11F00] =	vst v63  }
0xb9: {  	s30 =	rddreg [dreg:$0xd];
	s31 =	sadd.s32 $0x2D00, s28  }
0xba: {  	[spmem:s1] =	stream.indirect.scatter.add.f32 [tilespmem:s30], [sflag:$0x4], $0x10, s31, s20, $0xb8;
	[tilespmem:$0x11F00] =	vst v63  }
0xbb: {  	s29 =	rddreg [dreg:$0xe];
	s31 =	sadd.s32 $0x2D80, s28  }
0xbc: {  	[spmem:s1] =	stream.indirect.scatter.add.f32 [tilespmem:s29], [sflag:$0x4], $0x10, s31, s20, $0xb8;
	[tilespmem:$0x11F00] =	vst v63  }
0xbd: {  	s30 =	rddreg [dreg:$0xf];
	s31 =	sadd.s32 $0x2E00, s28  }
0xbe: {  	[spmem:s1] =	stream.indirect.scatter.add.f32 [tilespmem:s30], [sflag:$0x4], $0x10, s31, s20, $0xb8;
	[tilespmem:$0x11F00] =	vst v63  }
0xbf: {  	s0 =	sadd.s32 $0x2E80, s28;
	s29 =	rddreg [dreg:$0x10]  }
0xc0: {  	[spmem:s1] =	stream.indirect.scatter.add.f32 [tilespmem:s29], [sflag:$0x4], $0x10, s0, s20, $0xb8;
	[tilespmem:$0x11F00] =	vst v63  }
0xc1: {  	s31 =	rddreg [dreg:$0x11];
	s29 =	sadd.s32 $0x2F00, s28  }
0xc2: {  	[spmem:s1] =	stream.indirect.scatter.add.f32 [tilespmem:s31], [sflag:$0x4], $0x10, s29, s20, $0xb8;
	[tilespmem:$0x11F00] =	vst v63  }
0xc3: {  	s31 =	sadd.s32 $0x2F80, s28  }
0xc4: {  	[spmem:s1] =	stream.indirect.scatter.add.f32 [tilespmem:s23], [sflag:$0x4], $0x10, s31, s20, $0xb8;
	[tilespmem:$0x11F00] =	vst v63  }
0xc5: {  	_ =	swait.ge [sflag:s24], $0x800  }
0xc6: {  	[sflag:s24] =	ssyncset.done $0x0  }
0xc7: {  	[sflag:s24] =	ssyncadd.s32 $0xFFFFF800  }
0xc8: {  	_ =	swait.ge [sflag:s24], $0x800  }
0xc9: {  	[sflag:s24] =	ssyncset.done $0x0  }
0xca: {  	[sflag:s24] =	ssyncadd.s32 $0xFFFFF800  }
0xcb: {  	_ =	swait.ge [sflag:s24], $0x800  }
0xcc: {  	[sflag:s24] =	ssyncset.done $0x0  }
0xcd: {  	[sflag:s24] =	ssyncadd.s32 $0xFFFFF800  }
0xce: {  	_ =	swait.ge [sflag:s24], $0x800  }
0xcf: {  	[sflag:s24] =	ssyncset.done $0x0  }
0xd0: {  	[sflag:s24] =	ssyncadd.s32 $0xFFFFF800  }
0xd1: {  	_ =	swait.ge [sflag:s24], $0x800  }
0xd2: {  	[sflag:s24] =	ssyncset.done $0x0  }
0xd3: {  	[sflag:s24] =	ssyncadd.s32 $0xFFFFF800  }
0xd4: {  	_ =	swait.ge [sflag:s24], $0x800  }
0xd5: {  	s26 =	sadd.s32 $0x2000, s26;
	[sflag:s24] =	ssyncset.done $0x0  }
0xd6: {  	p0 =	sne.s32 s26, $0xA000;
	[sflag:s24] =	ssyncadd.s32 $0xFFFFF800  }
.Ltmp0:
0xd7: {  	_ =	swait.ge [sflag:s24], $0x800;
	(pc) =	sbr.rel @p0 .LBB2_2-.Ltmp0, $4  }
0xd8: {  	[sflag:s24] =	ssyncset.done $0x0  }
0xd9: {  	[sflag:s24] =	ssyncadd.s32 $0xFFFFF800  }
0xda: {  	_ =	swait.ge [sflag:s24], $0x800  }
0xdb: {  	[sflag:s24] =	ssyncset.done $0x0  }
0xdc: {  	s25 =	sadd.s32 $0x1, s25  }
0xdd: {  	[sflag:s24] =	ssyncadd.s32 $0xFFFFF800;
	p0 =	sne.s32 s25, s10  }
.Ltmp1:
0xde: {  	[bflag:$0x0] =	sbarrier.arrive $0xFFFF;
	(pc) =	sbr.rel @p0 .LBB2_1-.Ltmp1, $4  }
0xdf: {  	[hbm:s11], [sflag:s6] =	dma.local [spmem:s12], $0x4F0  }
0xe0: {  	_ =	swait.ge [sflag:s13], $0x4F0  }
0xe1: {  	[sflag:s13] =	ssyncset.done $0x0  }
0xe2: {  	[sflag:s13] =	ssyncadd.s32 $0xFFFFFB10  }
0xe3: {  	_ =	sfence.sel $0x180000  }
0xe4: {  	[bflag:$0x0] =	sbarrier.arrive $0xFFFF  }
0xe5: {  	_ =	strace $0x90000050  }
0xe6: {  	[bflag:$0x2] =	sbarrier.arrive $0xFFFF  }
0xe7: {  	p0 =	sne.s32 s2, $0x0;
	s0 =	rddreg [dreg:$0x4]  }
0xe8: {  	s0 =	sadd.s32 @!p0 $0x100000, s0  }
0xe9: {  	[sflag:s0] =	ssyncadd.tile.s32 @!p0 $0x1;
	_ =	shalt  }
.Lfunc_end2:
_tile_overlayer_lowered:
.L_overlay_start_2:
0xea: {  	(tag) =	ssettag $0x2  }
0xeb: {  	s0 =	rddreg [dreg:$0x0];
	s2 =	stileid.u32  }
0xec: {  	s1 =	rddreg [dreg:$0x1];
	p0 =	sne.s32 s2, $0x0  }
0xed: {  	s3 =	rddreg [dreg:$0x2];
	[bflag:$0x3] =	sbarrier.arrive $0xFFFF;
	s2 =	simm.s32 @!p0 $0x1C05  }
0xee: {  	[timem:s3], [sflag:s2] =	dma.local @!p0 [hbm:s0], s1  }
0xef: {  	s0 =	simm.s32 @!p0 $0x5  }
0xf0: {  	_ =	swait.ge @!p0 [sflag:s0], s1  }
0xf1: {  	s1 =	ssub.s32 @!p0 $0x0, s1;
	[sflag:s0] =	ssyncset.done @!p0 $0x0  }
0xf2: {  	[sflag:s0] =	ssyncadd.s32 @!p0 s1  }
0xf3: {  	[bflag:$0x3] =	sbarrier.arrive $0xFFFF  }
0xf4: {  	_ =	shalt  }

</sc_bundles>
